<compile_context>
chip_gen: v7x
topology: tpu7x:2x2x1
jax: 0.10.2.dev20260603
libtpu: 0.0.44.dev20260713+nightly
codegen_flags: <defaults>
</compile_context>

<pallas_src>
import functools

import jax
import jax.numpy as jnp
from jax import lax
from jax.experimental import pallas as pl
from jax.experimental.pallas import tpu as pltpu
from jax.experimental.pallas import tpu_sc as plsc

NC = 2
NS = 16
NW = NC * NS

CH = 2048

ZROWS = 6256


def _edge_scatter_body(n_nodes, n_edges, ecol0,
                       edge_flat, attr_flat, ones1, zeros1, out5,
                       idx_v, af, ones_v, zbuf, sem_l, sem_s,
                       a0, a1, a2, a3, ct):
    c = lax.axis_index("c")
    s = lax.axis_index("s")
    wid = s * NC + c
    accs = (a0, a1, a2, a3, ct)

    pltpu.sync_copy(ones1, ones_v)
    pltpu.sync_copy(zeros1, zbuf)

    nb = s * ZROWS
    tail = n_nodes - (NS - 1) * ZROWS

    @pl.when(s < NS - 1)
    def _():
        for acc in accs:
            pltpu.sync_copy(zbuf, acc.at[pl.ds(nb, ZROWS)])

    @pl.when(s == NS - 1)
    def _():
        for acc in accs:
            pltpu.sync_copy(zbuf.at[pl.ds(0, tail)], acc.at[pl.ds(nb, tail)])

    plsc.subcore_barrier()

    n_chunks = n_edges // CH
    n_iters = (n_chunks + NW - 1) // NW

    def fire_loads(g, p):
        base = g * CH
        pltpu.async_copy(edge_flat.at[1, pl.ds(base, CH)], idx_v.at[p], sem_l)
        for f in range(4):
            pltpu.async_copy(attr_flat.at[f, pl.ds(base, CH)], af.at[p, f],
                             sem_l)

    def wait_loads(g, p):
        base = g * CH
        pltpu.make_async_copy(edge_flat.at[1, pl.ds(base, CH)], idx_v.at[p],
                              sem_l).wait()
        for f in range(4):
            pltpu.make_async_copy(attr_flat.at[f, pl.ds(base, CH)],
                                  af.at[p, f], sem_l).wait()

    def fire_scatters(p):
        for f in range(4):
            pltpu.async_copy(af.at[p, f], accs[f].at[idx_v.at[p]], sem_s,
                             add=True)
        pltpu.async_copy(ones_v, ct.at[idx_v.at[p]], sem_s, add=True)

    def drain_scatters(p):
        for f in range(4):
            pltpu.make_async_copy(af.at[p, f], accs[f].at[idx_v.at[p]],
                                  sem_s).wait()
        pltpu.make_async_copy(ones_v, ct.at[idx_v.at[p]], sem_s).wait()

    fire_loads(wid, 0)

    def step2(t2, carry):
        for p in range(2):
            t = t2 * 2 + p
            g = wid + t * NW
            g_next = g + NW

            @pl.when((t > 0) & (g - NW < n_chunks))
            def _():
                drain_scatters(1 - p)

            @pl.when(g_next < n_chunks)
            def _():
                fire_loads(g_next, 1 - p)

            @pl.when(g < n_chunks)
            def _():
                wait_loads(g, p)
                fire_scatters(p)
        return carry

    n_eff = 2 * ((n_iters + 1) // 2)
    lax.fori_loop(0, n_eff // 2, step2, 0)

    g_last = wid + (n_eff - 1) * NW

    @pl.when(g_last < n_chunks)
    def _():
        drain_scatters((n_eff - 1) % 2)

    plsc.subcore_barrier()

    @pl.when(s < NS - 1)
    def _():
        for f, acc in enumerate(accs):
            pltpu.sync_copy(acc.at[pl.ds(nb, ZROWS)], zbuf)
            pltpu.sync_copy(zbuf, out5.at[c, f, pl.ds(nb, ZROWS)])

    @pl.when(s == NS - 1)
    def _():
        for f, acc in enumerate(accs):
            pltpu.sync_copy(acc.at[pl.ds(nb, tail)], zbuf.at[pl.ds(0, tail)])
            pltpu.sync_copy(zbuf.at[pl.ds(0, tail)],
                            out5.at[c, f, pl.ds(nb, tail)])


def _make_edge_scatter(n_nodes, n_edges):
    mesh = plsc.VectorSubcoreMesh(core_axis_name="c", subcore_axis_name="s")
    return functools.partial(
        pl.kernel,
        out_type=jax.ShapeDtypeStruct((NC, 5, n_nodes), jnp.float32),
        mesh=mesh,
        scratch_types=[
            pltpu.VMEM((2, CH), jnp.int32),
            pltpu.VMEM((2, 4, CH), jnp.float32),
            pltpu.VMEM((CH,), jnp.float32),
            pltpu.VMEM((ZROWS,), jnp.float32),
            pltpu.SemaphoreType.DMA,
            pltpu.SemaphoreType.DMA,
            pltpu.VMEM_SHARED((n_nodes,), jnp.float32),
            pltpu.VMEM_SHARED((n_nodes,), jnp.float32),
            pltpu.VMEM_SHARED((n_nodes,), jnp.float32),
            pltpu.VMEM_SHARED((n_nodes,), jnp.float32),
            pltpu.VMEM_SHARED((n_nodes,), jnp.float32),
        ],
        compiler_params=pltpu.CompilerParams(use_tc_tiling_on_sc=False,
                                             needs_layout_passes=False),
    )(functools.partial(_edge_scatter_body, n_nodes, n_edges,
                        n_edges))


RB = 2000


def _combine_body(n_nodes, sums5, eut, b0, b1, b2, b3, c0, c1, eb):
    c = lax.axis_index("c")
    s = lax.axis_index("s")
    wid = s * NC + c
    n_chunks = n_nodes // RB
    n_iters = (n_chunks + NW - 1) // NW
    fbufs = (b0, b1, b2, b3)

    def step(t, carry):
        ch = wid + t * NW

        @pl.when(ch < n_chunks)
        def _():
            base = ch * RB
            pltpu.sync_copy(sums5.at[0, 4, pl.ds(base, RB)], c0)
            pltpu.sync_copy(sums5.at[1, 4, pl.ds(base, RB)], c1)
            for f in range(4):
                pltpu.sync_copy(sums5.at[0, f, pl.ds(base, RB)], fbufs[f])

            def inner_cnt(i, carry2):
                sl = pl.ds(i * 16, 16)
                cc = c0[sl] + c1[sl]
                c0[sl] = jnp.maximum(cc, jnp.full((16,), 1.0, jnp.float32))
                return carry2

            lax.fori_loop(0, RB // 16, inner_cnt, 0)

            for f in range(4):
                pltpu.sync_copy(sums5.at[1, f, pl.ds(base, RB)], c1)

                def inner(i, carry2, _f=f):
                    sl = pl.ds(i * 16, 16)
                    eb[sl] = (fbufs[_f][sl] + c1[sl]) / c0[sl]
                    return carry2

                lax.fori_loop(0, RB // 16, inner, 0)
                pltpu.sync_copy(eb, eut.at[ch, f, pl.ds(0, RB)])
        return carry

    lax.fori_loop(0, n_iters, step, 0)


def _make_combine(n_nodes):
    mesh = plsc.VectorSubcoreMesh(core_axis_name="c", subcore_axis_name="s")
    return functools.partial(
        pl.kernel,
        out_type=jax.ShapeDtypeStruct((n_nodes // RB, 8, RB), jnp.float32),
        mesh=mesh,
        scratch_types=[
            pltpu.VMEM((RB,), jnp.float32),
            pltpu.VMEM((RB,), jnp.float32),
            pltpu.VMEM((RB,), jnp.float32),
            pltpu.VMEM((RB,), jnp.float32),
            pltpu.VMEM((RB,), jnp.float32),
            pltpu.VMEM((RB,), jnp.float32),
            pltpu.VMEM((RB,), jnp.float32),
        ],
        compiler_params=pltpu.CompilerParams(use_tc_tiling_on_sc=False,
                                             needs_layout_passes=False),
    )(functools.partial(_combine_body, n_nodes))


def _x_pass_body(n_blocks, n_graphs, xb, bb, xout, cout, accx, accc):
    i = pl.program_id(0)
    bvec = bb[0, 0, :]
    mask = (bvec[:, None] ==
            lax.broadcasted_iota(jnp.int32, (1, n_graphs), 1)).astype(jnp.float32)

    xc = lax.dot_general(mask, xb[...], (((0,), (0,)), ((), ())),
                         preferred_element_type=jnp.float32,
                         precision=lax.Precision.HIGHEST)
    cc = jnp.sum(mask, axis=0, keepdims=True)

    @pl.when(i == 0)
    def _():
        accx[...] = xc
        accc[...] = cc

    @pl.when(i > 0)
    def _():
        accx[...] += xc
        accc[...] += cc

    @pl.when(i == n_blocks - 1)
    def _():
        xout[...] = accx[...]
        cout[...] = accc[...]


def _x_pass(x, batch3):
    n_nodes, fx = x.shape
    n_graphs = 64
    n_blocks = n_nodes // RB
    return pl.pallas_call(
        functools.partial(_x_pass_body, n_blocks, n_graphs),
        grid=(n_blocks,),
        in_specs=[
            pl.BlockSpec((RB, fx), lambda i: (i, 0)),
            pl.BlockSpec((1, 1, RB), lambda i: (i, 0, 0)),
        ],
        out_specs=[
            pl.BlockSpec((n_graphs, fx), lambda i: (0, 0)),
            pl.BlockSpec((1, n_graphs), lambda i: (0, 0)),
        ],
        out_shape=[
            jax.ShapeDtypeStruct((n_graphs, fx), jnp.float32),
            jax.ShapeDtypeStruct((1, n_graphs), jnp.float32),
        ],
        scratch_shapes=[
            pltpu.VMEM((n_graphs, fx), jnp.float32),
            pltpu.VMEM((1, n_graphs), jnp.float32),
        ],
    )(x, batch3)


def _e_mlp_body(n_blocks, n_graphs,
                eub, bb, xsb, csb, ub, w1b, b1b, w2b, b2b, ob, acce):
    i = pl.program_id(0)
    bvec = bb[0, 0, :]
    mask = (bvec[:, None] ==
            lax.broadcasted_iota(jnp.int32, (1, n_graphs), 1)).astype(jnp.float32)

    eu4 = eub[...][0, 0:4, :]
    eu8 = jnp.concatenate(
        [eu4, jnp.zeros((4, RB), jnp.float32)], axis=0)
    ec = lax.dot_general(eu8, mask, (((1,), (0,)), ((), ())),
                         preferred_element_type=jnp.float32,
                         precision=lax.Precision.HIGHEST)

    @pl.when(i == 0)
    def _():
        acce[...] = ec

    @pl.when(i > 0)
    def _():
        acce[...] += ec

    @pl.when(i == n_blocks - 1)
    def _():
        cnts = jnp.maximum(csb[...], 1.0)
        xm = xsb[...] / cnts.T
        em = (acce[...][0:4, :] / cnts).T
        cat = jnp.concatenate([ub[...], xm, em], axis=1)
        h1 = lax.dot_general(cat, w1b[...], (((1,), (0,)), ((), ())),
                             preferred_element_type=jnp.float32,
                             precision=lax.Precision.HIGHEST) + b1b[...]
        h1 = jnp.maximum(h1, 0.0)
        h2 = lax.dot_general(h1, w2b[...], (((1,), (0,)), ((), ())),
                             preferred_element_type=jnp.float32,
                             precision=lax.Precision.HIGHEST) + b2b[...]
        ob[...] = h2


def _e_mlp(eut, batch3, xsum, csum, u, w1, b1, w2, b2):
    n_graphs, fu = u.shape
    fx = xsum.shape[1]
    in_ch = w1.shape[0]
    h1 = w1.shape[1]
    h2 = w2.shape[1]
    n_blocks = eut.shape[0]
    return pl.pallas_call(
        functools.partial(_e_mlp_body, n_blocks, n_graphs),
        grid=(n_blocks,),
        in_specs=[
            pl.BlockSpec((1, 8, RB), lambda i: (i, 0, 0)),
            pl.BlockSpec((1, 1, RB), lambda i: (i, 0, 0)),
            pl.BlockSpec((n_graphs, fx), lambda i: (0, 0)),
            pl.BlockSpec((1, n_graphs), lambda i: (0, 0)),
            pl.BlockSpec((n_graphs, fu), lambda i: (0, 0)),
            pl.BlockSpec((in_ch, h1), lambda i: (0, 0)),
            pl.BlockSpec((1, h1), lambda i: (0, 0)),
            pl.BlockSpec((h1, h2), lambda i: (0, 0)),
            pl.BlockSpec((1, h2), lambda i: (0, 0)),
        ],
        out_specs=pl.BlockSpec((n_graphs, h2), lambda i: (0, 0)),
        out_shape=jax.ShapeDtypeStruct((n_graphs, h2), jnp.float32),
        scratch_shapes=[
            pltpu.VMEM((8, n_graphs), jnp.float32),
        ],
    )(eut, batch3, xsum, csum, u, w1, b1, w2, b2)


def kernel(x, edge_index, edge_attr, u, batch, W1, b1, W2, b2):
    n_nodes, fx = x.shape
    n_edges = edge_attr.shape[0]

    edge_flat = edge_index
    attr_flat = edge_attr.T
    ones1 = jnp.ones((CH,), jnp.float32)
    zeros1 = jnp.zeros((ZROWS,), jnp.float32)

    batch3 = batch.reshape(n_nodes // RB, 1, RB)

    sums5 = _make_edge_scatter(n_nodes, n_edges)(
        edge_flat, attr_flat, ones1, zeros1)
    xsum, csum = _x_pass(x, batch3)
    eut = _make_combine(n_nodes)(sums5)

    return _e_mlp(eut, batch3, xsum, csum, u,
                  W1, b1.reshape(1, -1), W2, b2.reshape(1, -1))

# --- scband reference (transcript-rebuilt; emitter-appended) ---
"""Pipeline reference for scband-global-model-6691559047484 (READ-ONLY COPY).

The authoritative reference and input builder live on the scoring server;
editing this copy changes nothing except your own understanding.
"""

import jax, jax.numpy as jnp
import numpy as np

N = 100000
E = 6400000
FX = 128
FE = 4
FU = 64
B = 64
H1 = 128
H2 = 128


def scatter_mean(vals, idx, num_segments):
    sums = jax.ops.segment_sum(vals, idx, num_segments=num_segments)
    counts = jax.ops.segment_sum(jnp.ones((vals.shape[0],), vals.dtype), idx, num_segments=num_segments)
    return sums / jnp.clip(counts, 1.0, None)[:, None]


def setup_inputs(seed: int = 0) -> dict:
    key = jax.random.key(seed)
    ks = jax.random.split(key, 10)
    x = jax.random.normal(ks[0], (N, FX), dtype=jnp.float32)
    edge_index = jax.random.randint(ks[1], (2, E), 0, N, dtype=jnp.int32)
    edge_attr = jax.random.normal(ks[2], (E, FE), dtype=jnp.float32)
    u = jax.random.normal(ks[3], (B, FU), dtype=jnp.float32)
    batch = jnp.sort(jax.random.randint(ks[4], (N,), 0, B, dtype=jnp.int32))
    in_ch = FX + FE + FU
    W1 = jax.random.normal(ks[5], (in_ch, H1), dtype=jnp.float32) / np.sqrt(in_ch)
    b1 = jnp.zeros((H1,), dtype=jnp.float32)
    W2 = jax.random.normal(ks[6], (H1, H2), dtype=jnp.float32) / np.sqrt(H1)
    b2 = jnp.zeros((H2,), dtype=jnp.float32)
    return {"x": x, "edge_index": edge_index, "edge_attr": edge_attr, "u": u, "batch": batch,
            "W1": W1, "b1": b1, "W2": W2, "b2": b2}


def reference(x, edge_index, edge_attr, u, batch, W1, b1, W2, b2):
    col = edge_index[1]
    # edge_u = scatter_mean(edge_attr, col, dim=0, dim_size=N)
    edge_u = scatter_mean(edge_attr, col, x.shape[0])
    # per-graph means of node features and of node-aggregated edge features
    x_mean = scatter_mean(x, batch, u.shape[0])
    e_mean = scatter_mean(edge_u, batch, u.shape[0])
    out = jnp.concatenate([u, x_mean, e_mean], axis=1)
    # global_mlp: Linear -> Dropout(p=0, identity) -> ReLU -> Linear -> Dropout(p=0)
    h = out @ W1 + b1
    h = jax.nn.relu(h)
    h = h @ W2 + b2
    return h

if __name__ == "__main__":
    import jax
    _d = setup_inputs()
    print(jax.jit(kernel)(*tuple(_d.values())))

</pallas_src>

<mosaic_0001>
#map = affine_map<(d0, d1) -> (0, 0, 0)>
module attributes {stable_mosaic.version = 14 : i64} {
  func.func @_combine_body(%arg0: i32, %arg1: i32, %arg2: memref<2x5x100000xf32, #tpu.memory_space<hbm>>, %arg3: memref<50x8x2000xf32, #tpu.memory_space<hbm>>, %arg4: memref<2000xf32, #tpu.memory_space<vmem>>, %arg5: memref<2000xf32, #tpu.memory_space<vmem>>, %arg6: memref<2000xf32, #tpu.memory_space<vmem>>, %arg7: memref<2000xf32, #tpu.memory_space<vmem>>, %arg8: memref<2000xf32, #tpu.memory_space<vmem>>, %arg9: memref<2000xf32, #tpu.memory_space<vmem>>, %arg10: memref<2000xf32, #tpu.memory_space<vmem>>) attributes {dimension_semantics = [#tpu.dimension_semantics<core_parallel>, #tpu.dimension_semantics<subcore_parallel>], iteration_bounds = array<i64: 2, 16>, scalar_prefetch = 0 : i64, scratch_operands = 7 : i64, tpu.core_type = #tpu.core_type<sc_vector_subcore>, window_params = [{transform_indices = #map}, {transform_indices = #map}]} {
    %mul3A = arith.constant 2 : i32
    %mul3A_0 = arith.muli %arg1, %mul3A : i32
    %add3A = arith.addi %mul3A_0, %arg0 : i32
    %scan3A = arith.constant 0 : i32
    %scan3A_1 = arith.constant 0 : i32
    %scan3A_2 = arith.constant 2 : i32
    %scan3A_3 = arith.addi %scan3A_1, %scan3A_2 : i32
    %scan3A_4 = arith.constant 1 : i32
    scf.for %scan3A_6 = %scan3A_1 to %scan3A_3 step %scan3A_4  : i32 {
      %mul3A_7 = arith.constant 32 : i32
      %mul3A_8 = arith.muli %scan3A_6, %mul3A_7 : i32
      %add3A_9 = arith.addi %add3A, %mul3A_8 : i32
      %lt3A = arith.constant 50 : i32
      %lt3A_10 = arith.cmpi slt, %add3A_9, %lt3A : i32
      %convert_element_type3A = arith.extui %lt3A_10 : i1 to i32
      %cond3A = arith.constant 0 : i32
      %cond3A_11 = arith.cmpi ne, %convert_element_type3A, %cond3A : i32
      scf.if %cond3A_11 {
        %mul3A_12 = arith.constant 2000 : i32
        %mul3A_13 = arith.muli %add3A_9, %mul3A_12 : i32
        %run_scoped3A = arith.constant 0 : i32
        %run_scoped3A_14 = arith.constant 4 : i32
        "tpu.region"() ({
          %run_scoped3A_67 = tpu.sem_alloc : memref<!tpu.dma_semaphore, #tpu.memory_space<semaphore_mem>>
          %dma_start3A = tpu.memref_slice %arg2[%run_scoped3A, %run_scoped3A_14, %mul3A_13] : memref<2x5x100000xf32, #tpu.memory_space<hbm>> -> memref<1x1x2000xf32, #tpu.memory_space<hbm>>
          %dma_start3A_68 = tpu.memref_squeeze %dma_start3A : memref<1x1x2000xf32, #tpu.memory_space<hbm>> -> memref<2000xf32, #tpu.memory_space<hbm>>
          %dma_start3A_69 = tpu.memref_slice %arg2[%run_scoped3A, %run_scoped3A_14, %mul3A_13] : memref<2x5x100000xf32, #tpu.memory_space<hbm>> -> memref<1x1x2000xf32, #tpu.memory_space<hbm>>
          %dma_start3A_70 = tpu.memref_squeeze %dma_start3A_69 : memref<1x1x2000xf32, #tpu.memory_space<hbm>> -> memref<2000xf32, #tpu.memory_space<hbm>>
          tpu.enqueue_dma source(%dma_start3A_70 : memref<2000xf32, #tpu.memory_space<hbm>>) target(%arg8 : memref<2000xf32, #tpu.memory_space<vmem>>) target_semaphore(%run_scoped3A_67 : memref<!tpu.dma_semaphore, #tpu.memory_space<semaphore_mem>>)
          %dma_wait3A = tpu.memref_slice %arg2[%run_scoped3A, %run_scoped3A_14, %mul3A_13] : memref<2x5x100000xf32, #tpu.memory_space<hbm>> -> memref<1x1x2000xf32, #tpu.memory_space<hbm>>
          %dma_wait3A_71 = tpu.memref_squeeze %dma_wait3A : memref<1x1x2000xf32, #tpu.memory_space<hbm>> -> memref<2000xf32, #tpu.memory_space<hbm>>
          %dma_wait3A_72 = tpu.memref_slice %arg2[%run_scoped3A, %run_scoped3A_14, %mul3A_13] : memref<2x5x100000xf32, #tpu.memory_space<hbm>> -> memref<1x1x2000xf32, #tpu.memory_space<hbm>>
          %dma_wait3A_73 = tpu.memref_squeeze %dma_wait3A_72 : memref<1x1x2000xf32, #tpu.memory_space<hbm>> -> memref<2000xf32, #tpu.memory_space<hbm>>
          tpu.wait_dma2 semaphore(%run_scoped3A_67 : memref<!tpu.dma_semaphore, #tpu.memory_space<semaphore_mem>>) src(%dma_wait3A_73 : memref<2000xf32, #tpu.memory_space<hbm>>) dst(%arg8 : memref<2000xf32, #tpu.memory_space<vmem>>)
          tpu.yield
        }) : () -> ()
        %run_scoped3A_15 = arith.constant 1 : i32
        %run_scoped3A_16 = arith.constant 4 : i32
        "tpu.region"() ({
          %run_scoped3A_67 = tpu.sem_alloc : memref<!tpu.dma_semaphore, #tpu.memory_space<semaphore_mem>>
          %dma_start3A = tpu.memref_slice %arg2[%run_scoped3A_15, %run_scoped3A_16, %mul3A_13] : memref<2x5x100000xf32, #tpu.memory_space<hbm>> -> memref<1x1x2000xf32, #tpu.memory_space<hbm>>
          %dma_start3A_68 = tpu.memref_squeeze %dma_start3A : memref<1x1x2000xf32, #tpu.memory_space<hbm>> -> memref<2000xf32, #tpu.memory_space<hbm>>
          %dma_start3A_69 = tpu.memref_slice %arg2[%run_scoped3A_15, %run_scoped3A_16, %mul3A_13] : memref<2x5x100000xf32, #tpu.memory_space<hbm>> -> memref<1x1x2000xf32, #tpu.memory_space<hbm>>
          %dma_start3A_70 = tpu.memref_squeeze %dma_start3A_69 : memref<1x1x2000xf32, #tpu.memory_space<hbm>> -> memref<2000xf32, #tpu.memory_space<hbm>>
          tpu.enqueue_dma source(%dma_start3A_70 : memref<2000xf32, #tpu.memory_space<hbm>>) target(%arg9 : memref<2000xf32, #tpu.memory_space<vmem>>) target_semaphore(%run_scoped3A_67 : memref<!tpu.dma_semaphore, #tpu.memory_space<semaphore_mem>>)
          %dma_wait3A = tpu.memref_slice %arg2[%run_scoped3A_15, %run_scoped3A_16, %mul3A_13] : memref<2x5x100000xf32, #tpu.memory_space<hbm>> -> memref<1x1x2000xf32, #tpu.memory_space<hbm>>
          %dma_wait3A_71 = tpu.memref_squeeze %dma_wait3A : memref<1x1x2000xf32, #tpu.memory_space<hbm>> -> memref<2000xf32, #tpu.memory_space<hbm>>
          %dma_wait3A_72 = tpu.memref_slice %arg2[%run_scoped3A_15, %run_scoped3A_16, %mul3A_13] : memref<2x5x100000xf32, #tpu.memory_space<hbm>> -> memref<1x1x2000xf32, #tpu.memory_space<hbm>>
          %dma_wait3A_73 = tpu.memref_squeeze %dma_wait3A_72 : memref<1x1x2000xf32, #tpu.memory_space<hbm>> -> memref<2000xf32, #tpu.memory_space<hbm>>
          tpu.wait_dma2 semaphore(%run_scoped3A_67 : memref<!tpu.dma_semaphore, #tpu.memory_space<semaphore_mem>>) src(%dma_wait3A_73 : memref<2000xf32, #tpu.memory_space<hbm>>) dst(%arg9 : memref<2000xf32, #tpu.memory_space<vmem>>)
          tpu.yield
        }) : () -> ()
        %run_scoped3A_17 = arith.constant 0 : i32
        %run_scoped3A_18 = arith.constant 0 : i32
        "tpu.region"() ({
          %run_scoped3A_67 = tpu.sem_alloc : memref<!tpu.dma_semaphore, #tpu.memory_space<semaphore_mem>>
          %dma_start3A = tpu.memref_slice %arg2[%run_scoped3A_17, %run_scoped3A_18, %mul3A_13] : memref<2x5x100000xf32, #tpu.memory_space<hbm>> -> memref<1x1x2000xf32, #tpu.memory_space<hbm>>
          %dma_start3A_68 = tpu.memref_squeeze %dma_start3A : memref<1x1x2000xf32, #tpu.memory_space<hbm>> -> memref<2000xf32, #tpu.memory_space<hbm>>
          %dma_start3A_69 = tpu.memref_slice %arg2[%run_scoped3A_17, %run_scoped3A_18, %mul3A_13] : memref<2x5x100000xf32, #tpu.memory_space<hbm>> -> memref<1x1x2000xf32, #tpu.memory_space<hbm>>
          %dma_start3A_70 = tpu.memref_squeeze %dma_start3A_69 : memref<1x1x2000xf32, #tpu.memory_space<hbm>> -> memref<2000xf32, #tpu.memory_space<hbm>>
          tpu.enqueue_dma source(%dma_start3A_70 : memref<2000xf32, #tpu.memory_space<hbm>>) target(%arg4 : memref<2000xf32, #tpu.memory_space<vmem>>) target_semaphore(%run_scoped3A_67 : memref<!tpu.dma_semaphore, #tpu.memory_space<semaphore_mem>>)
          %dma_wait3A = tpu.memref_slice %arg2[%run_scoped3A_17, %run_scoped3A_18, %mul3A_13] : memref<2x5x100000xf32, #tpu.memory_space<hbm>> -> memref<1x1x2000xf32, #tpu.memory_space<hbm>>
          %dma_wait3A_71 = tpu.memref_squeeze %dma_wait3A : memref<1x1x2000xf32, #tpu.memory_space<hbm>> -> memref<2000xf32, #tpu.memory_space<hbm>>
          %dma_wait3A_72 = tpu.memref_slice %arg2[%run_scoped3A_17, %run_scoped3A_18, %mul3A_13] : memref<2x5x100000xf32, #tpu.memory_space<hbm>> -> memref<1x1x2000xf32, #tpu.memory_space<hbm>>
          %dma_wait3A_73 = tpu.memref_squeeze %dma_wait3A_72 : memref<1x1x2000xf32, #tpu.memory_space<hbm>> -> memref<2000xf32, #tpu.memory_space<hbm>>
          tpu.wait_dma2 semaphore(%run_scoped3A_67 : memref<!tpu.dma_semaphore, #tpu.memory_space<semaphore_mem>>) src(%dma_wait3A_73 : memref<2000xf32, #tpu.memory_space<hbm>>) dst(%arg4 : memref<2000xf32, #tpu.memory_space<vmem>>)
          tpu.yield
        }) : () -> ()
        %run_scoped3A_19 = arith.constant 0 : i32
        %run_scoped3A_20 = arith.constant 1 : i32
        "tpu.region"() ({
          %run_scoped3A_67 = tpu.sem_alloc : memref<!tpu.dma_semaphore, #tpu.memory_space<semaphore_mem>>
          %dma_start3A = tpu.memref_slice %arg2[%run_scoped3A_19, %run_scoped3A_20, %mul3A_13] : memref<2x5x100000xf32, #tpu.memory_space<hbm>> -> memref<1x1x2000xf32, #tpu.memory_space<hbm>>
          %dma_start3A_68 = tpu.memref_squeeze %dma_start3A : memref<1x1x2000xf32, #tpu.memory_space<hbm>> -> memref<2000xf32, #tpu.memory_space<hbm>>
          %dma_start3A_69 = tpu.memref_slice %arg2[%run_scoped3A_19, %run_scoped3A_20, %mul3A_13] : memref<2x5x100000xf32, #tpu.memory_space<hbm>> -> memref<1x1x2000xf32, #tpu.memory_space<hbm>>
          %dma_start3A_70 = tpu.memref_squeeze %dma_start3A_69 : memref<1x1x2000xf32, #tpu.memory_space<hbm>> -> memref<2000xf32, #tpu.memory_space<hbm>>
          tpu.enqueue_dma source(%dma_start3A_70 : memref<2000xf32, #tpu.memory_space<hbm>>) target(%arg5 : memref<2000xf32, #tpu.memory_space<vmem>>) target_semaphore(%run_scoped3A_67 : memref<!tpu.dma_semaphore, #tpu.memory_space<semaphore_mem>>)
          %dma_wait3A = tpu.memref_slice %arg2[%run_scoped3A_19, %run_scoped3A_20, %mul3A_13] : memref<2x5x100000xf32, #tpu.memory_space<hbm>> -> memref<1x1x2000xf32, #tpu.memory_space<hbm>>
          %dma_wait3A_71 = tpu.memref_squeeze %dma_wait3A : memref<1x1x2000xf32, #tpu.memory_space<hbm>> -> memref<2000xf32, #tpu.memory_space<hbm>>
          %dma_wait3A_72 = tpu.memref_slice %arg2[%run_scoped3A_19, %run_scoped3A_20, %mul3A_13] : memref<2x5x100000xf32, #tpu.memory_space<hbm>> -> memref<1x1x2000xf32, #tpu.memory_space<hbm>>
          %dma_wait3A_73 = tpu.memref_squeeze %dma_wait3A_72 : memref<1x1x2000xf32, #tpu.memory_space<hbm>> -> memref<2000xf32, #tpu.memory_space<hbm>>
          tpu.wait_dma2 semaphore(%run_scoped3A_67 : memref<!tpu.dma_semaphore, #tpu.memory_space<semaphore_mem>>) src(%dma_wait3A_73 : memref<2000xf32, #tpu.memory_space<hbm>>) dst(%arg5 : memref<2000xf32, #tpu.memory_space<vmem>>)
          tpu.yield
        }) : () -> ()
        %run_scoped3A_21 = arith.constant 0 : i32
        %run_scoped3A_22 = arith.constant 2 : i32
        "tpu.region"() ({
          %run_scoped3A_67 = tpu.sem_alloc : memref<!tpu.dma_semaphore, #tpu.memory_space<semaphore_mem>>
          %dma_start3A = tpu.memref_slice %arg2[%run_scoped3A_21, %run_scoped3A_22, %mul3A_13] : memref<2x5x100000xf32, #tpu.memory_space<hbm>> -> memref<1x1x2000xf32, #tpu.memory_space<hbm>>
          %dma_start3A_68 = tpu.memref_squeeze %dma_start3A : memref<1x1x2000xf32, #tpu.memory_space<hbm>> -> memref<2000xf32, #tpu.memory_space<hbm>>
          %dma_start3A_69 = tpu.memref_slice %arg2[%run_scoped3A_21, %run_scoped3A_22, %mul3A_13] : memref<2x5x100000xf32, #tpu.memory_space<hbm>> -> memref<1x1x2000xf32, #tpu.memory_space<hbm>>
          %dma_start3A_70 = tpu.memref_squeeze %dma_start3A_69 : memref<1x1x2000xf32, #tpu.memory_space<hbm>> -> memref<2000xf32, #tpu.memory_space<hbm>>
          tpu.enqueue_dma source(%dma_start3A_70 : memref<2000xf32, #tpu.memory_space<hbm>>) target(%arg6 : memref<2000xf32, #tpu.memory_space<vmem>>) target_semaphore(%run_scoped3A_67 : memref<!tpu.dma_semaphore, #tpu.memory_space<semaphore_mem>>)
          %dma_wait3A = tpu.memref_slice %arg2[%run_scoped3A_21, %run_scoped3A_22, %mul3A_13] : memref<2x5x100000xf32, #tpu.memory_space<hbm>> -> memref<1x1x2000xf32, #tpu.memory_space<hbm>>
          %dma_wait3A_71 = tpu.memref_squeeze %dma_wait3A : memref<1x1x2000xf32, #tpu.memory_space<hbm>> -> memref<2000xf32, #tpu.memory_space<hbm>>
          %dma_wait3A_72 = tpu.memref_slice %arg2[%run_scoped3A_21, %run_scoped3A_22, %mul3A_13] : memref<2x5x100000xf32, #tpu.memory_space<hbm>> -> memref<1x1x2000xf32, #tpu.memory_space<hbm>>
          %dma_wait3A_73 = tpu.memref_squeeze %dma_wait3A_72 : memref<1x1x2000xf32, #tpu.memory_space<hbm>> -> memref<2000xf32, #tpu.memory_space<hbm>>
          tpu.wait_dma2 semaphore(%run_scoped3A_67 : memref<!tpu.dma_semaphore, #tpu.memory_space<semaphore_mem>>) src(%dma_wait3A_73 : memref<2000xf32, #tpu.memory_space<hbm>>) dst(%arg6 : memref<2000xf32, #tpu.memory_space<vmem>>)
          tpu.yield
        }) : () -> ()
        %run_scoped3A_23 = arith.constant 0 : i32
        %run_scoped3A_24 = arith.constant 3 : i32
        "tpu.region"() ({
          %run_scoped3A_67 = tpu.sem_alloc : memref<!tpu.dma_semaphore, #tpu.memory_space<semaphore_mem>>
          %dma_start3A = tpu.memref_slice %arg2[%run_scoped3A_23, %run_scoped3A_24, %mul3A_13] : memref<2x5x100000xf32, #tpu.memory_space<hbm>> -> memref<1x1x2000xf32, #tpu.memory_space<hbm>>
          %dma_start3A_68 = tpu.memref_squeeze %dma_start3A : memref<1x1x2000xf32, #tpu.memory_space<hbm>> -> memref<2000xf32, #tpu.memory_space<hbm>>
          %dma_start3A_69 = tpu.memref_slice %arg2[%run_scoped3A_23, %run_scoped3A_24, %mul3A_13] : memref<2x5x100000xf32, #tpu.memory_space<hbm>> -> memref<1x1x2000xf32, #tpu.memory_space<hbm>>
          %dma_start3A_70 = tpu.memref_squeeze %dma_start3A_69 : memref<1x1x2000xf32, #tpu.memory_space<hbm>> -> memref<2000xf32, #tpu.memory_space<hbm>>
          tpu.enqueue_dma source(%dma_start3A_70 : memref<2000xf32, #tpu.memory_space<hbm>>) target(%arg7 : memref<2000xf32, #tpu.memory_space<vmem>>) target_semaphore(%run_scoped3A_67 : memref<!tpu.dma_semaphore, #tpu.memory_space<semaphore_mem>>)
          %dma_wait3A = tpu.memref_slice %arg2[%run_scoped3A_23, %run_scoped3A_24, %mul3A_13] : memref<2x5x100000xf32, #tpu.memory_space<hbm>> -> memref<1x1x2000xf32, #tpu.memory_space<hbm>>
          %dma_wait3A_71 = tpu.memref_squeeze %dma_wait3A : memref<1x1x2000xf32, #tpu.memory_space<hbm>> -> memref<2000xf32, #tpu.memory_space<hbm>>
          %dma_wait3A_72 = tpu.memref_slice %arg2[%run_scoped3A_23, %run_scoped3A_24, %mul3A_13] : memref<2x5x100000xf32, #tpu.memory_space<hbm>> -> memref<1x1x2000xf32, #tpu.memory_space<hbm>>
          %dma_wait3A_73 = tpu.memref_squeeze %dma_wait3A_72 : memref<1x1x2000xf32, #tpu.memory_space<hbm>> -> memref<2000xf32, #tpu.memory_space<hbm>>
          tpu.wait_dma2 semaphore(%run_scoped3A_67 : memref<!tpu.dma_semaphore, #tpu.memory_space<semaphore_mem>>) src(%dma_wait3A_73 : memref<2000xf32, #tpu.memory_space<hbm>>) dst(%arg7 : memref<2000xf32, #tpu.memory_space<vmem>>)
          tpu.yield
        }) : () -> ()
        %scan3A_25 = arith.constant 0 : i32
        %scan3A_26 = arith.constant 0 : i32
        %scan3A_27 = arith.constant 125 : i32
        %scan3A_28 = arith.addi %scan3A_26, %scan3A_27 : i32
        %scan3A_29 = arith.constant 1 : i32
        scf.for %scan3A_67 = %scan3A_26 to %scan3A_28 step %scan3A_29  : i32 {
          %mul3A_68 = arith.constant 16 : i32
          %mul3A_69 = arith.muli %scan3A_67, %mul3A_68 : i32
          %get3A = arith.index_cast %mul3A_69 : i32 to index
          %get3A_70 = tpu.vector_load %arg8[%get3A] {strides = array<i32>} : memref<2000xf32, #tpu.memory_space<vmem>>, vector<16xf32>,
          %get3A_71 = arith.index_cast %mul3A_69 : i32 to index
          %get3A_72 = tpu.vector_load %arg9[%get3A_71] {strides = array<i32>} : memref<2000xf32, #tpu.memory_space<vmem>>, vector<16xf32>,
          %add3A_73 = arith.addf %get3A_70, %get3A_72 : vector<16xf32>
          %broadcast_in_dim3A = arith.constant 1.000000e+00 : f32
          %broadcast_in_dim3A_74 = vector.broadcast %broadcast_in_dim3A : f32 to vector<16xf32>
          %max3A = arith.maximumf %add3A_73, %broadcast_in_dim3A_74 : vector<16xf32>
          %swap3A = arith.index_cast %mul3A_69 : i32 to index
          %swap3A_75 = tpu.vector_load %arg8[%swap3A] {strides = array<i32>} : memref<2000xf32, #tpu.memory_space<vmem>>, vector<16xf32>,
          tpu.vector_store %arg8[%swap3A], %max3A {strides = array<i32>} : memref<2000xf32, #tpu.memory_space<vmem>>, vector<16xf32>,
        }
        %scan3A_30 = arith.constant 125 : i32
        %run_scoped3A_31 = arith.constant 1 : i32
        %run_scoped3A_32 = arith.constant 0 : i32
        "tpu.region"() ({
          %run_scoped3A_67 = tpu.sem_alloc : memref<!tpu.dma_semaphore, #tpu.memory_space<semaphore_mem>>
          %dma_start3A = tpu.memref_slice %arg2[%run_scoped3A_31, %run_scoped3A_32, %mul3A_13] : memref<2x5x100000xf32, #tpu.memory_space<hbm>> -> memref<1x1x2000xf32, #tpu.memory_space<hbm>>
          %dma_start3A_68 = tpu.memref_squeeze %dma_start3A : memref<1x1x2000xf32, #tpu.memory_space<hbm>> -> memref<2000xf32, #tpu.memory_space<hbm>>
          %dma_start3A_69 = tpu.memref_slice %arg2[%run_scoped3A_31, %run_scoped3A_32, %mul3A_13] : memref<2x5x100000xf32, #tpu.memory_space<hbm>> -> memref<1x1x2000xf32, #tpu.memory_space<hbm>>
          %dma_start3A_70 = tpu.memref_squeeze %dma_start3A_69 : memref<1x1x2000xf32, #tpu.memory_space<hbm>> -> memref<2000xf32, #tpu.memory_space<hbm>>
          tpu.enqueue_dma source(%dma_start3A_70 : memref<2000xf32, #tpu.memory_space<hbm>>) target(%arg9 : memref<2000xf32, #tpu.memory_space<vmem>>) target_semaphore(%run_scoped3A_67 : memref<!tpu.dma_semaphore, #tpu.memory_space<semaphore_mem>>)
          %dma_wait3A = tpu.memref_slice %arg2[%run_scoped3A_31, %run_scoped3A_32, %mul3A_13] : memref<2x5x100000xf32, #tpu.memory_space<hbm>> -> memref<1x1x2000xf32, #tpu.memory_space<hbm>>
          %dma_wait3A_71 = tpu.memref_squeeze %dma_wait3A : memref<1x1x2000xf32, #tpu.memory_space<hbm>> -> memref<2000xf32, #tpu.memory_space<hbm>>
          %dma_wait3A_72 = tpu.memref_slice %arg2[%run_scoped3A_31, %run_scoped3A_32, %mul3A_13] : memref<2x5x100000xf32, #tpu.memory_space<hbm>> -> memref<1x1x2000xf32, #tpu.memory_space<hbm>>
          %dma_wait3A_73 = tpu.memref_squeeze %dma_wait3A_72 : memref<1x1x2000xf32, #tpu.memory_space<hbm>> -> memref<2000xf32, #tpu.memory_space<hbm>>
          tpu.wait_dma2 semaphore(%run_scoped3A_67 : memref<!tpu.dma_semaphore, #tpu.memory_space<semaphore_mem>>) src(%dma_wait3A_73 : memref<2000xf32, #tpu.memory_space<hbm>>) dst(%arg9 : memref<2000xf32, #tpu.memory_space<vmem>>)
          tpu.yield
        }) : () -> ()
        %scan3A_33 = arith.constant 0 : i32
        %scan3A_34 = arith.constant 0 : i32
        %scan3A_35 = arith.constant 125 : i32
        %scan3A_36 = arith.addi %scan3A_34, %scan3A_35 : i32
        %scan3A_37 = arith.constant 1 : i32
        scf.for %scan3A_67 = %scan3A_34 to %scan3A_36 step %scan3A_37  : i32 {
          %mul3A_68 = arith.constant 16 : i32
          %mul3A_69 = arith.muli %scan3A_67, %mul3A_68 : i32
          %get3A = arith.index_cast %mul3A_69 : i32 to index
          %get3A_70 = tpu.vector_load %arg4[%get3A] {strides = array<i32>} : memref<2000xf32, #tpu.memory_space<vmem>>, vector<16xf32>,
          %get3A_71 = arith.index_cast %mul3A_69 : i32 to index
          %get3A_72 = tpu.vector_load %arg9[%get3A_71] {strides = array<i32>} : memref<2000xf32, #tpu.memory_space<vmem>>, vector<16xf32>,
          %add3A_73 = arith.addf %get3A_70, %get3A_72 : vector<16xf32>
          %get3A_74 = arith.index_cast %mul3A_69 : i32 to index
          %get3A_75 = tpu.vector_load %arg8[%get3A_74] {strides = array<i32>} : memref<2000xf32, #tpu.memory_space<vmem>>, vector<16xf32>,
          %div3A = arith.divf %add3A_73, %get3A_75 : vector<16xf32>
          %swap3A = arith.index_cast %mul3A_69 : i32 to index
          %swap3A_76 = tpu.vector_load %arg10[%swap3A] {strides = array<i32>} : memref<2000xf32, #tpu.memory_space<vmem>>, vector<16xf32>,
          tpu.vector_store %arg10[%swap3A], %div3A {strides = array<i32>} : memref<2000xf32, #tpu.memory_space<vmem>>, vector<16xf32>,
        }
        %scan3A_38 = arith.constant 125 : i32
        %run_scoped3A_39 = arith.constant 0 : i32
        "tpu.region"() ({
          %run_scoped3A_67 = tpu.sem_alloc : memref<!tpu.dma_semaphore, #tpu.memory_space<semaphore_mem>>
          %dma_start3A = arith.constant 0 : i32
          %dma_start3A_68 = tpu.memref_slice %arg3[%add3A_9, %run_scoped3A_39, %dma_start3A] : memref<50x8x2000xf32, #tpu.memory_space<hbm>> -> memref<1x1x2000xf32, #tpu.memory_space<hbm>>
          %dma_start3A_69 = tpu.memref_squeeze %dma_start3A_68 : memref<1x1x2000xf32, #tpu.memory_space<hbm>> -> memref<2000xf32, #tpu.memory_space<hbm>>
          %dma_start3A_70 = arith.constant 0 : i32
          %dma_start3A_71 = tpu.memref_slice %arg3[%add3A_9, %run_scoped3A_39, %dma_start3A_70] : memref<50x8x2000xf32, #tpu.memory_space<hbm>> -> memref<1x1x2000xf32, #tpu.memory_space<hbm>>
          %dma_start3A_72 = tpu.memref_squeeze %dma_start3A_71 : memref<1x1x2000xf32, #tpu.memory_space<hbm>> -> memref<2000xf32, #tpu.memory_space<hbm>>
          tpu.enqueue_dma source(%arg10 : memref<2000xf32, #tpu.memory_space<vmem>>) target(%dma_start3A_72 : memref<2000xf32, #tpu.memory_space<hbm>>) target_semaphore(%run_scoped3A_67 : memref<!tpu.dma_semaphore, #tpu.memory_space<semaphore_mem>>)
          %dma_wait3A = arith.constant 0 : i32
          %dma_wait3A_73 = tpu.memref_slice %arg3[%add3A_9, %run_scoped3A_39, %dma_wait3A] : memref<50x8x2000xf32, #tpu.memory_space<hbm>> -> memref<1x1x2000xf32, #tpu.memory_space<hbm>>
          %dma_wait3A_74 = tpu.memref_squeeze %dma_wait3A_73 : memref<1x1x2000xf32, #tpu.memory_space<hbm>> -> memref<2000xf32, #tpu.memory_space<hbm>>
          %dma_wait3A_75 = arith.constant 0 : i32
          %dma_wait3A_76 = tpu.memref_slice %arg3[%add3A_9, %run_scoped3A_39, %dma_wait3A_75] : memref<50x8x2000xf32, #tpu.memory_space<hbm>> -> memref<1x1x2000xf32, #tpu.memory_space<hbm>>
          %dma_wait3A_77 = tpu.memref_squeeze %dma_wait3A_76 : memref<1x1x2000xf32, #tpu.memory_space<hbm>> -> memref<2000xf32, #tpu.memory_space<hbm>>
          tpu.wait_dma2 semaphore(%run_scoped3A_67 : memref<!tpu.dma_semaphore, #tpu.memory_space<semaphore_mem>>) src(%arg10 : memref<2000xf32, #tpu.memory_space<vmem>>) dst(%dma_wait3A_77 : memref<2000xf32, #tpu.memory_space<hbm>>)
          tpu.yield
        }) : () -> ()
        %run_scoped3A_40 = arith.constant 1 : i32
        %run_scoped3A_41 = arith.constant 1 : i32
        "tpu.region"() ({
          %run_scoped3A_67 = tpu.sem_alloc : memref<!tpu.dma_semaphore, #tpu.memory_space<semaphore_mem>>
          %dma_start3A = tpu.memref_slice %arg2[%run_scoped3A_40, %run_scoped3A_41, %mul3A_13] : memref<2x5x100000xf32, #tpu.memory_space<hbm>> -> memref<1x1x2000xf32, #tpu.memory_space<hbm>>
          %dma_start3A_68 = tpu.memref_squeeze %dma_start3A : memref<1x1x2000xf32, #tpu.memory_space<hbm>> -> memref<2000xf32, #tpu.memory_space<hbm>>
          %dma_start3A_69 = tpu.memref_slice %arg2[%run_scoped3A_40, %run_scoped3A_41, %mul3A_13] : memref<2x5x100000xf32, #tpu.memory_space<hbm>> -> memref<1x1x2000xf32, #tpu.memory_space<hbm>>
          %dma_start3A_70 = tpu.memref_squeeze %dma_start3A_69 : memref<1x1x2000xf32, #tpu.memory_space<hbm>> -> memref<2000xf32, #tpu.memory_space<hbm>>
          tpu.enqueue_dma source(%dma_start3A_70 : memref<2000xf32, #tpu.memory_space<hbm>>) target(%arg9 : memref<2000xf32, #tpu.memory_space<vmem>>) target_semaphore(%run_scoped3A_67 : memref<!tpu.dma_semaphore, #tpu.memory_space<semaphore_mem>>)
          %dma_wait3A = tpu.memref_slice %arg2[%run_scoped3A_40, %run_scoped3A_41, %mul3A_13] : memref<2x5x100000xf32, #tpu.memory_space<hbm>> -> memref<1x1x2000xf32, #tpu.memory_space<hbm>>
          %dma_wait3A_71 = tpu.memref_squeeze %dma_wait3A : memref<1x1x2000xf32, #tpu.memory_space<hbm>> -> memref<2000xf32, #tpu.memory_space<hbm>>
          %dma_wait3A_72 = tpu.memref_slice %arg2[%run_scoped3A_40, %run_scoped3A_41, %mul3A_13] : memref<2x5x100000xf32, #tpu.memory_space<hbm>> -> memref<1x1x2000xf32, #tpu.memory_space<hbm>>
          %dma_wait3A_73 = tpu.memref_squeeze %dma_wait3A_72 : memref<1x1x2000xf32, #tpu.memory_space<hbm>> -> memref<2000xf32, #tpu.memory_space<hbm>>
          tpu.wait_dma2 semaphore(%run_scoped3A_67 : memref<!tpu.dma_semaphore, #tpu.memory_space<semaphore_mem>>) src(%dma_wait3A_73 : memref<2000xf32, #tpu.memory_space<hbm>>) dst(%arg9 : memref<2000xf32, #tpu.memory_space<vmem>>)
          tpu.yield
        }) : () -> ()
        %scan3A_42 = arith.constant 0 : i32
        %scan3A_43 = arith.constant 0 : i32
        %scan3A_44 = arith.constant 125 : i32
        %scan3A_45 = arith.addi %scan3A_43, %scan3A_44 : i32
        %scan3A_46 = arith.constant 1 : i32
        scf.for %scan3A_67 = %scan3A_43 to %scan3A_45 step %scan3A_46  : i32 {
          %mul3A_68 = arith.constant 16 : i32
          %mul3A_69 = arith.muli %scan3A_67, %mul3A_68 : i32
          %get3A = arith.index_cast %mul3A_69 : i32 to index
          %get3A_70 = tpu.vector_load %arg5[%get3A] {strides = array<i32>} : memref<2000xf32, #tpu.memory_space<vmem>>, vector<16xf32>,
          %get3A_71 = arith.index_cast %mul3A_69 : i32 to index
          %get3A_72 = tpu.vector_load %arg9[%get3A_71] {strides = array<i32>} : memref<2000xf32, #tpu.memory_space<vmem>>, vector<16xf32>,
          %add3A_73 = arith.addf %get3A_70, %get3A_72 : vector<16xf32>
          %get3A_74 = arith.index_cast %mul3A_69 : i32 to index
          %get3A_75 = tpu.vector_load %arg8[%get3A_74] {strides = array<i32>} : memref<2000xf32, #tpu.memory_space<vmem>>, vector<16xf32>,
          %div3A = arith.divf %add3A_73, %get3A_75 : vector<16xf32>
          %swap3A = arith.index_cast %mul3A_69 : i32 to index
          %swap3A_76 = tpu.vector_load %arg10[%swap3A] {strides = array<i32>} : memref<2000xf32, #tpu.memory_space<vmem>>, vector<16xf32>,
          tpu.vector_store %arg10[%swap3A], %div3A {strides = array<i32>} : memref<2000xf32, #tpu.memory_space<vmem>>, vector<16xf32>,
        }
        %scan3A_47 = arith.constant 125 : i32
        %run_scoped3A_48 = arith.constant 1 : i32
        "tpu.region"() ({
          %run_scoped3A_67 = tpu.sem_alloc : memref<!tpu.dma_semaphore, #tpu.memory_space<semaphore_mem>>
          %dma_start3A = arith.constant 0 : i32
          %dma_start3A_68 = tpu.memref_slice %arg3[%add3A_9, %run_scoped3A_48, %dma_start3A] : memref<50x8x2000xf32, #tpu.memory_space<hbm>> -> memref<1x1x2000xf32, #tpu.memory_space<hbm>>
          %dma_start3A_69 = tpu.memref_squeeze %dma_start3A_68 : memref<1x1x2000xf32, #tpu.memory_space<hbm>> -> memref<2000xf32, #tpu.memory_space<hbm>>
          %dma_start3A_70 = arith.constant 0 : i32
          %dma_start3A_71 = tpu.memref_slice %arg3[%add3A_9, %run_scoped3A_48, %dma_start3A_70] : memref<50x8x2000xf32, #tpu.memory_space<hbm>> -> memref<1x1x2000xf32, #tpu.memory_space<hbm>>
          %dma_start3A_72 = tpu.memref_squeeze %dma_start3A_71 : memref<1x1x2000xf32, #tpu.memory_space<hbm>> -> memref<2000xf32, #tpu.memory_space<hbm>>
          tpu.enqueue_dma source(%arg10 : memref<2000xf32, #tpu.memory_space<vmem>>) target(%dma_start3A_72 : memref<2000xf32, #tpu.memory_space<hbm>>) target_semaphore(%run_scoped3A_67 : memref<!tpu.dma_semaphore, #tpu.memory_space<semaphore_mem>>)
          %dma_wait3A = arith.constant 0 : i32
          %dma_wait3A_73 = tpu.memref_slice %arg3[%add3A_9, %run_scoped3A_48, %dma_wait3A] : memref<50x8x2000xf32, #tpu.memory_space<hbm>> -> memref<1x1x2000xf32, #tpu.memory_space<hbm>>
          %dma_wait3A_74 = tpu.memref_squeeze %dma_wait3A_73 : memref<1x1x2000xf32, #tpu.memory_space<hbm>> -> memref<2000xf32, #tpu.memory_space<hbm>>
          %dma_wait3A_75 = arith.constant 0 : i32
          %dma_wait3A_76 = tpu.memref_slice %arg3[%add3A_9, %run_scoped3A_48, %dma_wait3A_75] : memref<50x8x2000xf32, #tpu.memory_space<hbm>> -> memref<1x1x2000xf32, #tpu.memory_space<hbm>>
          %dma_wait3A_77 = tpu.memref_squeeze %dma_wait3A_76 : memref<1x1x2000xf32, #tpu.memory_space<hbm>> -> memref<2000xf32, #tpu.memory_space<hbm>>
          tpu.wait_dma2 semaphore(%run_scoped3A_67 : memref<!tpu.dma_semaphore, #tpu.memory_space<semaphore_mem>>) src(%arg10 : memref<2000xf32, #tpu.memory_space<vmem>>) dst(%dma_wait3A_77 : memref<2000xf32, #tpu.memory_space<hbm>>)
          tpu.yield
        }) : () -> ()
        %run_scoped3A_49 = arith.constant 1 : i32
        %run_scoped3A_50 = arith.constant 2 : i32
        "tpu.region"() ({
          %run_scoped3A_67 = tpu.sem_alloc : memref<!tpu.dma_semaphore, #tpu.memory_space<semaphore_mem>>
          %dma_start3A = tpu.memref_slice %arg2[%run_scoped3A_49, %run_scoped3A_50, %mul3A_13] : memref<2x5x100000xf32, #tpu.memory_space<hbm>> -> memref<1x1x2000xf32, #tpu.memory_space<hbm>>
          %dma_start3A_68 = tpu.memref_squeeze %dma_start3A : memref<1x1x2000xf32, #tpu.memory_space<hbm>> -> memref<2000xf32, #tpu.memory_space<hbm>>
          %dma_start3A_69 = tpu.memref_slice %arg2[%run_scoped3A_49, %run_scoped3A_50, %mul3A_13] : memref<2x5x100000xf32, #tpu.memory_space<hbm>> -> memref<1x1x2000xf32, #tpu.memory_space<hbm>>
          %dma_start3A_70 = tpu.memref_squeeze %dma_start3A_69 : memref<1x1x2000xf32, #tpu.memory_space<hbm>> -> memref<2000xf32, #tpu.memory_space<hbm>>
          tpu.enqueue_dma source(%dma_start3A_70 : memref<2000xf32, #tpu.memory_space<hbm>>) target(%arg9 : memref<2000xf32, #tpu.memory_space<vmem>>) target_semaphore(%run_scoped3A_67 : memref<!tpu.dma_semaphore, #tpu.memory_space<semaphore_mem>>)
          %dma_wait3A = tpu.memref_slice %arg2[%run_scoped3A_49, %run_scoped3A_50, %mul3A_13] : memref<2x5x100000xf32, #tpu.memory_space<hbm>> -> memref<1x1x2000xf32, #tpu.memory_space<hbm>>
          %dma_wait3A_71 = tpu.memref_squeeze %dma_wait3A : memref<1x1x2000xf32, #tpu.memory_space<hbm>> -> memref<2000xf32, #tpu.memory_space<hbm>>
          %dma_wait3A_72 = tpu.memref_slice %arg2[%run_scoped3A_49, %run_scoped3A_50, %mul3A_13] : memref<2x5x100000xf32, #tpu.memory_space<hbm>> -> memref<1x1x2000xf32, #tpu.memory_space<hbm>>
          %dma_wait3A_73 = tpu.memref_squeeze %dma_wait3A_72 : memref<1x1x2000xf32, #tpu.memory_space<hbm>> -> memref<2000xf32, #tpu.memory_space<hbm>>
          tpu.wait_dma2 semaphore(%run_scoped3A_67 : memref<!tpu.dma_semaphore, #tpu.memory_space<semaphore_mem>>) src(%dma_wait3A_73 : memref<2000xf32, #tpu.memory_space<hbm>>) dst(%arg9 : memref<2000xf32, #tpu.memory_space<vmem>>)
          tpu.yield
        }) : () -> ()
        %scan3A_51 = arith.constant 0 : i32
        %scan3A_52 = arith.constant 0 : i32
        %scan3A_53 = arith.constant 125 : i32
        %scan3A_54 = arith.addi %scan3A_52, %scan3A_53 : i32
        %scan3A_55 = arith.constant 1 : i32
        scf.for %scan3A_67 = %scan3A_52 to %scan3A_54 step %scan3A_55  : i32 {
          %mul3A_68 = arith.constant 16 : i32
          %mul3A_69 = arith.muli %scan3A_67, %mul3A_68 : i32
          %get3A = arith.index_cast %mul3A_69 : i32 to index
          %get3A_70 = tpu.vector_load %arg6[%get3A] {strides = array<i32>} : memref<2000xf32, #tpu.memory_space<vmem>>, vector<16xf32>,
          %get3A_71 = arith.index_cast %mul3A_69 : i32 to index
          %get3A_72 = tpu.vector_load %arg9[%get3A_71] {strides = array<i32>} : memref<2000xf32, #tpu.memory_space<vmem>>, vector<16xf32>,
          %add3A_73 = arith.addf %get3A_70, %get3A_72 : vector<16xf32>
          %get3A_74 = arith.index_cast %mul3A_69 : i32 to index
          %get3A_75 = tpu.vector_load %arg8[%get3A_74] {strides = array<i32>} : memref<2000xf32, #tpu.memory_space<vmem>>, vector<16xf32>,
          %div3A = arith.divf %add3A_73, %get3A_75 : vector<16xf32>
          %swap3A = arith.index_cast %mul3A_69 : i32 to index
          %swap3A_76 = tpu.vector_load %arg10[%swap3A] {strides = array<i32>} : memref<2000xf32, #tpu.memory_space<vmem>>, vector<16xf32>,
          tpu.vector_store %arg10[%swap3A], %div3A {strides = array<i32>} : memref<2000xf32, #tpu.memory_space<vmem>>, vector<16xf32>,
        }
        %scan3A_56 = arith.constant 125 : i32
        %run_scoped3A_57 = arith.constant 2 : i32
        "tpu.region"() ({
          %run_scoped3A_67 = tpu.sem_alloc : memref<!tpu.dma_semaphore, #tpu.memory_space<semaphore_mem>>
          %dma_start3A = arith.constant 0 : i32
          %dma_start3A_68 = tpu.memref_slice %arg3[%add3A_9, %run_scoped3A_57, %dma_start3A] : memref<50x8x2000xf32, #tpu.memory_space<hbm>> -> memref<1x1x2000xf32, #tpu.memory_space<hbm>>
          %dma_start3A_69 = tpu.memref_squeeze %dma_start3A_68 : memref<1x1x2000xf32, #tpu.memory_space<hbm>> -> memref<2000xf32, #tpu.memory_space<hbm>>
          %dma_start3A_70 = arith.constant 0 : i32
          %dma_start3A_71 = tpu.memref_slice %arg3[%add3A_9, %run_scoped3A_57, %dma_start3A_70] : memref<50x8x2000xf32, #tpu.memory_space<hbm>> -> memref<1x1x2000xf32, #tpu.memory_space<hbm>>
          %dma_start3A_72 = tpu.memref_squeeze %dma_start3A_71 : memref<1x1x2000xf32, #tpu.memory_space<hbm>> -> memref<2000xf32, #tpu.memory_space<hbm>>
          tpu.enqueue_dma source(%arg10 : memref<2000xf32, #tpu.memory_space<vmem>>) target(%dma_start3A_72 : memref<2000xf32, #tpu.memory_space<hbm>>) target_semaphore(%run_scoped3A_67 : memref<!tpu.dma_semaphore, #tpu.memory_space<semaphore_mem>>)
          %dma_wait3A = arith.constant 0 : i32
          %dma_wait3A_73 = tpu.memref_slice %arg3[%add3A_9, %run_scoped3A_57, %dma_wait3A] : memref<50x8x2000xf32, #tpu.memory_space<hbm>> -> memref<1x1x2000xf32, #tpu.memory_space<hbm>>
          %dma_wait3A_74 = tpu.memref_squeeze %dma_wait3A_73 : memref<1x1x2000xf32, #tpu.memory_space<hbm>> -> memref<2000xf32, #tpu.memory_space<hbm>>
          %dma_wait3A_75 = arith.constant 0 : i32
          %dma_wait3A_76 = tpu.memref_slice %arg3[%add3A_9, %run_scoped3A_57, %dma_wait3A_75] : memref<50x8x2000xf32, #tpu.memory_space<hbm>> -> memref<1x1x2000xf32, #tpu.memory_space<hbm>>
          %dma_wait3A_77 = tpu.memref_squeeze %dma_wait3A_76 : memref<1x1x2000xf32, #tpu.memory_space<hbm>> -> memref<2000xf32, #tpu.memory_space<hbm>>
          tpu.wait_dma2 semaphore(%run_scoped3A_67 : memref<!tpu.dma_semaphore, #tpu.memory_space<semaphore_mem>>) src(%arg10 : memref<2000xf32, #tpu.memory_space<vmem>>) dst(%dma_wait3A_77 : memref<2000xf32, #tpu.memory_space<hbm>>)
          tpu.yield
        }) : () -> ()
        %run_scoped3A_58 = arith.constant 1 : i32
        %run_scoped3A_59 = arith.constant 3 : i32
        "tpu.region"() ({
          %run_scoped3A_67 = tpu.sem_alloc : memref<!tpu.dma_semaphore, #tpu.memory_space<semaphore_mem>>
          %dma_start3A = tpu.memref_slice %arg2[%run_scoped3A_58, %run_scoped3A_59, %mul3A_13] : memref<2x5x100000xf32, #tpu.memory_space<hbm>> -> memref<1x1x2000xf32, #tpu.memory_space<hbm>>
          %dma_start3A_68 = tpu.memref_squeeze %dma_start3A : memref<1x1x2000xf32, #tpu.memory_space<hbm>> -> memref<2000xf32, #tpu.memory_space<hbm>>
          %dma_start3A_69 = tpu.memref_slice %arg2[%run_scoped3A_58, %run_scoped3A_59, %mul3A_13] : memref<2x5x100000xf32, #tpu.memory_space<hbm>> -> memref<1x1x2000xf32, #tpu.memory_space<hbm>>
          %dma_start3A_70 = tpu.memref_squeeze %dma_start3A_69 : memref<1x1x2000xf32, #tpu.memory_space<hbm>> -> memref<2000xf32, #tpu.memory_space<hbm>>
          tpu.enqueue_dma source(%dma_start3A_70 : memref<2000xf32, #tpu.memory_space<hbm>>) target(%arg9 : memref<2000xf32, #tpu.memory_space<vmem>>) target_semaphore(%run_scoped3A_67 : memref<!tpu.dma_semaphore, #tpu.memory_space<semaphore_mem>>)
          %dma_wait3A = tpu.memref_slice %arg2[%run_scoped3A_58, %run_scoped3A_59, %mul3A_13] : memref<2x5x100000xf32, #tpu.memory_space<hbm>> -> memref<1x1x2000xf32, #tpu.memory_space<hbm>>
          %dma_wait3A_71 = tpu.memref_squeeze %dma_wait3A : memref<1x1x2000xf32, #tpu.memory_space<hbm>> -> memref<2000xf32, #tpu.memory_space<hbm>>
          %dma_wait3A_72 = tpu.memref_slice %arg2[%run_scoped3A_58, %run_scoped3A_59, %mul3A_13] : memref<2x5x100000xf32, #tpu.memory_space<hbm>> -> memref<1x1x2000xf32, #tpu.memory_space<hbm>>
          %dma_wait3A_73 = tpu.memref_squeeze %dma_wait3A_72 : memref<1x1x2000xf32, #tpu.memory_space<hbm>> -> memref<2000xf32, #tpu.memory_space<hbm>>
          tpu.wait_dma2 semaphore(%run_scoped3A_67 : memref<!tpu.dma_semaphore, #tpu.memory_space<semaphore_mem>>) src(%dma_wait3A_73 : memref<2000xf32, #tpu.memory_space<hbm>>) dst(%arg9 : memref<2000xf32, #tpu.memory_space<vmem>>)
          tpu.yield
        }) : () -> ()
        %scan3A_60 = arith.constant 0 : i32
        %scan3A_61 = arith.constant 0 : i32
        %scan3A_62 = arith.constant 125 : i32
        %scan3A_63 = arith.addi %scan3A_61, %scan3A_62 : i32
        %scan3A_64 = arith.constant 1 : i32
        scf.for %scan3A_67 = %scan3A_61 to %scan3A_63 step %scan3A_64  : i32 {
          %mul3A_68 = arith.constant 16 : i32
          %mul3A_69 = arith.muli %scan3A_67, %mul3A_68 : i32
          %get3A = arith.index_cast %mul3A_69 : i32 to index
          %get3A_70 = tpu.vector_load %arg7[%get3A] {strides = array<i32>} : memref<2000xf32, #tpu.memory_space<vmem>>, vector<16xf32>,
          %get3A_71 = arith.index_cast %mul3A_69 : i32 to index
          %get3A_72 = tpu.vector_load %arg9[%get3A_71] {strides = array<i32>} : memref<2000xf32, #tpu.memory_space<vmem>>, vector<16xf32>,
          %add3A_73 = arith.addf %get3A_70, %get3A_72 : vector<16xf32>
          %get3A_74 = arith.index_cast %mul3A_69 : i32 to index
          %get3A_75 = tpu.vector_load %arg8[%get3A_74] {strides = array<i32>} : memref<2000xf32, #tpu.memory_space<vmem>>, vector<16xf32>,
          %div3A = arith.divf %add3A_73, %get3A_75 : vector<16xf32>
          %swap3A = arith.index_cast %mul3A_69 : i32 to index
          %swap3A_76 = tpu.vector_load %arg10[%swap3A] {strides = array<i32>} : memref<2000xf32, #tpu.memory_space<vmem>>, vector<16xf32>,
          tpu.vector_store %arg10[%swap3A], %div3A {strides = array<i32>} : memref<2000xf32, #tpu.memory_space<vmem>>, vector<16xf32>,
        }
        %scan3A_65 = arith.constant 125 : i32
        %run_scoped3A_66 = arith.constant 3 : i32
        "tpu.region"() ({
          %run_scoped3A_67 = tpu.sem_alloc : memref<!tpu.dma_semaphore, #tpu.memory_space<semaphore_mem>>
          %dma_start3A = arith.constant 0 : i32
          %dma_start3A_68 = tpu.memref_slice %arg3[%add3A_9, %run_scoped3A_66, %dma_start3A] : memref<50x8x2000xf32, #tpu.memory_space<hbm>> -> memref<1x1x2000xf32, #tpu.memory_space<hbm>>
          %dma_start3A_69 = tpu.memref_squeeze %dma_start3A_68 : memref<1x1x2000xf32, #tpu.memory_space<hbm>> -> memref<2000xf32, #tpu.memory_space<hbm>>
          %dma_start3A_70 = arith.constant 0 : i32
          %dma_start3A_71 = tpu.memref_slice %arg3[%add3A_9, %run_scoped3A_66, %dma_start3A_70] : memref<50x8x2000xf32, #tpu.memory_space<hbm>> -> memref<1x1x2000xf32, #tpu.memory_space<hbm>>
          %dma_start3A_72 = tpu.memref_squeeze %dma_start3A_71 : memref<1x1x2000xf32, #tpu.memory_space<hbm>> -> memref<2000xf32, #tpu.memory_space<hbm>>
          tpu.enqueue_dma source(%arg10 : memref<2000xf32, #tpu.memory_space<vmem>>) target(%dma_start3A_72 : memref<2000xf32, #tpu.memory_space<hbm>>) target_semaphore(%run_scoped3A_67 : memref<!tpu.dma_semaphore, #tpu.memory_space<semaphore_mem>>)
          %dma_wait3A = arith.constant 0 : i32
          %dma_wait3A_73 = tpu.memref_slice %arg3[%add3A_9, %run_scoped3A_66, %dma_wait3A] : memref<50x8x2000xf32, #tpu.memory_space<hbm>> -> memref<1x1x2000xf32, #tpu.memory_space<hbm>>
          %dma_wait3A_74 = tpu.memref_squeeze %dma_wait3A_73 : memref<1x1x2000xf32, #tpu.memory_space<hbm>> -> memref<2000xf32, #tpu.memory_space<hbm>>
          %dma_wait3A_75 = arith.constant 0 : i32
          %dma_wait3A_76 = tpu.memref_slice %arg3[%add3A_9, %run_scoped3A_66, %dma_wait3A_75] : memref<50x8x2000xf32, #tpu.memory_space<hbm>> -> memref<1x1x2000xf32, #tpu.memory_space<hbm>>
          %dma_wait3A_77 = tpu.memref_squeeze %dma_wait3A_76 : memref<1x1x2000xf32, #tpu.memory_space<hbm>> -> memref<2000xf32, #tpu.memory_space<hbm>>
          tpu.wait_dma2 semaphore(%run_scoped3A_67 : memref<!tpu.dma_semaphore, #tpu.memory_space<semaphore_mem>>) src(%arg10 : memref<2000xf32, #tpu.memory_space<vmem>>) dst(%dma_wait3A_77 : memref<2000xf32, #tpu.memory_space<hbm>>)
          tpu.yield
        }) : () -> ()
      } else {
      }
    }
    %scan3A_5 = arith.constant 2 : i32
    return
  }
}

#map = affine_map<(d0, d1) -> (0, 0)>
#map1 = affine_map<(d0, d1) -> (0)>
#map2 = affine_map<(d0, d1) -> (0, 0, 0)>
module attributes {stable_mosaic.version = 14 : i64} {
  func.func @_edge_scatter_body(%arg0: i32, %arg1: i32, %arg2: memref<2x6400000xi32, #tpu.memory_space<hbm>>, %arg3: memref<4x6400000xf32, #tpu.memory_space<hbm>>, %arg4: memref<2048xf32, #tpu.memory_space<hbm>>, %arg5: memref<6256xf32, #tpu.memory_space<hbm>>, %arg6: memref<2x5x100000xf32, #tpu.memory_space<hbm>>, %arg7: memref<2x2048xi32, #tpu.memory_space<vmem>>, %arg8: memref<2x4x2048xf32, #tpu.memory_space<vmem>>, %arg9: memref<2048xf32, #tpu.memory_space<vmem>>, %arg10: memref<6256xf32, #tpu.memory_space<vmem>>, %arg11: memref<!tpu.dma_semaphore, #tpu.memory_space<semaphore_mem>>, %arg12: memref<!tpu.dma_semaphore, #tpu.memory_space<semaphore_mem>>, %arg13: memref<100000xf32, #tpu.memory_space<vmem_shared>>, %arg14: memref<100000xf32, #tpu.memory_space<vmem_shared>>, %arg15: memref<100000xf32, #tpu.memory_space<vmem_shared>>, %arg16: memref<100000xf32, #tpu.memory_space<vmem_shared>>, %arg17: memref<100000xf32, #tpu.memory_space<vmem_shared>>) attributes {dimension_semantics = [#tpu.dimension_semantics<core_parallel>, #tpu.dimension_semantics<subcore_parallel>], iteration_bounds = array<i64: 2, 16>, scalar_prefetch = 0 : i64, scratch_operands = 11 : i64, tpu.core_type = #tpu.core_type<sc_vector_subcore>, window_params = [{transform_indices = #map}, {transform_indices = #map}, {transform_indices = #map1}, {transform_indices = #map1}, {transform_indices = #map2}]} {
    %mul3A = arith.constant 2 : i32
    %mul3A_0 = arith.muli %arg1, %mul3A : i32
    %add3A = arith.addi %mul3A_0, %arg0 : i32
    "tpu.region"() ({
      %run_scoped3A = tpu.sem_alloc : memref<!tpu.dma_semaphore, #tpu.memory_space<semaphore_mem>>
      tpu.enqueue_dma source(%arg4 : memref<2048xf32, #tpu.memory_space<hbm>>) target(%arg9 : memref<2048xf32, #tpu.memory_space<vmem>>) target_semaphore(%run_scoped3A : memref<!tpu.dma_semaphore, #tpu.memory_space<semaphore_mem>>)
      tpu.wait_dma2 semaphore(%run_scoped3A : memref<!tpu.dma_semaphore, #tpu.memory_space<semaphore_mem>>) src(%arg4 : memref<2048xf32, #tpu.memory_space<hbm>>) dst(%arg9 : memref<2048xf32, #tpu.memory_space<vmem>>)
      tpu.yield
    }) : () -> ()
    "tpu.region"() ({
      %run_scoped3A = tpu.sem_alloc : memref<!tpu.dma_semaphore, #tpu.memory_space<semaphore_mem>>
      tpu.enqueue_dma source(%arg5 : memref<6256xf32, #tpu.memory_space<hbm>>) target(%arg10 : memref<6256xf32, #tpu.memory_space<vmem>>) target_semaphore(%run_scoped3A : memref<!tpu.dma_semaphore, #tpu.memory_space<semaphore_mem>>)
      tpu.wait_dma2 semaphore(%run_scoped3A : memref<!tpu.dma_semaphore, #tpu.memory_space<semaphore_mem>>) src(%arg5 : memref<6256xf32, #tpu.memory_space<hbm>>) dst(%arg10 : memref<6256xf32, #tpu.memory_space<vmem>>)
      tpu.yield
    }) : () -> ()
    %mul3A_1 = arith.constant 6256 : i32
    %mul3A_2 = arith.muli %arg1, %mul3A_1 : i32
    %lt3A = arith.constant 15 : i32
    %lt3A_3 = arith.cmpi slt, %arg1, %lt3A : i32
    %convert_element_type3A = arith.extui %lt3A_3 : i1 to i32
    %cond3A = arith.constant 0 : i32
    %cond3A_4 = arith.cmpi ne, %convert_element_type3A, %cond3A : i32
    scf.if %cond3A_4 {
      "tpu.region"() ({
        %run_scoped3A = tpu.sem_alloc : memref<!tpu.dma_semaphore, #tpu.memory_space<semaphore_mem>>
        %dma_start3A_97 = tpu.memref_slice %arg13[%mul3A_2] : memref<100000xf32, #tpu.memory_space<vmem_shared>> -> memref<6256xf32, #tpu.memory_space<vmem_shared>>
        %dma_start3A_98 = tpu.memref_slice %arg13[%mul3A_2] : memref<100000xf32, #tpu.memory_space<vmem_shared>> -> memref<6256xf32, #tpu.memory_space<vmem_shared>>
        tpu.enqueue_dma source(%arg10 : memref<6256xf32, #tpu.memory_space<vmem>>) target(%dma_start3A_98 : memref<6256xf32, #tpu.memory_space<vmem_shared>>) target_semaphore(%run_scoped3A : memref<!tpu.dma_semaphore, #tpu.memory_space<semaphore_mem>>)
        %dma_wait3A = tpu.memref_slice %arg13[%mul3A_2] : memref<100000xf32, #tpu.memory_space<vmem_shared>> -> memref<6256xf32, #tpu.memory_space<vmem_shared>>
        %dma_wait3A_99 = tpu.memref_slice %arg13[%mul3A_2] : memref<100000xf32, #tpu.memory_space<vmem_shared>> -> memref<6256xf32, #tpu.memory_space<vmem_shared>>
        tpu.wait_dma2 semaphore(%run_scoped3A : memref<!tpu.dma_semaphore, #tpu.memory_space<semaphore_mem>>) src(%arg10 : memref<6256xf32, #tpu.memory_space<vmem>>) dst(%dma_wait3A_99 : memref<6256xf32, #tpu.memory_space<vmem_shared>>)
        tpu.yield
      }) : () -> ()
      "tpu.region"() ({
        %run_scoped3A = tpu.sem_alloc : memref<!tpu.dma_semaphore, #tpu.memory_space<semaphore_mem>>
        %dma_start3A_97 = tpu.memref_slice %arg14[%mul3A_2] : memref<100000xf32, #tpu.memory_space<vmem_shared>> -> memref<6256xf32, #tpu.memory_space<vmem_shared>>
        %dma_start3A_98 = tpu.memref_slice %arg14[%mul3A_2] : memref<100000xf32, #tpu.memory_space<vmem_shared>> -> memref<6256xf32, #tpu.memory_space<vmem_shared>>
        tpu.enqueue_dma source(%arg10 : memref<6256xf32, #tpu.memory_space<vmem>>) target(%dma_start3A_98 : memref<6256xf32, #tpu.memory_space<vmem_shared>>) target_semaphore(%run_scoped3A : memref<!tpu.dma_semaphore, #tpu.memory_space<semaphore_mem>>)
        %dma_wait3A = tpu.memref_slice %arg14[%mul3A_2] : memref<100000xf32, #tpu.memory_space<vmem_shared>> -> memref<6256xf32, #tpu.memory_space<vmem_shared>>
        %dma_wait3A_99 = tpu.memref_slice %arg14[%mul3A_2] : memref<100000xf32, #tpu.memory_space<vmem_shared>> -> memref<6256xf32, #tpu.memory_space<vmem_shared>>
        tpu.wait_dma2 semaphore(%run_scoped3A : memref<!tpu.dma_semaphore, #tpu.memory_space<semaphore_mem>>) src(%arg10 : memref<6256xf32, #tpu.memory_space<vmem>>) dst(%dma_wait3A_99 : memref<6256xf32, #tpu.memory_space<vmem_shared>>)
        tpu.yield
      }) : () -> ()
      "tpu.region"() ({
        %run_scoped3A = tpu.sem_alloc : memref<!tpu.dma_semaphore, #tpu.memory_space<semaphore_mem>>
        %dma_start3A_97 = tpu.memref_slice %arg15[%mul3A_2] : memref<100000xf32, #tpu.memory_space<vmem_shared>> -> memref<6256xf32, #tpu.memory_space<vmem_shared>>
        %dma_start3A_98 = tpu.memref_slice %arg15[%mul3A_2] : memref<100000xf32, #tpu.memory_space<vmem_shared>> -> memref<6256xf32, #tpu.memory_space<vmem_shared>>
        tpu.enqueue_dma source(%arg10 : memref<6256xf32, #tpu.memory_space<vmem>>) target(%dma_start3A_98 : memref<6256xf32, #tpu.memory_space<vmem_shared>>) target_semaphore(%run_scoped3A : memref<!tpu.dma_semaphore, #tpu.memory_space<semaphore_mem>>)
        %dma_wait3A = tpu.memref_slice %arg15[%mul3A_2] : memref<100000xf32, #tpu.memory_space<vmem_shared>> -> memref<6256xf32, #tpu.memory_space<vmem_shared>>
        %dma_wait3A_99 = tpu.memref_slice %arg15[%mul3A_2] : memref<100000xf32, #tpu.memory_space<vmem_shared>> -> memref<6256xf32, #tpu.memory_space<vmem_shared>>
        tpu.wait_dma2 semaphore(%run_scoped3A : memref<!tpu.dma_semaphore, #tpu.memory_space<semaphore_mem>>) src(%arg10 : memref<6256xf32, #tpu.memory_space<vmem>>) dst(%dma_wait3A_99 : memref<6256xf32, #tpu.memory_space<vmem_shared>>)
        tpu.yield
      }) : () -> ()
      "tpu.region"() ({
        %run_scoped3A = tpu.sem_alloc : memref<!tpu.dma_semaphore, #tpu.memory_space<semaphore_mem>>
        %dma_start3A_97 = tpu.memref_slice %arg16[%mul3A_2] : memref<100000xf32, #tpu.memory_space<vmem_shared>> -> memref<6256xf32, #tpu.memory_space<vmem_shared>>
        %dma_start3A_98 = tpu.memref_slice %arg16[%mul3A_2] : memref<100000xf32, #tpu.memory_space<vmem_shared>> -> memref<6256xf32, #tpu.memory_space<vmem_shared>>
        tpu.enqueue_dma source(%arg10 : memref<6256xf32, #tpu.memory_space<vmem>>) target(%dma_start3A_98 : memref<6256xf32, #tpu.memory_space<vmem_shared>>) target_semaphore(%run_scoped3A : memref<!tpu.dma_semaphore, #tpu.memory_space<semaphore_mem>>)
        %dma_wait3A = tpu.memref_slice %arg16[%mul3A_2] : memref<100000xf32, #tpu.memory_space<vmem_shared>> -> memref<6256xf32, #tpu.memory_space<vmem_shared>>
        %dma_wait3A_99 = tpu.memref_slice %arg16[%mul3A_2] : memref<100000xf32, #tpu.memory_space<vmem_shared>> -> memref<6256xf32, #tpu.memory_space<vmem_shared>>
        tpu.wait_dma2 semaphore(%run_scoped3A : memref<!tpu.dma_semaphore, #tpu.memory_space<semaphore_mem>>) src(%arg10 : memref<6256xf32, #tpu.memory_space<vmem>>) dst(%dma_wait3A_99 : memref<6256xf32, #tpu.memory_space<vmem_shared>>)
        tpu.yield
      }) : () -> ()
      "tpu.region"() ({
        %run_scoped3A = tpu.sem_alloc : memref<!tpu.dma_semaphore, #tpu.memory_space<semaphore_mem>>
        %dma_start3A_97 = tpu.memref_slice %arg17[%mul3A_2] : memref<100000xf32, #tpu.memory_space<vmem_shared>> -> memref<6256xf32, #tpu.memory_space<vmem_shared>>
        %dma_start3A_98 = tpu.memref_slice %arg17[%mul3A_2] : memref<100000xf32, #tpu.memory_space<vmem_shared>> -> memref<6256xf32, #tpu.memory_space<vmem_shared>>
        tpu.enqueue_dma source(%arg10 : memref<6256xf32, #tpu.memory_space<vmem>>) target(%dma_start3A_98 : memref<6256xf32, #tpu.memory_space<vmem_shared>>) target_semaphore(%run_scoped3A : memref<!tpu.dma_semaphore, #tpu.memory_space<semaphore_mem>>)
        %dma_wait3A = tpu.memref_slice %arg17[%mul3A_2] : memref<100000xf32, #tpu.memory_space<vmem_shared>> -> memref<6256xf32, #tpu.memory_space<vmem_shared>>
        %dma_wait3A_99 = tpu.memref_slice %arg17[%mul3A_2] : memref<100000xf32, #tpu.memory_space<vmem_shared>> -> memref<6256xf32, #tpu.memory_space<vmem_shared>>
        tpu.wait_dma2 semaphore(%run_scoped3A : memref<!tpu.dma_semaphore, #tpu.memory_space<semaphore_mem>>) src(%arg10 : memref<6256xf32, #tpu.memory_space<vmem>>) dst(%dma_wait3A_99 : memref<6256xf32, #tpu.memory_space<vmem_shared>>)
        tpu.yield
      }) : () -> ()
    } else {
    }
    %eq3A = arith.constant 15 : i32
    %eq3A_5 = arith.cmpi eq, %arg1, %eq3A : i32
    %convert_element_type3A_6 = arith.extui %eq3A_5 : i1 to i32
    %cond3A_7 = arith.constant 0 : i32
    %cond3A_8 = arith.cmpi ne, %convert_element_type3A_6, %cond3A_7 : i32
    scf.if %cond3A_8 {
      "tpu.region"() ({
        %run_scoped3A = tpu.sem_alloc : memref<!tpu.dma_semaphore, #tpu.memory_space<semaphore_mem>>
        %dma_start3A_97 = arith.constant 0 : i32
        %dma_start3A_98 = tpu.memref_slice %arg10[%dma_start3A_97] : memref<6256xf32, #tpu.memory_space<vmem>> -> memref<6160xf32, #tpu.memory_space<vmem>>
        %dma_start3A_99 = tpu.memref_slice %arg13[%mul3A_2] : memref<100000xf32, #tpu.memory_space<vmem_shared>> -> memref<6160xf32, #tpu.memory_space<vmem_shared>>
        %dma_start3A_100 = tpu.memref_slice %arg13[%mul3A_2] : memref<100000xf32, #tpu.memory_space<vmem_shared>> -> memref<6160xf32, #tpu.memory_space<vmem_shared>>
        %dma_start3A_101 = arith.constant 0 : i32
        %dma_start3A_102 = tpu.memref_slice %arg10[%dma_start3A_101] : memref<6256xf32, #tpu.memory_space<vmem>> -> memref<6160xf32, #tpu.memory_space<vmem>>
        tpu.enqueue_dma source(%dma_start3A_102 : memref<6160xf32, #tpu.memory_space<vmem>>) target(%dma_start3A_100 : memref<6160xf32, #tpu.memory_space<vmem_shared>>) target_semaphore(%run_scoped3A : memref<!tpu.dma_semaphore, #tpu.memory_space<semaphore_mem>>)
        %dma_wait3A = arith.constant 0 : i32
        %dma_wait3A_103 = tpu.memref_slice %arg10[%dma_wait3A] : memref<6256xf32, #tpu.memory_space<vmem>> -> memref<6160xf32, #tpu.memory_space<vmem>>
        %dma_wait3A_104 = tpu.memref_slice %arg13[%mul3A_2] : memref<100000xf32, #tpu.memory_space<vmem_shared>> -> memref<6160xf32, #tpu.memory_space<vmem_shared>>
        %dma_wait3A_105 = tpu.memref_slice %arg13[%mul3A_2] : memref<100000xf32, #tpu.memory_space<vmem_shared>> -> memref<6160xf32, #tpu.memory_space<vmem_shared>>
        %dma_wait3A_106 = arith.constant 0 : i32
        %dma_wait3A_107 = tpu.memref_slice %arg10[%dma_wait3A_106] : memref<6256xf32, #tpu.memory_space<vmem>> -> memref<6160xf32, #tpu.memory_space<vmem>>
        tpu.wait_dma2 semaphore(%run_scoped3A : memref<!tpu.dma_semaphore, #tpu.memory_space<semaphore_mem>>) src(%dma_wait3A_107 : memref<6160xf32, #tpu.memory_space<vmem>>) dst(%dma_wait3A_105 : memref<6160xf32, #tpu.memory_space<vmem_shared>>)
        tpu.yield
      }) : () -> ()
      "tpu.region"() ({
        %run_scoped3A = tpu.sem_alloc : memref<!tpu.dma_semaphore, #tpu.memory_space<semaphore_mem>>
        %dma_start3A_97 = arith.constant 0 : i32
        %dma_start3A_98 = tpu.memref_slice %arg10[%dma_start3A_97] : memref<6256xf32, #tpu.memory_space<vmem>> -> memref<6160xf32, #tpu.memory_space<vmem>>
        %dma_start3A_99 = tpu.memref_slice %arg14[%mul3A_2] : memref<100000xf32, #tpu.memory_space<vmem_shared>> -> memref<6160xf32, #tpu.memory_space<vmem_shared>>
        %dma_start3A_100 = tpu.memref_slice %arg14[%mul3A_2] : memref<100000xf32, #tpu.memory_space<vmem_shared>> -> memref<6160xf32, #tpu.memory_space<vmem_shared>>
        %dma_start3A_101 = arith.constant 0 : i32
        %dma_start3A_102 = tpu.memref_slice %arg10[%dma_start3A_101] : memref<6256xf32, #tpu.memory_space<vmem>> -> memref<6160xf32, #tpu.memory_space<vmem>>
        tpu.enqueue_dma source(%dma_start3A_102 : memref<6160xf32, #tpu.memory_space<vmem>>) target(%dma_start3A_100 : memref<6160xf32, #tpu.memory_space<vmem_shared>>) target_semaphore(%run_scoped3A : memref<!tpu.dma_semaphore, #tpu.memory_space<semaphore_mem>>)
        %dma_wait3A = arith.constant 0 : i32
        %dma_wait3A_103 = tpu.memref_slice %arg10[%dma_wait3A] : memref<6256xf32, #tpu.memory_space<vmem>> -> memref<6160xf32, #tpu.memory_space<vmem>>
        %dma_wait3A_104 = tpu.memref_slice %arg14[%mul3A_2] : memref<100000xf32, #tpu.memory_space<vmem_shared>> -> memref<6160xf32, #tpu.memory_space<vmem_shared>>
        %dma_wait3A_105 = tpu.memref_slice %arg14[%mul3A_2] : memref<100000xf32, #tpu.memory_space<vmem_shared>> -> memref<6160xf32, #tpu.memory_space<vmem_shared>>
        %dma_wait3A_106 = arith.constant 0 : i32
        %dma_wait3A_107 = tpu.memref_slice %arg10[%dma_wait3A_106] : memref<6256xf32, #tpu.memory_space<vmem>> -> memref<6160xf32, #tpu.memory_space<vmem>>
        tpu.wait_dma2 semaphore(%run_scoped3A : memref<!tpu.dma_semaphore, #tpu.memory_space<semaphore_mem>>) src(%dma_wait3A_107 : memref<6160xf32, #tpu.memory_space<vmem>>) dst(%dma_wait3A_105 : memref<6160xf32, #tpu.memory_space<vmem_shared>>)
        tpu.yield
      }) : () -> ()
      "tpu.region"() ({
        %run_scoped3A = tpu.sem_alloc : memref<!tpu.dma_semaphore, #tpu.memory_space<semaphore_mem>>
        %dma_start3A_97 = arith.constant 0 : i32
        %dma_start3A_98 = tpu.memref_slice %arg10[%dma_start3A_97] : memref<6256xf32, #tpu.memory_space<vmem>> -> memref<6160xf32, #tpu.memory_space<vmem>>
        %dma_start3A_99 = tpu.memref_slice %arg15[%mul3A_2] : memref<100000xf32, #tpu.memory_space<vmem_shared>> -> memref<6160xf32, #tpu.memory_space<vmem_shared>>
        %dma_start3A_100 = tpu.memref_slice %arg15[%mul3A_2] : memref<100000xf32, #tpu.memory_space<vmem_shared>> -> memref<6160xf32, #tpu.memory_space<vmem_shared>>
        %dma_start3A_101 = arith.constant 0 : i32
        %dma_start3A_102 = tpu.memref_slice %arg10[%dma_start3A_101] : memref<6256xf32, #tpu.memory_space<vmem>> -> memref<6160xf32, #tpu.memory_space<vmem>>
        tpu.enqueue_dma source(%dma_start3A_102 : memref<6160xf32, #tpu.memory_space<vmem>>) target(%dma_start3A_100 : memref<6160xf32, #tpu.memory_space<vmem_shared>>) target_semaphore(%run_scoped3A : memref<!tpu.dma_semaphore, #tpu.memory_space<semaphore_mem>>)
        %dma_wait3A = arith.constant 0 : i32
        %dma_wait3A_103 = tpu.memref_slice %arg10[%dma_wait3A] : memref<6256xf32, #tpu.memory_space<vmem>> -> memref<6160xf32, #tpu.memory_space<vmem>>
        %dma_wait3A_104 = tpu.memref_slice %arg15[%mul3A_2] : memref<100000xf32, #tpu.memory_space<vmem_shared>> -> memref<6160xf32, #tpu.memory_space<vmem_shared>>
        %dma_wait3A_105 = tpu.memref_slice %arg15[%mul3A_2] : memref<100000xf32, #tpu.memory_space<vmem_shared>> -> memref<6160xf32, #tpu.memory_space<vmem_shared>>
        %dma_wait3A_106 = arith.constant 0 : i32
        %dma_wait3A_107 = tpu.memref_slice %arg10[%dma_wait3A_106] : memref<6256xf32, #tpu.memory_space<vmem>> -> memref<6160xf32, #tpu.memory_space<vmem>>
        tpu.wait_dma2 semaphore(%run_scoped3A : memref<!tpu.dma_semaphore, #tpu.memory_space<semaphore_mem>>) src(%dma_wait3A_107 : memref<6160xf32, #tpu.memory_space<vmem>>) dst(%dma_wait3A_105 : memref<6160xf32, #tpu.memory_space<vmem_shared>>)
        tpu.yield
      }) : () -> ()
      "tpu.region"() ({
        %run_scoped3A = tpu.sem_alloc : memref<!tpu.dma_semaphore, #tpu.memory_space<semaphore_mem>>
        %dma_start3A_97 = arith.constant 0 : i32
        %dma_start3A_98 = tpu.memref_slice %arg10[%dma_start3A_97] : memref<6256xf32, #tpu.memory_space<vmem>> -> memref<6160xf32, #tpu.memory_space<vmem>>
        %dma_start3A_99 = tpu.memref_slice %arg16[%mul3A_2] : memref<100000xf32, #tpu.memory_space<vmem_shared>> -> memref<6160xf32, #tpu.memory_space<vmem_shared>>
        %dma_start3A_100 = tpu.memref_slice %arg16[%mul3A_2] : memref<100000xf32, #tpu.memory_space<vmem_shared>> -> memref<6160xf32, #tpu.memory_space<vmem_shared>>
        %dma_start3A_101 = arith.constant 0 : i32
        %dma_start3A_102 = tpu.memref_slice %arg10[%dma_start3A_101] : memref<6256xf32, #tpu.memory_space<vmem>> -> memref<6160xf32, #tpu.memory_space<vmem>>
        tpu.enqueue_dma source(%dma_start3A_102 : memref<6160xf32, #tpu.memory_space<vmem>>) target(%dma_start3A_100 : memref<6160xf32, #tpu.memory_space<vmem_shared>>) target_semaphore(%run_scoped3A : memref<!tpu.dma_semaphore, #tpu.memory_space<semaphore_mem>>)
        %dma_wait3A = arith.constant 0 : i32
        %dma_wait3A_103 = tpu.memref_slice %arg10[%dma_wait3A] : memref<6256xf32, #tpu.memory_space<vmem>> -> memref<6160xf32, #tpu.memory_space<vmem>>
        %dma_wait3A_104 = tpu.memref_slice %arg16[%mul3A_2] : memref<100000xf32, #tpu.memory_space<vmem_shared>> -> memref<6160xf32, #tpu.memory_space<vmem_shared>>
        %dma_wait3A_105 = tpu.memref_slice %arg16[%mul3A_2] : memref<100000xf32, #tpu.memory_space<vmem_shared>> -> memref<6160xf32, #tpu.memory_space<vmem_shared>>
        %dma_wait3A_106 = arith.constant 0 : i32
        %dma_wait3A_107 = tpu.memref_slice %arg10[%dma_wait3A_106] : memref<6256xf32, #tpu.memory_space<vmem>> -> memref<6160xf32, #tpu.memory_space<vmem>>
        tpu.wait_dma2 semaphore(%run_scoped3A : memref<!tpu.dma_semaphore, #tpu.memory_space<semaphore_mem>>) src(%dma_wait3A_107 : memref<6160xf32, #tpu.memory_space<vmem>>) dst(%dma_wait3A_105 : memref<6160xf32, #tpu.memory_space<vmem_shared>>)
        tpu.yield
      }) : () -> ()
      "tpu.region"() ({
        %run_scoped3A = tpu.sem_alloc : memref<!tpu.dma_semaphore, #tpu.memory_space<semaphore_mem>>
        %dma_start3A_97 = arith.constant 0 : i32
        %dma_start3A_98 = tpu.memref_slice %arg10[%dma_start3A_97] : memref<6256xf32, #tpu.memory_space<vmem>> -> memref<6160xf32, #tpu.memory_space<vmem>>
        %dma_start3A_99 = tpu.memref_slice %arg17[%mul3A_2] : memref<100000xf32, #tpu.memory_space<vmem_shared>> -> memref<6160xf32, #tpu.memory_space<vmem_shared>>
        %dma_start3A_100 = tpu.memref_slice %arg17[%mul3A_2] : memref<100000xf32, #tpu.memory_space<vmem_shared>> -> memref<6160xf32, #tpu.memory_space<vmem_shared>>
        %dma_start3A_101 = arith.constant 0 : i32
        %dma_start3A_102 = tpu.memref_slice %arg10[%dma_start3A_101] : memref<6256xf32, #tpu.memory_space<vmem>> -> memref<6160xf32, #tpu.memory_space<vmem>>
        tpu.enqueue_dma source(%dma_start3A_102 : memref<6160xf32, #tpu.memory_space<vmem>>) target(%dma_start3A_100 : memref<6160xf32, #tpu.memory_space<vmem_shared>>) target_semaphore(%run_scoped3A : memref<!tpu.dma_semaphore, #tpu.memory_space<semaphore_mem>>)
        %dma_wait3A = arith.constant 0 : i32
        %dma_wait3A_103 = tpu.memref_slice %arg10[%dma_wait3A] : memref<6256xf32, #tpu.memory_space<vmem>> -> memref<6160xf32, #tpu.memory_space<vmem>>
        %dma_wait3A_104 = tpu.memref_slice %arg17[%mul3A_2] : memref<100000xf32, #tpu.memory_space<vmem_shared>> -> memref<6160xf32, #tpu.memory_space<vmem_shared>>
        %dma_wait3A_105 = tpu.memref_slice %arg17[%mul3A_2] : memref<100000xf32, #tpu.memory_space<vmem_shared>> -> memref<6160xf32, #tpu.memory_space<vmem_shared>>
        %dma_wait3A_106 = arith.constant 0 : i32
        %dma_wait3A_107 = tpu.memref_slice %arg10[%dma_wait3A_106] : memref<6256xf32, #tpu.memory_space<vmem>> -> memref<6160xf32, #tpu.memory_space<vmem>>
        tpu.wait_dma2 semaphore(%run_scoped3A : memref<!tpu.dma_semaphore, #tpu.memory_space<semaphore_mem>>) src(%dma_wait3A_107 : memref<6160xf32, #tpu.memory_space<vmem>>) dst(%dma_wait3A_105 : memref<6160xf32, #tpu.memory_space<vmem_shared>>)
        tpu.yield
      }) : () -> ()
    } else {
    }
    %barrier3A = arith.constant 0 : index
    tpu.barrier barrier_id(%barrier3A)
    %mul3A_9 = arith.constant 2048 : i32
    %mul3A_10 = arith.muli %add3A, %mul3A_9 : i32
    %dma_start3A = arith.constant 1 : i32
    %dma_start3A_11 = arith.constant 0 : i32
    %dma_start3A_12 = arith.constant 0 : i32
    %dma_start3A_13 = tpu.memref_slice %arg7[%dma_start3A_11, %dma_start3A_12] : memref<2x2048xi32, #tpu.memory_space<vmem>> -> memref<1x2048xi32, #tpu.memory_space<vmem>>
    %dma_start3A_14 = tpu.memref_squeeze %dma_start3A_13 : memref<1x2048xi32, #tpu.memory_space<vmem>> -> memref<2048xi32, #tpu.memory_space<vmem>>
    %dma_start3A_15 = tpu.memref_slice %arg2[%dma_start3A, %mul3A_10] : memref<2x6400000xi32, #tpu.memory_space<hbm>> -> memref<1x2048xi32, #tpu.memory_space<hbm>>
    %dma_start3A_16 = tpu.memref_squeeze %dma_start3A_15 : memref<1x2048xi32, #tpu.memory_space<hbm>> -> memref<2048xi32, #tpu.memory_space<hbm>>
    %dma_start3A_17 = arith.constant 0 : i32
    %dma_start3A_18 = tpu.memref_slice %arg7[%dma_start3A_11, %dma_start3A_17] : memref<2x2048xi32, #tpu.memory_space<vmem>> -> memref<1x2048xi32, #tpu.memory_space<vmem>>
    %dma_start3A_19 = tpu.memref_squeeze %dma_start3A_18 : memref<1x2048xi32, #tpu.memory_space<vmem>> -> memref<2048xi32, #tpu.memory_space<vmem>>
    %dma_start3A_20 = tpu.memref_slice %arg2[%dma_start3A, %mul3A_10] : memref<2x6400000xi32, #tpu.memory_space<hbm>> -> memref<1x2048xi32, #tpu.memory_space<hbm>>
    %dma_start3A_21 = tpu.memref_squeeze %dma_start3A_20 : memref<1x2048xi32, #tpu.memory_space<hbm>> -> memref<2048xi32, #tpu.memory_space<hbm>>
    tpu.enqueue_dma source(%dma_start3A_21 : memref<2048xi32, #tpu.memory_space<hbm>>) target(%dma_start3A_19 : memref<2048xi32, #tpu.memory_space<vmem>>) target_semaphore(%arg11 : memref<!tpu.dma_semaphore, #tpu.memory_space<semaphore_mem>>)
    %dma_start3A_22 = arith.constant 0 : i32
    %dma_start3A_23 = arith.constant 0 : i32
    %dma_start3A_24 = arith.constant 0 : i32
    %dma_start3A_25 = arith.constant 0 : i32
    %dma_start3A_26 = tpu.memref_slice %arg8[%dma_start3A_23, %dma_start3A_24, %dma_start3A_25] : memref<2x4x2048xf32, #tpu.memory_space<vmem>> -> memref<1x1x2048xf32, #tpu.memory_space<vmem>>
    %dma_start3A_27 = tpu.memref_squeeze %dma_start3A_26 : memref<1x1x2048xf32, #tpu.memory_space<vmem>> -> memref<2048xf32, #tpu.memory_space<vmem>>
    %dma_start3A_28 = tpu.memref_slice %arg3[%dma_start3A_22, %mul3A_10] : memref<4x6400000xf32, #tpu.memory_space<hbm>> -> memref<1x2048xf32, #tpu.memory_space<hbm>>
    %dma_start3A_29 = tpu.memref_squeeze %dma_start3A_28 : memref<1x2048xf32, #tpu.memory_space<hbm>> -> memref<2048xf32, #tpu.memory_space<hbm>>
    %dma_start3A_30 = arith.constant 0 : i32
    %dma_start3A_31 = tpu.memref_slice %arg8[%dma_start3A_23, %dma_start3A_24, %dma_start3A_30] : memref<2x4x2048xf32, #tpu.memory_space<vmem>> -> memref<1x1x2048xf32, #tpu.memory_space<vmem>>
    %dma_start3A_32 = tpu.memref_squeeze %dma_start3A_31 : memref<1x1x2048xf32, #tpu.memory_space<vmem>> -> memref<2048xf32, #tpu.memory_space<vmem>>
    %dma_start3A_33 = tpu.memref_slice %arg3[%dma_start3A_22, %mul3A_10] : memref<4x6400000xf32, #tpu.memory_space<hbm>> -> memref<1x2048xf32, #tpu.memory_space<hbm>>
    %dma_start3A_34 = tpu.memref_squeeze %dma_start3A_33 : memref<1x2048xf32, #tpu.memory_space<hbm>> -> memref<2048xf32, #tpu.memory_space<hbm>>
    tpu.enqueue_dma source(%dma_start3A_34 : memref<2048xf32, #tpu.memory_space<hbm>>) target(%dma_start3A_32 : memref<2048xf32, #tpu.memory_space<vmem>>) target_semaphore(%arg11 : memref<!tpu.dma_semaphore, #tpu.memory_space<semaphore_mem>>)
    %dma_start3A_35 = arith.constant 1 : i32
    %dma_start3A_36 = arith.constant 0 : i32
    %dma_start3A_37 = arith.constant 1 : i32
    %dma_start3A_38 = arith.constant 0 : i32
    %dma_start3A_39 = tpu.memref_slice %arg8[%dma_start3A_36, %dma_start3A_37, %dma_start3A_38] : memref<2x4x2048xf32, #tpu.memory_space<vmem>> -> memref<1x1x2048xf32, #tpu.memory_space<vmem>>
    %dma_start3A_40 = tpu.memref_squeeze %dma_start3A_39 : memref<1x1x2048xf32, #tpu.memory_space<vmem>> -> memref<2048xf32, #tpu.memory_space<vmem>>
    %dma_start3A_41 = tpu.memref_slice %arg3[%dma_start3A_35, %mul3A_10] : memref<4x6400000xf32, #tpu.memory_space<hbm>> -> memref<1x2048xf32, #tpu.memory_space<hbm>>
    %dma_start3A_42 = tpu.memref_squeeze %dma_start3A_41 : memref<1x2048xf32, #tpu.memory_space<hbm>> -> memref<2048xf32, #tpu.memory_space<hbm>>
    %dma_start3A_43 = arith.constant 0 : i32
    %dma_start3A_44 = tpu.memref_slice %arg8[%dma_start3A_36, %dma_start3A_37, %dma_start3A_43] : memref<2x4x2048xf32, #tpu.memory_space<vmem>> -> memref<1x1x2048xf32, #tpu.memory_space<vmem>>
    %dma_start3A_45 = tpu.memref_squeeze %dma_start3A_44 : memref<1x1x2048xf32, #tpu.memory_space<vmem>> -> memref<2048xf32, #tpu.memory_space<vmem>>
    %dma_start3A_46 = tpu.memref_slice %arg3[%dma_start3A_35, %mul3A_10] : memref<4x6400000xf32, #tpu.memory_space<hbm>> -> memref<1x2048xf32, #tpu.memory_space<hbm>>
    %dma_start3A_47 = tpu.memref_squeeze %dma_start3A_46 : memref<1x2048xf32, #tpu.memory_space<hbm>> -> memref<2048xf32, #tpu.memory_space<hbm>>
    tpu.enqueue_dma source(%dma_start3A_47 : memref<2048xf32, #tpu.memory_space<hbm>>) target(%dma_start3A_45 : memref<2048xf32, #tpu.memory_space<vmem>>) target_semaphore(%arg11 : memref<!tpu.dma_semaphore, #tpu.memory_space<semaphore_mem>>)
    %dma_start3A_48 = arith.constant 2 : i32
    %dma_start3A_49 = arith.constant 0 : i32
    %dma_start3A_50 = arith.constant 2 : i32
    %dma_start3A_51 = arith.constant 0 : i32
    %dma_start3A_52 = tpu.memref_slice %arg8[%dma_start3A_49, %dma_start3A_50, %dma_start3A_51] : memref<2x4x2048xf32, #tpu.memory_space<vmem>> -> memref<1x1x2048xf32, #tpu.memory_space<vmem>>
    %dma_start3A_53 = tpu.memref_squeeze %dma_start3A_52 : memref<1x1x2048xf32, #tpu.memory_space<vmem>> -> memref<2048xf32, #tpu.memory_space<vmem>>
    %dma_start3A_54 = tpu.memref_slice %arg3[%dma_start3A_48, %mul3A_10] : memref<4x6400000xf32, #tpu.memory_space<hbm>> -> memref<1x2048xf32, #tpu.memory_space<hbm>>
    %dma_start3A_55 = tpu.memref_squeeze %dma_start3A_54 : memref<1x2048xf32, #tpu.memory_space<hbm>> -> memref<2048xf32, #tpu.memory_space<hbm>>
    %dma_start3A_56 = arith.constant 0 : i32
    %dma_start3A_57 = tpu.memref_slice %arg8[%dma_start3A_49, %dma_start3A_50, %dma_start3A_56] : memref<2x4x2048xf32, #tpu.memory_space<vmem>> -> memref<1x1x2048xf32, #tpu.memory_space<vmem>>
    %dma_start3A_58 = tpu.memref_squeeze %dma_start3A_57 : memref<1x1x2048xf32, #tpu.memory_space<vmem>> -> memref<2048xf32, #tpu.memory_space<vmem>>
    %dma_start3A_59 = tpu.memref_slice %arg3[%dma_start3A_48, %mul3A_10] : memref<4x6400000xf32, #tpu.memory_space<hbm>> -> memref<1x2048xf32, #tpu.memory_space<hbm>>
    %dma_start3A_60 = tpu.memref_squeeze %dma_start3A_59 : memref<1x2048xf32, #tpu.memory_space<hbm>> -> memref<2048xf32, #tpu.memory_space<hbm>>
    tpu.enqueue_dma source(%dma_start3A_60 : memref<2048xf32, #tpu.memory_space<hbm>>) target(%dma_start3A_58 : memref<2048xf32, #tpu.memory_space<vmem>>) target_semaphore(%arg11 : memref<!tpu.dma_semaphore, #tpu.memory_space<semaphore_mem>>)
    %dma_start3A_61 = arith.constant 3 : i32
    %dma_start3A_62 = arith.constant 0 : i32
    %dma_start3A_63 = arith.constant 3 : i32
    %dma_start3A_64 = arith.constant 0 : i32
    %dma_start3A_65 = tpu.memref_slice %arg8[%dma_start3A_62, %dma_start3A_63, %dma_start3A_64] : memref<2x4x2048xf32, #tpu.memory_space<vmem>> -> memref<1x1x2048xf32, #tpu.memory_space<vmem>>
    %dma_start3A_66 = tpu.memref_squeeze %dma_start3A_65 : memref<1x1x2048xf32, #tpu.memory_space<vmem>> -> memref<2048xf32, #tpu.memory_space<vmem>>
    %dma_start3A_67 = tpu.memref_slice %arg3[%dma_start3A_61, %mul3A_10] : memref<4x6400000xf32, #tpu.memory_space<hbm>> -> memref<1x2048xf32, #tpu.memory_space<hbm>>
    %dma_start3A_68 = tpu.memref_squeeze %dma_start3A_67 : memref<1x2048xf32, #tpu.memory_space<hbm>> -> memref<2048xf32, #tpu.memory_space<hbm>>
    %dma_start3A_69 = arith.constant 0 : i32
    %dma_start3A_70 = tpu.memref_slice %arg8[%dma_start3A_62, %dma_start3A_63, %dma_start3A_69] : memref<2x4x2048xf32, #tpu.memory_space<vmem>> -> memref<1x1x2048xf32, #tpu.memory_space<vmem>>
    %dma_start3A_71 = tpu.memref_squeeze %dma_start3A_70 : memref<1x1x2048xf32, #tpu.memory_space<vmem>> -> memref<2048xf32, #tpu.memory_space<vmem>>
    %dma_start3A_72 = tpu.memref_slice %arg3[%dma_start3A_61, %mul3A_10] : memref<4x6400000xf32, #tpu.memory_space<hbm>> -> memref<1x2048xf32, #tpu.memory_space<hbm>>
    %dma_start3A_73 = tpu.memref_squeeze %dma_start3A_72 : memref<1x2048xf32, #tpu.memory_space<hbm>> -> memref<2048xf32, #tpu.memory_space<hbm>>
    tpu.enqueue_dma source(%dma_start3A_73 : memref<2048xf32, #tpu.memory_space<hbm>>) target(%dma_start3A_71 : memref<2048xf32, #tpu.memory_space<vmem>>) target_semaphore(%arg11 : memref<!tpu.dma_semaphore, #tpu.memory_space<semaphore_mem>>)
    %scan3A = arith.constant 0 : i32
    %scan3A_74 = arith.constant 0 : i32
    %scan3A_75 = arith.constant 49 : i32
    %scan3A_76 = arith.addi %scan3A_74, %scan3A_75 : i32
    %scan3A_77 = arith.constant 1 : i32
    scf.for %scan3A_97 = %scan3A_74 to %scan3A_76 step %scan3A_77  : i32 {
      %mul3A_98 = arith.constant 2 : i32
      %mul3A_99 = arith.muli %scan3A_97, %mul3A_98 : i32
      %add3A_100 = arith.constant 0 : i32
      %add3A_101 = arith.addi %mul3A_99, %add3A_100 : i32
      %mul3A_102 = arith.constant 32 : i32
      %mul3A_103 = arith.muli %add3A_101, %mul3A_102 : i32
      %add3A_104 = arith.addi %add3A, %mul3A_103 : i32
      %add3A_105 = arith.constant 32 : i32
      %add3A_106 = arith.addi %add3A_104, %add3A_105 : i32
      %gt3A = arith.constant 0 : i32
      %gt3A_107 = arith.cmpi sgt, %add3A_101, %gt3A : i32
      %sub3A = arith.constant 32 : i32
      %sub3A_108 = arith.subi %add3A_104, %sub3A : i32
      %lt3A_109 = arith.constant 3125 : i32
      %lt3A_110 = arith.cmpi slt, %sub3A_108, %lt3A_109 : i32
      %and3A = arith.andi %gt3A_107, %lt3A_110 : i1
      %convert_element_type3A_111 = arith.extui %and3A : i1 to i32
      %cond3A_112 = arith.constant 0 : i32
      %cond3A_113 = arith.cmpi ne, %convert_element_type3A_111, %cond3A_112 : i32
      scf.if %cond3A_113 {
        %dma_wait3A = arith.constant 1 : i32
        %dma_wait3A_153 = arith.constant 0 : i32
        %dma_wait3A_154 = arith.constant 1 : i32
        %dma_wait3A_155 = arith.constant 0 : i32
        %dma_wait3A_156 = tpu.memref_slice %arg8[%dma_wait3A, %dma_wait3A_153, %dma_wait3A_155] : memref<2x4x2048xf32, #tpu.memory_space<vmem>> -> memref<1x1x2048xf32, #tpu.memory_space<vmem>>
        %dma_wait3A_157 = tpu.memref_squeeze %dma_wait3A_156 : memref<1x1x2048xf32, #tpu.memory_space<vmem>> -> memref<2048xf32, #tpu.memory_space<vmem>>
        %dma_wait3A_158 = arith.constant 0 : i32
        %dma_wait3A_159 = tpu.memref_slice %arg7[%dma_wait3A_154, %dma_wait3A_158] : memref<2x2048xi32, #tpu.memory_space<vmem>> -> memref<1x2048xi32, #tpu.memory_space<vmem>>
        %dma_wait3A_160 = tpu.memref_squeeze %dma_wait3A_159 : memref<1x2048xi32, #tpu.memory_space<vmem>> -> memref<2048xi32, #tpu.memory_space<vmem>>
        %dma_wait3A_161 = arith.constant 0 : i32
        %dma_wait3A_162 = tpu.memref_slice %arg13[%dma_wait3A_161] : memref<100000xf32, #tpu.memory_space<vmem_shared>> -> memref<100000xf32, #tpu.memory_space<vmem_shared>>
        tpu.wait_indirect_dma semaphore(%arg12 : memref<!tpu.dma_semaphore, #tpu.memory_space<semaphore_mem>>) src(%dma_wait3A_157 : memref<2048xf32, #tpu.memory_space<vmem>>) dst(%dma_wait3A_162 : memref<100000xf32, #tpu.memory_space<vmem_shared>>)
        %dma_wait3A_163 = arith.constant 1 : i32
        %dma_wait3A_164 = arith.constant 1 : i32
        %dma_wait3A_165 = arith.constant 1 : i32
        %dma_wait3A_166 = arith.constant 0 : i32
        %dma_wait3A_167 = tpu.memref_slice %arg8[%dma_wait3A_163, %dma_wait3A_164, %dma_wait3A_166] : memref<2x4x2048xf32, #tpu.memory_space<vmem>> -> memref<1x1x2048xf32, #tpu.memory_space<vmem>>
        %dma_wait3A_168 = tpu.memref_squeeze %dma_wait3A_167 : memref<1x1x2048xf32, #tpu.memory_space<vmem>> -> memref<2048xf32, #tpu.memory_space<vmem>>
        %dma_wait3A_169 = arith.constant 0 : i32
        %dma_wait3A_170 = tpu.memref_slice %arg7[%dma_wait3A_165, %dma_wait3A_169] : memref<2x2048xi32, #tpu.memory_space<vmem>> -> memref<1x2048xi32, #tpu.memory_space<vmem>>
        %dma_wait3A_171 = tpu.memref_squeeze %dma_wait3A_170 : memref<1x2048xi32, #tpu.memory_space<vmem>> -> memref<2048xi32, #tpu.memory_space<vmem>>
        %dma_wait3A_172 = arith.constant 0 : i32
        %dma_wait3A_173 = tpu.memref_slice %arg14[%dma_wait3A_172] : memref<100000xf32, #tpu.memory_space<vmem_shared>> -> memref<100000xf32, #tpu.memory_space<vmem_shared>>
        tpu.wait_indirect_dma semaphore(%arg12 : memref<!tpu.dma_semaphore, #tpu.memory_space<semaphore_mem>>) src(%dma_wait3A_168 : memref<2048xf32, #tpu.memory_space<vmem>>) dst(%dma_wait3A_173 : memref<100000xf32, #tpu.memory_space<vmem_shared>>)
        %dma_wait3A_174 = arith.constant 1 : i32
        %dma_wait3A_175 = arith.constant 2 : i32
        %dma_wait3A_176 = arith.constant 1 : i32
        %dma_wait3A_177 = arith.constant 0 : i32
        %dma_wait3A_178 = tpu.memref_slice %arg8[%dma_wait3A_174, %dma_wait3A_175, %dma_wait3A_177] : memref<2x4x2048xf32, #tpu.memory_space<vmem>> -> memref<1x1x2048xf32, #tpu.memory_space<vmem>>
        %dma_wait3A_179 = tpu.memref_squeeze %dma_wait3A_178 : memref<1x1x2048xf32, #tpu.memory_space<vmem>> -> memref<2048xf32, #tpu.memory_space<vmem>>
        %dma_wait3A_180 = arith.constant 0 : i32
        %dma_wait3A_181 = tpu.memref_slice %arg7[%dma_wait3A_176, %dma_wait3A_180] : memref<2x2048xi32, #tpu.memory_space<vmem>> -> memref<1x2048xi32, #tpu.memory_space<vmem>>
        %dma_wait3A_182 = tpu.memref_squeeze %dma_wait3A_181 : memref<1x2048xi32, #tpu.memory_space<vmem>> -> memref<2048xi32, #tpu.memory_space<vmem>>
        %dma_wait3A_183 = arith.constant 0 : i32
        %dma_wait3A_184 = tpu.memref_slice %arg15[%dma_wait3A_183] : memref<100000xf32, #tpu.memory_space<vmem_shared>> -> memref<100000xf32, #tpu.memory_space<vmem_shared>>
        tpu.wait_indirect_dma semaphore(%arg12 : memref<!tpu.dma_semaphore, #tpu.memory_space<semaphore_mem>>) src(%dma_wait3A_179 : memref<2048xf32, #tpu.memory_space<vmem>>) dst(%dma_wait3A_184 : memref<100000xf32, #tpu.memory_space<vmem_shared>>)
        %dma_wait3A_185 = arith.constant 1 : i32
        %dma_wait3A_186 = arith.constant 3 : i32
        %dma_wait3A_187 = arith.constant 1 : i32
        %dma_wait3A_188 = arith.constant 0 : i32
        %dma_wait3A_189 = tpu.memref_slice %arg8[%dma_wait3A_185, %dma_wait3A_186, %dma_wait3A_188] : memref<2x4x2048xf32, #tpu.memory_space<vmem>> -> memref<1x1x2048xf32, #tpu.memory_space<vmem>>
        %dma_wait3A_190 = tpu.memref_squeeze %dma_wait3A_189 : memref<1x1x2048xf32, #tpu.memory_space<vmem>> -> memref<2048xf32, #tpu.memory_space<vmem>>
        %dma_wait3A_191 = arith.constant 0 : i32
        %dma_wait3A_192 = tpu.memref_slice %arg7[%dma_wait3A_187, %dma_wait3A_191] : memref<2x2048xi32, #tpu.memory_space<vmem>> -> memref<1x2048xi32, #tpu.memory_space<vmem>>
        %dma_wait3A_193 = tpu.memref_squeeze %dma_wait3A_192 : memref<1x2048xi32, #tpu.memory_space<vmem>> -> memref<2048xi32, #tpu.memory_space<vmem>>
        %dma_wait3A_194 = arith.constant 0 : i32
        %dma_wait3A_195 = tpu.memref_slice %arg16[%dma_wait3A_194] : memref<100000xf32, #tpu.memory_space<vmem_shared>> -> memref<100000xf32, #tpu.memory_space<vmem_shared>>
        tpu.wait_indirect_dma semaphore(%arg12 : memref<!tpu.dma_semaphore, #tpu.memory_space<semaphore_mem>>) src(%dma_wait3A_190 : memref<2048xf32, #tpu.memory_space<vmem>>) dst(%dma_wait3A_195 : memref<100000xf32, #tpu.memory_space<vmem_shared>>)
        %dma_wait3A_196 = arith.constant 1 : i32
        %dma_wait3A_197 = arith.constant 0 : i32
        %dma_wait3A_198 = tpu.memref_slice %arg7[%dma_wait3A_196, %dma_wait3A_197] : memref<2x2048xi32, #tpu.memory_space<vmem>> -> memref<1x2048xi32, #tpu.memory_space<vmem>>
        %dma_wait3A_199 = tpu.memref_squeeze %dma_wait3A_198 : memref<1x2048xi32, #tpu.memory_space<vmem>> -> memref<2048xi32, #tpu.memory_space<vmem>>
        %dma_wait3A_200 = arith.constant 0 : i32
        %dma_wait3A_201 = tpu.memref_slice %arg17[%dma_wait3A_200] : memref<100000xf32, #tpu.memory_space<vmem_shared>> -> memref<100000xf32, #tpu.memory_space<vmem_shared>>
        tpu.wait_indirect_dma semaphore(%arg12 : memref<!tpu.dma_semaphore, #tpu.memory_space<semaphore_mem>>) src(%arg9 : memref<2048xf32, #tpu.memory_space<vmem>>) dst(%dma_wait3A_201 : memref<100000xf32, #tpu.memory_space<vmem_shared>>)
      } else {
      }
      %lt3A_114 = arith.constant 3125 : i32
      %lt3A_115 = arith.cmpi slt, %add3A_106, %lt3A_114 : i32
      %convert_element_type3A_116 = arith.extui %lt3A_115 : i1 to i32
      %cond3A_117 = arith.constant 0 : i32
      %cond3A_118 = arith.cmpi ne, %convert_element_type3A_116, %cond3A_117 : i32
      scf.if %cond3A_118 {
        %mul3A_153 = arith.constant 2048 : i32
        %mul3A_154 = arith.muli %add3A_106, %mul3A_153 : i32
        %dma_start3A_155 = arith.constant 1 : i32
        %dma_start3A_156 = arith.constant 1 : i32
        %dma_start3A_157 = arith.constant 0 : i32
        %dma_start3A_158 = tpu.memref_slice %arg7[%dma_start3A_156, %dma_start3A_157] : memref<2x2048xi32, #tpu.memory_space<vmem>> -> memref<1x2048xi32, #tpu.memory_space<vmem>>
        %dma_start3A_159 = tpu.memref_squeeze %dma_start3A_158 : memref<1x2048xi32, #tpu.memory_space<vmem>> -> memref<2048xi32, #tpu.memory_space<vmem>>
        %dma_start3A_160 = tpu.memref_slice %arg2[%dma_start3A_155, %mul3A_154] : memref<2x6400000xi32, #tpu.memory_space<hbm>> -> memref<1x2048xi32, #tpu.memory_space<hbm>>
        %dma_start3A_161 = tpu.memref_squeeze %dma_start3A_160 : memref<1x2048xi32, #tpu.memory_space<hbm>> -> memref<2048xi32, #tpu.memory_space<hbm>>
        %dma_start3A_162 = arith.constant 0 : i32
        %dma_start3A_163 = tpu.memref_slice %arg7[%dma_start3A_156, %dma_start3A_162] : memref<2x2048xi32, #tpu.memory_space<vmem>> -> memref<1x2048xi32, #tpu.memory_space<vmem>>
        %dma_start3A_164 = tpu.memref_squeeze %dma_start3A_163 : memref<1x2048xi32, #tpu.memory_space<vmem>> -> memref<2048xi32, #tpu.memory_space<vmem>>
        %dma_start3A_165 = tpu.memref_slice %arg2[%dma_start3A_155, %mul3A_154] : memref<2x6400000xi32, #tpu.memory_space<hbm>> -> memref<1x2048xi32, #tpu.memory_space<hbm>>
        %dma_start3A_166 = tpu.memref_squeeze %dma_start3A_165 : memref<1x2048xi32, #tpu.memory_space<hbm>> -> memref<2048xi32, #tpu.memory_space<hbm>>
        tpu.enqueue_dma source(%dma_start3A_166 : memref<2048xi32, #tpu.memory_space<hbm>>) target(%dma_start3A_164 : memref<2048xi32, #tpu.memory_space<vmem>>) target_semaphore(%arg11 : memref<!tpu.dma_semaphore, #tpu.memory_space<semaphore_mem>>)
        %dma_start3A_167 = arith.constant 0 : i32
        %dma_start3A_168 = arith.constant 1 : i32
        %dma_start3A_169 = arith.constant 0 : i32
        %dma_start3A_170 = arith.constant 0 : i32
        %dma_start3A_171 = tpu.memref_slice %arg8[%dma_start3A_168, %dma_start3A_169, %dma_start3A_170] : memref<2x4x2048xf32, #tpu.memory_space<vmem>> -> memref<1x1x2048xf32, #tpu.memory_space<vmem>>
        %dma_start3A_172 = tpu.memref_squeeze %dma_start3A_171 : memref<1x1x2048xf32, #tpu.memory_space<vmem>> -> memref<2048xf32, #tpu.memory_space<vmem>>
        %dma_start3A_173 = tpu.memref_slice %arg3[%dma_start3A_167, %mul3A_154] : memref<4x6400000xf32, #tpu.memory_space<hbm>> -> memref<1x2048xf32, #tpu.memory_space<hbm>>
        %dma_start3A_174 = tpu.memref_squeeze %dma_start3A_173 : memref<1x2048xf32, #tpu.memory_space<hbm>> -> memref<2048xf32, #tpu.memory_space<hbm>>
        %dma_start3A_175 = arith.constant 0 : i32
        %dma_start3A_176 = tpu.memref_slice %arg8[%dma_start3A_168, %dma_start3A_169, %dma_start3A_175] : memref<2x4x2048xf32, #tpu.memory_space<vmem>> -> memref<1x1x2048xf32, #tpu.memory_space<vmem>>
        %dma_start3A_177 = tpu.memref_squeeze %dma_start3A_176 : memref<1x1x2048xf32, #tpu.memory_space<vmem>> -> memref<2048xf32, #tpu.memory_space<vmem>>
        %dma_start3A_178 = tpu.memref_slice %arg3[%dma_start3A_167, %mul3A_154] : memref<4x6400000xf32, #tpu.memory_space<hbm>> -> memref<1x2048xf32, #tpu.memory_space<hbm>>
        %dma_start3A_179 = tpu.memref_squeeze %dma_start3A_178 : memref<1x2048xf32, #tpu.memory_space<hbm>> -> memref<2048xf32, #tpu.memory_space<hbm>>
        tpu.enqueue_dma source(%dma_start3A_179 : memref<2048xf32, #tpu.memory_space<hbm>>) target(%dma_start3A_177 : memref<2048xf32, #tpu.memory_space<vmem>>) target_semaphore(%arg11 : memref<!tpu.dma_semaphore, #tpu.memory_space<semaphore_mem>>)
        %dma_start3A_180 = arith.constant 1 : i32
        %dma_start3A_181 = arith.constant 1 : i32
        %dma_start3A_182 = arith.constant 1 : i32
        %dma_start3A_183 = arith.constant 0 : i32
        %dma_start3A_184 = tpu.memref_slice %arg8[%dma_start3A_181, %dma_start3A_182, %dma_start3A_183] : memref<2x4x2048xf32, #tpu.memory_space<vmem>> -> memref<1x1x2048xf32, #tpu.memory_space<vmem>>
        %dma_start3A_185 = tpu.memref_squeeze %dma_start3A_184 : memref<1x1x2048xf32, #tpu.memory_space<vmem>> -> memref<2048xf32, #tpu.memory_space<vmem>>
        %dma_start3A_186 = tpu.memref_slice %arg3[%dma_start3A_180, %mul3A_154] : memref<4x6400000xf32, #tpu.memory_space<hbm>> -> memref<1x2048xf32, #tpu.memory_space<hbm>>
        %dma_start3A_187 = tpu.memref_squeeze %dma_start3A_186 : memref<1x2048xf32, #tpu.memory_space<hbm>> -> memref<2048xf32, #tpu.memory_space<hbm>>
        %dma_start3A_188 = arith.constant 0 : i32
        %dma_start3A_189 = tpu.memref_slice %arg8[%dma_start3A_181, %dma_start3A_182, %dma_start3A_188] : memref<2x4x2048xf32, #tpu.memory_space<vmem>> -> memref<1x1x2048xf32, #tpu.memory_space<vmem>>
        %dma_start3A_190 = tpu.memref_squeeze %dma_start3A_189 : memref<1x1x2048xf32, #tpu.memory_space<vmem>> -> memref<2048xf32, #tpu.memory_space<vmem>>
        %dma_start3A_191 = tpu.memref_slice %arg3[%dma_start3A_180, %mul3A_154] : memref<4x6400000xf32, #tpu.memory_space<hbm>> -> memref<1x2048xf32, #tpu.memory_space<hbm>>
        %dma_start3A_192 = tpu.memref_squeeze %dma_start3A_191 : memref<1x2048xf32, #tpu.memory_space<hbm>> -> memref<2048xf32, #tpu.memory_space<hbm>>
        tpu.enqueue_dma source(%dma_start3A_192 : memref<2048xf32, #tpu.memory_space<hbm>>) target(%dma_start3A_190 : memref<2048xf32, #tpu.memory_space<vmem>>) target_semaphore(%arg11 : memref<!tpu.dma_semaphore, #tpu.memory_space<semaphore_mem>>)
        %dma_start3A_193 = arith.constant 2 : i32
        %dma_start3A_194 = arith.constant 1 : i32
        %dma_start3A_195 = arith.constant 2 : i32
        %dma_start3A_196 = arith.constant 0 : i32
        %dma_start3A_197 = tpu.memref_slice %arg8[%dma_start3A_194, %dma_start3A_195, %dma_start3A_196] : memref<2x4x2048xf32, #tpu.memory_space<vmem>> -> memref<1x1x2048xf32, #tpu.memory_space<vmem>>
        %dma_start3A_198 = tpu.memref_squeeze %dma_start3A_197 : memref<1x1x2048xf32, #tpu.memory_space<vmem>> -> memref<2048xf32, #tpu.memory_space<vmem>>
        %dma_start3A_199 = tpu.memref_slice %arg3[%dma_start3A_193, %mul3A_154] : memref<4x6400000xf32, #tpu.memory_space<hbm>> -> memref<1x2048xf32, #tpu.memory_space<hbm>>
        %dma_start3A_200 = tpu.memref_squeeze %dma_start3A_199 : memref<1x2048xf32, #tpu.memory_space<hbm>> -> memref<2048xf32, #tpu.memory_space<hbm>>
        %dma_start3A_201 = arith.constant 0 : i32
        %dma_start3A_202 = tpu.memref_slice %arg8[%dma_start3A_194, %dma_start3A_195, %dma_start3A_201] : memref<2x4x2048xf32, #tpu.memory_space<vmem>> -> memref<1x1x2048xf32, #tpu.memory_space<vmem>>
        %dma_start3A_203 = tpu.memref_squeeze %dma_start3A_202 : memref<1x1x2048xf32, #tpu.memory_space<vmem>> -> memref<2048xf32, #tpu.memory_space<vmem>>
        %dma_start3A_204 = tpu.memref_slice %arg3[%dma_start3A_193, %mul3A_154] : memref<4x6400000xf32, #tpu.memory_space<hbm>> -> memref<1x2048xf32, #tpu.memory_space<hbm>>
        %dma_start3A_205 = tpu.memref_squeeze %dma_start3A_204 : memref<1x2048xf32, #tpu.memory_space<hbm>> -> memref<2048xf32, #tpu.memory_space<hbm>>
        tpu.enqueue_dma source(%dma_start3A_205 : memref<2048xf32, #tpu.memory_space<hbm>>) target(%dma_start3A_203 : memref<2048xf32, #tpu.memory_space<vmem>>) target_semaphore(%arg11 : memref<!tpu.dma_semaphore, #tpu.memory_space<semaphore_mem>>)
        %dma_start3A_206 = arith.constant 3 : i32
        %dma_start3A_207 = arith.constant 1 : i32
        %dma_start3A_208 = arith.constant 3 : i32
        %dma_start3A_209 = arith.constant 0 : i32
        %dma_start3A_210 = tpu.memref_slice %arg8[%dma_start3A_207, %dma_start3A_208, %dma_start3A_209] : memref<2x4x2048xf32, #tpu.memory_space<vmem>> -> memref<1x1x2048xf32, #tpu.memory_space<vmem>>
        %dma_start3A_211 = tpu.memref_squeeze %dma_start3A_210 : memref<1x1x2048xf32, #tpu.memory_space<vmem>> -> memref<2048xf32, #tpu.memory_space<vmem>>
        %dma_start3A_212 = tpu.memref_slice %arg3[%dma_start3A_206, %mul3A_154] : memref<4x6400000xf32, #tpu.memory_space<hbm>> -> memref<1x2048xf32, #tpu.memory_space<hbm>>
        %dma_start3A_213 = tpu.memref_squeeze %dma_start3A_212 : memref<1x2048xf32, #tpu.memory_space<hbm>> -> memref<2048xf32, #tpu.memory_space<hbm>>
        %dma_start3A_214 = arith.constant 0 : i32
        %dma_start3A_215 = tpu.memref_slice %arg8[%dma_start3A_207, %dma_start3A_208, %dma_start3A_214] : memref<2x4x2048xf32, #tpu.memory_space<vmem>> -> memref<1x1x2048xf32, #tpu.memory_space<vmem>>
        %dma_start3A_216 = tpu.memref_squeeze %dma_start3A_215 : memref<1x1x2048xf32, #tpu.memory_space<vmem>> -> memref<2048xf32, #tpu.memory_space<vmem>>
        %dma_start3A_217 = tpu.memref_slice %arg3[%dma_start3A_206, %mul3A_154] : memref<4x6400000xf32, #tpu.memory_space<hbm>> -> memref<1x2048xf32, #tpu.memory_space<hbm>>
        %dma_start3A_218 = tpu.memref_squeeze %dma_start3A_217 : memref<1x2048xf32, #tpu.memory_space<hbm>> -> memref<2048xf32, #tpu.memory_space<hbm>>
        tpu.enqueue_dma source(%dma_start3A_218 : memref<2048xf32, #tpu.memory_space<hbm>>) target(%dma_start3A_216 : memref<2048xf32, #tpu.memory_space<vmem>>) target_semaphore(%arg11 : memref<!tpu.dma_semaphore, #tpu.memory_space<semaphore_mem>>)
      } else {
      }
      %lt3A_119 = arith.constant 3125 : i32
      %lt3A_120 = arith.cmpi slt, %add3A_104, %lt3A_119 : i32
      %convert_element_type3A_121 = arith.extui %lt3A_120 : i1 to i32
      %cond3A_122 = arith.constant 0 : i32
      %cond3A_123 = arith.cmpi ne, %convert_element_type3A_121, %cond3A_122 : i32
      scf.if %cond3A_123 {
        %mul3A_153 = arith.constant 2048 : i32
        %mul3A_154 = arith.muli %add3A_104, %mul3A_153 : i32
        %dma_wait3A = arith.constant 1 : i32
        %dma_wait3A_155 = arith.constant 0 : i32
        %dma_wait3A_156 = arith.constant 0 : i32
        %dma_wait3A_157 = tpu.memref_slice %arg7[%dma_wait3A_155, %dma_wait3A_156] : memref<2x2048xi32, #tpu.memory_space<vmem>> -> memref<1x2048xi32, #tpu.memory_space<vmem>>
        %dma_wait3A_158 = tpu.memref_squeeze %dma_wait3A_157 : memref<1x2048xi32, #tpu.memory_space<vmem>> -> memref<2048xi32, #tpu.memory_space<vmem>>
        %dma_wait3A_159 = tpu.memref_slice %arg2[%dma_wait3A, %mul3A_154] : memref<2x6400000xi32, #tpu.memory_space<hbm>> -> memref<1x2048xi32, #tpu.memory_space<hbm>>
        %dma_wait3A_160 = tpu.memref_squeeze %dma_wait3A_159 : memref<1x2048xi32, #tpu.memory_space<hbm>> -> memref<2048xi32, #tpu.memory_space<hbm>>
        %dma_wait3A_161 = arith.constant 0 : i32
        %dma_wait3A_162 = tpu.memref_slice %arg7[%dma_wait3A_155, %dma_wait3A_161] : memref<2x2048xi32, #tpu.memory_space<vmem>> -> memref<1x2048xi32, #tpu.memory_space<vmem>>
        %dma_wait3A_163 = tpu.memref_squeeze %dma_wait3A_162 : memref<1x2048xi32, #tpu.memory_space<vmem>> -> memref<2048xi32, #tpu.memory_space<vmem>>
        %dma_wait3A_164 = tpu.memref_slice %arg2[%dma_wait3A, %mul3A_154] : memref<2x6400000xi32, #tpu.memory_space<hbm>> -> memref<1x2048xi32, #tpu.memory_space<hbm>>
        %dma_wait3A_165 = tpu.memref_squeeze %dma_wait3A_164 : memref<1x2048xi32, #tpu.memory_space<hbm>> -> memref<2048xi32, #tpu.memory_space<hbm>>
        tpu.wait_dma2 semaphore(%arg11 : memref<!tpu.dma_semaphore, #tpu.memory_space<semaphore_mem>>) src(%dma_wait3A_165 : memref<2048xi32, #tpu.memory_space<hbm>>) dst(%dma_wait3A_163 : memref<2048xi32, #tpu.memory_space<vmem>>)
        %dma_wait3A_166 = arith.constant 0 : i32
        %dma_wait3A_167 = arith.constant 0 : i32
        %dma_wait3A_168 = arith.constant 0 : i32
        %dma_wait3A_169 = arith.constant 0 : i32
        %dma_wait3A_170 = tpu.memref_slice %arg8[%dma_wait3A_167, %dma_wait3A_168, %dma_wait3A_169] : memref<2x4x2048xf32, #tpu.memory_space<vmem>> -> memref<1x1x2048xf32, #tpu.memory_space<vmem>>
        %dma_wait3A_171 = tpu.memref_squeeze %dma_wait3A_170 : memref<1x1x2048xf32, #tpu.memory_space<vmem>> -> memref<2048xf32, #tpu.memory_space<vmem>>
        %dma_wait3A_172 = tpu.memref_slice %arg3[%dma_wait3A_166, %mul3A_154] : memref<4x6400000xf32, #tpu.memory_space<hbm>> -> memref<1x2048xf32, #tpu.memory_space<hbm>>
        %dma_wait3A_173 = tpu.memref_squeeze %dma_wait3A_172 : memref<1x2048xf32, #tpu.memory_space<hbm>> -> memref<2048xf32, #tpu.memory_space<hbm>>
        %dma_wait3A_174 = arith.constant 0 : i32
        %dma_wait3A_175 = tpu.memref_slice %arg8[%dma_wait3A_167, %dma_wait3A_168, %dma_wait3A_174] : memref<2x4x2048xf32, #tpu.memory_space<vmem>> -> memref<1x1x2048xf32, #tpu.memory_space<vmem>>
        %dma_wait3A_176 = tpu.memref_squeeze %dma_wait3A_175 : memref<1x1x2048xf32, #tpu.memory_space<vmem>> -> memref<2048xf32, #tpu.memory_space<vmem>>
        %dma_wait3A_177 = tpu.memref_slice %arg3[%dma_wait3A_166, %mul3A_154] : memref<4x6400000xf32, #tpu.memory_space<hbm>> -> memref<1x2048xf32, #tpu.memory_space<hbm>>
        %dma_wait3A_178 = tpu.memref_squeeze %dma_wait3A_177 : memref<1x2048xf32, #tpu.memory_space<hbm>> -> memref<2048xf32, #tpu.memory_space<hbm>>
        tpu.wait_dma2 semaphore(%arg11 : memref<!tpu.dma_semaphore, #tpu.memory_space<semaphore_mem>>) src(%dma_wait3A_178 : memref<2048xf32, #tpu.memory_space<hbm>>) dst(%dma_wait3A_176 : memref<2048xf32, #tpu.memory_space<vmem>>)
        %dma_wait3A_179 = arith.constant 1 : i32
        %dma_wait3A_180 = arith.constant 0 : i32
        %dma_wait3A_181 = arith.constant 1 : i32
        %dma_wait3A_182 = arith.constant 0 : i32
        %dma_wait3A_183 = tpu.memref_slice %arg8[%dma_wait3A_180, %dma_wait3A_181, %dma_wait3A_182] : memref<2x4x2048xf32, #tpu.memory_space<vmem>> -> memref<1x1x2048xf32, #tpu.memory_space<vmem>>
        %dma_wait3A_184 = tpu.memref_squeeze %dma_wait3A_183 : memref<1x1x2048xf32, #tpu.memory_space<vmem>> -> memref<2048xf32, #tpu.memory_space<vmem>>
        %dma_wait3A_185 = tpu.memref_slice %arg3[%dma_wait3A_179, %mul3A_154] : memref<4x6400000xf32, #tpu.memory_space<hbm>> -> memref<1x2048xf32, #tpu.memory_space<hbm>>
        %dma_wait3A_186 = tpu.memref_squeeze %dma_wait3A_185 : memref<1x2048xf32, #tpu.memory_space<hbm>> -> memref<2048xf32, #tpu.memory_space<hbm>>
        %dma_wait3A_187 = arith.constant 0 : i32
        %dma_wait3A_188 = tpu.memref_slice %arg8[%dma_wait3A_180, %dma_wait3A_181, %dma_wait3A_187] : memref<2x4x2048xf32, #tpu.memory_space<vmem>> -> memref<1x1x2048xf32, #tpu.memory_space<vmem>>
        %dma_wait3A_189 = tpu.memref_squeeze %dma_wait3A_188 : memref<1x1x2048xf32, #tpu.memory_space<vmem>> -> memref<2048xf32, #tpu.memory_space<vmem>>
        %dma_wait3A_190 = tpu.memref_slice %arg3[%dma_wait3A_179, %mul3A_154] : memref<4x6400000xf32, #tpu.memory_space<hbm>> -> memref<1x2048xf32, #tpu.memory_space<hbm>>
        %dma_wait3A_191 = tpu.memref_squeeze %dma_wait3A_190 : memref<1x2048xf32, #tpu.memory_space<hbm>> -> memref<2048xf32, #tpu.memory_space<hbm>>
        tpu.wait_dma2 semaphore(%arg11 : memref<!tpu.dma_semaphore, #tpu.memory_space<semaphore_mem>>) src(%dma_wait3A_191 : memref<2048xf32, #tpu.memory_space<hbm>>) dst(%dma_wait3A_189 : memref<2048xf32, #tpu.memory_space<vmem>>)
        %dma_wait3A_192 = arith.constant 2 : i32
        %dma_wait3A_193 = arith.constant 0 : i32
        %dma_wait3A_194 = arith.constant 2 : i32
        %dma_wait3A_195 = arith.constant 0 : i32
        %dma_wait3A_196 = tpu.memref_slice %arg8[%dma_wait3A_193, %dma_wait3A_194, %dma_wait3A_195] : memref<2x4x2048xf32, #tpu.memory_space<vmem>> -> memref<1x1x2048xf32, #tpu.memory_space<vmem>>
        %dma_wait3A_197 = tpu.memref_squeeze %dma_wait3A_196 : memref<1x1x2048xf32, #tpu.memory_space<vmem>> -> memref<2048xf32, #tpu.memory_space<vmem>>
        %dma_wait3A_198 = tpu.memref_slice %arg3[%dma_wait3A_192, %mul3A_154] : memref<4x6400000xf32, #tpu.memory_space<hbm>> -> memref<1x2048xf32, #tpu.memory_space<hbm>>
        %dma_wait3A_199 = tpu.memref_squeeze %dma_wait3A_198 : memref<1x2048xf32, #tpu.memory_space<hbm>> -> memref<2048xf32, #tpu.memory_space<hbm>>
        %dma_wait3A_200 = arith.constant 0 : i32
        %dma_wait3A_201 = tpu.memref_slice %arg8[%dma_wait3A_193, %dma_wait3A_194, %dma_wait3A_200] : memref<2x4x2048xf32, #tpu.memory_space<vmem>> -> memref<1x1x2048xf32, #tpu.memory_space<vmem>>
        %dma_wait3A_202 = tpu.memref_squeeze %dma_wait3A_201 : memref<1x1x2048xf32, #tpu.memory_space<vmem>> -> memref<2048xf32, #tpu.memory_space<vmem>>
        %dma_wait3A_203 = tpu.memref_slice %arg3[%dma_wait3A_192, %mul3A_154] : memref<4x6400000xf32, #tpu.memory_space<hbm>> -> memref<1x2048xf32, #tpu.memory_space<hbm>>
        %dma_wait3A_204 = tpu.memref_squeeze %dma_wait3A_203 : memref<1x2048xf32, #tpu.memory_space<hbm>> -> memref<2048xf32, #tpu.memory_space<hbm>>
        tpu.wait_dma2 semaphore(%arg11 : memref<!tpu.dma_semaphore, #tpu.memory_space<semaphore_mem>>) src(%dma_wait3A_204 : memref<2048xf32, #tpu.memory_space<hbm>>) dst(%dma_wait3A_202 : memref<2048xf32, #tpu.memory_space<vmem>>)
        %dma_wait3A_205 = arith.constant 3 : i32
        %dma_wait3A_206 = arith.constant 0 : i32
        %dma_wait3A_207 = arith.constant 3 : i32
        %dma_wait3A_208 = arith.constant 0 : i32
        %dma_wait3A_209 = tpu.memref_slice %arg8[%dma_wait3A_206, %dma_wait3A_207, %dma_wait3A_208] : memref<2x4x2048xf32, #tpu.memory_space<vmem>> -> memref<1x1x2048xf32, #tpu.memory_space<vmem>>
        %dma_wait3A_210 = tpu.memref_squeeze %dma_wait3A_209 : memref<1x1x2048xf32, #tpu.memory_space<vmem>> -> memref<2048xf32, #tpu.memory_space<vmem>>
        %dma_wait3A_211 = tpu.memref_slice %arg3[%dma_wait3A_205, %mul3A_154] : memref<4x6400000xf32, #tpu.memory_space<hbm>> -> memref<1x2048xf32, #tpu.memory_space<hbm>>
        %dma_wait3A_212 = tpu.memref_squeeze %dma_wait3A_211 : memref<1x2048xf32, #tpu.memory_space<hbm>> -> memref<2048xf32, #tpu.memory_space<hbm>>
        %dma_wait3A_213 = arith.constant 0 : i32
        %dma_wait3A_214 = tpu.memref_slice %arg8[%dma_wait3A_206, %dma_wait3A_207, %dma_wait3A_213] : memref<2x4x2048xf32, #tpu.memory_space<vmem>> -> memref<1x1x2048xf32, #tpu.memory_space<vmem>>
        %dma_wait3A_215 = tpu.memref_squeeze %dma_wait3A_214 : memref<1x1x2048xf32, #tpu.memory_space<vmem>> -> memref<2048xf32, #tpu.memory_space<vmem>>
        %dma_wait3A_216 = tpu.memref_slice %arg3[%dma_wait3A_205, %mul3A_154] : memref<4x6400000xf32, #tpu.memory_space<hbm>> -> memref<1x2048xf32, #tpu.memory_space<hbm>>
        %dma_wait3A_217 = tpu.memref_squeeze %dma_wait3A_216 : memref<1x2048xf32, #tpu.memory_space<hbm>> -> memref<2048xf32, #tpu.memory_space<hbm>>
        tpu.wait_dma2 semaphore(%arg11 : memref<!tpu.dma_semaphore, #tpu.memory_space<semaphore_mem>>) src(%dma_wait3A_217 : memref<2048xf32, #tpu.memory_space<hbm>>) dst(%dma_wait3A_215 : memref<2048xf32, #tpu.memory_space<vmem>>)
        %dma_start3A_218 = arith.constant 0 : i32
        %dma_start3A_219 = arith.constant 0 : i32
        %dma_start3A_220 = arith.constant 0 : i32
        %dma_start3A_221 = arith.constant 0 : i32
        %dma_start3A_222 = tpu.memref_slice %arg8[%dma_start3A_218, %dma_start3A_219, %dma_start3A_221] : memref<2x4x2048xf32, #tpu.memory_space<vmem>> -> memref<1x1x2048xf32, #tpu.memory_space<vmem>>
        %dma_start3A_223 = tpu.memref_squeeze %dma_start3A_222 : memref<1x1x2048xf32, #tpu.memory_space<vmem>> -> memref<2048xf32, #tpu.memory_space<vmem>>
        %dma_start3A_224 = arith.constant 0 : i32
        %dma_start3A_225 = tpu.memref_slice %arg7[%dma_start3A_220, %dma_start3A_224] : memref<2x2048xi32, #tpu.memory_space<vmem>> -> memref<1x2048xi32, #tpu.memory_space<vmem>>
        %dma_start3A_226 = tpu.memref_squeeze %dma_start3A_225 : memref<1x2048xi32, #tpu.memory_space<vmem>> -> memref<2048xi32, #tpu.memory_space<vmem>>
        %dma_start3A_227 = arith.constant 0 : i32
        %dma_start3A_228 = tpu.memref_slice %arg13[%dma_start3A_227] : memref<100000xf32, #tpu.memory_space<vmem_shared>> -> memref<100000xf32, #tpu.memory_space<vmem_shared>>
        tpu.enqueue_indirect_dma source(%dma_start3A_223 : memref<2048xf32, #tpu.memory_space<vmem>>) target(%dma_start3A_228 : memref<100000xf32, #tpu.memory_space<vmem_shared>>) offsets(%dma_start3A_226 : memref<2048xi32, #tpu.memory_space<vmem>>) semaphore(%arg12 : memref<!tpu.dma_semaphore, #tpu.memory_space<semaphore_mem>>) {add = true}
        %dma_start3A_229 = arith.constant 0 : i32
        %dma_start3A_230 = arith.constant 1 : i32
        %dma_start3A_231 = arith.constant 0 : i32
        %dma_start3A_232 = arith.constant 0 : i32
        %dma_start3A_233 = tpu.memref_slice %arg8[%dma_start3A_229, %dma_start3A_230, %dma_start3A_232] : memref<2x4x2048xf32, #tpu.memory_space<vmem>> -> memref<1x1x2048xf32, #tpu.memory_space<vmem>>
        %dma_start3A_234 = tpu.memref_squeeze %dma_start3A_233 : memref<1x1x2048xf32, #tpu.memory_space<vmem>> -> memref<2048xf32, #tpu.memory_space<vmem>>
        %dma_start3A_235 = arith.constant 0 : i32
        %dma_start3A_236 = tpu.memref_slice %arg7[%dma_start3A_231, %dma_start3A_235] : memref<2x2048xi32, #tpu.memory_space<vmem>> -> memref<1x2048xi32, #tpu.memory_space<vmem>>
        %dma_start3A_237 = tpu.memref_squeeze %dma_start3A_236 : memref<1x2048xi32, #tpu.memory_space<vmem>> -> memref<2048xi32, #tpu.memory_space<vmem>>
        %dma_start3A_238 = arith.constant 0 : i32
        %dma_start3A_239 = tpu.memref_slice %arg14[%dma_start3A_238] : memref<100000xf32, #tpu.memory_space<vmem_shared>> -> memref<100000xf32, #tpu.memory_space<vmem_shared>>
        tpu.enqueue_indirect_dma source(%dma_start3A_234 : memref<2048xf32, #tpu.memory_space<vmem>>) target(%dma_start3A_239 : memref<100000xf32, #tpu.memory_space<vmem_shared>>) offsets(%dma_start3A_237 : memref<2048xi32, #tpu.memory_space<vmem>>) semaphore(%arg12 : memref<!tpu.dma_semaphore, #tpu.memory_space<semaphore_mem>>) {add = true}
        %dma_start3A_240 = arith.constant 0 : i32
        %dma_start3A_241 = arith.constant 2 : i32
        %dma_start3A_242 = arith.constant 0 : i32
        %dma_start3A_243 = arith.constant 0 : i32
        %dma_start3A_244 = tpu.memref_slice %arg8[%dma_start3A_240, %dma_start3A_241, %dma_start3A_243] : memref<2x4x2048xf32, #tpu.memory_space<vmem>> -> memref<1x1x2048xf32, #tpu.memory_space<vmem>>
        %dma_start3A_245 = tpu.memref_squeeze %dma_start3A_244 : memref<1x1x2048xf32, #tpu.memory_space<vmem>> -> memref<2048xf32, #tpu.memory_space<vmem>>
        %dma_start3A_246 = arith.constant 0 : i32
        %dma_start3A_247 = tpu.memref_slice %arg7[%dma_start3A_242, %dma_start3A_246] : memref<2x2048xi32, #tpu.memory_space<vmem>> -> memref<1x2048xi32, #tpu.memory_space<vmem>>
        %dma_start3A_248 = tpu.memref_squeeze %dma_start3A_247 : memref<1x2048xi32, #tpu.memory_space<vmem>> -> memref<2048xi32, #tpu.memory_space<vmem>>
        %dma_start3A_249 = arith.constant 0 : i32
        %dma_start3A_250 = tpu.memref_slice %arg15[%dma_start3A_249] : memref<100000xf32, #tpu.memory_space<vmem_shared>> -> memref<100000xf32, #tpu.memory_space<vmem_shared>>
        tpu.enqueue_indirect_dma source(%dma_start3A_245 : memref<2048xf32, #tpu.memory_space<vmem>>) target(%dma_start3A_250 : memref<100000xf32, #tpu.memory_space<vmem_shared>>) offsets(%dma_start3A_248 : memref<2048xi32, #tpu.memory_space<vmem>>) semaphore(%arg12 : memref<!tpu.dma_semaphore, #tpu.memory_space<semaphore_mem>>) {add = true}
        %dma_start3A_251 = arith.constant 0 : i32
        %dma_start3A_252 = arith.constant 3 : i32
        %dma_start3A_253 = arith.constant 0 : i32
        %dma_start3A_254 = arith.constant 0 : i32
        %dma_start3A_255 = tpu.memref_slice %arg8[%dma_start3A_251, %dma_start3A_252, %dma_start3A_254] : memref<2x4x2048xf32, #tpu.memory_space<vmem>> -> memref<1x1x2048xf32, #tpu.memory_space<vmem>>
        %dma_start3A_256 = tpu.memref_squeeze %dma_start3A_255 : memref<1x1x2048xf32, #tpu.memory_space<vmem>> -> memref<2048xf32, #tpu.memory_space<vmem>>
        %dma_start3A_257 = arith.constant 0 : i32
        %dma_start3A_258 = tpu.memref_slice %arg7[%dma_start3A_253, %dma_start3A_257] : memref<2x2048xi32, #tpu.memory_space<vmem>> -> memref<1x2048xi32, #tpu.memory_space<vmem>>
        %dma_start3A_259 = tpu.memref_squeeze %dma_start3A_258 : memref<1x2048xi32, #tpu.memory_space<vmem>> -> memref<2048xi32, #tpu.memory_space<vmem>>
        %dma_start3A_260 = arith.constant 0 : i32
        %dma_start3A_261 = tpu.memref_slice %arg16[%dma_start3A_260] : memref<100000xf32, #tpu.memory_space<vmem_shared>> -> memref<100000xf32, #tpu.memory_space<vmem_shared>>
        tpu.enqueue_indirect_dma source(%dma_start3A_256 : memref<2048xf32, #tpu.memory_space<vmem>>) target(%dma_start3A_261 : memref<100000xf32, #tpu.memory_space<vmem_shared>>) offsets(%dma_start3A_259 : memref<2048xi32, #tpu.memory_space<vmem>>) semaphore(%arg12 : memref<!tpu.dma_semaphore, #tpu.memory_space<semaphore_mem>>) {add = true}
        %dma_start3A_262 = arith.constant 0 : i32
        %dma_start3A_263 = arith.constant 0 : i32
        %dma_start3A_264 = tpu.memref_slice %arg7[%dma_start3A_262, %dma_start3A_263] : memref<2x2048xi32, #tpu.memory_space<vmem>> -> memref<1x2048xi32, #tpu.memory_space<vmem>>
        %dma_start3A_265 = tpu.memref_squeeze %dma_start3A_264 : memref<1x2048xi32, #tpu.memory_space<vmem>> -> memref<2048xi32, #tpu.memory_space<vmem>>
        %dma_start3A_266 = arith.constant 0 : i32
        %dma_start3A_267 = tpu.memref_slice %arg17[%dma_start3A_266] : memref<100000xf32, #tpu.memory_space<vmem_shared>> -> memref<100000xf32, #tpu.memory_space<vmem_shared>>
        tpu.enqueue_indirect_dma source(%arg9 : memref<2048xf32, #tpu.memory_space<vmem>>) target(%dma_start3A_267 : memref<100000xf32, #tpu.memory_space<vmem_shared>>) offsets(%dma_start3A_265 : memref<2048xi32, #tpu.memory_space<vmem>>) semaphore(%arg12 : memref<!tpu.dma_semaphore, #tpu.memory_space<semaphore_mem>>) {add = true}
      } else {
      }
      %mul3A_124 = arith.constant 2 : i32
      %mul3A_125 = arith.muli %scan3A_97, %mul3A_124 : i32
      %add3A_126 = arith.constant 1 : i32
      %add3A_127 = arith.addi %mul3A_125, %add3A_126 : i32
      %mul3A_128 = arith.constant 32 : i32
      %mul3A_129 = arith.muli %add3A_127, %mul3A_128 : i32
      %add3A_130 = arith.addi %add3A, %mul3A_129 : i32
      %add3A_131 = arith.constant 32 : i32
      %add3A_132 = arith.addi %add3A_130, %add3A_131 : i32
      %gt3A_133 = arith.constant 0 : i32
      %gt3A_134 = arith.cmpi sgt, %add3A_127, %gt3A_133 : i32
      %sub3A_135 = arith.constant 32 : i32
      %sub3A_136 = arith.subi %add3A_130, %sub3A_135 : i32
      %lt3A_137 = arith.constant 3125 : i32
      %lt3A_138 = arith.cmpi slt, %sub3A_136, %lt3A_137 : i32
      %and3A_139 = arith.andi %gt3A_134, %lt3A_138 : i1
      %convert_element_type3A_140 = arith.extui %and3A_139 : i1 to i32
      %cond3A_141 = arith.constant 0 : i32
      %cond3A_142 = arith.cmpi ne, %convert_element_type3A_140, %cond3A_141 : i32
      scf.if %cond3A_142 {
        %dma_wait3A = arith.constant 0 : i32
        %dma_wait3A_153 = arith.constant 0 : i32
        %dma_wait3A_154 = arith.constant 0 : i32
        %dma_wait3A_155 = arith.constant 0 : i32
        %dma_wait3A_156 = tpu.memref_slice %arg8[%dma_wait3A, %dma_wait3A_153, %dma_wait3A_155] : memref<2x4x2048xf32, #tpu.memory_space<vmem>> -> memref<1x1x2048xf32, #tpu.memory_space<vmem>>
        %dma_wait3A_157 = tpu.memref_squeeze %dma_wait3A_156 : memref<1x1x2048xf32, #tpu.memory_space<vmem>> -> memref<2048xf32, #tpu.memory_space<vmem>>
        %dma_wait3A_158 = arith.constant 0 : i32
        %dma_wait3A_159 = tpu.memref_slice %arg7[%dma_wait3A_154, %dma_wait3A_158] : memref<2x2048xi32, #tpu.memory_space<vmem>> -> memref<1x2048xi32, #tpu.memory_space<vmem>>
        %dma_wait3A_160 = tpu.memref_squeeze %dma_wait3A_159 : memref<1x2048xi32, #tpu.memory_space<vmem>> -> memref<2048xi32, #tpu.memory_space<vmem>>
        %dma_wait3A_161 = arith.constant 0 : i32
        %dma_wait3A_162 = tpu.memref_slice %arg13[%dma_wait3A_161] : memref<100000xf32, #tpu.memory_space<vmem_shared>> -> memref<100000xf32, #tpu.memory_space<vmem_shared>>
        tpu.wait_indirect_dma semaphore(%arg12 : memref<!tpu.dma_semaphore, #tpu.memory_space<semaphore_mem>>) src(%dma_wait3A_157 : memref<2048xf32, #tpu.memory_space<vmem>>) dst(%dma_wait3A_162 : memref<100000xf32, #tpu.memory_space<vmem_shared>>)
        %dma_wait3A_163 = arith.constant 0 : i32
        %dma_wait3A_164 = arith.constant 1 : i32
        %dma_wait3A_165 = arith.constant 0 : i32
        %dma_wait3A_166 = arith.constant 0 : i32
        %dma_wait3A_167 = tpu.memref_slice %arg8[%dma_wait3A_163, %dma_wait3A_164, %dma_wait3A_166] : memref<2x4x2048xf32, #tpu.memory_space<vmem>> -> memref<1x1x2048xf32, #tpu.memory_space<vmem>>
        %dma_wait3A_168 = tpu.memref_squeeze %dma_wait3A_167 : memref<1x1x2048xf32, #tpu.memory_space<vmem>> -> memref<2048xf32, #tpu.memory_space<vmem>>
        %dma_wait3A_169 = arith.constant 0 : i32
        %dma_wait3A_170 = tpu.memref_slice %arg7[%dma_wait3A_165, %dma_wait3A_169] : memref<2x2048xi32, #tpu.memory_space<vmem>> -> memref<1x2048xi32, #tpu.memory_space<vmem>>
        %dma_wait3A_171 = tpu.memref_squeeze %dma_wait3A_170 : memref<1x2048xi32, #tpu.memory_space<vmem>> -> memref<2048xi32, #tpu.memory_space<vmem>>
        %dma_wait3A_172 = arith.constant 0 : i32
        %dma_wait3A_173 = tpu.memref_slice %arg14[%dma_wait3A_172] : memref<100000xf32, #tpu.memory_space<vmem_shared>> -> memref<100000xf32, #tpu.memory_space<vmem_shared>>
        tpu.wait_indirect_dma semaphore(%arg12 : memref<!tpu.dma_semaphore, #tpu.memory_space<semaphore_mem>>) src(%dma_wait3A_168 : memref<2048xf32, #tpu.memory_space<vmem>>) dst(%dma_wait3A_173 : memref<100000xf32, #tpu.memory_space<vmem_shared>>)
        %dma_wait3A_174 = arith.constant 0 : i32
        %dma_wait3A_175 = arith.constant 2 : i32
        %dma_wait3A_176 = arith.constant 0 : i32
        %dma_wait3A_177 = arith.constant 0 : i32
        %dma_wait3A_178 = tpu.memref_slice %arg8[%dma_wait3A_174, %dma_wait3A_175, %dma_wait3A_177] : memref<2x4x2048xf32, #tpu.memory_space<vmem>> -> memref<1x1x2048xf32, #tpu.memory_space<vmem>>
        %dma_wait3A_179 = tpu.memref_squeeze %dma_wait3A_178 : memref<1x1x2048xf32, #tpu.memory_space<vmem>> -> memref<2048xf32, #tpu.memory_space<vmem>>
        %dma_wait3A_180 = arith.constant 0 : i32
        %dma_wait3A_181 = tpu.memref_slice %arg7[%dma_wait3A_176, %dma_wait3A_180] : memref<2x2048xi32, #tpu.memory_space<vmem>> -> memref<1x2048xi32, #tpu.memory_space<vmem>>
        %dma_wait3A_182 = tpu.memref_squeeze %dma_wait3A_181 : memref<1x2048xi32, #tpu.memory_space<vmem>> -> memref<2048xi32, #tpu.memory_space<vmem>>
        %dma_wait3A_183 = arith.constant 0 : i32
        %dma_wait3A_184 = tpu.memref_slice %arg15[%dma_wait3A_183] : memref<100000xf32, #tpu.memory_space<vmem_shared>> -> memref<100000xf32, #tpu.memory_space<vmem_shared>>
        tpu.wait_indirect_dma semaphore(%arg12 : memref<!tpu.dma_semaphore, #tpu.memory_space<semaphore_mem>>) src(%dma_wait3A_179 : memref<2048xf32, #tpu.memory_space<vmem>>) dst(%dma_wait3A_184 : memref<100000xf32, #tpu.memory_space<vmem_shared>>)
        %dma_wait3A_185 = arith.constant 0 : i32
        %dma_wait3A_186 = arith.constant 3 : i32
        %dma_wait3A_187 = arith.constant 0 : i32
        %dma_wait3A_188 = arith.constant 0 : i32
        %dma_wait3A_189 = tpu.memref_slice %arg8[%dma_wait3A_185, %dma_wait3A_186, %dma_wait3A_188] : memref<2x4x2048xf32, #tpu.memory_space<vmem>> -> memref<1x1x2048xf32, #tpu.memory_space<vmem>>
        %dma_wait3A_190 = tpu.memref_squeeze %dma_wait3A_189 : memref<1x1x2048xf32, #tpu.memory_space<vmem>> -> memref<2048xf32, #tpu.memory_space<vmem>>
        %dma_wait3A_191 = arith.constant 0 : i32
        %dma_wait3A_192 = tpu.memref_slice %arg7[%dma_wait3A_187, %dma_wait3A_191] : memref<2x2048xi32, #tpu.memory_space<vmem>> -> memref<1x2048xi32, #tpu.memory_space<vmem>>
        %dma_wait3A_193 = tpu.memref_squeeze %dma_wait3A_192 : memref<1x2048xi32, #tpu.memory_space<vmem>> -> memref<2048xi32, #tpu.memory_space<vmem>>
        %dma_wait3A_194 = arith.constant 0 : i32
        %dma_wait3A_195 = tpu.memref_slice %arg16[%dma_wait3A_194] : memref<100000xf32, #tpu.memory_space<vmem_shared>> -> memref<100000xf32, #tpu.memory_space<vmem_shared>>
        tpu.wait_indirect_dma semaphore(%arg12 : memref<!tpu.dma_semaphore, #tpu.memory_space<semaphore_mem>>) src(%dma_wait3A_190 : memref<2048xf32, #tpu.memory_space<vmem>>) dst(%dma_wait3A_195 : memref<100000xf32, #tpu.memory_space<vmem_shared>>)
        %dma_wait3A_196 = arith.constant 0 : i32
        %dma_wait3A_197 = arith.constant 0 : i32
        %dma_wait3A_198 = tpu.memref_slice %arg7[%dma_wait3A_196, %dma_wait3A_197] : memref<2x2048xi32, #tpu.memory_space<vmem>> -> memref<1x2048xi32, #tpu.memory_space<vmem>>
        %dma_wait3A_199 = tpu.memref_squeeze %dma_wait3A_198 : memref<1x2048xi32, #tpu.memory_space<vmem>> -> memref<2048xi32, #tpu.memory_space<vmem>>
        %dma_wait3A_200 = arith.constant 0 : i32
        %dma_wait3A_201 = tpu.memref_slice %arg17[%dma_wait3A_200] : memref<100000xf32, #tpu.memory_space<vmem_shared>> -> memref<100000xf32, #tpu.memory_space<vmem_shared>>
        tpu.wait_indirect_dma semaphore(%arg12 : memref<!tpu.dma_semaphore, #tpu.memory_space<semaphore_mem>>) src(%arg9 : memref<2048xf32, #tpu.memory_space<vmem>>) dst(%dma_wait3A_201 : memref<100000xf32, #tpu.memory_space<vmem_shared>>)
      } else {
      }
      %lt3A_143 = arith.constant 3125 : i32
      %lt3A_144 = arith.cmpi slt, %add3A_132, %lt3A_143 : i32
      %convert_element_type3A_145 = arith.extui %lt3A_144 : i1 to i32
      %cond3A_146 = arith.constant 0 : i32
      %cond3A_147 = arith.cmpi ne, %convert_element_type3A_145, %cond3A_146 : i32
      scf.if %cond3A_147 {
        %mul3A_153 = arith.constant 2048 : i32
        %mul3A_154 = arith.muli %add3A_132, %mul3A_153 : i32
        %dma_start3A_155 = arith.constant 1 : i32
        %dma_start3A_156 = arith.constant 0 : i32
        %dma_start3A_157 = arith.constant 0 : i32
        %dma_start3A_158 = tpu.memref_slice %arg7[%dma_start3A_156, %dma_start3A_157] : memref<2x2048xi32, #tpu.memory_space<vmem>> -> memref<1x2048xi32, #tpu.memory_space<vmem>>
        %dma_start3A_159 = tpu.memref_squeeze %dma_start3A_158 : memref<1x2048xi32, #tpu.memory_space<vmem>> -> memref<2048xi32, #tpu.memory_space<vmem>>
        %dma_start3A_160 = tpu.memref_slice %arg2[%dma_start3A_155, %mul3A_154] : memref<2x6400000xi32, #tpu.memory_space<hbm>> -> memref<1x2048xi32, #tpu.memory_space<hbm>>
        %dma_start3A_161 = tpu.memref_squeeze %dma_start3A_160 : memref<1x2048xi32, #tpu.memory_space<hbm>> -> memref<2048xi32, #tpu.memory_space<hbm>>
        %dma_start3A_162 = arith.constant 0 : i32
        %dma_start3A_163 = tpu.memref_slice %arg7[%dma_start3A_156, %dma_start3A_162] : memref<2x2048xi32, #tpu.memory_space<vmem>> -> memref<1x2048xi32, #tpu.memory_space<vmem>>
        %dma_start3A_164 = tpu.memref_squeeze %dma_start3A_163 : memref<1x2048xi32, #tpu.memory_space<vmem>> -> memref<2048xi32, #tpu.memory_space<vmem>>
        %dma_start3A_165 = tpu.memref_slice %arg2[%dma_start3A_155, %mul3A_154] : memref<2x6400000xi32, #tpu.memory_space<hbm>> -> memref<1x2048xi32, #tpu.memory_space<hbm>>
        %dma_start3A_166 = tpu.memref_squeeze %dma_start3A_165 : memref<1x2048xi32, #tpu.memory_space<hbm>> -> memref<2048xi32, #tpu.memory_space<hbm>>
        tpu.enqueue_dma source(%dma_start3A_166 : memref<2048xi32, #tpu.memory_space<hbm>>) target(%dma_start3A_164 : memref<2048xi32, #tpu.memory_space<vmem>>) target_semaphore(%arg11 : memref<!tpu.dma_semaphore, #tpu.memory_space<semaphore_mem>>)
        %dma_start3A_167 = arith.constant 0 : i32
        %dma_start3A_168 = arith.constant 0 : i32
        %dma_start3A_169 = arith.constant 0 : i32
        %dma_start3A_170 = arith.constant 0 : i32
        %dma_start3A_171 = tpu.memref_slice %arg8[%dma_start3A_168, %dma_start3A_169, %dma_start3A_170] : memref<2x4x2048xf32, #tpu.memory_space<vmem>> -> memref<1x1x2048xf32, #tpu.memory_space<vmem>>
        %dma_start3A_172 = tpu.memref_squeeze %dma_start3A_171 : memref<1x1x2048xf32, #tpu.memory_space<vmem>> -> memref<2048xf32, #tpu.memory_space<vmem>>
        %dma_start3A_173 = tpu.memref_slice %arg3[%dma_start3A_167, %mul3A_154] : memref<4x6400000xf32, #tpu.memory_space<hbm>> -> memref<1x2048xf32, #tpu.memory_space<hbm>>
        %dma_start3A_174 = tpu.memref_squeeze %dma_start3A_173 : memref<1x2048xf32, #tpu.memory_space<hbm>> -> memref<2048xf32, #tpu.memory_space<hbm>>
        %dma_start3A_175 = arith.constant 0 : i32
        %dma_start3A_176 = tpu.memref_slice %arg8[%dma_start3A_168, %dma_start3A_169, %dma_start3A_175] : memref<2x4x2048xf32, #tpu.memory_space<vmem>> -> memref<1x1x2048xf32, #tpu.memory_space<vmem>>
        %dma_start3A_177 = tpu.memref_squeeze %dma_start3A_176 : memref<1x1x2048xf32, #tpu.memory_space<vmem>> -> memref<2048xf32, #tpu.memory_space<vmem>>
        %dma_start3A_178 = tpu.memref_slice %arg3[%dma_start3A_167, %mul3A_154] : memref<4x6400000xf32, #tpu.memory_space<hbm>> -> memref<1x2048xf32, #tpu.memory_space<hbm>>
        %dma_start3A_179 = tpu.memref_squeeze %dma_start3A_178 : memref<1x2048xf32, #tpu.memory_space<hbm>> -> memref<2048xf32, #tpu.memory_space<hbm>>
        tpu.enqueue_dma source(%dma_start3A_179 : memref<2048xf32, #tpu.memory_space<hbm>>) target(%dma_start3A_177 : memref<2048xf32, #tpu.memory_space<vmem>>) target_semaphore(%arg11 : memref<!tpu.dma_semaphore, #tpu.memory_space<semaphore_mem>>)
        %dma_start3A_180 = arith.constant 1 : i32
        %dma_start3A_181 = arith.constant 0 : i32
        %dma_start3A_182 = arith.constant 1 : i32
        %dma_start3A_183 = arith.constant 0 : i32
        %dma_start3A_184 = tpu.memref_slice %arg8[%dma_start3A_181, %dma_start3A_182, %dma_start3A_183] : memref<2x4x2048xf32, #tpu.memory_space<vmem>> -> memref<1x1x2048xf32, #tpu.memory_space<vmem>>
        %dma_start3A_185 = tpu.memref_squeeze %dma_start3A_184 : memref<1x1x2048xf32, #tpu.memory_space<vmem>> -> memref<2048xf32, #tpu.memory_space<vmem>>
        %dma_start3A_186 = tpu.memref_slice %arg3[%dma_start3A_180, %mul3A_154] : memref<4x6400000xf32, #tpu.memory_space<hbm>> -> memref<1x2048xf32, #tpu.memory_space<hbm>>
        %dma_start3A_187 = tpu.memref_squeeze %dma_start3A_186 : memref<1x2048xf32, #tpu.memory_space<hbm>> -> memref<2048xf32, #tpu.memory_space<hbm>>
        %dma_start3A_188 = arith.constant 0 : i32
        %dma_start3A_189 = tpu.memref_slice %arg8[%dma_start3A_181, %dma_start3A_182, %dma_start3A_188] : memref<2x4x2048xf32, #tpu.memory_space<vmem>> -> memref<1x1x2048xf32, #tpu.memory_space<vmem>>
        %dma_start3A_190 = tpu.memref_squeeze %dma_start3A_189 : memref<1x1x2048xf32, #tpu.memory_space<vmem>> -> memref<2048xf32, #tpu.memory_space<vmem>>
        %dma_start3A_191 = tpu.memref_slice %arg3[%dma_start3A_180, %mul3A_154] : memref<4x6400000xf32, #tpu.memory_space<hbm>> -> memref<1x2048xf32, #tpu.memory_space<hbm>>
        %dma_start3A_192 = tpu.memref_squeeze %dma_start3A_191 : memref<1x2048xf32, #tpu.memory_space<hbm>> -> memref<2048xf32, #tpu.memory_space<hbm>>
        tpu.enqueue_dma source(%dma_start3A_192 : memref<2048xf32, #tpu.memory_space<hbm>>) target(%dma_start3A_190 : memref<2048xf32, #tpu.memory_space<vmem>>) target_semaphore(%arg11 : memref<!tpu.dma_semaphore, #tpu.memory_space<semaphore_mem>>)
        %dma_start3A_193 = arith.constant 2 : i32
        %dma_start3A_194 = arith.constant 0 : i32
        %dma_start3A_195 = arith.constant 2 : i32
        %dma_start3A_196 = arith.constant 0 : i32
        %dma_start3A_197 = tpu.memref_slice %arg8[%dma_start3A_194, %dma_start3A_195, %dma_start3A_196] : memref<2x4x2048xf32, #tpu.memory_space<vmem>> -> memref<1x1x2048xf32, #tpu.memory_space<vmem>>
        %dma_start3A_198 = tpu.memref_squeeze %dma_start3A_197 : memref<1x1x2048xf32, #tpu.memory_space<vmem>> -> memref<2048xf32, #tpu.memory_space<vmem>>
        %dma_start3A_199 = tpu.memref_slice %arg3[%dma_start3A_193, %mul3A_154] : memref<4x6400000xf32, #tpu.memory_space<hbm>> -> memref<1x2048xf32, #tpu.memory_space<hbm>>
        %dma_start3A_200 = tpu.memref_squeeze %dma_start3A_199 : memref<1x2048xf32, #tpu.memory_space<hbm>> -> memref<2048xf32, #tpu.memory_space<hbm>>
        %dma_start3A_201 = arith.constant 0 : i32
        %dma_start3A_202 = tpu.memref_slice %arg8[%dma_start3A_194, %dma_start3A_195, %dma_start3A_201] : memref<2x4x2048xf32, #tpu.memory_space<vmem>> -> memref<1x1x2048xf32, #tpu.memory_space<vmem>>
        %dma_start3A_203 = tpu.memref_squeeze %dma_start3A_202 : memref<1x1x2048xf32, #tpu.memory_space<vmem>> -> memref<2048xf32, #tpu.memory_space<vmem>>
        %dma_start3A_204 = tpu.memref_slice %arg3[%dma_start3A_193, %mul3A_154] : memref<4x6400000xf32, #tpu.memory_space<hbm>> -> memref<1x2048xf32, #tpu.memory_space<hbm>>
        %dma_start3A_205 = tpu.memref_squeeze %dma_start3A_204 : memref<1x2048xf32, #tpu.memory_space<hbm>> -> memref<2048xf32, #tpu.memory_space<hbm>>
        tpu.enqueue_dma source(%dma_start3A_205 : memref<2048xf32, #tpu.memory_space<hbm>>) target(%dma_start3A_203 : memref<2048xf32, #tpu.memory_space<vmem>>) target_semaphore(%arg11 : memref<!tpu.dma_semaphore, #tpu.memory_space<semaphore_mem>>)
        %dma_start3A_206 = arith.constant 3 : i32
        %dma_start3A_207 = arith.constant 0 : i32
        %dma_start3A_208 = arith.constant 3 : i32
        %dma_start3A_209 = arith.constant 0 : i32
        %dma_start3A_210 = tpu.memref_slice %arg8[%dma_start3A_207, %dma_start3A_208, %dma_start3A_209] : memref<2x4x2048xf32, #tpu.memory_space<vmem>> -> memref<1x1x2048xf32, #tpu.memory_space<vmem>>
        %dma_start3A_211 = tpu.memref_squeeze %dma_start3A_210 : memref<1x1x2048xf32, #tpu.memory_space<vmem>> -> memref<2048xf32, #tpu.memory_space<vmem>>
        %dma_start3A_212 = tpu.memref_slice %arg3[%dma_start3A_206, %mul3A_154] : memref<4x6400000xf32, #tpu.memory_space<hbm>> -> memref<1x2048xf32, #tpu.memory_space<hbm>>
        %dma_start3A_213 = tpu.memref_squeeze %dma_start3A_212 : memref<1x2048xf32, #tpu.memory_space<hbm>> -> memref<2048xf32, #tpu.memory_space<hbm>>
        %dma_start3A_214 = arith.constant 0 : i32
        %dma_start3A_215 = tpu.memref_slice %arg8[%dma_start3A_207, %dma_start3A_208, %dma_start3A_214] : memref<2x4x2048xf32, #tpu.memory_space<vmem>> -> memref<1x1x2048xf32, #tpu.memory_space<vmem>>
        %dma_start3A_216 = tpu.memref_squeeze %dma_start3A_215 : memref<1x1x2048xf32, #tpu.memory_space<vmem>> -> memref<2048xf32, #tpu.memory_space<vmem>>
        %dma_start3A_217 = tpu.memref_slice %arg3[%dma_start3A_206, %mul3A_154] : memref<4x6400000xf32, #tpu.memory_space<hbm>> -> memref<1x2048xf32, #tpu.memory_space<hbm>>
        %dma_start3A_218 = tpu.memref_squeeze %dma_start3A_217 : memref<1x2048xf32, #tpu.memory_space<hbm>> -> memref<2048xf32, #tpu.memory_space<hbm>>
        tpu.enqueue_dma source(%dma_start3A_218 : memref<2048xf32, #tpu.memory_space<hbm>>) target(%dma_start3A_216 : memref<2048xf32, #tpu.memory_space<vmem>>) target_semaphore(%arg11 : memref<!tpu.dma_semaphore, #tpu.memory_space<semaphore_mem>>)
      } else {
      }
      %lt3A_148 = arith.constant 3125 : i32
      %lt3A_149 = arith.cmpi slt, %add3A_130, %lt3A_148 : i32
      %convert_element_type3A_150 = arith.extui %lt3A_149 : i1 to i32
      %cond3A_151 = arith.constant 0 : i32
      %cond3A_152 = arith.cmpi ne, %convert_element_type3A_150, %cond3A_151 : i32
      scf.if %cond3A_152 {
        %mul3A_153 = arith.constant 2048 : i32
        %mul3A_154 = arith.muli %add3A_130, %mul3A_153 : i32
        %dma_wait3A = arith.constant 1 : i32
        %dma_wait3A_155 = arith.constant 1 : i32
        %dma_wait3A_156 = arith.constant 0 : i32
        %dma_wait3A_157 = tpu.memref_slice %arg7[%dma_wait3A_155, %dma_wait3A_156] : memref<2x2048xi32, #tpu.memory_space<vmem>> -> memref<1x2048xi32, #tpu.memory_space<vmem>>
        %dma_wait3A_158 = tpu.memref_squeeze %dma_wait3A_157 : memref<1x2048xi32, #tpu.memory_space<vmem>> -> memref<2048xi32, #tpu.memory_space<vmem>>
        %dma_wait3A_159 = tpu.memref_slice %arg2[%dma_wait3A, %mul3A_154] : memref<2x6400000xi32, #tpu.memory_space<hbm>> -> memref<1x2048xi32, #tpu.memory_space<hbm>>
        %dma_wait3A_160 = tpu.memref_squeeze %dma_wait3A_159 : memref<1x2048xi32, #tpu.memory_space<hbm>> -> memref<2048xi32, #tpu.memory_space<hbm>>
        %dma_wait3A_161 = arith.constant 0 : i32
        %dma_wait3A_162 = tpu.memref_slice %arg7[%dma_wait3A_155, %dma_wait3A_161] : memref<2x2048xi32, #tpu.memory_space<vmem>> -> memref<1x2048xi32, #tpu.memory_space<vmem>>
        %dma_wait3A_163 = tpu.memref_squeeze %dma_wait3A_162 : memref<1x2048xi32, #tpu.memory_space<vmem>> -> memref<2048xi32, #tpu.memory_space<vmem>>
        %dma_wait3A_164 = tpu.memref_slice %arg2[%dma_wait3A, %mul3A_154] : memref<2x6400000xi32, #tpu.memory_space<hbm>> -> memref<1x2048xi32, #tpu.memory_space<hbm>>
        %dma_wait3A_165 = tpu.memref_squeeze %dma_wait3A_164 : memref<1x2048xi32, #tpu.memory_space<hbm>> -> memref<2048xi32, #tpu.memory_space<hbm>>
        tpu.wait_dma2 semaphore(%arg11 : memref<!tpu.dma_semaphore, #tpu.memory_space<semaphore_mem>>) src(%dma_wait3A_165 : memref<2048xi32, #tpu.memory_space<hbm>>) dst(%dma_wait3A_163 : memref<2048xi32, #tpu.memory_space<vmem>>)
        %dma_wait3A_166 = arith.constant 0 : i32
        %dma_wait3A_167 = arith.constant 1 : i32
        %dma_wait3A_168 = arith.constant 0 : i32
        %dma_wait3A_169 = arith.constant 0 : i32
        %dma_wait3A_170 = tpu.memref_slice %arg8[%dma_wait3A_167, %dma_wait3A_168, %dma_wait3A_169] : memref<2x4x2048xf32, #tpu.memory_space<vmem>> -> memref<1x1x2048xf32, #tpu.memory_space<vmem>>
        %dma_wait3A_171 = tpu.memref_squeeze %dma_wait3A_170 : memref<1x1x2048xf32, #tpu.memory_space<vmem>> -> memref<2048xf32, #tpu.memory_space<vmem>>
        %dma_wait3A_172 = tpu.memref_slice %arg3[%dma_wait3A_166, %mul3A_154] : memref<4x6400000xf32, #tpu.memory_space<hbm>> -> memref<1x2048xf32, #tpu.memory_space<hbm>>
        %dma_wait3A_173 = tpu.memref_squeeze %dma_wait3A_172 : memref<1x2048xf32, #tpu.memory_space<hbm>> -> memref<2048xf32, #tpu.memory_space<hbm>>
        %dma_wait3A_174 = arith.constant 0 : i32
        %dma_wait3A_175 = tpu.memref_slice %arg8[%dma_wait3A_167, %dma_wait3A_168, %dma_wait3A_174] : memref<2x4x2048xf32, #tpu.memory_space<vmem>> -> memref<1x1x2048xf32, #tpu.memory_space<vmem>>
        %dma_wait3A_176 = tpu.memref_squeeze %dma_wait3A_175 : memref<1x1x2048xf32, #tpu.memory_space<vmem>> -> memref<2048xf32, #tpu.memory_space<vmem>>
        %dma_wait3A_177 = tpu.memref_slice %arg3[%dma_wait3A_166, %mul3A_154] : memref<4x6400000xf32, #tpu.memory_space<hbm>> -> memref<1x2048xf32, #tpu.memory_space<hbm>>
        %dma_wait3A_178 = tpu.memref_squeeze %dma_wait3A_177 : memref<1x2048xf32, #tpu.memory_space<hbm>> -> memref<2048xf32, #tpu.memory_space<hbm>>
        tpu.wait_dma2 semaphore(%arg11 : memref<!tpu.dma_semaphore, #tpu.memory_space<semaphore_mem>>) src(%dma_wait3A_178 : memref<2048xf32, #tpu.memory_space<hbm>>) dst(%dma_wait3A_176 : memref<2048xf32, #tpu.memory_space<vmem>>)
        %dma_wait3A_179 = arith.constant 1 : i32
        %dma_wait3A_180 = arith.constant 1 : i32
        %dma_wait3A_181 = arith.constant 1 : i32
        %dma_wait3A_182 = arith.constant 0 : i32
        %dma_wait3A_183 = tpu.memref_slice %arg8[%dma_wait3A_180, %dma_wait3A_181, %dma_wait3A_182] : memref<2x4x2048xf32, #tpu.memory_space<vmem>> -> memref<1x1x2048xf32, #tpu.memory_space<vmem>>
        %dma_wait3A_184 = tpu.memref_squeeze %dma_wait3A_183 : memref<1x1x2048xf32, #tpu.memory_space<vmem>> -> memref<2048xf32, #tpu.memory_space<vmem>>
        %dma_wait3A_185 = tpu.memref_slice %arg3[%dma_wait3A_179, %mul3A_154] : memref<4x6400000xf32, #tpu.memory_space<hbm>> -> memref<1x2048xf32, #tpu.memory_space<hbm>>
        %dma_wait3A_186 = tpu.memref_squeeze %dma_wait3A_185 : memref<1x2048xf32, #tpu.memory_space<hbm>> -> memref<2048xf32, #tpu.memory_space<hbm>>
        %dma_wait3A_187 = arith.constant 0 : i32
        %dma_wait3A_188 = tpu.memref_slice %arg8[%dma_wait3A_180, %dma_wait3A_181, %dma_wait3A_187] : memref<2x4x2048xf32, #tpu.memory_space<vmem>> -> memref<1x1x2048xf32, #tpu.memory_space<vmem>>
        %dma_wait3A_189 = tpu.memref_squeeze %dma_wait3A_188 : memref<1x1x2048xf32, #tpu.memory_space<vmem>> -> memref<2048xf32, #tpu.memory_space<vmem>>
        %dma_wait3A_190 = tpu.memref_slice %arg3[%dma_wait3A_179, %mul3A_154] : memref<4x6400000xf32, #tpu.memory_space<hbm>> -> memref<1x2048xf32, #tpu.memory_space<hbm>>
        %dma_wait3A_191 = tpu.memref_squeeze %dma_wait3A_190 : memref<1x2048xf32, #tpu.memory_space<hbm>> -> memref<2048xf32, #tpu.memory_space<hbm>>
        tpu.wait_dma2 semaphore(%arg11 : memref<!tpu.dma_semaphore, #tpu.memory_space<semaphore_mem>>) src(%dma_wait3A_191 : memref<2048xf32, #tpu.memory_space<hbm>>) dst(%dma_wait3A_189 : memref<2048xf32, #tpu.memory_space<vmem>>)
        %dma_wait3A_192 = arith.constant 2 : i32
        %dma_wait3A_193 = arith.constant 1 : i32
        %dma_wait3A_194 = arith.constant 2 : i32
        %dma_wait3A_195 = arith.constant 0 : i32
        %dma_wait3A_196 = tpu.memref_slice %arg8[%dma_wait3A_193, %dma_wait3A_194, %dma_wait3A_195] : memref<2x4x2048xf32, #tpu.memory_space<vmem>> -> memref<1x1x2048xf32, #tpu.memory_space<vmem>>
        %dma_wait3A_197 = tpu.memref_squeeze %dma_wait3A_196 : memref<1x1x2048xf32, #tpu.memory_space<vmem>> -> memref<2048xf32, #tpu.memory_space<vmem>>
        %dma_wait3A_198 = tpu.memref_slice %arg3[%dma_wait3A_192, %mul3A_154] : memref<4x6400000xf32, #tpu.memory_space<hbm>> -> memref<1x2048xf32, #tpu.memory_space<hbm>>
        %dma_wait3A_199 = tpu.memref_squeeze %dma_wait3A_198 : memref<1x2048xf32, #tpu.memory_space<hbm>> -> memref<2048xf32, #tpu.memory_space<hbm>>
        %dma_wait3A_200 = arith.constant 0 : i32
        %dma_wait3A_201 = tpu.memref_slice %arg8[%dma_wait3A_193, %dma_wait3A_194, %dma_wait3A_200] : memref<2x4x2048xf32, #tpu.memory_space<vmem>> -> memref<1x1x2048xf32, #tpu.memory_space<vmem>>
        %dma_wait3A_202 = tpu.memref_squeeze %dma_wait3A_201 : memref<1x1x2048xf32, #tpu.memory_space<vmem>> -> memref<2048xf32, #tpu.memory_space<vmem>>
        %dma_wait3A_203 = tpu.memref_slice %arg3[%dma_wait3A_192, %mul3A_154] : memref<4x6400000xf32, #tpu.memory_space<hbm>> -> memref<1x2048xf32, #tpu.memory_space<hbm>>
        %dma_wait3A_204 = tpu.memref_squeeze %dma_wait3A_203 : memref<1x2048xf32, #tpu.memory_space<hbm>> -> memref<2048xf32, #tpu.memory_space<hbm>>
        tpu.wait_dma2 semaphore(%arg11 : memref<!tpu.dma_semaphore, #tpu.memory_space<semaphore_mem>>) src(%dma_wait3A_204 : memref<2048xf32, #tpu.memory_space<hbm>>) dst(%dma_wait3A_202 : memref<2048xf32, #tpu.memory_space<vmem>>)
        %dma_wait3A_205 = arith.constant 3 : i32
        %dma_wait3A_206 = arith.constant 1 : i32
        %dma_wait3A_207 = arith.constant 3 : i32
        %dma_wait3A_208 = arith.constant 0 : i32
        %dma_wait3A_209 = tpu.memref_slice %arg8[%dma_wait3A_206, %dma_wait3A_207, %dma_wait3A_208] : memref<2x4x2048xf32, #tpu.memory_space<vmem>> -> memref<1x1x2048xf32, #tpu.memory_space<vmem>>
        %dma_wait3A_210 = tpu.memref_squeeze %dma_wait3A_209 : memref<1x1x2048xf32, #tpu.memory_space<vmem>> -> memref<2048xf32, #tpu.memory_space<vmem>>
        %dma_wait3A_211 = tpu.memref_slice %arg3[%dma_wait3A_205, %mul3A_154] : memref<4x6400000xf32, #tpu.memory_space<hbm>> -> memref<1x2048xf32, #tpu.memory_space<hbm>>
        %dma_wait3A_212 = tpu.memref_squeeze %dma_wait3A_211 : memref<1x2048xf32, #tpu.memory_space<hbm>> -> memref<2048xf32, #tpu.memory_space<hbm>>
        %dma_wait3A_213 = arith.constant 0 : i32
        %dma_wait3A_214 = tpu.memref_slice %arg8[%dma_wait3A_206, %dma_wait3A_207, %dma_wait3A_213] : memref<2x4x2048xf32, #tpu.memory_space<vmem>> -> memref<1x1x2048xf32, #tpu.memory_space<vmem>>
        %dma_wait3A_215 = tpu.memref_squeeze %dma_wait3A_214 : memref<1x1x2048xf32, #tpu.memory_space<vmem>> -> memref<2048xf32, #tpu.memory_space<vmem>>
        %dma_wait3A_216 = tpu.memref_slice %arg3[%dma_wait3A_205, %mul3A_154] : memref<4x6400000xf32, #tpu.memory_space<hbm>> -> memref<1x2048xf32, #tpu.memory_space<hbm>>
        %dma_wait3A_217 = tpu.memref_squeeze %dma_wait3A_216 : memref<1x2048xf32, #tpu.memory_space<hbm>> -> memref<2048xf32, #tpu.memory_space<hbm>>
        tpu.wait_dma2 semaphore(%arg11 : memref<!tpu.dma_semaphore, #tpu.memory_space<semaphore_mem>>) src(%dma_wait3A_217 : memref<2048xf32, #tpu.memory_space<hbm>>) dst(%dma_wait3A_215 : memref<2048xf32, #tpu.memory_space<vmem>>)
        %dma_start3A_218 = arith.constant 1 : i32
        %dma_start3A_219 = arith.constant 0 : i32
        %dma_start3A_220 = arith.constant 1 : i32
        %dma_start3A_221 = arith.constant 0 : i32
        %dma_start3A_222 = tpu.memref_slice %arg8[%dma_start3A_218, %dma_start3A_219, %dma_start3A_221] : memref<2x4x2048xf32, #tpu.memory_space<vmem>> -> memref<1x1x2048xf32, #tpu.memory_space<vmem>>
        %dma_start3A_223 = tpu.memref_squeeze %dma_start3A_222 : memref<1x1x2048xf32, #tpu.memory_space<vmem>> -> memref<2048xf32, #tpu.memory_space<vmem>>
        %dma_start3A_224 = arith.constant 0 : i32
        %dma_start3A_225 = tpu.memref_slice %arg7[%dma_start3A_220, %dma_start3A_224] : memref<2x2048xi32, #tpu.memory_space<vmem>> -> memref<1x2048xi32, #tpu.memory_space<vmem>>
        %dma_start3A_226 = tpu.memref_squeeze %dma_start3A_225 : memref<1x2048xi32, #tpu.memory_space<vmem>> -> memref<2048xi32, #tpu.memory_space<vmem>>
        %dma_start3A_227 = arith.constant 0 : i32
        %dma_start3A_228 = tpu.memref_slice %arg13[%dma_start3A_227] : memref<100000xf32, #tpu.memory_space<vmem_shared>> -> memref<100000xf32, #tpu.memory_space<vmem_shared>>
        tpu.enqueue_indirect_dma source(%dma_start3A_223 : memref<2048xf32, #tpu.memory_space<vmem>>) target(%dma_start3A_228 : memref<100000xf32, #tpu.memory_space<vmem_shared>>) offsets(%dma_start3A_226 : memref<2048xi32, #tpu.memory_space<vmem>>) semaphore(%arg12 : memref<!tpu.dma_semaphore, #tpu.memory_space<semaphore_mem>>) {add = true}
        %dma_start3A_229 = arith.constant 1 : i32
        %dma_start3A_230 = arith.constant 1 : i32
        %dma_start3A_231 = arith.constant 1 : i32
        %dma_start3A_232 = arith.constant 0 : i32
        %dma_start3A_233 = tpu.memref_slice %arg8[%dma_start3A_229, %dma_start3A_230, %dma_start3A_232] : memref<2x4x2048xf32, #tpu.memory_space<vmem>> -> memref<1x1x2048xf32, #tpu.memory_space<vmem>>
        %dma_start3A_234 = tpu.memref_squeeze %dma_start3A_233 : memref<1x1x2048xf32, #tpu.memory_space<vmem>> -> memref<2048xf32, #tpu.memory_space<vmem>>
        %dma_start3A_235 = arith.constant 0 : i32
        %dma_start3A_236 = tpu.memref_slice %arg7[%dma_start3A_231, %dma_start3A_235] : memref<2x2048xi32, #tpu.memory_space<vmem>> -> memref<1x2048xi32, #tpu.memory_space<vmem>>
        %dma_start3A_237 = tpu.memref_squeeze %dma_start3A_236 : memref<1x2048xi32, #tpu.memory_space<vmem>> -> memref<2048xi32, #tpu.memory_space<vmem>>
        %dma_start3A_238 = arith.constant 0 : i32
        %dma_start3A_239 = tpu.memref_slice %arg14[%dma_start3A_238] : memref<100000xf32, #tpu.memory_space<vmem_shared>> -> memref<100000xf32, #tpu.memory_space<vmem_shared>>
        tpu.enqueue_indirect_dma source(%dma_start3A_234 : memref<2048xf32, #tpu.memory_space<vmem>>) target(%dma_start3A_239 : memref<100000xf32, #tpu.memory_space<vmem_shared>>) offsets(%dma_start3A_237 : memref<2048xi32, #tpu.memory_space<vmem>>) semaphore(%arg12 : memref<!tpu.dma_semaphore, #tpu.memory_space<semaphore_mem>>) {add = true}
        %dma_start3A_240 = arith.constant 1 : i32
        %dma_start3A_241 = arith.constant 2 : i32
        %dma_start3A_242 = arith.constant 1 : i32
        %dma_start3A_243 = arith.constant 0 : i32
        %dma_start3A_244 = tpu.memref_slice %arg8[%dma_start3A_240, %dma_start3A_241, %dma_start3A_243] : memref<2x4x2048xf32, #tpu.memory_space<vmem>> -> memref<1x1x2048xf32, #tpu.memory_space<vmem>>
        %dma_start3A_245 = tpu.memref_squeeze %dma_start3A_244 : memref<1x1x2048xf32, #tpu.memory_space<vmem>> -> memref<2048xf32, #tpu.memory_space<vmem>>
        %dma_start3A_246 = arith.constant 0 : i32
        %dma_start3A_247 = tpu.memref_slice %arg7[%dma_start3A_242, %dma_start3A_246] : memref<2x2048xi32, #tpu.memory_space<vmem>> -> memref<1x2048xi32, #tpu.memory_space<vmem>>
        %dma_start3A_248 = tpu.memref_squeeze %dma_start3A_247 : memref<1x2048xi32, #tpu.memory_space<vmem>> -> memref<2048xi32, #tpu.memory_space<vmem>>
        %dma_start3A_249 = arith.constant 0 : i32
        %dma_start3A_250 = tpu.memref_slice %arg15[%dma_start3A_249] : memref<100000xf32, #tpu.memory_space<vmem_shared>> -> memref<100000xf32, #tpu.memory_space<vmem_shared>>
        tpu.enqueue_indirect_dma source(%dma_start3A_245 : memref<2048xf32, #tpu.memory_space<vmem>>) target(%dma_start3A_250 : memref<100000xf32, #tpu.memory_space<vmem_shared>>) offsets(%dma_start3A_248 : memref<2048xi32, #tpu.memory_space<vmem>>) semaphore(%arg12 : memref<!tpu.dma_semaphore, #tpu.memory_space<semaphore_mem>>) {add = true}
        %dma_start3A_251 = arith.constant 1 : i32
        %dma_start3A_252 = arith.constant 3 : i32
        %dma_start3A_253 = arith.constant 1 : i32
        %dma_start3A_254 = arith.constant 0 : i32
        %dma_start3A_255 = tpu.memref_slice %arg8[%dma_start3A_251, %dma_start3A_252, %dma_start3A_254] : memref<2x4x2048xf32, #tpu.memory_space<vmem>> -> memref<1x1x2048xf32, #tpu.memory_space<vmem>>
        %dma_start3A_256 = tpu.memref_squeeze %dma_start3A_255 : memref<1x1x2048xf32, #tpu.memory_space<vmem>> -> memref<2048xf32, #tpu.memory_space<vmem>>
        %dma_start3A_257 = arith.constant 0 : i32
        %dma_start3A_258 = tpu.memref_slice %arg7[%dma_start3A_253, %dma_start3A_257] : memref<2x2048xi32, #tpu.memory_space<vmem>> -> memref<1x2048xi32, #tpu.memory_space<vmem>>
        %dma_start3A_259 = tpu.memref_squeeze %dma_start3A_258 : memref<1x2048xi32, #tpu.memory_space<vmem>> -> memref<2048xi32, #tpu.memory_space<vmem>>
        %dma_start3A_260 = arith.constant 0 : i32
        %dma_start3A_261 = tpu.memref_slice %arg16[%dma_start3A_260] : memref<100000xf32, #tpu.memory_space<vmem_shared>> -> memref<100000xf32, #tpu.memory_space<vmem_shared>>
        tpu.enqueue_indirect_dma source(%dma_start3A_256 : memref<2048xf32, #tpu.memory_space<vmem>>) target(%dma_start3A_261 : memref<100000xf32, #tpu.memory_space<vmem_shared>>) offsets(%dma_start3A_259 : memref<2048xi32, #tpu.memory_space<vmem>>) semaphore(%arg12 : memref<!tpu.dma_semaphore, #tpu.memory_space<semaphore_mem>>) {add = true}
        %dma_start3A_262 = arith.constant 1 : i32
        %dma_start3A_263 = arith.constant 0 : i32
        %dma_start3A_264 = tpu.memref_slice %arg7[%dma_start3A_262, %dma_start3A_263] : memref<2x2048xi32, #tpu.memory_space<vmem>> -> memref<1x2048xi32, #tpu.memory_space<vmem>>
        %dma_start3A_265 = tpu.memref_squeeze %dma_start3A_264 : memref<1x2048xi32, #tpu.memory_space<vmem>> -> memref<2048xi32, #tpu.memory_space<vmem>>
        %dma_start3A_266 = arith.constant 0 : i32
        %dma_start3A_267 = tpu.memref_slice %arg17[%dma_start3A_266] : memref<100000xf32, #tpu.memory_space<vmem_shared>> -> memref<100000xf32, #tpu.memory_space<vmem_shared>>
        tpu.enqueue_indirect_dma source(%arg9 : memref<2048xf32, #tpu.memory_space<vmem>>) target(%dma_start3A_267 : memref<100000xf32, #tpu.memory_space<vmem_shared>>) offsets(%dma_start3A_265 : memref<2048xi32, #tpu.memory_space<vmem>>) semaphore(%arg12 : memref<!tpu.dma_semaphore, #tpu.memory_space<semaphore_mem>>) {add = true}
      } else {
      }
    }
    %scan3A_78 = arith.constant 49 : i32
    %add3A_79 = arith.constant 3104 : i32
    %add3A_80 = arith.addi %add3A, %add3A_79 : i32
    %lt3A_81 = arith.constant 3125 : i32
    %lt3A_82 = arith.cmpi slt, %add3A_80, %lt3A_81 : i32
    %convert_element_type3A_83 = arith.extui %lt3A_82 : i1 to i32
    %cond3A_84 = arith.constant 0 : i32
    %cond3A_85 = arith.cmpi ne, %convert_element_type3A_83, %cond3A_84 : i32
    scf.if %cond3A_85 {
      %dma_wait3A = arith.constant 1 : i32
      %dma_wait3A_97 = arith.constant 0 : i32
      %dma_wait3A_98 = arith.constant 1 : i32
      %dma_wait3A_99 = arith.constant 0 : i32
      %dma_wait3A_100 = tpu.memref_slice %arg8[%dma_wait3A, %dma_wait3A_97, %dma_wait3A_99] : memref<2x4x2048xf32, #tpu.memory_space<vmem>> -> memref<1x1x2048xf32, #tpu.memory_space<vmem>>
      %dma_wait3A_101 = tpu.memref_squeeze %dma_wait3A_100 : memref<1x1x2048xf32, #tpu.memory_space<vmem>> -> memref<2048xf32, #tpu.memory_space<vmem>>
      %dma_wait3A_102 = arith.constant 0 : i32
      %dma_wait3A_103 = tpu.memref_slice %arg7[%dma_wait3A_98, %dma_wait3A_102] : memref<2x2048xi32, #tpu.memory_space<vmem>> -> memref<1x2048xi32, #tpu.memory_space<vmem>>
      %dma_wait3A_104 = tpu.memref_squeeze %dma_wait3A_103 : memref<1x2048xi32, #tpu.memory_space<vmem>> -> memref<2048xi32, #tpu.memory_space<vmem>>
      %dma_wait3A_105 = arith.constant 0 : i32
      %dma_wait3A_106 = tpu.memref_slice %arg13[%dma_wait3A_105] : memref<100000xf32, #tpu.memory_space<vmem_shared>> -> memref<100000xf32, #tpu.memory_space<vmem_shared>>
      tpu.wait_indirect_dma semaphore(%arg12 : memref<!tpu.dma_semaphore, #tpu.memory_space<semaphore_mem>>) src(%dma_wait3A_101 : memref<2048xf32, #tpu.memory_space<vmem>>) dst(%dma_wait3A_106 : memref<100000xf32, #tpu.memory_space<vmem_shared>>)
      %dma_wait3A_107 = arith.constant 1 : i32
      %dma_wait3A_108 = arith.constant 1 : i32
      %dma_wait3A_109 = arith.constant 1 : i32
      %dma_wait3A_110 = arith.constant 0 : i32
      %dma_wait3A_111 = tpu.memref_slice %arg8[%dma_wait3A_107, %dma_wait3A_108, %dma_wait3A_110] : memref<2x4x2048xf32, #tpu.memory_space<vmem>> -> memref<1x1x2048xf32, #tpu.memory_space<vmem>>
      %dma_wait3A_112 = tpu.memref_squeeze %dma_wait3A_111 : memref<1x1x2048xf32, #tpu.memory_space<vmem>> -> memref<2048xf32, #tpu.memory_space<vmem>>
      %dma_wait3A_113 = arith.constant 0 : i32
      %dma_wait3A_114 = tpu.memref_slice %arg7[%dma_wait3A_109, %dma_wait3A_113] : memref<2x2048xi32, #tpu.memory_space<vmem>> -> memref<1x2048xi32, #tpu.memory_space<vmem>>
      %dma_wait3A_115 = tpu.memref_squeeze %dma_wait3A_114 : memref<1x2048xi32, #tpu.memory_space<vmem>> -> memref<2048xi32, #tpu.memory_space<vmem>>
      %dma_wait3A_116 = arith.constant 0 : i32
      %dma_wait3A_117 = tpu.memref_slice %arg14[%dma_wait3A_116] : memref<100000xf32, #tpu.memory_space<vmem_shared>> -> memref<100000xf32, #tpu.memory_space<vmem_shared>>
      tpu.wait_indirect_dma semaphore(%arg12 : memref<!tpu.dma_semaphore, #tpu.memory_space<semaphore_mem>>) src(%dma_wait3A_112 : memref<2048xf32, #tpu.memory_space<vmem>>) dst(%dma_wait3A_117 : memref<100000xf32, #tpu.memory_space<vmem_shared>>)
      %dma_wait3A_118 = arith.constant 1 : i32
      %dma_wait3A_119 = arith.constant 2 : i32
      %dma_wait3A_120 = arith.constant 1 : i32
      %dma_wait3A_121 = arith.constant 0 : i32
      %dma_wait3A_122 = tpu.memref_slice %arg8[%dma_wait3A_118, %dma_wait3A_119, %dma_wait3A_121] : memref<2x4x2048xf32, #tpu.memory_space<vmem>> -> memref<1x1x2048xf32, #tpu.memory_space<vmem>>
      %dma_wait3A_123 = tpu.memref_squeeze %dma_wait3A_122 : memref<1x1x2048xf32, #tpu.memory_space<vmem>> -> memref<2048xf32, #tpu.memory_space<vmem>>
      %dma_wait3A_124 = arith.constant 0 : i32
      %dma_wait3A_125 = tpu.memref_slice %arg7[%dma_wait3A_120, %dma_wait3A_124] : memref<2x2048xi32, #tpu.memory_space<vmem>> -> memref<1x2048xi32, #tpu.memory_space<vmem>>
      %dma_wait3A_126 = tpu.memref_squeeze %dma_wait3A_125 : memref<1x2048xi32, #tpu.memory_space<vmem>> -> memref<2048xi32, #tpu.memory_space<vmem>>
      %dma_wait3A_127 = arith.constant 0 : i32
      %dma_wait3A_128 = tpu.memref_slice %arg15[%dma_wait3A_127] : memref<100000xf32, #tpu.memory_space<vmem_shared>> -> memref<100000xf32, #tpu.memory_space<vmem_shared>>
      tpu.wait_indirect_dma semaphore(%arg12 : memref<!tpu.dma_semaphore, #tpu.memory_space<semaphore_mem>>) src(%dma_wait3A_123 : memref<2048xf32, #tpu.memory_space<vmem>>) dst(%dma_wait3A_128 : memref<100000xf32, #tpu.memory_space<vmem_shared>>)
      %dma_wait3A_129 = arith.constant 1 : i32
      %dma_wait3A_130 = arith.constant 3 : i32
      %dma_wait3A_131 = arith.constant 1 : i32
      %dma_wait3A_132 = arith.constant 0 : i32
      %dma_wait3A_133 = tpu.memref_slice %arg8[%dma_wait3A_129, %dma_wait3A_130, %dma_wait3A_132] : memref<2x4x2048xf32, #tpu.memory_space<vmem>> -> memref<1x1x2048xf32, #tpu.memory_space<vmem>>
      %dma_wait3A_134 = tpu.memref_squeeze %dma_wait3A_133 : memref<1x1x2048xf32, #tpu.memory_space<vmem>> -> memref<2048xf32, #tpu.memory_space<vmem>>
      %dma_wait3A_135 = arith.constant 0 : i32
      %dma_wait3A_136 = tpu.memref_slice %arg7[%dma_wait3A_131, %dma_wait3A_135] : memref<2x2048xi32, #tpu.memory_space<vmem>> -> memref<1x2048xi32, #tpu.memory_space<vmem>>
      %dma_wait3A_137 = tpu.memref_squeeze %dma_wait3A_136 : memref<1x2048xi32, #tpu.memory_space<vmem>> -> memref<2048xi32, #tpu.memory_space<vmem>>
      %dma_wait3A_138 = arith.constant 0 : i32
      %dma_wait3A_139 = tpu.memref_slice %arg16[%dma_wait3A_138] : memref<100000xf32, #tpu.memory_space<vmem_shared>> -> memref<100000xf32, #tpu.memory_space<vmem_shared>>
      tpu.wait_indirect_dma semaphore(%arg12 : memref<!tpu.dma_semaphore, #tpu.memory_space<semaphore_mem>>) src(%dma_wait3A_134 : memref<2048xf32, #tpu.memory_space<vmem>>) dst(%dma_wait3A_139 : memref<100000xf32, #tpu.memory_space<vmem_shared>>)
      %dma_wait3A_140 = arith.constant 1 : i32
      %dma_wait3A_141 = arith.constant 0 : i32
      %dma_wait3A_142 = tpu.memref_slice %arg7[%dma_wait3A_140, %dma_wait3A_141] : memref<2x2048xi32, #tpu.memory_space<vmem>> -> memref<1x2048xi32, #tpu.memory_space<vmem>>
      %dma_wait3A_143 = tpu.memref_squeeze %dma_wait3A_142 : memref<1x2048xi32, #tpu.memory_space<vmem>> -> memref<2048xi32, #tpu.memory_space<vmem>>
      %dma_wait3A_144 = arith.constant 0 : i32
      %dma_wait3A_145 = tpu.memref_slice %arg17[%dma_wait3A_144] : memref<100000xf32, #tpu.memory_space<vmem_shared>> -> memref<100000xf32, #tpu.memory_space<vmem_shared>>
      tpu.wait_indirect_dma semaphore(%arg12 : memref<!tpu.dma_semaphore, #tpu.memory_space<semaphore_mem>>) src(%arg9 : memref<2048xf32, #tpu.memory_space<vmem>>) dst(%dma_wait3A_145 : memref<100000xf32, #tpu.memory_space<vmem_shared>>)
    } else {
    }
    %barrier3A_86 = arith.constant 0 : index
    tpu.barrier barrier_id(%barrier3A_86)
    %lt3A_87 = arith.constant 15 : i32
    %lt3A_88 = arith.cmpi slt, %arg1, %lt3A_87 : i32
    %convert_element_type3A_89 = arith.extui %lt3A_88 : i1 to i32
    %cond3A_90 = arith.constant 0 : i32
    %cond3A_91 = arith.cmpi ne, %convert_element_type3A_89, %cond3A_90 : i32
    scf.if %cond3A_91 {
      "tpu.region"() ({
        %run_scoped3A_101 = tpu.sem_alloc : memref<!tpu.dma_semaphore, #tpu.memory_space<semaphore_mem>>
        %dma_start3A_102 = tpu.memref_slice %arg13[%mul3A_2] : memref<100000xf32, #tpu.memory_space<vmem_shared>> -> memref<6256xf32, #tpu.memory_space<vmem_shared>>
        %dma_start3A_103 = tpu.memref_slice %arg13[%mul3A_2] : memref<100000xf32, #tpu.memory_space<vmem_shared>> -> memref<6256xf32, #tpu.memory_space<vmem_shared>>
        tpu.enqueue_dma source(%dma_start3A_103 : memref<6256xf32, #tpu.memory_space<vmem_shared>>) target(%arg10 : memref<6256xf32, #tpu.memory_space<vmem>>) target_semaphore(%run_scoped3A_101 : memref<!tpu.dma_semaphore, #tpu.memory_space<semaphore_mem>>)
        %dma_wait3A = tpu.memref_slice %arg13[%mul3A_2] : memref<100000xf32, #tpu.memory_space<vmem_shared>> -> memref<6256xf32, #tpu.memory_space<vmem_shared>>
        %dma_wait3A_104 = tpu.memref_slice %arg13[%mul3A_2] : memref<100000xf32, #tpu.memory_space<vmem_shared>> -> memref<6256xf32, #tpu.memory_space<vmem_shared>>
        tpu.wait_dma2 semaphore(%run_scoped3A_101 : memref<!tpu.dma_semaphore, #tpu.memory_space<semaphore_mem>>) src(%dma_wait3A_104 : memref<6256xf32, #tpu.memory_space<vmem_shared>>) dst(%arg10 : memref<6256xf32, #tpu.memory_space<vmem>>)
        tpu.yield
      }) : () -> ()
      %run_scoped3A = arith.constant 0 : i32
      "tpu.region"() ({
        %run_scoped3A_101 = tpu.sem_alloc : memref<!tpu.dma_semaphore, #tpu.memory_space<semaphore_mem>>
        %dma_start3A_102 = tpu.memref_slice %arg6[%arg0, %run_scoped3A, %mul3A_2] : memref<2x5x100000xf32, #tpu.memory_space<hbm>> -> memref<1x1x6256xf32, #tpu.memory_space<hbm>>
        %dma_start3A_103 = tpu.memref_squeeze %dma_start3A_102 : memref<1x1x6256xf32, #tpu.memory_space<hbm>> -> memref<6256xf32, #tpu.memory_space<hbm>>
        %dma_start3A_104 = tpu.memref_slice %arg6[%arg0, %run_scoped3A, %mul3A_2] : memref<2x5x100000xf32, #tpu.memory_space<hbm>> -> memref<1x1x6256xf32, #tpu.memory_space<hbm>>
        %dma_start3A_105 = tpu.memref_squeeze %dma_start3A_104 : memref<1x1x6256xf32, #tpu.memory_space<hbm>> -> memref<6256xf32, #tpu.memory_space<hbm>>
        tpu.enqueue_dma source(%arg10 : memref<6256xf32, #tpu.memory_space<vmem>>) target(%dma_start3A_105 : memref<6256xf32, #tpu.memory_space<hbm>>) target_semaphore(%run_scoped3A_101 : memref<!tpu.dma_semaphore, #tpu.memory_space<semaphore_mem>>)
        %dma_wait3A = tpu.memref_slice %arg6[%arg0, %run_scoped3A, %mul3A_2] : memref<2x5x100000xf32, #tpu.memory_space<hbm>> -> memref<1x1x6256xf32, #tpu.memory_space<hbm>>
        %dma_wait3A_106 = tpu.memref_squeeze %dma_wait3A : memref<1x1x6256xf32, #tpu.memory_space<hbm>> -> memref<6256xf32, #tpu.memory_space<hbm>>
        %dma_wait3A_107 = tpu.memref_slice %arg6[%arg0, %run_scoped3A, %mul3A_2] : memref<2x5x100000xf32, #tpu.memory_space<hbm>> -> memref<1x1x6256xf32, #tpu.memory_space<hbm>>
        %dma_wait3A_108 = tpu.memref_squeeze %dma_wait3A_107 : memref<1x1x6256xf32, #tpu.memory_space<hbm>> -> memref<6256xf32, #tpu.memory_space<hbm>>
        tpu.wait_dma2 semaphore(%run_scoped3A_101 : memref<!tpu.dma_semaphore, #tpu.memory_space<semaphore_mem>>) src(%arg10 : memref<6256xf32, #tpu.memory_space<vmem>>) dst(%dma_wait3A_108 : memref<6256xf32, #tpu.memory_space<hbm>>)
        tpu.yield
      }) : () -> ()
      "tpu.region"() ({
        %run_scoped3A_101 = tpu.sem_alloc : memref<!tpu.dma_semaphore, #tpu.memory_space<semaphore_mem>>
        %dma_start3A_102 = tpu.memref_slice %arg14[%mul3A_2] : memref<100000xf32, #tpu.memory_space<vmem_shared>> -> memref<6256xf32, #tpu.memory_space<vmem_shared>>
        %dma_start3A_103 = tpu.memref_slice %arg14[%mul3A_2] : memref<100000xf32, #tpu.memory_space<vmem_shared>> -> memref<6256xf32, #tpu.memory_space<vmem_shared>>
        tpu.enqueue_dma source(%dma_start3A_103 : memref<6256xf32, #tpu.memory_space<vmem_shared>>) target(%arg10 : memref<6256xf32, #tpu.memory_space<vmem>>) target_semaphore(%run_scoped3A_101 : memref<!tpu.dma_semaphore, #tpu.memory_space<semaphore_mem>>)
        %dma_wait3A = tpu.memref_slice %arg14[%mul3A_2] : memref<100000xf32, #tpu.memory_space<vmem_shared>> -> memref<6256xf32, #tpu.memory_space<vmem_shared>>
        %dma_wait3A_104 = tpu.memref_slice %arg14[%mul3A_2] : memref<100000xf32, #tpu.memory_space<vmem_shared>> -> memref<6256xf32, #tpu.memory_space<vmem_shared>>
        tpu.wait_dma2 semaphore(%run_scoped3A_101 : memref<!tpu.dma_semaphore, #tpu.memory_space<semaphore_mem>>) src(%dma_wait3A_104 : memref<6256xf32, #tpu.memory_space<vmem_shared>>) dst(%arg10 : memref<6256xf32, #tpu.memory_space<vmem>>)
        tpu.yield
      }) : () -> ()
      %run_scoped3A_97 = arith.constant 1 : i32
      "tpu.region"() ({
        %run_scoped3A_101 = tpu.sem_alloc : memref<!tpu.dma_semaphore, #tpu.memory_space<semaphore_mem>>
        %dma_start3A_102 = tpu.memref_slice %arg6[%arg0, %run_scoped3A_97, %mul3A_2] : memref<2x5x100000xf32, #tpu.memory_space<hbm>> -> memref<1x1x6256xf32, #tpu.memory_space<hbm>>
        %dma_start3A_103 = tpu.memref_squeeze %dma_start3A_102 : memref<1x1x6256xf32, #tpu.memory_space<hbm>> -> memref<6256xf32, #tpu.memory_space<hbm>>
        %dma_start3A_104 = tpu.memref_slice %arg6[%arg0, %run_scoped3A_97, %mul3A_2] : memref<2x5x100000xf32, #tpu.memory_space<hbm>> -> memref<1x1x6256xf32, #tpu.memory_space<hbm>>
        %dma_start3A_105 = tpu.memref_squeeze %dma_start3A_104 : memref<1x1x6256xf32, #tpu.memory_space<hbm>> -> memref<6256xf32, #tpu.memory_space<hbm>>
        tpu.enqueue_dma source(%arg10 : memref<6256xf32, #tpu.memory_space<vmem>>) target(%dma_start3A_105 : memref<6256xf32, #tpu.memory_space<hbm>>) target_semaphore(%run_scoped3A_101 : memref<!tpu.dma_semaphore, #tpu.memory_space<semaphore_mem>>)
        %dma_wait3A = tpu.memref_slice %arg6[%arg0, %run_scoped3A_97, %mul3A_2] : memref<2x5x100000xf32, #tpu.memory_space<hbm>> -> memref<1x1x6256xf32, #tpu.memory_space<hbm>>
        %dma_wait3A_106 = tpu.memref_squeeze %dma_wait3A : memref<1x1x6256xf32, #tpu.memory_space<hbm>> -> memref<6256xf32, #tpu.memory_space<hbm>>
        %dma_wait3A_107 = tpu.memref_slice %arg6[%arg0, %run_scoped3A_97, %mul3A_2] : memref<2x5x100000xf32, #tpu.memory_space<hbm>> -> memref<1x1x6256xf32, #tpu.memory_space<hbm>>
        %dma_wait3A_108 = tpu.memref_squeeze %dma_wait3A_107 : memref<1x1x6256xf32, #tpu.memory_space<hbm>> -> memref<6256xf32, #tpu.memory_space<hbm>>
        tpu.wait_dma2 semaphore(%run_scoped3A_101 : memref<!tpu.dma_semaphore, #tpu.memory_space<semaphore_mem>>) src(%arg10 : memref<6256xf32, #tpu.memory_space<vmem>>) dst(%dma_wait3A_108 : memref<6256xf32, #tpu.memory_space<hbm>>)
        tpu.yield
      }) : () -> ()
      "tpu.region"() ({
        %run_scoped3A_101 = tpu.sem_alloc : memref<!tpu.dma_semaphore, #tpu.memory_space<semaphore_mem>>
        %dma_start3A_102 = tpu.memref_slice %arg15[%mul3A_2] : memref<100000xf32, #tpu.memory_space<vmem_shared>> -> memref<6256xf32, #tpu.memory_space<vmem_shared>>
        %dma_start3A_103 = tpu.memref_slice %arg15[%mul3A_2] : memref<100000xf32, #tpu.memory_space<vmem_shared>> -> memref<6256xf32, #tpu.memory_space<vmem_shared>>
        tpu.enqueue_dma source(%dma_start3A_103 : memref<6256xf32, #tpu.memory_space<vmem_shared>>) target(%arg10 : memref<6256xf32, #tpu.memory_space<vmem>>) target_semaphore(%run_scoped3A_101 : memref<!tpu.dma_semaphore, #tpu.memory_space<semaphore_mem>>)
        %dma_wait3A = tpu.memref_slice %arg15[%mul3A_2] : memref<100000xf32, #tpu.memory_space<vmem_shared>> -> memref<6256xf32, #tpu.memory_space<vmem_shared>>
        %dma_wait3A_104 = tpu.memref_slice %arg15[%mul3A_2] : memref<100000xf32, #tpu.memory_space<vmem_shared>> -> memref<6256xf32, #tpu.memory_space<vmem_shared>>
        tpu.wait_dma2 semaphore(%run_scoped3A_101 : memref<!tpu.dma_semaphore, #tpu.memory_space<semaphore_mem>>) src(%dma_wait3A_104 : memref<6256xf32, #tpu.memory_space<vmem_shared>>) dst(%arg10 : memref<6256xf32, #tpu.memory_space<vmem>>)
        tpu.yield
      }) : () -> ()
      %run_scoped3A_98 = arith.constant 2 : i32
      "tpu.region"() ({
        %run_scoped3A_101 = tpu.sem_alloc : memref<!tpu.dma_semaphore, #tpu.memory_space<semaphore_mem>>
        %dma_start3A_102 = tpu.memref_slice %arg6[%arg0, %run_scoped3A_98, %mul3A_2] : memref<2x5x100000xf32, #tpu.memory_space<hbm>> -> memref<1x1x6256xf32, #tpu.memory_space<hbm>>
        %dma_start3A_103 = tpu.memref_squeeze %dma_start3A_102 : memref<1x1x6256xf32, #tpu.memory_space<hbm>> -> memref<6256xf32, #tpu.memory_space<hbm>>
        %dma_start3A_104 = tpu.memref_slice %arg6[%arg0, %run_scoped3A_98, %mul3A_2] : memref<2x5x100000xf32, #tpu.memory_space<hbm>> -> memref<1x1x6256xf32, #tpu.memory_space<hbm>>
        %dma_start3A_105 = tpu.memref_squeeze %dma_start3A_104 : memref<1x1x6256xf32, #tpu.memory_space<hbm>> -> memref<6256xf32, #tpu.memory_space<hbm>>
        tpu.enqueue_dma source(%arg10 : memref<6256xf32, #tpu.memory_space<vmem>>) target(%dma_start3A_105 : memref<6256xf32, #tpu.memory_space<hbm>>) target_semaphore(%run_scoped3A_101 : memref<!tpu.dma_semaphore, #tpu.memory_space<semaphore_mem>>)
        %dma_wait3A = tpu.memref_slice %arg6[%arg0, %run_scoped3A_98, %mul3A_2] : memref<2x5x100000xf32, #tpu.memory_space<hbm>> -> memref<1x1x6256xf32, #tpu.memory_space<hbm>>
        %dma_wait3A_106 = tpu.memref_squeeze %dma_wait3A : memref<1x1x6256xf32, #tpu.memory_space<hbm>> -> memref<6256xf32, #tpu.memory_space<hbm>>
        %dma_wait3A_107 = tpu.memref_slice %arg6[%arg0, %run_scoped3A_98, %mul3A_2] : memref<2x5x100000xf32, #tpu.memory_space<hbm>> -> memref<1x1x6256xf32, #tpu.memory_space<hbm>>
        %dma_wait3A_108 = tpu.memref_squeeze %dma_wait3A_107 : memref<1x1x6256xf32, #tpu.memory_space<hbm>> -> memref<6256xf32, #tpu.memory_space<hbm>>
        tpu.wait_dma2 semaphore(%run_scoped3A_101 : memref<!tpu.dma_semaphore, #tpu.memory_space<semaphore_mem>>) src(%arg10 : memref<6256xf32, #tpu.memory_space<vmem>>) dst(%dma_wait3A_108 : memref<6256xf32, #tpu.memory_space<hbm>>)
        tpu.yield
      }) : () -> ()
      "tpu.region"() ({
        %run_scoped3A_101 = tpu.sem_alloc : memref<!tpu.dma_semaphore, #tpu.memory_space<semaphore_mem>>
        %dma_start3A_102 = tpu.memref_slice %arg16[%mul3A_2] : memref<100000xf32, #tpu.memory_space<vmem_shared>> -> memref<6256xf32, #tpu.memory_space<vmem_shared>>
        %dma_start3A_103 = tpu.memref_slice %arg16[%mul3A_2] : memref<100000xf32, #tpu.memory_space<vmem_shared>> -> memref<6256xf32, #tpu.memory_space<vmem_shared>>
        tpu.enqueue_dma source(%dma_start3A_103 : memref<6256xf32, #tpu.memory_space<vmem_shared>>) target(%arg10 : memref<6256xf32, #tpu.memory_space<vmem>>) target_semaphore(%run_scoped3A_101 : memref<!tpu.dma_semaphore, #tpu.memory_space<semaphore_mem>>)
        %dma_wait3A = tpu.memref_slice %arg16[%mul3A_2] : memref<100000xf32, #tpu.memory_space<vmem_shared>> -> memref<6256xf32, #tpu.memory_space<vmem_shared>>
        %dma_wait3A_104 = tpu.memref_slice %arg16[%mul3A_2] : memref<100000xf32, #tpu.memory_space<vmem_shared>> -> memref<6256xf32, #tpu.memory_space<vmem_shared>>
        tpu.wait_dma2 semaphore(%run_scoped3A_101 : memref<!tpu.dma_semaphore, #tpu.memory_space<semaphore_mem>>) src(%dma_wait3A_104 : memref<6256xf32, #tpu.memory_space<vmem_shared>>) dst(%arg10 : memref<6256xf32, #tpu.memory_space<vmem>>)
        tpu.yield
      }) : () -> ()
      %run_scoped3A_99 = arith.constant 3 : i32
      "tpu.region"() ({
        %run_scoped3A_101 = tpu.sem_alloc : memref<!tpu.dma_semaphore, #tpu.memory_space<semaphore_mem>>
        %dma_start3A_102 = tpu.memref_slice %arg6[%arg0, %run_scoped3A_99, %mul3A_2] : memref<2x5x100000xf32, #tpu.memory_space<hbm>> -> memref<1x1x6256xf32, #tpu.memory_space<hbm>>
        %dma_start3A_103 = tpu.memref_squeeze %dma_start3A_102 : memref<1x1x6256xf32, #tpu.memory_space<hbm>> -> memref<6256xf32, #tpu.memory_space<hbm>>
        %dma_start3A_104 = tpu.memref_slice %arg6[%arg0, %run_scoped3A_99, %mul3A_2] : memref<2x5x100000xf32, #tpu.memory_space<hbm>> -> memref<1x1x6256xf32, #tpu.memory_space<hbm>>
        %dma_start3A_105 = tpu.memref_squeeze %dma_start3A_104 : memref<1x1x6256xf32, #tpu.memory_space<hbm>> -> memref<6256xf32, #tpu.memory_space<hbm>>
        tpu.enqueue_dma source(%arg10 : memref<6256xf32, #tpu.memory_space<vmem>>) target(%dma_start3A_105 : memref<6256xf32, #tpu.memory_space<hbm>>) target_semaphore(%run_scoped3A_101 : memref<!tpu.dma_semaphore, #tpu.memory_space<semaphore_mem>>)
        %dma_wait3A = tpu.memref_slice %arg6[%arg0, %run_scoped3A_99, %mul3A_2] : memref<2x5x100000xf32, #tpu.memory_space<hbm>> -> memref<1x1x6256xf32, #tpu.memory_space<hbm>>
        %dma_wait3A_106 = tpu.memref_squeeze %dma_wait3A : memref<1x1x6256xf32, #tpu.memory_space<hbm>> -> memref<6256xf32, #tpu.memory_space<hbm>>
        %dma_wait3A_107 = tpu.memref_slice %arg6[%arg0, %run_scoped3A_99, %mul3A_2] : memref<2x5x100000xf32, #tpu.memory_space<hbm>> -> memref<1x1x6256xf32, #tpu.memory_space<hbm>>
        %dma_wait3A_108 = tpu.memref_squeeze %dma_wait3A_107 : memref<1x1x6256xf32, #tpu.memory_space<hbm>> -> memref<6256xf32, #tpu.memory_space<hbm>>
        tpu.wait_dma2 semaphore(%run_scoped3A_101 : memref<!tpu.dma_semaphore, #tpu.memory_space<semaphore_mem>>) src(%arg10 : memref<6256xf32, #tpu.memory_space<vmem>>) dst(%dma_wait3A_108 : memref<6256xf32, #tpu.memory_space<hbm>>)
        tpu.yield
      }) : () -> ()
      "tpu.region"() ({
        %run_scoped3A_101 = tpu.sem_alloc : memref<!tpu.dma_semaphore, #tpu.memory_space<semaphore_mem>>
        %dma_start3A_102 = tpu.memref_slice %arg17[%mul3A_2] : memref<100000xf32, #tpu.memory_space<vmem_shared>> -> memref<6256xf32, #tpu.memory_space<vmem_shared>>
        %dma_start3A_103 = tpu.memref_slice %arg17[%mul3A_2] : memref<100000xf32, #tpu.memory_space<vmem_shared>> -> memref<6256xf32, #tpu.memory_space<vmem_shared>>
        tpu.enqueue_dma source(%dma_start3A_103 : memref<6256xf32, #tpu.memory_space<vmem_shared>>) target(%arg10 : memref<6256xf32, #tpu.memory_space<vmem>>) target_semaphore(%run_scoped3A_101 : memref<!tpu.dma_semaphore, #tpu.memory_space<semaphore_mem>>)
        %dma_wait3A = tpu.memref_slice %arg17[%mul3A_2] : memref<100000xf32, #tpu.memory_space<vmem_shared>> -> memref<6256xf32, #tpu.memory_space<vmem_shared>>
        %dma_wait3A_104 = tpu.memref_slice %arg17[%mul3A_2] : memref<100000xf32, #tpu.memory_space<vmem_shared>> -> memref<6256xf32, #tpu.memory_space<vmem_shared>>
        tpu.wait_dma2 semaphore(%run_scoped3A_101 : memref<!tpu.dma_semaphore, #tpu.memory_space<semaphore_mem>>) src(%dma_wait3A_104 : memref<6256xf32, #tpu.memory_space<vmem_shared>>) dst(%arg10 : memref<6256xf32, #tpu.memory_space<vmem>>)
        tpu.yield
      }) : () -> ()
      %run_scoped3A_100 = arith.constant 4 : i32
      "tpu.region"() ({
        %run_scoped3A_101 = tpu.sem_alloc : memref<!tpu.dma_semaphore, #tpu.memory_space<semaphore_mem>>
        %dma_start3A_102 = tpu.memref_slice %arg6[%arg0, %run_scoped3A_100, %mul3A_2] : memref<2x5x100000xf32, #tpu.memory_space<hbm>> -> memref<1x1x6256xf32, #tpu.memory_space<hbm>>
        %dma_start3A_103 = tpu.memref_squeeze %dma_start3A_102 : memref<1x1x6256xf32, #tpu.memory_space<hbm>> -> memref<6256xf32, #tpu.memory_space<hbm>>
        %dma_start3A_104 = tpu.memref_slice %arg6[%arg0, %run_scoped3A_100, %mul3A_2] : memref<2x5x100000xf32, #tpu.memory_space<hbm>> -> memref<1x1x6256xf32, #tpu.memory_space<hbm>>
        %dma_start3A_105 = tpu.memref_squeeze %dma_start3A_104 : memref<1x1x6256xf32, #tpu.memory_space<hbm>> -> memref<6256xf32, #tpu.memory_space<hbm>>
        tpu.enqueue_dma source(%arg10 : memref<6256xf32, #tpu.memory_space<vmem>>) target(%dma_start3A_105 : memref<6256xf32, #tpu.memory_space<hbm>>) target_semaphore(%run_scoped3A_101 : memref<!tpu.dma_semaphore, #tpu.memory_space<semaphore_mem>>)
        %dma_wait3A = tpu.memref_slice %arg6[%arg0, %run_scoped3A_100, %mul3A_2] : memref<2x5x100000xf32, #tpu.memory_space<hbm>> -> memref<1x1x6256xf32, #tpu.memory_space<hbm>>
        %dma_wait3A_106 = tpu.memref_squeeze %dma_wait3A : memref<1x1x6256xf32, #tpu.memory_space<hbm>> -> memref<6256xf32, #tpu.memory_space<hbm>>
        %dma_wait3A_107 = tpu.memref_slice %arg6[%arg0, %run_scoped3A_100, %mul3A_2] : memref<2x5x100000xf32, #tpu.memory_space<hbm>> -> memref<1x1x6256xf32, #tpu.memory_space<hbm>>
        %dma_wait3A_108 = tpu.memref_squeeze %dma_wait3A_107 : memref<1x1x6256xf32, #tpu.memory_space<hbm>> -> memref<6256xf32, #tpu.memory_space<hbm>>
        tpu.wait_dma2 semaphore(%run_scoped3A_101 : memref<!tpu.dma_semaphore, #tpu.memory_space<semaphore_mem>>) src(%arg10 : memref<6256xf32, #tpu.memory_space<vmem>>) dst(%dma_wait3A_108 : memref<6256xf32, #tpu.memory_space<hbm>>)
        tpu.yield
      }) : () -> ()
    } else {
    }
    %eq3A_92 = arith.constant 15 : i32
    %eq3A_93 = arith.cmpi eq, %arg1, %eq3A_92 : i32
    %convert_element_type3A_94 = arith.extui %eq3A_93 : i1 to i32
    %cond3A_95 = arith.constant 0 : i32
    %cond3A_96 = arith.cmpi ne, %convert_element_type3A_94, %cond3A_95 : i32
    scf.if %cond3A_96 {
      "tpu.region"() ({
        %run_scoped3A_101 = tpu.sem_alloc : memref<!tpu.dma_semaphore, #tpu.memory_space<semaphore_mem>>
        %dma_start3A_102 = arith.constant 0 : i32
        %dma_start3A_103 = tpu.memref_slice %arg10[%dma_start3A_102] : memref<6256xf32, #tpu.memory_space<vmem>> -> memref<6160xf32, #tpu.memory_space<vmem>>
        %dma_start3A_104 = tpu.memref_slice %arg13[%mul3A_2] : memref<100000xf32, #tpu.memory_space<vmem_shared>> -> memref<6160xf32, #tpu.memory_space<vmem_shared>>
        %dma_start3A_105 = arith.constant 0 : i32
        %dma_start3A_106 = tpu.memref_slice %arg10[%dma_start3A_105] : memref<6256xf32, #tpu.memory_space<vmem>> -> memref<6160xf32, #tpu.memory_space<vmem>>
        %dma_start3A_107 = tpu.memref_slice %arg13[%mul3A_2] : memref<100000xf32, #tpu.memory_space<vmem_shared>> -> memref<6160xf32, #tpu.memory_space<vmem_shared>>
        tpu.enqueue_dma source(%dma_start3A_107 : memref<6160xf32, #tpu.memory_space<vmem_shared>>) target(%dma_start3A_106 : memref<6160xf32, #tpu.memory_space<vmem>>) target_semaphore(%run_scoped3A_101 : memref<!tpu.dma_semaphore, #tpu.memory_space<semaphore_mem>>)
        %dma_wait3A = arith.constant 0 : i32
        %dma_wait3A_108 = tpu.memref_slice %arg10[%dma_wait3A] : memref<6256xf32, #tpu.memory_space<vmem>> -> memref<6160xf32, #tpu.memory_space<vmem>>
        %dma_wait3A_109 = tpu.memref_slice %arg13[%mul3A_2] : memref<100000xf32, #tpu.memory_space<vmem_shared>> -> memref<6160xf32, #tpu.memory_space<vmem_shared>>
        %dma_wait3A_110 = arith.constant 0 : i32
        %dma_wait3A_111 = tpu.memref_slice %arg10[%dma_wait3A_110] : memref<6256xf32, #tpu.memory_space<vmem>> -> memref<6160xf32, #tpu.memory_space<vmem>>
        %dma_wait3A_112 = tpu.memref_slice %arg13[%mul3A_2] : memref<100000xf32, #tpu.memory_space<vmem_shared>> -> memref<6160xf32, #tpu.memory_space<vmem_shared>>
        tpu.wait_dma2 semaphore(%run_scoped3A_101 : memref<!tpu.dma_semaphore, #tpu.memory_space<semaphore_mem>>) src(%dma_wait3A_112 : memref<6160xf32, #tpu.memory_space<vmem_shared>>) dst(%dma_wait3A_111 : memref<6160xf32, #tpu.memory_space<vmem>>)
        tpu.yield
      }) : () -> ()
      %run_scoped3A = arith.constant 0 : i32
      "tpu.region"() ({
        %run_scoped3A_101 = tpu.sem_alloc : memref<!tpu.dma_semaphore, #tpu.memory_space<semaphore_mem>>
        %dma_start3A_102 = arith.constant 0 : i32
        %dma_start3A_103 = tpu.memref_slice %arg10[%dma_start3A_102] : memref<6256xf32, #tpu.memory_space<vmem>> -> memref<6160xf32, #tpu.memory_space<vmem>>
        %dma_start3A_104 = tpu.memref_slice %arg6[%arg0, %run_scoped3A, %mul3A_2] : memref<2x5x100000xf32, #tpu.memory_space<hbm>> -> memref<1x1x6160xf32, #tpu.memory_space<hbm>>
        %dma_start3A_105 = tpu.memref_squeeze %dma_start3A_104 : memref<1x1x6160xf32, #tpu.memory_space<hbm>> -> memref<6160xf32, #tpu.memory_space<hbm>>
        %dma_start3A_106 = tpu.memref_slice %arg6[%arg0, %run_scoped3A, %mul3A_2] : memref<2x5x100000xf32, #tpu.memory_space<hbm>> -> memref<1x1x6160xf32, #tpu.memory_space<hbm>>
        %dma_start3A_107 = tpu.memref_squeeze %dma_start3A_106 : memref<1x1x6160xf32, #tpu.memory_space<hbm>> -> memref<6160xf32, #tpu.memory_space<hbm>>
        %dma_start3A_108 = arith.constant 0 : i32
        %dma_start3A_109 = tpu.memref_slice %arg10[%dma_start3A_108] : memref<6256xf32, #tpu.memory_space<vmem>> -> memref<6160xf32, #tpu.memory_space<vmem>>
        tpu.enqueue_dma source(%dma_start3A_109 : memref<6160xf32, #tpu.memory_space<vmem>>) target(%dma_start3A_107 : memref<6160xf32, #tpu.memory_space<hbm>>) target_semaphore(%run_scoped3A_101 : memref<!tpu.dma_semaphore, #tpu.memory_space<semaphore_mem>>)
        %dma_wait3A = arith.constant 0 : i32
        %dma_wait3A_110 = tpu.memref_slice %arg10[%dma_wait3A] : memref<6256xf32, #tpu.memory_space<vmem>> -> memref<6160xf32, #tpu.memory_space<vmem>>
        %dma_wait3A_111 = tpu.memref_slice %arg6[%arg0, %run_scoped3A, %mul3A_2] : memref<2x5x100000xf32, #tpu.memory_space<hbm>> -> memref<1x1x6160xf32, #tpu.memory_space<hbm>>
        %dma_wait3A_112 = tpu.memref_squeeze %dma_wait3A_111 : memref<1x1x6160xf32, #tpu.memory_space<hbm>> -> memref<6160xf32, #tpu.memory_space<hbm>>
        %dma_wait3A_113 = tpu.memref_slice %arg6[%arg0, %run_scoped3A, %mul3A_2] : memref<2x5x100000xf32, #tpu.memory_space<hbm>> -> memref<1x1x6160xf32, #tpu.memory_space<hbm>>
        %dma_wait3A_114 = tpu.memref_squeeze %dma_wait3A_113 : memref<1x1x6160xf32, #tpu.memory_space<hbm>> -> memref<6160xf32, #tpu.memory_space<hbm>>
        %dma_wait3A_115 = arith.constant 0 : i32
        %dma_wait3A_116 = tpu.memref_slice %arg10[%dma_wait3A_115] : memref<6256xf32, #tpu.memory_space<vmem>> -> memref<6160xf32, #tpu.memory_space<vmem>>
        tpu.wait_dma2 semaphore(%run_scoped3A_101 : memref<!tpu.dma_semaphore, #tpu.memory_space<semaphore_mem>>) src(%dma_wait3A_116 : memref<6160xf32, #tpu.memory_space<vmem>>) dst(%dma_wait3A_114 : memref<6160xf32, #tpu.memory_space<hbm>>)
        tpu.yield
      }) : () -> ()
      "tpu.region"() ({
        %run_scoped3A_101 = tpu.sem_alloc : memref<!tpu.dma_semaphore, #tpu.memory_space<semaphore_mem>>
        %dma_start3A_102 = arith.constant 0 : i32
        %dma_start3A_103 = tpu.memref_slice %arg10[%dma_start3A_102] : memref<6256xf32, #tpu.memory_space<vmem>> -> memref<6160xf32, #tpu.memory_space<vmem>>
        %dma_start3A_104 = tpu.memref_slice %arg14[%mul3A_2] : memref<100000xf32, #tpu.memory_space<vmem_shared>> -> memref<6160xf32, #tpu.memory_space<vmem_shared>>
        %dma_start3A_105 = arith.constant 0 : i32
        %dma_start3A_106 = tpu.memref_slice %arg10[%dma_start3A_105] : memref<6256xf32, #tpu.memory_space<vmem>> -> memref<6160xf32, #tpu.memory_space<vmem>>
        %dma_start3A_107 = tpu.memref_slice %arg14[%mul3A_2] : memref<100000xf32, #tpu.memory_space<vmem_shared>> -> memref<6160xf32, #tpu.memory_space<vmem_shared>>
        tpu.enqueue_dma source(%dma_start3A_107 : memref<6160xf32, #tpu.memory_space<vmem_shared>>) target(%dma_start3A_106 : memref<6160xf32, #tpu.memory_space<vmem>>) target_semaphore(%run_scoped3A_101 : memref<!tpu.dma_semaphore, #tpu.memory_space<semaphore_mem>>)
        %dma_wait3A = arith.constant 0 : i32
        %dma_wait3A_108 = tpu.memref_slice %arg10[%dma_wait3A] : memref<6256xf32, #tpu.memory_space<vmem>> -> memref<6160xf32, #tpu.memory_space<vmem>>
        %dma_wait3A_109 = tpu.memref_slice %arg14[%mul3A_2] : memref<100000xf32, #tpu.memory_space<vmem_shared>> -> memref<6160xf32, #tpu.memory_space<vmem_shared>>
        %dma_wait3A_110 = arith.constant 0 : i32
        %dma_wait3A_111 = tpu.memref_slice %arg10[%dma_wait3A_110] : memref<6256xf32, #tpu.memory_space<vmem>> -> memref<6160xf32, #tpu.memory_space<vmem>>
        %dma_wait3A_112 = tpu.memref_slice %arg14[%mul3A_2] : memref<100000xf32, #tpu.memory_space<vmem_shared>> -> memref<6160xf32, #tpu.memory_space<vmem_shared>>
        tpu.wait_dma2 semaphore(%run_scoped3A_101 : memref<!tpu.dma_semaphore, #tpu.memory_space<semaphore_mem>>) src(%dma_wait3A_112 : memref<6160xf32, #tpu.memory_space<vmem_shared>>) dst(%dma_wait3A_111 : memref<6160xf32, #tpu.memory_space<vmem>>)
        tpu.yield
      }) : () -> ()
      %run_scoped3A_97 = arith.constant 1 : i32
      "tpu.region"() ({
        %run_scoped3A_101 = tpu.sem_alloc : memref<!tpu.dma_semaphore, #tpu.memory_space<semaphore_mem>>
        %dma_start3A_102 = arith.constant 0 : i32
        %dma_start3A_103 = tpu.memref_slice %arg10[%dma_start3A_102] : memref<6256xf32, #tpu.memory_space<vmem>> -> memref<6160xf32, #tpu.memory_space<vmem>>
        %dma_start3A_104 = tpu.memref_slice %arg6[%arg0, %run_scoped3A_97, %mul3A_2] : memref<2x5x100000xf32, #tpu.memory_space<hbm>> -> memref<1x1x6160xf32, #tpu.memory_space<hbm>>
        %dma_start3A_105 = tpu.memref_squeeze %dma_start3A_104 : memref<1x1x6160xf32, #tpu.memory_space<hbm>> -> memref<6160xf32, #tpu.memory_space<hbm>>
        %dma_start3A_106 = tpu.memref_slice %arg6[%arg0, %run_scoped3A_97, %mul3A_2] : memref<2x5x100000xf32, #tpu.memory_space<hbm>> -> memref<1x1x6160xf32, #tpu.memory_space<hbm>>
        %dma_start3A_107 = tpu.memref_squeeze %dma_start3A_106 : memref<1x1x6160xf32, #tpu.memory_space<hbm>> -> memref<6160xf32, #tpu.memory_space<hbm>>
        %dma_start3A_108 = arith.constant 0 : i32
        %dma_start3A_109 = tpu.memref_slice %arg10[%dma_start3A_108] : memref<6256xf32, #tpu.memory_space<vmem>> -> memref<6160xf32, #tpu.memory_space<vmem>>
        tpu.enqueue_dma source(%dma_start3A_109 : memref<6160xf32, #tpu.memory_space<vmem>>) target(%dma_start3A_107 : memref<6160xf32, #tpu.memory_space<hbm>>) target_semaphore(%run_scoped3A_101 : memref<!tpu.dma_semaphore, #tpu.memory_space<semaphore_mem>>)
        %dma_wait3A = arith.constant 0 : i32
        %dma_wait3A_110 = tpu.memref_slice %arg10[%dma_wait3A] : memref<6256xf32, #tpu.memory_space<vmem>> -> memref<6160xf32, #tpu.memory_space<vmem>>
        %dma_wait3A_111 = tpu.memref_slice %arg6[%arg0, %run_scoped3A_97, %mul3A_2] : memref<2x5x100000xf32, #tpu.memory_space<hbm>> -> memref<1x1x6160xf32, #tpu.memory_space<hbm>>
        %dma_wait3A_112 = tpu.memref_squeeze %dma_wait3A_111 : memref<1x1x6160xf32, #tpu.memory_space<hbm>> -> memref<6160xf32, #tpu.memory_space<hbm>>
        %dma_wait3A_113 = tpu.memref_slice %arg6[%arg0, %run_scoped3A_97, %mul3A_2] : memref<2x5x100000xf32, #tpu.memory_space<hbm>> -> memref<1x1x6160xf32, #tpu.memory_space<hbm>>
        %dma_wait3A_114 = tpu.memref_squeeze %dma_wait3A_113 : memref<1x1x6160xf32, #tpu.memory_space<hbm>> -> memref<6160xf32, #tpu.memory_space<hbm>>
        %dma_wait3A_115 = arith.constant 0 : i32
        %dma_wait3A_116 = tpu.memref_slice %arg10[%dma_wait3A_115] : memref<6256xf32, #tpu.memory_space<vmem>> -> memref<6160xf32, #tpu.memory_space<vmem>>
        tpu.wait_dma2 semaphore(%run_scoped3A_101 : memref<!tpu.dma_semaphore, #tpu.memory_space<semaphore_mem>>) src(%dma_wait3A_116 : memref<6160xf32, #tpu.memory_space<vmem>>) dst(%dma_wait3A_114 : memref<6160xf32, #tpu.memory_space<hbm>>)
        tpu.yield
      }) : () -> ()
      "tpu.region"() ({
        %run_scoped3A_101 = tpu.sem_alloc : memref<!tpu.dma_semaphore, #tpu.memory_space<semaphore_mem>>
        %dma_start3A_102 = arith.constant 0 : i32
        %dma_start3A_103 = tpu.memref_slice %arg10[%dma_start3A_102] : memref<6256xf32, #tpu.memory_space<vmem>> -> memref<6160xf32, #tpu.memory_space<vmem>>
        %dma_start3A_104 = tpu.memref_slice %arg15[%mul3A_2] : memref<100000xf32, #tpu.memory_space<vmem_shared>> -> memref<6160xf32, #tpu.memory_space<vmem_shared>>
        %dma_start3A_105 = arith.constant 0 : i32
        %dma_start3A_106 = tpu.memref_slice %arg10[%dma_start3A_105] : memref<6256xf32, #tpu.memory_space<vmem>> -> memref<6160xf32, #tpu.memory_space<vmem>>
        %dma_start3A_107 = tpu.memref_slice %arg15[%mul3A_2] : memref<100000xf32, #tpu.memory_space<vmem_shared>> -> memref<6160xf32, #tpu.memory_space<vmem_shared>>
        tpu.enqueue_dma source(%dma_start3A_107 : memref<6160xf32, #tpu.memory_space<vmem_shared>>) target(%dma_start3A_106 : memref<6160xf32, #tpu.memory_space<vmem>>) target_semaphore(%run_scoped3A_101 : memref<!tpu.dma_semaphore, #tpu.memory_space<semaphore_mem>>)
        %dma_wait3A = arith.constant 0 : i32
        %dma_wait3A_108 = tpu.memref_slice %arg10[%dma_wait3A] : memref<6256xf32, #tpu.memory_space<vmem>> -> memref<6160xf32, #tpu.memory_space<vmem>>
        %dma_wait3A_109 = tpu.memref_slice %arg15[%mul3A_2] : memref<100000xf32, #tpu.memory_space<vmem_shared>> -> memref<6160xf32, #tpu.memory_space<vmem_shared>>
        %dma_wait3A_110 = arith.constant 0 : i32
        %dma_wait3A_111 = tpu.memref_slice %arg10[%dma_wait3A_110] : memref<6256xf32, #tpu.memory_space<vmem>> -> memref<6160xf32, #tpu.memory_space<vmem>>
        %dma_wait3A_112 = tpu.memref_slice %arg15[%mul3A_2] : memref<100000xf32, #tpu.memory_space<vmem_shared>> -> memref<6160xf32, #tpu.memory_space<vmem_shared>>
        tpu.wait_dma2 semaphore(%run_scoped3A_101 : memref<!tpu.dma_semaphore, #tpu.memory_space<semaphore_mem>>) src(%dma_wait3A_112 : memref<6160xf32, #tpu.memory_space<vmem_shared>>) dst(%dma_wait3A_111 : memref<6160xf32, #tpu.memory_space<vmem>>)
        tpu.yield
      }) : () -> ()
      %run_scoped3A_98 = arith.constant 2 : i32
      "tpu.region"() ({
        %run_scoped3A_101 = tpu.sem_alloc : memref<!tpu.dma_semaphore, #tpu.memory_space<semaphore_mem>>
        %dma_start3A_102 = arith.constant 0 : i32
        %dma_start3A_103 = tpu.memref_slice %arg10[%dma_start3A_102] : memref<6256xf32, #tpu.memory_space<vmem>> -> memref<6160xf32, #tpu.memory_space<vmem>>
        %dma_start3A_104 = tpu.memref_slice %arg6[%arg0, %run_scoped3A_98, %mul3A_2] : memref<2x5x100000xf32, #tpu.memory_space<hbm>> -> memref<1x1x6160xf32, #tpu.memory_space<hbm>>
        %dma_start3A_105 = tpu.memref_squeeze %dma_start3A_104 : memref<1x1x6160xf32, #tpu.memory_space<hbm>> -> memref<6160xf32, #tpu.memory_space<hbm>>
        %dma_start3A_106 = tpu.memref_slice %arg6[%arg0, %run_scoped3A_98, %mul3A_2] : memref<2x5x100000xf32, #tpu.memory_space<hbm>> -> memref<1x1x6160xf32, #tpu.memory_space<hbm>>
        %dma_start3A_107 = tpu.memref_squeeze %dma_start3A_106 : memref<1x1x6160xf32, #tpu.memory_space<hbm>> -> memref<6160xf32, #tpu.memory_space<hbm>>
        %dma_start3A_108 = arith.constant 0 : i32
        %dma_start3A_109 = tpu.memref_slice %arg10[%dma_start3A_108] : memref<6256xf32, #tpu.memory_space<vmem>> -> memref<6160xf32, #tpu.memory_space<vmem>>
        tpu.enqueue_dma source(%dma_start3A_109 : memref<6160xf32, #tpu.memory_space<vmem>>) target(%dma_start3A_107 : memref<6160xf32, #tpu.memory_space<hbm>>) target_semaphore(%run_scoped3A_101 : memref<!tpu.dma_semaphore, #tpu.memory_space<semaphore_mem>>)
        %dma_wait3A = arith.constant 0 : i32
        %dma_wait3A_110 = tpu.memref_slice %arg10[%dma_wait3A] : memref<6256xf32, #tpu.memory_space<vmem>> -> memref<6160xf32, #tpu.memory_space<vmem>>
        %dma_wait3A_111 = tpu.memref_slice %arg6[%arg0, %run_scoped3A_98, %mul3A_2] : memref<2x5x100000xf32, #tpu.memory_space<hbm>> -> memref<1x1x6160xf32, #tpu.memory_space<hbm>>
        %dma_wait3A_112 = tpu.memref_squeeze %dma_wait3A_111 : memref<1x1x6160xf32, #tpu.memory_space<hbm>> -> memref<6160xf32, #tpu.memory_space<hbm>>
        %dma_wait3A_113 = tpu.memref_slice %arg6[%arg0, %run_scoped3A_98, %mul3A_2] : memref<2x5x100000xf32, #tpu.memory_space<hbm>> -> memref<1x1x6160xf32, #tpu.memory_space<hbm>>
        %dma_wait3A_114 = tpu.memref_squeeze %dma_wait3A_113 : memref<1x1x6160xf32, #tpu.memory_space<hbm>> -> memref<6160xf32, #tpu.memory_space<hbm>>
        %dma_wait3A_115 = arith.constant 0 : i32
        %dma_wait3A_116 = tpu.memref_slice %arg10[%dma_wait3A_115] : memref<6256xf32, #tpu.memory_space<vmem>> -> memref<6160xf32, #tpu.memory_space<vmem>>
        tpu.wait_dma2 semaphore(%run_scoped3A_101 : memref<!tpu.dma_semaphore, #tpu.memory_space<semaphore_mem>>) src(%dma_wait3A_116 : memref<6160xf32, #tpu.memory_space<vmem>>) dst(%dma_wait3A_114 : memref<6160xf32, #tpu.memory_space<hbm>>)
        tpu.yield
      }) : () -> ()
      "tpu.region"() ({
        %run_scoped3A_101 = tpu.sem_alloc : memref<!tpu.dma_semaphore, #tpu.memory_space<semaphore_mem>>
        %dma_start3A_102 = arith.constant 0 : i32
        %dma_start3A_103 = tpu.memref_slice %arg10[%dma_start3A_102] : memref<6256xf32, #tpu.memory_space<vmem>> -> memref<6160xf32, #tpu.memory_space<vmem>>
        %dma_start3A_104 = tpu.memref_slice %arg16[%mul3A_2] : memref<100000xf32, #tpu.memory_space<vmem_shared>> -> memref<6160xf32, #tpu.memory_space<vmem_shared>>
        %dma_start3A_105 = arith.constant 0 : i32
        %dma_start3A_106 = tpu.memref_slice %arg10[%dma_start3A_105] : memref<6256xf32, #tpu.memory_space<vmem>> -> memref<6160xf32, #tpu.memory_space<vmem>>
        %dma_start3A_107 = tpu.memref_slice %arg16[%mul3A_2] : memref<100000xf32, #tpu.memory_space<vmem_shared>> -> memref<6160xf32, #tpu.memory_space<vmem_shared>>
        tpu.enqueue_dma source(%dma_start3A_107 : memref<6160xf32, #tpu.memory_space<vmem_shared>>) target(%dma_start3A_106 : memref<6160xf32, #tpu.memory_space<vmem>>) target_semaphore(%run_scoped3A_101 : memref<!tpu.dma_semaphore, #tpu.memory_space<semaphore_mem>>)
        %dma_wait3A = arith.constant 0 : i32
        %dma_wait3A_108 = tpu.memref_slice %arg10[%dma_wait3A] : memref<6256xf32, #tpu.memory_space<vmem>> -> memref<6160xf32, #tpu.memory_space<vmem>>
        %dma_wait3A_109 = tpu.memref_slice %arg16[%mul3A_2] : memref<100000xf32, #tpu.memory_space<vmem_shared>> -> memref<6160xf32, #tpu.memory_space<vmem_shared>>
        %dma_wait3A_110 = arith.constant 0 : i32
        %dma_wait3A_111 = tpu.memref_slice %arg10[%dma_wait3A_110] : memref<6256xf32, #tpu.memory_space<vmem>> -> memref<6160xf32, #tpu.memory_space<vmem>>
        %dma_wait3A_112 = tpu.memref_slice %arg16[%mul3A_2] : memref<100000xf32, #tpu.memory_space<vmem_shared>> -> memref<6160xf32, #tpu.memory_space<vmem_shared>>
        tpu.wait_dma2 semaphore(%run_scoped3A_101 : memref<!tpu.dma_semaphore, #tpu.memory_space<semaphore_mem>>) src(%dma_wait3A_112 : memref<6160xf32, #tpu.memory_space<vmem_shared>>) dst(%dma_wait3A_111 : memref<6160xf32, #tpu.memory_space<vmem>>)
        tpu.yield
      }) : () -> ()
      %run_scoped3A_99 = arith.constant 3 : i32
      "tpu.region"() ({
        %run_scoped3A_101 = tpu.sem_alloc : memref<!tpu.dma_semaphore, #tpu.memory_space<semaphore_mem>>
        %dma_start3A_102 = arith.constant 0 : i32
        %dma_start3A_103 = tpu.memref_slice %arg10[%dma_start3A_102] : memref<6256xf32, #tpu.memory_space<vmem>> -> memref<6160xf32, #tpu.memory_space<vmem>>
        %dma_start3A_104 = tpu.memref_slice %arg6[%arg0, %run_scoped3A_99, %mul3A_2] : memref<2x5x100000xf32, #tpu.memory_space<hbm>> -> memref<1x1x6160xf32, #tpu.memory_space<hbm>>
        %dma_start3A_105 = tpu.memref_squeeze %dma_start3A_104 : memref<1x1x6160xf32, #tpu.memory_space<hbm>> -> memref<6160xf32, #tpu.memory_space<hbm>>
        %dma_start3A_106 = tpu.memref_slice %arg6[%arg0, %run_scoped3A_99, %mul3A_2] : memref<2x5x100000xf32, #tpu.memory_space<hbm>> -> memref<1x1x6160xf32, #tpu.memory_space<hbm>>
        %dma_start3A_107 = tpu.memref_squeeze %dma_start3A_106 : memref<1x1x6160xf32, #tpu.memory_space<hbm>> -> memref<6160xf32, #tpu.memory_space<hbm>>
        %dma_start3A_108 = arith.constant 0 : i32
        %dma_start3A_109 = tpu.memref_slice %arg10[%dma_start3A_108] : memref<6256xf32, #tpu.memory_space<vmem>> -> memref<6160xf32, #tpu.memory_space<vmem>>
        tpu.enqueue_dma source(%dma_start3A_109 : memref<6160xf32, #tpu.memory_space<vmem>>) target(%dma_start3A_107 : memref<6160xf32, #tpu.memory_space<hbm>>) target_semaphore(%run_scoped3A_101 : memref<!tpu.dma_semaphore, #tpu.memory_space<semaphore_mem>>)
        %dma_wait3A = arith.constant 0 : i32
        %dma_wait3A_110 = tpu.memref_slice %arg10[%dma_wait3A] : memref<6256xf32, #tpu.memory_space<vmem>> -> memref<6160xf32, #tpu.memory_space<vmem>>
        %dma_wait3A_111 = tpu.memref_slice %arg6[%arg0, %run_scoped3A_99, %mul3A_2] : memref<2x5x100000xf32, #tpu.memory_space<hbm>> -> memref<1x1x6160xf32, #tpu.memory_space<hbm>>
        %dma_wait3A_112 = tpu.memref_squeeze %dma_wait3A_111 : memref<1x1x6160xf32, #tpu.memory_space<hbm>> -> memref<6160xf32, #tpu.memory_space<hbm>>
        %dma_wait3A_113 = tpu.memref_slice %arg6[%arg0, %run_scoped3A_99, %mul3A_2] : memref<2x5x100000xf32, #tpu.memory_space<hbm>> -> memref<1x1x6160xf32, #tpu.memory_space<hbm>>
        %dma_wait3A_114 = tpu.memref_squeeze %dma_wait3A_113 : memref<1x1x6160xf32, #tpu.memory_space<hbm>> -> memref<6160xf32, #tpu.memory_space<hbm>>
        %dma_wait3A_115 = arith.constant 0 : i32
        %dma_wait3A_116 = tpu.memref_slice %arg10[%dma_wait3A_115] : memref<6256xf32, #tpu.memory_space<vmem>> -> memref<6160xf32, #tpu.memory_space<vmem>>
        tpu.wait_dma2 semaphore(%run_scoped3A_101 : memref<!tpu.dma_semaphore, #tpu.memory_space<semaphore_mem>>) src(%dma_wait3A_116 : memref<6160xf32, #tpu.memory_space<vmem>>) dst(%dma_wait3A_114 : memref<6160xf32, #tpu.memory_space<hbm>>)
        tpu.yield
      }) : () -> ()
      "tpu.region"() ({
        %run_scoped3A_101 = tpu.sem_alloc : memref<!tpu.dma_semaphore, #tpu.memory_space<semaphore_mem>>
        %dma_start3A_102 = arith.constant 0 : i32
        %dma_start3A_103 = tpu.memref_slice %arg10[%dma_start3A_102] : memref<6256xf32, #tpu.memory_space<vmem>> -> memref<6160xf32, #tpu.memory_space<vmem>>
        %dma_start3A_104 = tpu.memref_slice %arg17[%mul3A_2] : memref<100000xf32, #tpu.memory_space<vmem_shared>> -> memref<6160xf32, #tpu.memory_space<vmem_shared>>
        %dma_start3A_105 = arith.constant 0 : i32
        %dma_start3A_106 = tpu.memref_slice %arg10[%dma_start3A_105] : memref<6256xf32, #tpu.memory_space<vmem>> -> memref<6160xf32, #tpu.memory_space<vmem>>
        %dma_start3A_107 = tpu.memref_slice %arg17[%mul3A_2] : memref<100000xf32, #tpu.memory_space<vmem_shared>> -> memref<6160xf32, #tpu.memory_space<vmem_shared>>
        tpu.enqueue_dma source(%dma_start3A_107 : memref<6160xf32, #tpu.memory_space<vmem_shared>>) target(%dma_start3A_106 : memref<6160xf32, #tpu.memory_space<vmem>>) target_semaphore(%run_scoped3A_101 : memref<!tpu.dma_semaphore, #tpu.memory_space<semaphore_mem>>)
        %dma_wait3A = arith.constant 0 : i32
        %dma_wait3A_108 = tpu.memref_slice %arg10[%dma_wait3A] : memref<6256xf32, #tpu.memory_space<vmem>> -> memref<6160xf32, #tpu.memory_space<vmem>>
        %dma_wait3A_109 = tpu.memref_slice %arg17[%mul3A_2] : memref<100000xf32, #tpu.memory_space<vmem_shared>> -> memref<6160xf32, #tpu.memory_space<vmem_shared>>
        %dma_wait3A_110 = arith.constant 0 : i32
        %dma_wait3A_111 = tpu.memref_slice %arg10[%dma_wait3A_110] : memref<6256xf32, #tpu.memory_space<vmem>> -> memref<6160xf32, #tpu.memory_space<vmem>>
        %dma_wait3A_112 = tpu.memref_slice %arg17[%mul3A_2] : memref<100000xf32, #tpu.memory_space<vmem_shared>> -> memref<6160xf32, #tpu.memory_space<vmem_shared>>
        tpu.wait_dma2 semaphore(%run_scoped3A_101 : memref<!tpu.dma_semaphore, #tpu.memory_space<semaphore_mem>>) src(%dma_wait3A_112 : memref<6160xf32, #tpu.memory_space<vmem_shared>>) dst(%dma_wait3A_111 : memref<6160xf32, #tpu.memory_space<vmem>>)
        tpu.yield
      }) : () -> ()
      %run_scoped3A_100 = arith.constant 4 : i32
      "tpu.region"() ({
        %run_scoped3A_101 = tpu.sem_alloc : memref<!tpu.dma_semaphore, #tpu.memory_space<semaphore_mem>>
        %dma_start3A_102 = arith.constant 0 : i32
        %dma_start3A_103 = tpu.memref_slice %arg10[%dma_start3A_102] : memref<6256xf32, #tpu.memory_space<vmem>> -> memref<6160xf32, #tpu.memory_space<vmem>>
        %dma_start3A_104 = tpu.memref_slice %arg6[%arg0, %run_scoped3A_100, %mul3A_2] : memref<2x5x100000xf32, #tpu.memory_space<hbm>> -> memref<1x1x6160xf32, #tpu.memory_space<hbm>>
        %dma_start3A_105 = tpu.memref_squeeze %dma_start3A_104 : memref<1x1x6160xf32, #tpu.memory_space<hbm>> -> memref<6160xf32, #tpu.memory_space<hbm>>
        %dma_start3A_106 = tpu.memref_slice %arg6[%arg0, %run_scoped3A_100, %mul3A_2] : memref<2x5x100000xf32, #tpu.memory_space<hbm>> -> memref<1x1x6160xf32, #tpu.memory_space<hbm>>
        %dma_start3A_107 = tpu.memref_squeeze %dma_start3A_106 : memref<1x1x6160xf32, #tpu.memory_space<hbm>> -> memref<6160xf32, #tpu.memory_space<hbm>>
        %dma_start3A_108 = arith.constant 0 : i32
        %dma_start3A_109 = tpu.memref_slice %arg10[%dma_start3A_108] : memref<6256xf32, #tpu.memory_space<vmem>> -> memref<6160xf32, #tpu.memory_space<vmem>>
        tpu.enqueue_dma source(%dma_start3A_109 : memref<6160xf32, #tpu.memory_space<vmem>>) target(%dma_start3A_107 : memref<6160xf32, #tpu.memory_space<hbm>>) target_semaphore(%run_scoped3A_101 : memref<!tpu.dma_semaphore, #tpu.memory_space<semaphore_mem>>)
        %dma_wait3A = arith.constant 0 : i32
        %dma_wait3A_110 = tpu.memref_slice %arg10[%dma_wait3A] : memref<6256xf32, #tpu.memory_space<vmem>> -> memref<6160xf32, #tpu.memory_space<vmem>>
        %dma_wait3A_111 = tpu.memref_slice %arg6[%arg0, %run_scoped3A_100, %mul3A_2] : memref<2x5x100000xf32, #tpu.memory_space<hbm>> -> memref<1x1x6160xf32, #tpu.memory_space<hbm>>
        %dma_wait3A_112 = tpu.memref_squeeze %dma_wait3A_111 : memref<1x1x6160xf32, #tpu.memory_space<hbm>> -> memref<6160xf32, #tpu.memory_space<hbm>>
        %dma_wait3A_113 = tpu.memref_slice %arg6[%arg0, %run_scoped3A_100, %mul3A_2] : memref<2x5x100000xf32, #tpu.memory_space<hbm>> -> memref<1x1x6160xf32, #tpu.memory_space<hbm>>
        %dma_wait3A_114 = tpu.memref_squeeze %dma_wait3A_113 : memref<1x1x6160xf32, #tpu.memory_space<hbm>> -> memref<6160xf32, #tpu.memory_space<hbm>>
        %dma_wait3A_115 = arith.constant 0 : i32
        %dma_wait3A_116 = tpu.memref_slice %arg10[%dma_wait3A_115] : memref<6256xf32, #tpu.memory_space<vmem>> -> memref<6160xf32, #tpu.memory_space<vmem>>
        tpu.wait_dma2 semaphore(%run_scoped3A_101 : memref<!tpu.dma_semaphore, #tpu.memory_space<semaphore_mem>>) src(%dma_wait3A_116 : memref<6160xf32, #tpu.memory_space<vmem>>) dst(%dma_wait3A_114 : memref<6160xf32, #tpu.memory_space<hbm>>)
        tpu.yield
      }) : () -> ()
    } else {
    }
    return
  }
}

module attributes {stable_mosaic.version = 14 : i64} {
  func.func @_x_pass_body(%arg0: i32, %arg1: memref<2000x128xf32, #tpu.memory_space<vmem>>, %arg2: memref<1x1x2000xi32, #tpu.memory_space<vmem>>, %arg3: memref<64x128xf32, #tpu.memory_space<vmem>>, %arg4: memref<1x64xf32, #tpu.memory_space<vmem>>, %arg5: memref<64x128xf32, #tpu.memory_space<vmem>>, %arg6: memref<1x64xf32, #tpu.memory_space<vmem>>) attributes {dimension_semantics = [#tpu.dimension_semantics<arbitrary>], iteration_bounds = array<i64: 50>, scalar_prefetch = 0 : i64, scratch_operands = 2 : i64, tpu.core_type = #tpu.core_type<tc>, window_params = [{transform_indices = @transform_0, window_bounds = array<i64: 2000, 128>}, {transform_indices = @transform_1, window_bounds = array<i64: 1, 1, 2000>}, {pipeline_mode = #tpu.pipeline_mode<synchronous>, transform_indices = @transform_2, window_bounds = array<i64: 64, 128>}, {pipeline_mode = #tpu.pipeline_mode<synchronous>, transform_indices = @transform_3, window_bounds = array<i64: 1, 64>}]} {
    %get3A = arith.constant 0 : index
    %get3A_0 = arith.constant 0 : index
    %get3A_1 = arith.constant 0 : index
    %get3A_2 = vector.load %arg2[%get3A, %get3A_0, %get3A_1] : memref<1x1x2000xi32, #tpu.memory_space<vmem>>, vector<1x1x2000xi32>
    %get3A_3 = vector.shape_cast %get3A_2 : vector<1x1x2000xi32> to vector<2000xi32>
    %broadcast_in_dim3A = vector.shape_cast %get3A_3 : vector<2000xi32> to vector<2000x1xi32>
    %iota3A = tpu.iota {dimensions = array<i32: 1>} : vector<1x64xi32>
    %eq3A = vector.broadcast %broadcast_in_dim3A : vector<2000x1xi32> to vector<2000x64xi32>
    %eq3A_4 = vector.broadcast %iota3A : vector<1x64xi32> to vector<2000x64xi32>
    %eq3A_5 = arith.cmpi eq, %eq3A, %eq3A_4 : vector<2000x64xi32>
    %convert_element_type3A = arith.extui %eq3A_5 : vector<2000x64xi1> to vector<2000x64xi32>
    %convert_element_type3A_6 = arith.sitofp %convert_element_type3A : vector<2000x64xi32> to vector<2000x64xf32>
    %get3A_7 = arith.constant 0 : index
    %get3A_8 = arith.constant 0 : index
    %get3A_9 = vector.load %arg1[%get3A_7, %get3A_8] : memref<2000x128xf32, #tpu.memory_space<vmem>>, vector<2000x128xf32>
    %dot_general3A = arith.constant dense<0.000000e+00> : vector<64x128xf32>
    %dot_general3A_10 = tpu.matmul %convert_element_type3A_6, %get3A_9, %dot_general3A {dimension_numbers = #tpu.dot_dimension_numbers<[0], [0], [1], [1], [0, 1, 1, 1], [], []>, precision = #tpu.contract_precision<fp32>, transpose_lhs_hint = false} : vector<2000x64xf32>, vector<2000x128xf32>, vector<64x128xf32> -> vector<64x128xf32>
    %reduce_sum3A = arith.constant dense<0.000000e+00> : vector<64xf32>
    %reduce_sum3A_11 = vector.multi_reduction <add>, %convert_element_type3A_6, %reduce_sum3A [0] : vector<2000x64xf32> to vector<64xf32>
    %broadcast_in_dim3A_12 = vector.shape_cast %reduce_sum3A_11 : vector<64xf32> to vector<1x64xf32>
    %eq3A_13 = arith.constant 0 : i32
    %eq3A_14 = arith.cmpi eq, %arg0, %eq3A_13 : i32
    %convert_element_type3A_15 = arith.extui %eq3A_14 : i1 to i32
    %cond3A = arith.constant 0 : i32
    %cond3A_16 = arith.cmpi ne, %convert_element_type3A_15, %cond3A : i32
    scf.if %cond3A_16 {
      %swap3A = arith.constant 0 : index
      %swap3A_26 = arith.constant 0 : index
      %swap3A_27 = vector.load %arg5[%swap3A, %swap3A_26] : memref<64x128xf32, #tpu.memory_space<vmem>>, vector<64x128xf32>
      tpu.vector_store %arg5[%swap3A, %swap3A_26], %dot_general3A_10 {strides = array<i32>} : memref<64x128xf32, #tpu.memory_space<vmem>>, vector<64x128xf32>,
      %swap3A_28 = arith.constant 0 : index
      %swap3A_29 = arith.constant 0 : index
      %swap3A_30 = vector.load %arg6[%swap3A_28, %swap3A_29] : memref<1x64xf32, #tpu.memory_space<vmem>>, vector<1x64xf32>
      tpu.vector_store %arg6[%swap3A_28, %swap3A_29], %broadcast_in_dim3A_12 {strides = array<i32>} : memref<1x64xf32, #tpu.memory_space<vmem>>, vector<1x64xf32>,
    } else {
    }
    %gt3A = arith.constant 0 : i32
    %gt3A_17 = arith.cmpi sgt, %arg0, %gt3A : i32
    %convert_element_type3A_18 = arith.extui %gt3A_17 : i1 to i32
    %cond3A_19 = arith.constant 0 : i32
    %cond3A_20 = arith.cmpi ne, %convert_element_type3A_18, %cond3A_19 : i32
    scf.if %cond3A_20 {
      %get3A_26 = arith.constant 0 : index
      %get3A_27 = arith.constant 0 : index
      %get3A_28 = vector.load %arg5[%get3A_26, %get3A_27] : memref<64x128xf32, #tpu.memory_space<vmem>>, vector<64x128xf32>
      %add3A = arith.addf %get3A_28, %dot_general3A_10 : vector<64x128xf32>
      %swap3A = arith.constant 0 : index
      %swap3A_29 = arith.constant 0 : index
      %swap3A_30 = vector.load %arg5[%swap3A, %swap3A_29] : memref<64x128xf32, #tpu.memory_space<vmem>>, vector<64x128xf32>
      tpu.vector_store %arg5[%swap3A, %swap3A_29], %add3A {strides = array<i32>} : memref<64x128xf32, #tpu.memory_space<vmem>>, vector<64x128xf32>,
      %get3A_31 = arith.constant 0 : index
      %get3A_32 = arith.constant 0 : index
      %get3A_33 = vector.load %arg6[%get3A_31, %get3A_32] : memref<1x64xf32, #tpu.memory_space<vmem>>, vector<1x64xf32>
      %add3A_34 = arith.addf %get3A_33, %broadcast_in_dim3A_12 : vector<1x64xf32>
      %swap3A_35 = arith.constant 0 : index
      %swap3A_36 = arith.constant 0 : index
      %swap3A_37 = vector.load %arg6[%swap3A_35, %swap3A_36] : memref<1x64xf32, #tpu.memory_space<vmem>>, vector<1x64xf32>
      tpu.vector_store %arg6[%swap3A_35, %swap3A_36], %add3A_34 {strides = array<i32>} : memref<1x64xf32, #tpu.memory_space<vmem>>, vector<1x64xf32>,
    } else {
    }
    %eq3A_21 = arith.constant 49 : i32
    %eq3A_22 = arith.cmpi eq, %arg0, %eq3A_21 : i32
    %convert_element_type3A_23 = arith.extui %eq3A_22 : i1 to i32
    %cond3A_24 = arith.constant 0 : i32
    %cond3A_25 = arith.cmpi ne, %convert_element_type3A_23, %cond3A_24 : i32
    scf.if %cond3A_25 {
      %get3A_26 = arith.constant 0 : index
      %get3A_27 = arith.constant 0 : index
      %get3A_28 = vector.load %arg5[%get3A_26, %get3A_27] : memref<64x128xf32, #tpu.memory_space<vmem>>, vector<64x128xf32>
      %swap3A = arith.constant 0 : index
      %swap3A_29 = arith.constant 0 : index
      %swap3A_30 = vector.load %arg3[%swap3A, %swap3A_29] : memref<64x128xf32, #tpu.memory_space<vmem>>, vector<64x128xf32>
      tpu.vector_store %arg3[%swap3A, %swap3A_29], %get3A_28 {strides = array<i32>} : memref<64x128xf32, #tpu.memory_space<vmem>>, vector<64x128xf32>,
      %get3A_31 = arith.constant 0 : index
      %get3A_32 = arith.constant 0 : index
      %get3A_33 = vector.load %arg6[%get3A_31, %get3A_32] : memref<1x64xf32, #tpu.memory_space<vmem>>, vector<1x64xf32>
      %swap3A_34 = arith.constant 0 : index
      %swap3A_35 = arith.constant 0 : index
      %swap3A_36 = vector.load %arg4[%swap3A_34, %swap3A_35] : memref<1x64xf32, #tpu.memory_space<vmem>>, vector<1x64xf32>
      tpu.vector_store %arg4[%swap3A_34, %swap3A_35], %get3A_33 {strides = array<i32>} : memref<1x64xf32, #tpu.memory_space<vmem>>, vector<1x64xf32>,
    } else {
    }
    return
  }
  func.func @transform_0(%arg0: i32) -> (i32, i32) {
    %c0_i32 = arith.constant 0 : i32
    %c0_i32_0 = arith.constant 0 : i32
    return %arg0, %c0_i32 : i32, i32
  }
  func.func @transform_1(%arg0: i32) -> (i32, i32, i32) {
    %c0_i32 = arith.constant 0 : i32
    %c0_i32_0 = arith.constant 0 : i32
    %c0_i32_1 = arith.constant 0 : i32
    return %arg0, %c0_i32, %c0_i32_0 : i32, i32, i32
  }
  func.func @transform_2(%arg0: i32) -> (i32, i32) {
    %c0_i32 = arith.constant 0 : i32
    %c0_i32_0 = arith.constant 0 : i32
    %c0_i32_1 = arith.constant 0 : i32
    return %c0_i32, %c0_i32_0 : i32, i32
  }
  func.func @transform_3(%arg0: i32) -> (i32, i32) {
    %c0_i32 = arith.constant 0 : i32
    %c0_i32_0 = arith.constant 0 : i32
    %c0_i32_1 = arith.constant 0 : i32
    return %c0_i32, %c0_i32_0 : i32, i32
  }
}

module attributes {stable_mosaic.version = 14 : i64} {
  func.func @_e_mlp_body(%arg0: i32, %arg1: memref<1x8x2000xf32, #tpu.memory_space<vmem>>, %arg2: memref<1x1x2000xi32, #tpu.memory_space<vmem>>, %arg3: memref<64x128xf32, #tpu.memory_space<vmem>>, %arg4: memref<1x64xf32, #tpu.memory_space<vmem>>, %arg5: memref<64x64xf32, #tpu.memory_space<vmem>>, %arg6: memref<196x128xf32, #tpu.memory_space<vmem>>, %arg7: memref<1x128xf32, #tpu.memory_space<vmem>>, %arg8: memref<128x128xf32, #tpu.memory_space<vmem>>, %arg9: memref<1x128xf32, #tpu.memory_space<vmem>>, %arg10: memref<64x128xf32, #tpu.memory_space<vmem>>, %arg11: memref<8x64xf32, #tpu.memory_space<vmem>>) attributes {dimension_semantics = [#tpu.dimension_semantics<arbitrary>], iteration_bounds = array<i64: 50>, scalar_prefetch = 0 : i64, scratch_operands = 1 : i64, tpu.core_type = #tpu.core_type<tc>, window_params = [{transform_indices = @transform_0, window_bounds = array<i64: 1, 8, 2000>}, {transform_indices = @transform_1, window_bounds = array<i64: 1, 1, 2000>}, {pipeline_mode = #tpu.pipeline_mode<synchronous>, transform_indices = @transform_2, window_bounds = array<i64: 64, 128>}, {pipeline_mode = #tpu.pipeline_mode<synchronous>, transform_indices = @transform_3, window_bounds = array<i64: 1, 64>}, {pipeline_mode = #tpu.pipeline_mode<synchronous>, transform_indices = @transform_4, window_bounds = array<i64: 64, 64>}, {pipeline_mode = #tpu.pipeline_mode<synchronous>, transform_indices = @transform_5, window_bounds = array<i64: 196, 128>}, {pipeline_mode = #tpu.pipeline_mode<synchronous>, transform_indices = @transform_6, window_bounds = array<i64: 1, 128>}, {pipeline_mode = #tpu.pipeline_mode<synchronous>, transform_indices = @transform_7, window_bounds = array<i64: 128, 128>}, {pipeline_mode = #tpu.pipeline_mode<synchronous>, transform_indices = @transform_8, window_bounds = array<i64: 1, 128>}, {pipeline_mode = #tpu.pipeline_mode<synchronous>, transform_indices = @transform_9, window_bounds = array<i64: 64, 128>}]} {
    %get3A = arith.constant 0 : index
    %get3A_0 = arith.constant 0 : index
    %get3A_1 = arith.constant 0 : index
    %get3A_2 = vector.load %arg2[%get3A, %get3A_0, %get3A_1] : memref<1x1x2000xi32, #tpu.memory_space<vmem>>, vector<1x1x2000xi32>
    %get3A_3 = vector.shape_cast %get3A_2 : vector<1x1x2000xi32> to vector<2000xi32>
    %broadcast_in_dim3A = vector.shape_cast %get3A_3 : vector<2000xi32> to vector<2000x1xi32>
    %iota3A = tpu.iota {dimensions = array<i32: 1>} : vector<1x64xi32>
    %eq3A = vector.broadcast %broadcast_in_dim3A : vector<2000x1xi32> to vector<2000x64xi32>
    %eq3A_4 = vector.broadcast %iota3A : vector<1x64xi32> to vector<2000x64xi32>
    %eq3A_5 = arith.cmpi eq, %eq3A, %eq3A_4 : vector<2000x64xi32>
    %convert_element_type3A = arith.extui %eq3A_5 : vector<2000x64xi1> to vector<2000x64xi32>
    %convert_element_type3A_6 = arith.sitofp %convert_element_type3A : vector<2000x64xi32> to vector<2000x64xf32>
    %get3A_7 = arith.constant 0 : index
    %get3A_8 = arith.constant 0 : index
    %get3A_9 = arith.constant 0 : index
    %get3A_10 = vector.load %arg1[%get3A_7, %get3A_8, %get3A_9] : memref<1x8x2000xf32, #tpu.memory_space<vmem>>, vector<1x8x2000xf32>
    %slice3A = vector.extract_strided_slice %get3A_10 {offsets = [0, 0, 0], sizes = [1, 4, 2000], strides = [1, 1, 1]} : vector<1x8x2000xf32> to vector<1x4x2000xf32>
    %squeeze3A = vector.shape_cast %slice3A : vector<1x4x2000xf32> to vector<4x2000xf32>
    %broadcast_in_dim3A_11 = arith.constant 0.000000e+00 : f32
    %broadcast_in_dim3A_12 = vector.broadcast %broadcast_in_dim3A_11 : f32 to vector<4x2000xf32>
    %concatenate3A = tpu.concatenate %squeeze3A, %broadcast_in_dim3A_12 in 0 : vector<4x2000xf32>, vector<4x2000xf32> -> vector<8x2000xf32>
    %dot_general3A = arith.constant dense<0.000000e+00> : vector<8x64xf32>
    %dot_general3A_13 = tpu.matmul %concatenate3A, %convert_element_type3A_6, %dot_general3A {dimension_numbers = #tpu.dot_dimension_numbers<[1], [0], [0], [1], [0, 0, 1, 1], [], []>, precision = #tpu.contract_precision<fp32>, transpose_lhs_hint = false} : vector<8x2000xf32>, vector<2000x64xf32>, vector<8x64xf32> -> vector<8x64xf32>
    %eq3A_14 = arith.constant 0 : i32
    %eq3A_15 = arith.cmpi eq, %arg0, %eq3A_14 : i32
    %convert_element_type3A_16 = arith.extui %eq3A_15 : i1 to i32
    %cond3A = arith.constant 0 : i32
    %cond3A_17 = arith.cmpi ne, %convert_element_type3A_16, %cond3A : i32
    scf.if %cond3A_17 {
      %swap3A = arith.constant 0 : index
      %swap3A_27 = arith.constant 0 : index
      %swap3A_28 = vector.load %arg11[%swap3A, %swap3A_27] : memref<8x64xf32, #tpu.memory_space<vmem>>, vector<8x64xf32>
      tpu.vector_store %arg11[%swap3A, %swap3A_27], %dot_general3A_13 {strides = array<i32>} : memref<8x64xf32, #tpu.memory_space<vmem>>, vector<8x64xf32>,
    } else {
    }
    %gt3A = arith.constant 0 : i32
    %gt3A_18 = arith.cmpi sgt, %arg0, %gt3A : i32
    %convert_element_type3A_19 = arith.extui %gt3A_18 : i1 to i32
    %cond3A_20 = arith.constant 0 : i32
    %cond3A_21 = arith.cmpi ne, %convert_element_type3A_19, %cond3A_20 : i32
    scf.if %cond3A_21 {
      %get3A_27 = arith.constant 0 : index
      %get3A_28 = arith.constant 0 : index
      %get3A_29 = vector.load %arg11[%get3A_27, %get3A_28] : memref<8x64xf32, #tpu.memory_space<vmem>>, vector<8x64xf32>
      %add3A = arith.addf %get3A_29, %dot_general3A_13 : vector<8x64xf32>
      %swap3A = arith.constant 0 : index
      %swap3A_30 = arith.constant 0 : index
      %swap3A_31 = vector.load %arg11[%swap3A, %swap3A_30] : memref<8x64xf32, #tpu.memory_space<vmem>>, vector<8x64xf32>
      tpu.vector_store %arg11[%swap3A, %swap3A_30], %add3A {strides = array<i32>} : memref<8x64xf32, #tpu.memory_space<vmem>>, vector<8x64xf32>,
    } else {
    }
    %eq3A_22 = arith.constant 49 : i32
    %eq3A_23 = arith.cmpi eq, %arg0, %eq3A_22 : i32
    %convert_element_type3A_24 = arith.extui %eq3A_23 : i1 to i32
    %cond3A_25 = arith.constant 0 : i32
    %cond3A_26 = arith.cmpi ne, %convert_element_type3A_24, %cond3A_25 : i32
    scf.if %cond3A_26 {
      %get3A_27 = arith.constant 0 : index
      %get3A_28 = arith.constant 0 : index
      %get3A_29 = vector.load %arg4[%get3A_27, %get3A_28] : memref<1x64xf32, #tpu.memory_space<vmem>>, vector<1x64xf32>
      %max3A = arith.constant 1.000000e+00 : f32
      %max3A_30 = vector.broadcast %max3A : f32 to vector<1x64xf32>
      %max3A_31 = arith.maximumf %get3A_29, %max3A_30 : vector<1x64xf32>
      %get3A_32 = arith.constant 0 : index
      %get3A_33 = arith.constant 0 : index
      %get3A_34 = vector.load %arg3[%get3A_32, %get3A_33] : memref<64x128xf32, #tpu.memory_space<vmem>>, vector<64x128xf32>
      %transpose3A = tpu.transpose %max3A_31, [1, 0] : vector<1x64xf32> -> vector<64x1xf32>
      %div3A = vector.broadcast %transpose3A : vector<64x1xf32> to vector<64x128xf32>
      %div3A_35 = arith.divf %get3A_34, %div3A : vector<64x128xf32>
      %get3A_36 = arith.constant 0 : index
      %get3A_37 = arith.constant 0 : index
      %get3A_38 = vector.load %arg11[%get3A_36, %get3A_37] : memref<8x64xf32, #tpu.memory_space<vmem>>, vector<8x64xf32>
      %slice3A_39 = vector.extract_strided_slice %get3A_38 {offsets = [0, 0], sizes = [4, 64], strides = [1, 1]} : vector<8x64xf32> to vector<4x64xf32>
      %div3A_40 = vector.broadcast %max3A_31 : vector<1x64xf32> to vector<4x64xf32>
      %div3A_41 = arith.divf %slice3A_39, %div3A_40 : vector<4x64xf32>
      %transpose3A_42 = tpu.transpose %div3A_41, [1, 0] : vector<4x64xf32> -> vector<64x4xf32>
      %get3A_43 = arith.constant 0 : index
      %get3A_44 = arith.constant 0 : index
      %get3A_45 = vector.load %arg5[%get3A_43, %get3A_44] : memref<64x64xf32, #tpu.memory_space<vmem>>, vector<64x64xf32>
      %concatenate3A_46 = tpu.concatenate %get3A_45, %div3A_35, %transpose3A_42 in 1 : vector<64x64xf32>, vector<64x128xf32>, vector<64x4xf32> -> vector<64x196xf32>
      %get3A_47 = arith.constant 0 : index
      %get3A_48 = arith.constant 0 : index
      %get3A_49 = vector.load %arg6[%get3A_47, %get3A_48] : memref<196x128xf32, #tpu.memory_space<vmem>>, vector<196x128xf32>
      %dot_general3A_50 = arith.constant dense<0.000000e+00> : vector<64x128xf32>
      %dot_general3A_51 = tpu.matmul %concatenate3A_46, %get3A_49, %dot_general3A_50 {dimension_numbers = #tpu.dot_dimension_numbers<[1], [0], [0], [1], [0, 0, 1, 1], [], []>, precision = #tpu.contract_precision<fp32>, transpose_lhs_hint = false} : vector<64x196xf32>, vector<196x128xf32>, vector<64x128xf32> -> vector<64x128xf32>
      %get3A_52 = arith.constant 0 : index
      %get3A_53 = arith.constant 0 : index
      %get3A_54 = vector.load %arg7[%get3A_52, %get3A_53] : memref<1x128xf32, #tpu.memory_space<vmem>>, vector<1x128xf32>
      %add3A = vector.broadcast %get3A_54 : vector<1x128xf32> to vector<64x128xf32>
      %add3A_55 = arith.addf %dot_general3A_51, %add3A : vector<64x128xf32>
      %max3A_56 = arith.constant 0.000000e+00 : f32
      %max3A_57 = vector.broadcast %max3A_56 : f32 to vector<64x128xf32>
      %max3A_58 = arith.maximumf %add3A_55, %max3A_57 : vector<64x128xf32>
      %get3A_59 = arith.constant 0 : index
      %get3A_60 = arith.constant 0 : index
      %get3A_61 = vector.load %arg8[%get3A_59, %get3A_60] : memref<128x128xf32, #tpu.memory_space<vmem>>, vector<128x128xf32>
      %dot_general3A_62 = arith.constant dense<0.000000e+00> : vector<64x128xf32>
      %dot_general3A_63 = tpu.matmul %max3A_58, %get3A_61, %dot_general3A_62 {dimension_numbers = #tpu.dot_dimension_numbers<[1], [0], [0], [1], [0, 0, 1, 1], [], []>, precision = #tpu.contract_precision<fp32>, transpose_lhs_hint = false} : vector<64x128xf32>, vector<128x128xf32>, vector<64x128xf32> -> vector<64x128xf32>
      %get3A_64 = arith.constant 0 : index
      %get3A_65 = arith.constant 0 : index
      %get3A_66 = vector.load %arg9[%get3A_64, %get3A_65] : memref<1x128xf32, #tpu.memory_space<vmem>>, vector<1x128xf32>
      %add3A_67 = vector.broadcast %get3A_66 : vector<1x128xf32> to vector<64x128xf32>
      %add3A_68 = arith.addf %dot_general3A_63, %add3A_67 : vector<64x128xf32>
      %swap3A = arith.constant 0 : index
      %swap3A_69 = arith.constant 0 : index
      %swap3A_70 = vector.load %arg10[%swap3A, %swap3A_69] : memref<64x128xf32, #tpu.memory_space<vmem>>, vector<64x128xf32>
      tpu.vector_store %arg10[%swap3A, %swap3A_69], %add3A_68 {strides = array<i32>} : memref<64x128xf32, #tpu.memory_space<vmem>>, vector<64x128xf32>,
    } else {
    }
    return
  }
  func.func @transform_0(%arg0: i32) -> (i32, i32, i32) {
    %c0_i32 = arith.constant 0 : i32
    %c0_i32_0 = arith.constant 0 : i32
    %c0_i32_1 = arith.constant 0 : i32
    return %arg0, %c0_i32, %c0_i32_0 : i32, i32, i32
  }
  func.func @transform_1(%arg0: i32) -> (i32, i32, i32) {
    %c0_i32 = arith.constant 0 : i32
    %c0_i32_0 = arith.constant 0 : i32
    %c0_i32_1 = arith.constant 0 : i32
    return %arg0, %c0_i32, %c0_i32_0 : i32, i32, i32
  }
  func.func @transform_2(%arg0: i32) -> (i32, i32) {
    %c0_i32 = arith.constant 0 : i32
    %c0_i32_0 = arith.constant 0 : i32
    %c0_i32_1 = arith.constant 0 : i32
    return %c0_i32, %c0_i32_0 : i32, i32
  }
  func.func @transform_3(%arg0: i32) -> (i32, i32) {
    %c0_i32 = arith.constant 0 : i32
    %c0_i32_0 = arith.constant 0 : i32
    %c0_i32_1 = arith.constant 0 : i32
    return %c0_i32, %c0_i32_0 : i32, i32
  }
  func.func @transform_4(%arg0: i32) -> (i32, i32) {
    %c0_i32 = arith.constant 0 : i32
    %c0_i32_0 = arith.constant 0 : i32
    %c0_i32_1 = arith.constant 0 : i32
    return %c0_i32, %c0_i32_0 : i32, i32
  }
  func.func @transform_5(%arg0: i32) -> (i32, i32) {
    %c0_i32 = arith.constant 0 : i32
    %c0_i32_0 = arith.constant 0 : i32
    %c0_i32_1 = arith.constant 0 : i32
    return %c0_i32, %c0_i32_0 : i32, i32
  }
  func.func @transform_6(%arg0: i32) -> (i32, i32) {
    %c0_i32 = arith.constant 0 : i32
    %c0_i32_0 = arith.constant 0 : i32
    %c0_i32_1 = arith.constant 0 : i32
    return %c0_i32, %c0_i32_0 : i32, i32
  }
  func.func @transform_7(%arg0: i32) -> (i32, i32) {
    %c0_i32 = arith.constant 0 : i32
    %c0_i32_0 = arith.constant 0 : i32
    %c0_i32_1 = arith.constant 0 : i32
    return %c0_i32, %c0_i32_0 : i32, i32
  }
  func.func @transform_8(%arg0: i32) -> (i32, i32) {
    %c0_i32 = arith.constant 0 : i32
    %c0_i32_0 = arith.constant 0 : i32
    %c0_i32_1 = arith.constant 0 : i32
    return %c0_i32, %c0_i32_0 : i32, i32
  }
  func.func @transform_9(%arg0: i32) -> (i32, i32) {
    %c0_i32 = arith.constant 0 : i32
    %c0_i32_0 = arith.constant 0 : i32
    %c0_i32_1 = arith.constant 0 : i32
    return %c0_i32, %c0_i32_0 : i32, i32
  }
}

</mosaic_0001>

<sc_bundles>
// kernel: kernel.6.cloned.1.call-start
scs
__scs_entry_jumppad:
0x0: {  	(pc) =	sbr.rel $0x88, $3  }
0x1: {  	(tag) =	ssettag $0x0;
	lr =	simm.s32 $0x1  }
0x2: {  	[smem:$0x3F98] =	sst lr;
	_ =	strace $0xD0000000  }
0x3: {  	_ = 	snop  }
0x4: {  	_ = 	snop  }
0x5: {  	_ = 	snop  }
0x6: {  	_ = 	snop  }
0x7: {  	_ = 	snop  }
__scs_overlays_trampoline_lowered:
0x8: {  	[smem:$0x3FA7] =	sst s0  }
0x9: {  	[smem:$0x3FA8] =	sst s1  }
0xa: {  	[smem:$0x3FA9] =	sst s2  }
0xb: {  	[smem:$0x3FAA] =	sst s3  }
0xc: {  	[smem:$0x3FAB] =	sst s4  }
0xd: {  	[smem:$0x3FAC] =	sst s5  }
0xe: {  	[smem:$0x3FAD] =	sst s6  }
0xf: {  	[smem:$0x3FAE] =	sst s7  }
0x10: {  	[smem:$0x3FAF] =	sst s8  }
0x11: {  	[smem:$0x3FB0] =	sst s9;
	s0 =	simm.s32 @!p0 $0x0  }
0x12: {  	s1 =	sld [smem:$0x3F96];
	s0 =	simm.s32 @p0 $0x1  }
0x13: {  	[smem:$0x3FB1] =	sst s0;
	s0 =	simm.s32 @!p1 $0x0  }
0x14: {  	s2 =	sld [smem:$0x3F95];
	s0 =	simm.s32 @p1 $0x1  }
0x15: {  	[smem:$0x3FB2] =	sst s0;
	s0 =	simm.s32 @!p2 $0x0  }
0x16: {  	s3 =	sld [smem:$0x3FDB];
	s0 =	simm.s32 @p2 $0x1  }
0x17: {  	s4 =	simm.s32 $0x1BF5;
	[smem:$0x3FB4] =	sst s0  }
0x18: {  	s0 =	sld [smem:$0x3F97];
	_ =	swait.ge [sflag:s4], $0x0  }
0x19: {  	s7 =	sld [smem:$0x3F98]  }
0x1a: {  	s8 =	sadd.s32 $0xFFFFE003, lr  }
0x1b: {  	s9 =	sadd.s32 $0xFFFFFEF7, lr;
	s5 =	simm.s32 $0xFFFFFFFF;
	p2 =	slt.u32 s8, $0xFFFFF086  }
0x1c: {  	p1 =	slt.u32 s9, $0xF7A;
	s5 =	simm.s32 @!p2 $0x0  }
0x1d: {  	s5 =	simm.s32 @p1 $0x1;
	p0 =	seq.s32 s7, s2  }
0x1e: {  	s7 =	smul.u32 @!p0 $0xF7A, s2;
	p2 =	seq.s32 @!p0 s5, $0x0  }
0x1f: {  	s9 =	smul.u32 $0xF7A, s1;
	s8 =	simm.s32 @!p0 $0x1BF5;
	p2 =	por !p2, p0  }
0x20: {  	[sflag:s8] =	ssyncset.s32 @!p0 $0xFFFFF086;
	s6 =	sadd.s32 @!p0 s3, s7;
	s7 =	simm.s32 @!p0 $0x108  }
0x21: {  	s3 =	sadd.s32 s3, s9;
	s6 =	sadd.s32 @!p0 $0x88, s6;
	s7 =	simm.s32 @p2 $0x1082  }
0x22: {  	[simem:s7], [sflag:s8] =	dma.local @!p0 [hbm:s6], $0xF7A  }
0x23: {  	s9 =	sor.u32 $0xD0000000, s2;
	s6 =	simm.s32 $0x108;
	_ =	swait.ge @!p0 [sflag:s8], $0x0  }
0x24: {  	s3 =	sadd.s32 $0x88, s3;
	s6 =	simm.s32 @!p1 $0x1082;
	[sflag:s4] =	ssyncset.s32 $0xFFFFF086  }
0x25: {  	[simem:s6], [sflag:s4] =	dma.local [hbm:s3], $0xF7A  }
0x26: {  	[smem:$0x3F98] =	sst s1;
	(tag) =	ssettag s2;
	_ =	strace s9  }
0x27: {  	s1 =	sld [smem:$0x3FA8]  }
0x28: {  	s2 =	sld [smem:$0x3FA9]  }
0x29: {  	s4 =	sld [smem:$0x3FAB]  }
0x2a: {  	p0 =	seq.s32 s5, $0x0;
	s5 =	sld [smem:$0x3FAC]  }
0x2b: {  	s6 =	sld [smem:$0x3FAD]  }
0x2c: {  	s7 =	sld [smem:$0x3FAE]  }
0x2d: {  	s3 =	simm.s32 $0x108;
	s8 =	sld [smem:$0x3FAF]  }
0x2e: {  	s3 =	simm.s32 @!p0 $0x1082;
	s9 =	sld [smem:$0x3FB0]  }
0x2f: {  	lr =	sadd.s32 s0, s3;
	s0 =	sld [smem:$0x3FA7]  }
0x30: {  	s3 =	sld [smem:$0x3FAA]  }
0x31: {  	[smem:$0x3FB3] =	sst s10  }
0x32: {  	s10 =	sld [smem:$0x3FB1];
	_ =	sdelay $0x3  }
0x33: {  	p0 =	seq.s32 s10, $0x1;
	s10 =	sld [smem:$0x3FB3];
	_ =	sdelay $0x3  }
0x34: {  	[smem:$0x3FB3] =	sst s10  }
0x35: {  	s10 =	sld [smem:$0x3FB2];
	_ =	sdelay $0x3  }
0x36: {  	p1 =	seq.s32 s10, $0x1;
	s10 =	sld [smem:$0x3FB3];
	_ =	sdelay $0x3  }
0x37: {  	[smem:$0x3FB3] =	sst s10  }
0x38: {  	s10 =	sld [smem:$0x3FB4]  }
0x39: {  	_ = 	snop;
	(pc) =	sbr.ind lr, $3  }
0x3a: {  	_ = 	snop  }
0x3b: {  	_ = 	snop  }
0x3c: {  	p2 =	seq.s32 s10, $0x1;
	s10 =	sld [smem:$0x3FB3]  }
0x3d: {  	_ =	shalt  }
0x3e: {  	_ =	shalt  }
0x3f: {  	_ =	shalt  }
0x40: {  	_ =	shalt  }
0x41: {  	_ =	shalt  }
0x42: {  	_ =	shalt  }
0x43: {  	_ =	shalt  }
0x44: {  	_ =	shalt  }
0x45: {  	_ =	shalt  }
0x46: {  	_ =	shalt  }
0x47: {  	_ =	shalt  }
0x48: {  	_ =	shalt  }
0x49: {  	_ =	shalt  }
0x4a: {  	_ =	shalt  }
0x4b: {  	_ =	shalt  }
0x4c: {  	_ =	shalt  }
0x4d: {  	_ =	shalt  }
0x4e: {  	_ =	shalt  }
0x4f: {  	_ =	shalt  }
0x50: {  	_ =	shalt  }
0x51: {  	_ =	shalt  }
0x52: {  	_ =	shalt  }
0x53: {  	_ =	shalt  }
0x54: {  	_ =	shalt  }
0x55: {  	_ =	shalt  }
0x56: {  	_ =	shalt  }
0x57: {  	_ =	shalt  }
0x58: {  	_ =	shalt  }
0x59: {  	_ =	shalt  }
0x5a: {  	_ =	shalt  }
0x5b: {  	_ =	shalt  }
0x5c: {  	_ =	shalt  }
0x5d: {  	_ =	shalt  }
0x5e: {  	_ =	shalt  }
0x5f: {  	_ =	shalt  }
0x60: {  	_ =	shalt  }
0x61: {  	_ =	shalt  }
0x62: {  	_ =	shalt  }
0x63: {  	_ =	shalt  }
0x64: {  	_ =	shalt  }
0x65: {  	_ =	shalt  }
0x66: {  	_ =	shalt  }
0x67: {  	_ =	shalt  }
0x68: {  	_ =	shalt  }
0x69: {  	_ =	shalt  }
0x6a: {  	_ =	shalt  }
0x6b: {  	_ =	shalt  }
0x6c: {  	_ =	shalt  }
0x6d: {  	_ =	shalt  }
0x6e: {  	_ =	shalt  }
0x6f: {  	_ =	shalt  }
0x70: {  	_ =	shalt  }
0x71: {  	_ =	shalt  }
0x72: {  	_ =	shalt  }
0x73: {  	_ =	shalt  }
0x74: {  	_ =	shalt  }
0x75: {  	_ =	shalt  }
0x76: {  	_ =	shalt  }
0x77: {  	_ =	shalt  }
0x78: {  	_ =	shalt  }
0x79: {  	_ =	shalt  }
0x7a: {  	_ =	shalt  }
0x7b: {  	_ =	shalt  }
0x7c: {  	_ =	shalt  }
0x7d: {  	_ =	shalt  }
0x7e: {  	_ =	shalt  }
0x7f: {  	_ =	shalt  }
0x80: {  	_ =	shalt  }
0x81: {  	_ =	shalt  }
0x82: {  	_ =	shalt  }
0x83: {  	_ =	shalt  }
0x84: {  	_ =	shalt  }
0x85: {  	_ =	shalt  }
0x86: {  	_ =	shalt  }
0x87: {  	_ =	shalt  }
.Lfunc_end0:
.L_simem_size_0:
called_computation.2_lowered:
.L_overlay_start_0:
0x88: {  	s2 =	sld [smem:$0x3FD9]  }
0x89: {  	s3 =	sld [smem:$0x3FFE];
	_ =	sdelay $0x1  }
0x8a: {  	s1 =	srdreg.scid  }
0x8b: {  	s0 =	sand.u32 $0x1, s1  }
0x8c: {  	s17 =	sshll.u32 s0, $0xA;
	s2 =	sadd.s32 s3, s2  }
0x8d: {  	s2 =	sadd.s32 s2, s17  }
0x8e: {  	[smem:$0x3FBF] =	sst s2  }
0x8f: {  	_ = 	snop  }
0x90: {  	s2 =	sld [smem:$0x3FD0];
	(tm) =	ssettm $0x1  }
0x91: {  	s18 =	sld [smem:$0x3FFB];
	_ =	sdelay $0x3  }
0x92: {  	_ =	strace s18  }
0x93: {  	s3 =	sld [smem:$0x3FFC];
	_ =	sdelay $0x3  }
0x94: {  	_ =	strace s3  }
0x95: {  	s3 =	sld [smem:$0x3FFD];
	_ =	sdelay $0x3  }
0x96: {  	_ =	strace s3  }
0x97: {  	_ =	strace $0x8FFFFFFF  }
0x98: {  	s19 =	sld [smem:$0x3FDB];
	_ =	sdelay $0x1  }
0x99: {  	s4 =	simm.s32 $_scs_section_size  }
0x9a: {  	s5 =	simm.s32 $_size__tile_overlayer_lowered;
	s6 =	simm.s32 $_tile_overlayer_lowered  }
0x9b: {  	s22 =	simm.s32 $0x1BFF;
	s21 =	sshll.u32 s6, $0x1;
	s3 =	sadd.s32 s4, s19  }
0x9c: {  	s7 =	simm.s32 $0x0;
	s20 =	sshll.u32 s5, $0x1;
	s5 =	sadd.s32 s21, s3  }
0x9d: {  	[timem:s7], [sflag:s22] =	dma.local [hbm:s5], s20  }
0x9e: {  	_ =	swait.ge [sflag:s22], s20  }
0x9f: {  	s4 =	ssub.s32 $0x0, s20;
	[sflag:s22] =	ssyncset.done $0x0  }
0xa0: {  	[sflag:s22] =	ssyncadd.s32 s4;
	_ =	sdelay $0x1  }
0xa1: {  	s23 =	simm.s32 $0x1B8B  }
0xa2: {  	_ =	swait.ge [sflag:s23], $0x1  }
0xa3: {  	[sflag:s23] =	ssyncset.done $0x0  }
0xa4: {  	s25 =	simm.s32 $0x1B8E;
	s24 =	sld [smem:$0x3FFE];
	[sflag:s23] =	ssyncadd.s32 $0xFFFFFFFF  }
0xa5: {  	s26 =	simm.s32 $execute0_lowered;
	[smem:$0x3FD2] =	sst s25  }
0xa6: {  	s5 =	sshll.u32 s26, $0x1;
	_ =	strace $0x8000004C;
	[dreg:$0x1] =	wrdreg $0xFFFFFFFF  }
0xa7: {  	s28 =	simm.s32 $_size_execute0_lowered;
	s3 =	sadd.s32 s3, s5;
	[dreg:$0x0] =	wrdreg $0x0  }
0xa8: {  	s5 =	sshll.u32 s28, $0x1;
	[dreg:$0x2] =	wrdreg s3  }
0xa9: {  	[dreg:$0x3] =	wrdreg s5  }
0xaa: {  	[dreg:$0x4] =	wrdreg $0xC0  }
0xab: {  	_ =	task [dreg:s7], $0x5FFFF  }
0xac: {  	[dreg:$0x1] =	wrdreg $0xFFFFFFFF  }
0xad: {  	[dreg:$0x0] =	wrdreg $0x60  }
0xae: {  	[dreg:$0x2] =	wrdreg s24  }
0xaf: {  	[dreg:$0x3] =	wrdreg s2  }
0xb0: {  	[dreg:$0x4] =	wrdreg $0x70700  }
0xb1: {  	[dreg:$0x5] =	wrdreg $0x88E00  }
0xb2: {  	[dreg:$0x6] =	wrdreg $0xA1500  }
0xb3: {  	[dreg:$0x7] =	wrdreg $0xB9C00  }
0xb4: {  	[dreg:$0x8] =	wrdreg $0xD2300  }
0xb5: {  	[dreg:$0x9] =	wrdreg $0x9  }
0xb6: {  	_ =	task.clear_ibuf [dreg:s7], $0xAFFFF;
	_ =	strace $0x9000004C  }
0xb7: {  	s29 =	simm.s32 $0x9;
	_ =	strace $0x8000004E  }
0xb8: {  	_ =	swait.ge [sflag:s29], $0x1  }
0xb9: {  	[sflag:s29] =	ssyncadd.s32 $0xFFFFFFFF  }
0xba: {  	_ =	strace $0x9000004E  }
0xbb: {  	_ =	sfence  }
0xbc: {  	s30 =	sld [smem:$0x0];
	_ =	sdelay $0x2  }
0xbd: {  	s31 =	sshll.u32 s1, $0xD;
	s1 =	sshrl.u32 s1, $0x2  }
0xbe: {  	s3 =	sand.u32 $0x4000, s31;
	s1 =	sadd.s32 s1, s30  }
0xbf: {  	s0 =	sor.u32 s3, s0;
	s1 =	sshll.u32 s1, $0x11  }
0xc0: {  	s0 =	sor.u32 s1, s0  }
0xc1: {  	s0 =	sadd.s32 $0x8F2B, s0  }
0xc2: {  	[sflag:s0] =	ssyncadd.remote.s32 $0x1  }
0xc3: {  	_ =	sfence.sel $0xFFFF  }
0xc4: {  	[dreg:$0x0] =	wrdreg $0xFFFFFFFF;
	(pc) =	sbr.abs _section_cstart, $3  }
0xc5: {  	[dreg:$0x1] =	wrdreg $0xFFFFFFFF  }
0xc6: {  	_ =	task.clear_ibuf [dreg:s7], $0x2FFFF;
	_ =	strace $0x9FFFFFFF  }
0xc7: {  	(tm) =	ssettm $0x7FFFFFFF  }
tec
execute0_lowered:
.L_overlay_start_1:
0x0: {  	(tag) =	ssettag $0x1  }
0x1: {  	s0 =	rddreg [dreg:$0x0]  }
0x2: {  	s2 =	rddreg [dreg:$0x2]  }
0x3: {  	s3 =	rddreg [dreg:$0x3]  }
0x4: {  	s4 =	rddreg [dreg:$0x4]  }
0x5: {  	s5 =	rddreg [dreg:$0x5]  }
0x6: {  	s6 =	rddreg [dreg:$0x6];
	s7 =	simm.s32 $0x0  }
0x7: {  	s1 =	srdreg.scid;
	[smem:$0x7FF] =	sst s7;
	s10 =	sadd.s32 $0x1E00, s0  }
0x8: {  	s16 =	stileid.u32;
	s9 =	sadd.s32 $0x188800, s0;
	s11 =	sadd.s32 $0x495C00, s0  }
0x9: {  	s1 =	sand.u32 $0x1, s1;
	s12 =	smul.u32 $0x1870, s16;
	s0 =	sadd.s32 $0x495E00, s0  }
0xa: {  	s22 =	sshll.u32 s16, $0x1;
	s15 =	sshll.u32 s16, $0x9;
	s17 =	sshll.u32 s16, $0xC  }
0xb: {  	p1 =	seq.s32 s16, $0xF;
	_ =	strace $0x8000004D;
	s8 =	ssub.s32 $0x2, s1  }
0xc: {  	[dreg:$0x8] =	wrdreg s11;
	s11 =	sor.u32 s1, s22;
	s23 =	smul.u32 $0x7A120, s1  }
0xd: {  	[dreg:$0x1e] =	wrdreg s9;
	s21 =	sshrl.u32 s8, $0x1;
	s13 =	sadd.s32 s12, s2  }
0xe: {  	s14 =	sadd.s32 s12, s3;
	s20 =	sadd.s32 s12, s4;
	[dreg:$0x9] =	wrdreg s13  }
0xf: {  	s24 =	sadd.s32 s12, s5;
	s25 =	sadd.s32 s12, s6;
	[dreg:$0xa] =	wrdreg s14  }
0x10: {  	s26 =	sshll.u32 s11, $0x8;
	p0 =	sgt.u32 s11, $0x14;
	[dreg:$0xc] =	wrdreg s24  }
0x11: {  	s11 =	sor.u32 $0x20, s11;
	s8 =	ssub.s32 s8, s21;
	[dreg:$0xd] =	wrdreg s25  }
0x12: {  	s12 =	sadd.s32 s12, s23;
	s13 =	sshrl.u32 s23, $0x3;
	[dreg:$0x18] =	wrdreg s11  }
0x13: {  	s19 =	sadd.s32 $0xC3500, s26;
	s14 =	sadd.s32 s9, s26;
	[dreg:$0xb] =	wrdreg s20  }
0x14: {  	s11 =	simm.s32 $0x2800;
	s21 =	sadd.s32 s10, s19;
	[dreg:$0x10] =	wrdreg s14  }
0x15: {  	s12 =	sshrl.u32 s12, $0x3;
	s22 =	sadd.s32 s9, s19;
	[dreg:$0xf] =	wrdreg s21  }
0x16: {  	s8 =	smax.u32 s8, $0x1;
	s16 =	sadd.s32 $0x249F00, s14;
	[dreg:$0x11] =	wrdreg s22  }
0x17: {  	s18 =	sadd.s32 s0, s12;
	s0 =	sadd.s32 s0, s13;
	[dreg:$0x17] =	wrdreg s8  }
0x18: {  	s13 =	sadd.s32 s15, s9;
	s15 =	sshll.u32 s1, $0x8;
	[smem:$0x7F8] =	sst s16  }
0x19: {  	s1 =	sshll.u32 s1, $0xB;
	s23 =	sadd.s32 $0x2DD2, s0;
	[dreg:$0xe] =	wrdreg s18  }
0x1a: {  	s16 =	simm.s32 $0x1000;
	s24 =	sadd.s32 $0x5EA6, s0;
	[dreg:$0x12] =	wrdreg s23  }
0x1b: {  	s12 =	sadd.s32 s15, s13;
	s25 =	sadd.s32 $0x8F7A, s0;
	[dreg:$0x13] =	wrdreg s24  }
0x1c: {  	s15 =	sor.u32 s1, s17;
	s26 =	sadd.s32 $0xC04E, s0;
	[dreg:$0x14] =	wrdreg s25  }
0x1d: {  	s0 =	sadd.s32 $0xF122, s0;
	[dreg:$0x15] =	wrdreg s26;
	s13 =	sadd.s32 $0x62A800, s15  }
0x1e: {  	s28 =	sadd.s32 $0x2000, s12;
	s17 =	sadd.s32 $0xC45000, s15;
	s19 =	sadd.s32 $0x125F800, s15  }
0x1f: {  	[dreg:$0x16] =	wrdreg s0;
	s22 =	sadd.s32 $0x126F800, s15;
	s25 =	sadd.s32 $0x63A800, s15  }
0x20: {  	s23 =	sadd.s32 $0xC55000, s15;
	s12 =	sor.u32 $0x20000, s15;
	s15 =	sadd.s32 $0x186A00, s14  }
0x21: {  	s14 =	simm.s32 $0x2;
	s0 =	sshrl.u32 s13, $0x3;
	s1 =	sshrl.u32 s17, $0x3  }
0x22: {  	s21 =	sshrl.u32 s19, $0x3;
	s24 =	sshrl.u32 s23, $0x3;
	s26 =	sshrl.u32 s25, $0x3  }
0x23: {  	[dreg:$0x19] =	wrdreg s12;
	s23 =	sadd.s32 $0x16E90, s2;
	s13 =	sadd.s32 $0x16E90, s3  }
0x24: {  	[dreg:$0x1f] =	wrdreg s15;
	s25 =	sadd.s32 $0x16E90, s6;
	s19 =	sadd.s32 $0x30D4, s18  }
0x25: {  	s12 =	simm.s32 $0x1;
	s29 =	sadd.s32 s0, s9;
	s30 =	sadd.s32 s0, s10  }
0x26: {  	s31 =	sadd.s32 s1, s9;
	s0 =	sadd.s32 s21, s9;
	[dreg:$0x1b] =	wrdreg s13  }
0x27: {  	s1 =	sshrl.u32 s22, $0x3;
	s10 =	sadd.s32 s26, s10;
	[smem:$0x7F9] =	sst s19  }
0x28: {  	s17 =	sadd.s32 s26, s9;
	s22 =	sadd.s32 $0x16E90, s4;
	[dreg:$0x1a] =	wrdreg s23  }
0x29: {  	s21 =	sadd.s32 $0x61A8, s18;
	s26 =	sadd.s32 $0xC350, s18;
	[smem:$0x7FD] =	sst s25  }
.Ltmp0:
0x2a: {  	s19 =	simm.s32 $0x1800;
	[smem:$0x7FA] =	sst s21;
	(pc) =	sbr.rel .LBB2_1-.Ltmp0, $4  }
0x2b: {  	s13 =	simm.s32 $0x800;
	s8 =	sadd.s32 s1, s9;
	[smem:$0x7FC] =	sst s26  }
0x2c: {  	s1 =	sadd.s32 s24, s9;
	s24 =	sadd.s32 $0x927C, s18;
	[dreg:$0x1c] =	wrdreg s22  }
0x2d: {  	s9 =	sadd.s32 $0x16E90, s5;
	s26 =	simm.s32 $0x5000;
	[smem:$0x7FB] =	sst s24  }
0x2e: {  	s21 =	simm.s32 $0x0;
	s24 =	simm.s32 $0x2000;
	[dreg:$0x1d] =	wrdreg s9  }
.LBB2_7:
0x2f: {  	s15 =	simm.s32 @!p0 $0x2  }
0x30: {  	_ =	swait.ge @!p0 [sflag:s15], $0x800  }
0x31: {  	[sflag:s15] =	ssyncset.done @!p0 $0x0  }
0x32: {  	[sflag:s15] =	ssyncadd.s32 @!p0 $0xFFFFF800  }
0x33: {  	_ =	swait.ge @!p0 [sflag:s15], $0x800  }
0x34: {  	[sflag:s15] =	ssyncset.done @!p0 $0x0  }
0x35: {  	[sflag:s15] =	ssyncadd.s32 @!p0 $0xFFFFF800  }
0x36: {  	_ =	swait.ge @!p0 [sflag:s15], $0x800  }
0x37: {  	[sflag:s15] =	ssyncset.done @!p0 $0x0  }
0x38: {  	[sflag:s15] =	ssyncadd.s32 @!p0 $0xFFFFF800  }
0x39: {  	_ =	swait.ge @!p0 [sflag:s15], $0x800  }
0x3a: {  	[sflag:s15] =	ssyncset.done @!p0 $0x0  }
0x3b: {  	[sflag:s15] =	ssyncadd.s32 @!p0 $0xFFFFF800  }
0x3c: {  	_ =	swait.ge @!p0 [sflag:s15], $0x800  }
0x3d: {  	[sflag:s15] =	ssyncset.done @!p0 $0x0  }
0x3e: {  	[sflag:s15] =	ssyncadd.s32 @!p0 $0xFFFFF800  }
0x3f: {  	[bflag:$0x0] =	sbarrier.arrive $0xFFFF  }
0x40: {  	s18 =	simm.s32 @p1 $0x3;
	s15 =	simm.s32 @p1 $0x5800;
	s9 =	rddreg [dreg:$0x1a]  }
0x41: {  	[tilespmem:s15], [sflag:$0x3] =	stream.linear.gather @p1 [spmem:s9], $0x1810, $0x38;
	[tilespmem:$0xEAA0] =	vst v63  }
0x42: {  	_ =	swait.ge @p1 [sflag:s18], $0x1810  }
0x43: {  	[sflag:s18] =	ssyncset.done @p1 $0x0  }
0x44: {  	s20 =	simm.s32 @p1 $0x0;
	s21 =	rddreg [dreg:$0x12];
	[sflag:s18] =	ssyncadd.s32 @p1 $0xFFFFE7F0  }
0x45: {  	[hbm4b:s21+s20] =	stream.linear.scatter @p1 [tilespmem:s15], [sflag:$0x3], $0x1810, $0x38;
	[tilespmem:$0xEAA0] =	vst v63  }
0x46: {  	_ =	swait.ge @p1 [sflag:s18], $0x1810  }
0x47: {  	[sflag:s18] =	ssyncset.done @p1 $0x0  }
0x48: {  	s9 =	rddreg [dreg:$0x1b];
	[sflag:s18] =	ssyncadd.s32 @p1 $0xFFFFE7F0  }
0x49: {  	[tilespmem:s15], [sflag:$0x3] =	stream.linear.gather @p1 [spmem:s9], $0x1810, $0x38;
	[tilespmem:$0xEAA0] =	vst v63  }
0x4a: {  	_ =	swait.ge @p1 [sflag:s18], $0x1810  }
0x4b: {  	[sflag:s18] =	ssyncset.done @p1 $0x0  }
0x4c: {  	s21 =	rddreg [dreg:$0x13];
	[sflag:s18] =	ssyncadd.s32 @p1 $0xFFFFE7F0  }
0x4d: {  	[hbm4b:s21+s20] =	stream.linear.scatter @p1 [tilespmem:s15], [sflag:$0x3], $0x1810, $0x38;
	[tilespmem:$0xEAA0] =	vst v63  }
0x4e: {  	_ =	swait.ge @p1 [sflag:s18], $0x1810  }
0x4f: {  	[sflag:s18] =	ssyncset.done @p1 $0x0  }
0x50: {  	s22 =	rddreg [dreg:$0x1c];
	[sflag:s18] =	ssyncadd.s32 @p1 $0xFFFFE7F0  }
0x51: {  	[tilespmem:s15], [sflag:$0x3] =	stream.linear.gather @p1 [spmem:s22], $0x1810, $0x38;
	[tilespmem:$0xEAA0] =	vst v63  }
0x52: {  	_ =	swait.ge @p1 [sflag:s18], $0x1810  }
0x53: {  	[sflag:s18] =	ssyncset.done @p1 $0x0  }
0x54: {  	s21 =	rddreg [dreg:$0x14];
	[sflag:s18] =	ssyncadd.s32 @p1 $0xFFFFE7F0  }
0x55: {  	[hbm4b:s21+s20] =	stream.linear.scatter @p1 [tilespmem:s15], [sflag:$0x3], $0x1810, $0x38;
	[tilespmem:$0xEAA0] =	vst v63  }
0x56: {  	_ =	swait.ge @p1 [sflag:s18], $0x1810  }
0x57: {  	[sflag:s18] =	ssyncset.done @p1 $0x0  }
0x58: {  	s9 =	rddreg [dreg:$0x1d];
	[sflag:s18] =	ssyncadd.s32 @p1 $0xFFFFE7F0  }
0x59: {  	[tilespmem:s15], [sflag:$0x3] =	stream.linear.gather @p1 [spmem:s9], $0x1810, $0x38;
	[tilespmem:$0xEAA0] =	vst v63  }
0x5a: {  	_ =	swait.ge @p1 [sflag:s18], $0x1810  }
0x5b: {  	[sflag:s18] =	ssyncset.done @p1 $0x0  }
0x5c: {  	s21 =	rddreg [dreg:$0x15];
	[sflag:s18] =	ssyncadd.s32 @p1 $0xFFFFE7F0  }
0x5d: {  	[hbm4b:s21+s20] =	stream.linear.scatter @p1 [tilespmem:s15], [sflag:$0x3], $0x1810, $0x38;
	[tilespmem:$0xEAA0] =	vst v63  }
0x5e: {  	_ =	swait.ge @p1 [sflag:s18], $0x1810  }
0x5f: {  	s25 =	sld [smem:$0x7FD]  }
0x60: {  	[sflag:s18] =	ssyncset.done @p1 $0x0  }
0x61: {  	[sflag:s18] =	ssyncadd.s32 @p1 $0xFFFFE7F0  }
0x62: {  	[tilespmem:s15], [sflag:$0x3] =	stream.linear.gather @p1 [spmem:s25], $0x1810, $0x38;
	[tilespmem:$0xEAA0] =	vst v63  }
0x63: {  	_ =	swait.ge @p1 [sflag:s18], $0x1810  }
0x64: {  	[sflag:s18] =	ssyncset.done @p1 $0x0  }
0x65: {  	s21 =	rddreg [dreg:$0x16];
	[sflag:s18] =	ssyncadd.s32 @p1 $0xFFFFE7F0  }
0x66: {  	[hbm4b:s21+s20] =	stream.linear.scatter @p1 [tilespmem:s15], [sflag:$0x3], $0x1810, $0x38;
	[tilespmem:$0xEAA0] =	vst v63  }
0x67: {  	_ =	swait.ge @p1 [sflag:s18], $0x1810  }
0x68: {  	[sflag:s18] =	ssyncset.done @p1 $0x0  }
0x69: {  	s15 =	simm.s32 @!p1 $0x5800;
	[sflag:s18] =	ssyncadd.s32 @p1 $0xFFFFE7F0;
	s18 =	rddreg [dreg:$0x9]  }
0x6a: {  	[tilespmem:s15], [sflag:$0x3] =	stream.linear.gather @!p1 [spmem:s18], $0x1870, $0x38;
	[tilespmem:$0xEAA0] =	vst v63  }
0x6b: {  	s18 =	simm.s32 @!p1 $0x3  }
0x6c: {  	_ =	swait.ge @!p1 [sflag:s18], $0x1870  }
0x6d: {  	[sflag:s18] =	ssyncset.done @!p1 $0x0  }
0x6e: {  	s20 =	simm.s32 @!p1 $0x0;
	s21 =	rddreg [dreg:$0xe];
	[sflag:s18] =	ssyncadd.s32 @!p1 $0xFFFFE790  }
0x6f: {  	[hbm4b:s21+s20] =	stream.linear.scatter @!p1 [tilespmem:s15], [sflag:$0x3], $0x1870, $0x38;
	[tilespmem:$0xEAA0] =	vst v63  }
0x70: {  	_ =	swait.ge @!p1 [sflag:s18], $0x1870  }
0x71: {  	[sflag:s18] =	ssyncset.done @!p1 $0x0  }
0x72: {  	s21 =	rddreg [dreg:$0xa];
	[sflag:s18] =	ssyncadd.s32 @!p1 $0xFFFFE790  }
0x73: {  	[tilespmem:s15], [sflag:$0x3] =	stream.linear.gather @!p1 [spmem:s21], $0x1870, $0x38;
	[tilespmem:$0xEAA0] =	vst v63  }
0x74: {  	_ =	swait.ge @!p1 [sflag:s18], $0x1870  }
0x75: {  	s21 =	sld [smem:$0x7F9]  }
0x76: {  	[sflag:s18] =	ssyncset.done @!p1 $0x0  }
0x77: {  	[sflag:s18] =	ssyncadd.s32 @!p1 $0xFFFFE790  }
0x78: {  	[hbm4b:s21+s20] =	stream.linear.scatter @!p1 [tilespmem:s15], [sflag:$0x3], $0x1870, $0x38;
	[tilespmem:$0xEAA0] =	vst v63  }
0x79: {  	_ =	swait.ge @!p1 [sflag:s18], $0x1870  }
0x7a: {  	[sflag:s18] =	ssyncset.done @!p1 $0x0  }
0x7b: {  	s23 =	rddreg [dreg:$0xb];
	[sflag:s18] =	ssyncadd.s32 @!p1 $0xFFFFE790  }
0x7c: {  	[tilespmem:s15], [sflag:$0x3] =	stream.linear.gather @!p1 [spmem:s23], $0x1870, $0x38;
	[tilespmem:$0xEAA0] =	vst v63  }
0x7d: {  	_ =	swait.ge @!p1 [sflag:s18], $0x1870  }
0x7e: {  	s21 =	sld [smem:$0x7FA]  }
0x7f: {  	[sflag:s18] =	ssyncset.done @!p1 $0x0  }
0x80: {  	[sflag:s18] =	ssyncadd.s32 @!p1 $0xFFFFE790  }
0x81: {  	[hbm4b:s21+s20] =	stream.linear.scatter @!p1 [tilespmem:s15], [sflag:$0x3], $0x1870, $0x38;
	[tilespmem:$0xEAA0] =	vst v63  }
0x82: {  	_ =	swait.ge @!p1 [sflag:s18], $0x1870  }
0x83: {  	[sflag:s18] =	ssyncset.done @!p1 $0x0  }
0x84: {  	s21 =	rddreg [dreg:$0xc];
	[sflag:s18] =	ssyncadd.s32 @!p1 $0xFFFFE790  }
0x85: {  	[tilespmem:s15], [sflag:$0x3] =	stream.linear.gather @!p1 [spmem:s21], $0x1870, $0x38;
	[tilespmem:$0xEAA0] =	vst v63  }
0x86: {  	_ =	swait.ge @!p1 [sflag:s18], $0x1870  }
0x87: {  	s21 =	sld [smem:$0x7FB]  }
0x88: {  	[sflag:s18] =	ssyncset.done @!p1 $0x0  }
0x89: {  	[sflag:s18] =	ssyncadd.s32 @!p1 $0xFFFFE790  }
0x8a: {  	[hbm4b:s21+s20] =	stream.linear.scatter @!p1 [tilespmem:s15], [sflag:$0x3], $0x1870, $0x38;
	[tilespmem:$0xEAA0] =	vst v63  }
0x8b: {  	_ =	swait.ge @!p1 [sflag:s18], $0x1870  }
0x8c: {  	[sflag:s18] =	ssyncset.done @!p1 $0x0  }
0x8d: {  	s21 =	rddreg [dreg:$0xd];
	[sflag:s18] =	ssyncadd.s32 @!p1 $0xFFFFE790  }
0x8e: {  	[tilespmem:s15], [sflag:$0x3] =	stream.linear.gather @!p1 [spmem:s21], $0x1870, $0x38;
	[tilespmem:$0xEAA0] =	vst v63  }
0x8f: {  	_ =	swait.ge @!p1 [sflag:s18], $0x1870  }
0x90: {  	s21 =	sld [smem:$0x7FC]  }
0x91: {  	[sflag:s18] =	ssyncset.done @!p1 $0x0  }
0x92: {  	[sflag:s18] =	ssyncadd.s32 @!p1 $0xFFFFE790  }
0x93: {  	[hbm4b:s21+s20] =	stream.linear.scatter @!p1 [tilespmem:s15], [sflag:$0x3], $0x1870, $0x38;
	[tilespmem:$0xEAA0] =	vst v63  }
0x94: {  	s20 =	smov.u32 s23;
	s23 =	rddreg [dreg:$0x1a];
	_ =	swait.ge @!p1 [sflag:s18], $0x1870  }
0x95: {  	s15 =	sld [smem:$0x7F7];
	_ =	sdelay $0x2  }
0x96: {  	s21 =	sadd.s32 $0x1, s15;
	s15 =	rddreg [dreg:$0x17]  }
0x97: {  	p2 =	sne.s32 s21, s15  }
.Ltmp1:
0x98: {  	_ = 	snop;
	(pc) =	sbr.rel @!p2 .LBB2_8-.Ltmp1, $3  }
0x99: {  	_ =	sdelay $0x1  }
0x9a: {  	[sflag:s18] =	ssyncset.done @!p1 $0x0  }
0x9b: {  	[sflag:s18] =	ssyncadd.s32 @!p1 $0xFFFFE790  }
.LBB2_1:
0x9c: {  	[smem:$0x7F7] =	sst s21  }
0x9d: {  	s15 =	rddreg [dreg:$0x8];
	s18 =	simm.s32 $0x3  }
0x9e: {  	[tilespmem:s26], [sflag:$0x3] =	stream.linear.gather [hbm4b:s15+s7], $0x800, $0x38;
	[tilespmem:$0xEAA0] =	vst v63  }
0x9f: {  	_ =	swait.ge [sflag:s18], $0x800  }
0xa0: {  	[sflag:s18] =	ssyncset.done $0x0  }
0xa1: {  	[sflag:s18] =	ssyncadd.s32 $0xFFFFF800  }
0xa2: {  	s21 =	simm.s32 $0x5800;
	s15 =	rddreg [dreg:$0x1]  }
0xa3: {  	[tilespmem:s21], [sflag:$0x3] =	stream.linear.gather [hbm4b:s15+s7], $0x1870, $0x38;
	[tilespmem:$0xEAA0] =	vst v63  }
0xa4: {  	_ =	swait.ge [sflag:s18], $0x1870  }
0xa5: {  	[sflag:s18] =	ssyncset.done $0x0  }
0xa6: {  	[sflag:s18] =	ssyncadd.s32 $0xFFFFE790;
	s18 =	simm.s32 @p1 $0x5800  }
0xa7: {  	[spmem:s23] =	stream.linear.scatter @p1 [tilespmem:s18], [sflag:$0x3], $0x1810, $0x38;
	[tilespmem:$0xEAA0] =	vst v63  }
0xa8: {  	s23 =	simm.s32 @p1 $0x3  }
0xa9: {  	_ =	swait.ge @p1 [sflag:s23], $0x1810  }
0xaa: {  	[sflag:s23] =	ssyncset.done @p1 $0x0  }
0xab: {  	s15 =	rddreg [dreg:$0x1b];
	[sflag:s23] =	ssyncadd.s32 @p1 $0xFFFFE7F0  }
0xac: {  	[spmem:s15] =	stream.linear.scatter @p1 [tilespmem:s18], [sflag:$0x3], $0x1810, $0x38;
	[tilespmem:$0xEAA0] =	vst v63  }
0xad: {  	_ =	swait.ge @p1 [sflag:s23], $0x1810  }
0xae: {  	[sflag:s23] =	ssyncset.done @p1 $0x0  }
0xaf: {  	[sflag:s23] =	ssyncadd.s32 @p1 $0xFFFFE7F0  }
0xb0: {  	[spmem:s22] =	stream.linear.scatter @p1 [tilespmem:s18], [sflag:$0x3], $0x1810, $0x38;
	[tilespmem:$0xEAA0] =	vst v63  }
0xb1: {  	_ =	swait.ge @p1 [sflag:s23], $0x1810  }
0xb2: {  	[sflag:s23] =	ssyncset.done @p1 $0x0  }
0xb3: {  	[sflag:s23] =	ssyncadd.s32 @p1 $0xFFFFE7F0  }
0xb4: {  	[spmem:s9] =	stream.linear.scatter @p1 [tilespmem:s18], [sflag:$0x3], $0x1810, $0x38;
	[tilespmem:$0xEAA0] =	vst v63  }
0xb5: {  	_ =	swait.ge @p1 [sflag:s23], $0x1810  }
0xb6: {  	[sflag:s23] =	ssyncset.done @p1 $0x0  }
0xb7: {  	[sflag:s23] =	ssyncadd.s32 @p1 $0xFFFFE7F0  }
0xb8: {  	[spmem:s25] =	stream.linear.scatter @p1 [tilespmem:s18], [sflag:$0x3], $0x1810, $0x38;
	[tilespmem:$0xEAA0] =	vst v63  }
0xb9: {  	_ =	swait.ge @p1 [sflag:s23], $0x1810  }
0xba: {  	s18 =	simm.s32 @!p1 $0x5800;
	[sflag:s23] =	ssyncset.done @p1 $0x0  }
0xbb: {  	s9 =	rddreg [dreg:$0x9];
	[sflag:s23] =	ssyncadd.s32 @p1 $0xFFFFE7F0;
	s23 =	simm.s32 @!p1 $0x3  }
0xbc: {  	[spmem:s9] =	stream.linear.scatter @!p1 [tilespmem:s18], [sflag:$0x3], $0x1870, $0x38;
	[tilespmem:$0xEAA0] =	vst v63  }
0xbd: {  	_ =	swait.ge @!p1 [sflag:s23], $0x1870  }
0xbe: {  	[sflag:s23] =	ssyncset.done @!p1 $0x0  }
0xbf: {  	s9 =	rddreg [dreg:$0xa];
	[sflag:s23] =	ssyncadd.s32 @!p1 $0xFFFFE790  }
0xc0: {  	[spmem:s9] =	stream.linear.scatter @!p1 [tilespmem:s18], [sflag:$0x3], $0x1870, $0x38;
	[tilespmem:$0xEAA0] =	vst v63  }
0xc1: {  	_ =	swait.ge @!p1 [sflag:s23], $0x1870  }
0xc2: {  	[sflag:s23] =	ssyncset.done @!p1 $0x0  }
0xc3: {  	[sflag:s23] =	ssyncadd.s32 @!p1 $0xFFFFE790  }
0xc4: {  	[spmem:s20] =	stream.linear.scatter @!p1 [tilespmem:s18], [sflag:$0x3], $0x1870, $0x38;
	[tilespmem:$0xEAA0] =	vst v63  }
0xc5: {  	_ =	swait.ge @!p1 [sflag:s23], $0x1870  }
0xc6: {  	[sflag:s23] =	ssyncset.done @!p1 $0x0  }
0xc7: {  	s9 =	rddreg [dreg:$0xc];
	[sflag:s23] =	ssyncadd.s32 @!p1 $0xFFFFE790  }
0xc8: {  	[spmem:s9] =	stream.linear.scatter @!p1 [tilespmem:s18], [sflag:$0x3], $0x1870, $0x38;
	[tilespmem:$0xEAA0] =	vst v63  }
0xc9: {  	_ =	swait.ge @!p1 [sflag:s23], $0x1870  }
0xca: {  	[sflag:s23] =	ssyncset.done @!p1 $0x0  }
0xcb: {  	s9 =	rddreg [dreg:$0xd];
	[sflag:s23] =	ssyncadd.s32 @!p1 $0xFFFFE790  }
0xcc: {  	[spmem:s9] =	stream.linear.scatter @!p1 [tilespmem:s18], [sflag:$0x3], $0x1870, $0x38;
	[tilespmem:$0xEAA0] =	vst v63  }
0xcd: {  	_ =	swait.ge @!p1 [sflag:s23], $0x1870  }
0xce: {  	[sflag:s23] =	ssyncset.done @!p1 $0x0  }
0xcf: {  	[sflag:s23] =	ssyncadd.s32 @!p1 $0xFFFFE790  }
0xd0: {  	[bflag:$0x0] =	sbarrier.arrive $0xFFFF  }
0xd1: {  	s20 =	rddreg [dreg:$0xf]  }
0xd2: {  	s21 =	rddreg [dreg:$0x10]  }
0xd3: {  	s22 =	rddreg [dreg:$0x11]  }
0xd4: {  	[tilespmem:s7], [sflag:$0x1] =	stream.linear.gather [hbm4b:s20+s7], $0x800, $0x38;
	[tilespmem:$0xEAA0] =	vst v63  }
0xd5: {  	s23 =	rddreg [dreg:$0x1f]  }
0xd6: {  	[tilespmem:s16], [sflag:$0x1] =	stream.linear.gather [hbm4b:s21+s7], $0x800, $0x38;
	[tilespmem:$0xEAA0] =	vst v63  }
0xd7: {  	s25 =	sld [smem:$0x7F8]  }
0xd8: {  	[tilespmem:s19], [sflag:$0x1] =	stream.linear.gather [hbm4b:s22+s7], $0x800, $0x38;
	[tilespmem:$0xEAA0] =	vst v63  }
.Ltmp2:
0xd9: {  	s18 =	rddreg [dreg:$0x18];
	(pc) =	sbr.rel .LBB2_2-.Ltmp2, $4  }
0xda: {  	[tilespmem:s24], [sflag:$0x1] =	stream.linear.gather [hbm4b:s23+s7], $0x800, $0x38;
	[tilespmem:$0xEAA0] =	vst v63  }
0xdb: {  	s9 =	rddreg [dreg:$0x1e]  }
0xdc: {  	[tilespmem:s11], [sflag:$0x1] =	stream.linear.gather [hbm4b:s25+s7], $0x800, $0x38;
	[tilespmem:$0xEAA0] =	vst v63  }
0xdd: {  	s22 =	simm.s32 $0x3000;
	s23 =	simm.s32 $0x0;
	s25 =	rddreg [dreg:$0x19]  }
.LBB2_3:
0xde: {  	s15 =	sadd.s32 s23, s10;
	s20 =	sshrl.u32 s25, $0x3  }
0xdf: {  	[tilespmem:s7], [sflag:$0x1] =	stream.linear.gather [hbm4b:s15+s7], $0x800, $0x38;
	[tilespmem:$0xEAA0] =	vst v63  }
0xe0: {  	s15 =	sadd.s32 s9, s20  }
0xe1: {  	[tilespmem:s16], [sflag:$0x1] =	stream.linear.gather [hbm4b:s15+s7], $0x800, $0x38;
	[tilespmem:$0xEAA0] =	vst v63  }
0xe2: {  	s21 =	sadd.s32 s23, s17  }
0xe3: {  	[tilespmem:s19], [sflag:$0x1] =	stream.linear.gather [hbm4b:s21+s7], $0x800, $0x38;
	[tilespmem:$0xEAA0] =	vst v63  }
0xe4: {  	s20 =	sadd.s32 s23, s1  }
0xe5: {  	[tilespmem:s24], [sflag:$0x1] =	stream.linear.gather [hbm4b:s20+s7], $0x800, $0x38;
	[tilespmem:$0xEAA0] =	vst v63  }
0xe6: {  	s21 =	sadd.s32 s23, s8  }
0xe7: {  	[tilespmem:s11], [sflag:$0x1] =	stream.linear.gather [hbm4b:s21+s7], $0x800, $0x38;
	[tilespmem:$0xEAA0] =	vst v63  }
.LBB2_5:
0xe8: {  	_ =	swait.ge [sflag:s12], $0x800  }
0xe9: {  	[sflag:s12] =	ssyncset.done $0x0  }
0xea: {  	[sflag:s12] =	ssyncadd.s32 $0xFFFFF800  }
0xeb: {  	_ =	swait.ge [sflag:s12], $0x800  }
0xec: {  	[sflag:s12] =	ssyncset.done $0x0  }
0xed: {  	[sflag:s12] =	ssyncadd.s32 $0xFFFFF800  }
0xee: {  	_ =	swait.ge [sflag:s12], $0x800  }
0xef: {  	[sflag:s12] =	ssyncset.done $0x0  }
0xf0: {  	[sflag:s12] =	ssyncadd.s32 $0xFFFFF800  }
0xf1: {  	_ =	swait.ge [sflag:s12], $0x800  }
0xf2: {  	[sflag:s12] =	ssyncset.done $0x0  }
0xf3: {  	[sflag:s12] =	ssyncadd.s32 $0xFFFFF800  }
0xf4: {  	_ =	swait.ge [sflag:s12], $0x800  }
0xf5: {  	[sflag:s12] =	ssyncset.done $0x0  }
0xf6: {  	[sflag:s12] =	ssyncadd.s32 $0xFFFFF800  }
0xf7: {  	[spmem:s2] =	stream.indirect.scatter.add.f32 [tilespmem:s22], [sflag:$0x2], $0x1, s13, s13, $0xb8;
	[tilespmem:$0xEAA0] =	vst v63  }
0xf8: {  	s15 =	simm.s32 $0x3800  }
0xf9: {  	[spmem:s3] =	stream.indirect.scatter.add.f32 [tilespmem:s15], [sflag:$0x2], $0x1, s13, s13, $0xb8;
	[tilespmem:$0xEAA0] =	vst v63  }
0xfa: {  	s20 =	simm.s32 $0x4000  }
0xfb: {  	[spmem:s4] =	stream.indirect.scatter.add.f32 [tilespmem:s20], [sflag:$0x2], $0x1, s13, s13, $0xb8;
	[tilespmem:$0xEAA0] =	vst v63  }
0xfc: {  	s21 =	simm.s32 $0x4800  }
0xfd: {  	[spmem:s5] =	stream.indirect.scatter.add.f32 [tilespmem:s21], [sflag:$0x2], $0x1, s13, s13, $0xb8;
	[tilespmem:$0xEAA0] =	vst v63  }
0xfe: {  	_ = 	snop  }
0xff: {  	[spmem:s6] =	stream.indirect.scatter.add.f32 [tilespmem:s26], [sflag:$0x2], $0x1, s13, s13, $0xb8;
	[tilespmem:$0xEAA0] =	vst v63  }
.LBB2_6:
0x100: {  	s23 =	sadd.s32 $0x4000, s23  }
0x101: {  	p2 =	sne.s32 s23, $0xC4000  }
.Ltmp3:
0x102: {  	_ = 	snop;
	(pc) =	sbr.rel @!p2 .LBB2_7-.Ltmp3, $2  }
0x103: {  	_ =	sdelay $0x2  }
0x104: {  	s18 =	sadd.s32 $0x40, s18;
	s25 =	sadd.s32 $0x20000, s25  }
.LBB2_2:
0x105: {  	p2 =	seq.s32 s23, $0x0  }
0x106: {  	s15 =	simm.s32 @!p2 $0x2  }
0x107: {  	_ =	swait.ge @!p2 [sflag:s15], $0x800  }
0x108: {  	[sflag:s15] =	ssyncset.done @!p2 $0x0  }
0x109: {  	[sflag:s15] =	ssyncadd.s32 @!p2 $0xFFFFF800  }
0x10a: {  	_ =	swait.ge @!p2 [sflag:s15], $0x800  }
0x10b: {  	[sflag:s15] =	ssyncset.done @!p2 $0x0  }
0x10c: {  	[sflag:s15] =	ssyncadd.s32 @!p2 $0xFFFFF800  }
0x10d: {  	_ =	swait.ge @!p2 [sflag:s15], $0x800  }
0x10e: {  	[sflag:s15] =	ssyncset.done @!p2 $0x0  }
0x10f: {  	[sflag:s15] =	ssyncadd.s32 @!p2 $0xFFFFF800  }
0x110: {  	_ =	swait.ge @!p2 [sflag:s15], $0x800  }
0x111: {  	[sflag:s15] =	ssyncset.done @!p2 $0x0  }
0x112: {  	[sflag:s15] =	ssyncadd.s32 @!p2 $0xFFFFF800  }
0x113: {  	_ =	swait.ge @!p2 [sflag:s15], $0x800  }
0x114: {  	[sflag:s15] =	ssyncset.done @!p2 $0x0  }
0x115: {  	[sflag:s15] =	ssyncadd.s32 @!p2 $0xFFFFF800;
	p2 =	sgt.u32 s18, $0xC34  }
0x116: {  	s15 =	sadd.s32 @!p2 s23, s30;
	s20 =	simm.s32 @!p2 $0x0;
	s21 =	simm.s32 @!p2 $0x800  }
0x117: {  	[tilespmem:s21], [sflag:$0x1] =	stream.linear.gather @!p2 [hbm4b:s15+s20], $0x800, $0x38;
	[tilespmem:$0xEAA0] =	vst v63  }
0x118: {  	s15 =	sadd.s32 @!p2 s23, s28;
	s21 =	simm.s32 @!p2 $0x3000  }
0x119: {  	[tilespmem:s21], [sflag:$0x1] =	stream.linear.gather @!p2 [hbm4b:s15+s20], $0x800, $0x38;
	[tilespmem:$0xEAA0] =	vst v63  }
0x11a: {  	s15 =	sadd.s32 @!p2 s23, s29;
	s21 =	simm.s32 @!p2 $0x3800  }
0x11b: {  	[tilespmem:s21], [sflag:$0x1] =	stream.linear.gather @!p2 [hbm4b:s15+s20], $0x800, $0x38;
	[tilespmem:$0xEAA0] =	vst v63  }
0x11c: {  	s15 =	sadd.s32 @!p2 s23, s31;
	s21 =	simm.s32 @!p2 $0x4000  }
0x11d: {  	[tilespmem:s21], [sflag:$0x1] =	stream.linear.gather @!p2 [hbm4b:s15+s20], $0x800, $0x38;
	[tilespmem:$0xEAA0] =	vst v63  }
0x11e: {  	s15 =	sadd.s32 @!p2 s23, s0;
	s21 =	simm.s32 @!p2 $0x4800  }
0x11f: {  	[tilespmem:s21], [sflag:$0x1] =	stream.linear.gather @!p2 [hbm4b:s15+s20], $0x800, $0x38;
	[tilespmem:$0xEAA0] =	vst v63  }
0x120: {  	_ =	swait.ge [sflag:s12], $0x800  }
0x121: {  	[sflag:s12] =	ssyncset.done $0x0  }
0x122: {  	[sflag:s12] =	ssyncadd.s32 $0xFFFFF800  }
0x123: {  	_ =	swait.ge [sflag:s12], $0x800  }
0x124: {  	[sflag:s12] =	ssyncset.done $0x0  }
0x125: {  	[sflag:s12] =	ssyncadd.s32 $0xFFFFF800  }
0x126: {  	_ =	swait.ge [sflag:s12], $0x800  }
0x127: {  	[sflag:s12] =	ssyncset.done $0x0  }
0x128: {  	[sflag:s12] =	ssyncadd.s32 $0xFFFFF800  }
0x129: {  	_ =	swait.ge [sflag:s12], $0x800  }
0x12a: {  	[sflag:s12] =	ssyncset.done $0x0  }
0x12b: {  	[sflag:s12] =	ssyncadd.s32 $0xFFFFF800  }
0x12c: {  	_ =	swait.ge [sflag:s12], $0x800  }
0x12d: {  	[sflag:s12] =	ssyncset.done $0x0  }
0x12e: {  	[sflag:s12] =	ssyncadd.s32 $0xFFFFF800  }
0x12f: {  	[spmem:s2] =	stream.indirect.scatter.add.f32 [tilespmem:s16], [sflag:$0x2], $0x1, s7, s13, $0xb8;
	[tilespmem:$0xEAA0] =	vst v63  }
0x130: {  	_ = 	snop  }
0x131: {  	[spmem:s3] =	stream.indirect.scatter.add.f32 [tilespmem:s19], [sflag:$0x2], $0x1, s7, s13, $0xb8;
	[tilespmem:$0xEAA0] =	vst v63  }
0x132: {  	_ = 	snop  }
0x133: {  	[spmem:s4] =	stream.indirect.scatter.add.f32 [tilespmem:s24], [sflag:$0x2], $0x1, s7, s13, $0xb8;
	[tilespmem:$0xEAA0] =	vst v63  }
0x134: {  	_ = 	snop  }
0x135: {  	[spmem:s5] =	stream.indirect.scatter.add.f32 [tilespmem:s11], [sflag:$0x2], $0x1, s7, s13, $0xb8;
	[tilespmem:$0xEAA0] =	vst v63  }
0x136: {  	_ = 	snop  }
0x137: {  	[spmem:s6] =	stream.indirect.scatter.add.f32 [tilespmem:s26], [sflag:$0x2], $0x1, s7, s13, $0xb8;
	[tilespmem:$0xEAA0] =	vst v63  }
0x138: {  	_ =	swait.ge [sflag:s14], $0x800  }
0x139: {  	[sflag:s14] =	ssyncset.done $0x0  }
0x13a: {  	[sflag:s14] =	ssyncadd.s32 $0xFFFFF800  }
0x13b: {  	_ =	swait.ge [sflag:s14], $0x800  }
0x13c: {  	[sflag:s14] =	ssyncset.done $0x0  }
0x13d: {  	[sflag:s14] =	ssyncadd.s32 $0xFFFFF800  }
0x13e: {  	_ =	swait.ge [sflag:s14], $0x800  }
0x13f: {  	[sflag:s14] =	ssyncset.done $0x0  }
0x140: {  	[sflag:s14] =	ssyncadd.s32 $0xFFFFF800  }
0x141: {  	p3 =	sgt.u32 s18, $0xC14;
	_ =	swait.ge [sflag:s14], $0x800  }
.Ltmp4:
0x142: {  	[sflag:s14] =	ssyncset.done $0x0;
	(pc) =	sbr.rel @!p3 .LBB2_3-.Ltmp4, $4  }
0x143: {  	[sflag:s14] =	ssyncadd.s32 $0xFFFFF800  }
0x144: {  	_ =	swait.ge [sflag:s14], $0x800  }
0x145: {  	[sflag:s14] =	ssyncset.done $0x0  }
0x146: {  	[sflag:s14] =	ssyncadd.s32 $0xFFFFF800  }
.Ltmp5:
0x147: {  	(pc) =	sbr.rel @p2 .LBB2_6-.Ltmp5, $4  }
.Ltmp6:
0x148: {  	(pc) =	sbr.rel @!p2 .LBB2_5-.Ltmp6, $4  }
0x149: {  	_ = 	snop  }
0x14a: {  	_ = 	snop  }
0x14b: {  	_ = 	snop  }
0x14c: {  	_ = 	snop  }
.LBB2_8:
0x14d: {  	_ =	sfence.sel $0x180000  }
0x14e: {  	[bflag:$0x0] =	sbarrier.arrive $0xFFFF  }
0x14f: {  	_ =	strace $0x9000004D  }
0x150: {  	s0 =	stileid.u32;
	[bflag:$0x2] =	sbarrier.arrive $0xFFFF  }
0x151: {  	p0 =	sne.s32 s0, $0x0;
	s0 =	rddreg [dreg:$0x7]  }
0x152: {  	s0 =	sadd.s32 @!p0 $0x100000, s0  }
0x153: {  	[sflag:s0] =	ssyncadd.tile.s32 @!p0 $0x1;
	_ =	shalt  }
.Lfunc_end2:
_tile_overlayer_lowered:
.L_overlay_start_2:
0x154: {  	(tag) =	ssettag $0x2  }
0x155: {  	s0 =	rddreg [dreg:$0x0];
	s2 =	stileid.u32  }
0x156: {  	s1 =	rddreg [dreg:$0x1];
	p0 =	sne.s32 s2, $0x0  }
0x157: {  	s3 =	rddreg [dreg:$0x2];
	[bflag:$0x3] =	sbarrier.arrive $0xFFFF;
	s2 =	simm.s32 @!p0 $0x1C03  }
0x158: {  	[timem:s3], [sflag:s2] =	dma.local @!p0 [hbm:s0], s1  }
0x159: {  	s0 =	simm.s32 @!p0 $0x3  }
0x15a: {  	_ =	swait.ge @!p0 [sflag:s0], s1  }
0x15b: {  	s1 =	ssub.s32 @!p0 $0x0, s1;
	[sflag:s0] =	ssyncset.done @!p0 $0x0  }
0x15c: {  	[sflag:s0] =	ssyncadd.s32 @!p0 s1  }
0x15d: {  	[bflag:$0x3] =	sbarrier.arrive $0xFFFF  }
0x15e: {  	_ =	shalt  }

// kernel: kernel.9.cloned.1.call-start
scs
__scs_entry_jumppad:
0x0: {  	(pc) =	sbr.rel $0x88, $3  }
0x1: {  	(tag) =	ssettag $0x0;
	lr =	simm.s32 $0x1  }
0x2: {  	[smem:$0x3F98] =	sst lr;
	_ =	strace $0xD0000000  }
0x3: {  	_ = 	snop  }
0x4: {  	_ = 	snop  }
0x5: {  	_ = 	snop  }
0x6: {  	_ = 	snop  }
0x7: {  	_ = 	snop  }
__scs_overlays_trampoline_lowered:
0x8: {  	[smem:$0x3FA7] =	sst s0  }
0x9: {  	[smem:$0x3FA8] =	sst s1  }
0xa: {  	[smem:$0x3FA9] =	sst s2  }
0xb: {  	[smem:$0x3FAA] =	sst s3  }
0xc: {  	[smem:$0x3FAB] =	sst s4  }
0xd: {  	[smem:$0x3FAC] =	sst s5  }
0xe: {  	[smem:$0x3FAD] =	sst s6  }
0xf: {  	[smem:$0x3FAE] =	sst s7  }
0x10: {  	[smem:$0x3FAF] =	sst s8  }
0x11: {  	[smem:$0x3FB0] =	sst s9;
	s0 =	simm.s32 @!p0 $0x0  }
0x12: {  	s1 =	sld [smem:$0x3F96];
	s0 =	simm.s32 @p0 $0x1  }
0x13: {  	[smem:$0x3FB1] =	sst s0;
	s0 =	simm.s32 @!p1 $0x0  }
0x14: {  	s2 =	sld [smem:$0x3F95];
	s0 =	simm.s32 @p1 $0x1  }
0x15: {  	[smem:$0x3FB2] =	sst s0;
	s0 =	simm.s32 @!p2 $0x0  }
0x16: {  	s3 =	sld [smem:$0x3FDB];
	s0 =	simm.s32 @p2 $0x1  }
0x17: {  	s4 =	simm.s32 $0x1BF5;
	[smem:$0x3FB4] =	sst s0  }
0x18: {  	s0 =	sld [smem:$0x3F97];
	_ =	swait.ge [sflag:s4], $0x0  }
0x19: {  	s7 =	sld [smem:$0x3F98]  }
0x1a: {  	s8 =	sadd.s32 $0xFFFFE003, lr  }
0x1b: {  	s9 =	sadd.s32 $0xFFFFFEF7, lr;
	s5 =	simm.s32 $0xFFFFFFFF;
	p2 =	slt.u32 s8, $0xFFFFF086  }
0x1c: {  	p1 =	slt.u32 s9, $0xF7A;
	s5 =	simm.s32 @!p2 $0x0  }
0x1d: {  	s5 =	simm.s32 @p1 $0x1;
	p0 =	seq.s32 s7, s2  }
0x1e: {  	s7 =	smul.u32 @!p0 $0xF7A, s2;
	p2 =	seq.s32 @!p0 s5, $0x0  }
0x1f: {  	s9 =	smul.u32 $0xF7A, s1;
	s8 =	simm.s32 @!p0 $0x1BF5;
	p2 =	por !p2, p0  }
0x20: {  	[sflag:s8] =	ssyncset.s32 @!p0 $0xFFFFF086;
	s6 =	sadd.s32 @!p0 s3, s7;
	s7 =	simm.s32 @!p0 $0x108  }
0x21: {  	s3 =	sadd.s32 s3, s9;
	s6 =	sadd.s32 @!p0 $0x88, s6;
	s7 =	simm.s32 @p2 $0x1082  }
0x22: {  	[simem:s7], [sflag:s8] =	dma.local @!p0 [hbm:s6], $0xF7A  }
0x23: {  	s9 =	sor.u32 $0xD0000000, s2;
	s6 =	simm.s32 $0x108;
	_ =	swait.ge @!p0 [sflag:s8], $0x0  }
0x24: {  	s3 =	sadd.s32 $0x88, s3;
	s6 =	simm.s32 @!p1 $0x1082;
	[sflag:s4] =	ssyncset.s32 $0xFFFFF086  }
0x25: {  	[simem:s6], [sflag:s4] =	dma.local [hbm:s3], $0xF7A  }
0x26: {  	[smem:$0x3F98] =	sst s1;
	(tag) =	ssettag s2;
	_ =	strace s9  }
0x27: {  	s1 =	sld [smem:$0x3FA8]  }
0x28: {  	s2 =	sld [smem:$0x3FA9]  }
0x29: {  	s4 =	sld [smem:$0x3FAB]  }
0x2a: {  	p0 =	seq.s32 s5, $0x0;
	s5 =	sld [smem:$0x3FAC]  }
0x2b: {  	s6 =	sld [smem:$0x3FAD]  }
0x2c: {  	s7 =	sld [smem:$0x3FAE]  }
0x2d: {  	s3 =	simm.s32 $0x108;
	s8 =	sld [smem:$0x3FAF]  }
0x2e: {  	s3 =	simm.s32 @!p0 $0x1082;
	s9 =	sld [smem:$0x3FB0]  }
0x2f: {  	lr =	sadd.s32 s0, s3;
	s0 =	sld [smem:$0x3FA7]  }
0x30: {  	s3 =	sld [smem:$0x3FAA]  }
0x31: {  	[smem:$0x3FB3] =	sst s10  }
0x32: {  	s10 =	sld [smem:$0x3FB1];
	_ =	sdelay $0x3  }
0x33: {  	p0 =	seq.s32 s10, $0x1;
	s10 =	sld [smem:$0x3FB3];
	_ =	sdelay $0x3  }
0x34: {  	[smem:$0x3FB3] =	sst s10  }
0x35: {  	s10 =	sld [smem:$0x3FB2];
	_ =	sdelay $0x3  }
0x36: {  	p1 =	seq.s32 s10, $0x1;
	s10 =	sld [smem:$0x3FB3];
	_ =	sdelay $0x3  }
0x37: {  	[smem:$0x3FB3] =	sst s10  }
0x38: {  	s10 =	sld [smem:$0x3FB4]  }
0x39: {  	_ = 	snop;
	(pc) =	sbr.ind lr, $3  }
0x3a: {  	_ = 	snop  }
0x3b: {  	_ = 	snop  }
0x3c: {  	p2 =	seq.s32 s10, $0x1;
	s10 =	sld [smem:$0x3FB3]  }
0x3d: {  	_ =	shalt  }
0x3e: {  	_ =	shalt  }
0x3f: {  	_ =	shalt  }
0x40: {  	_ =	shalt  }
0x41: {  	_ =	shalt  }
0x42: {  	_ =	shalt  }
0x43: {  	_ =	shalt  }
0x44: {  	_ =	shalt  }
0x45: {  	_ =	shalt  }
0x46: {  	_ =	shalt  }
0x47: {  	_ =	shalt  }
0x48: {  	_ =	shalt  }
0x49: {  	_ =	shalt  }
0x4a: {  	_ =	shalt  }
0x4b: {  	_ =	shalt  }
0x4c: {  	_ =	shalt  }
0x4d: {  	_ =	shalt  }
0x4e: {  	_ =	shalt  }
0x4f: {  	_ =	shalt  }
0x50: {  	_ =	shalt  }
0x51: {  	_ =	shalt  }
0x52: {  	_ =	shalt  }
0x53: {  	_ =	shalt  }
0x54: {  	_ =	shalt  }
0x55: {  	_ =	shalt  }
0x56: {  	_ =	shalt  }
0x57: {  	_ =	shalt  }
0x58: {  	_ =	shalt  }
0x59: {  	_ =	shalt  }
0x5a: {  	_ =	shalt  }
0x5b: {  	_ =	shalt  }
0x5c: {  	_ =	shalt  }
0x5d: {  	_ =	shalt  }
0x5e: {  	_ =	shalt  }
0x5f: {  	_ =	shalt  }
0x60: {  	_ =	shalt  }
0x61: {  	_ =	shalt  }
0x62: {  	_ =	shalt  }
0x63: {  	_ =	shalt  }
0x64: {  	_ =	shalt  }
0x65: {  	_ =	shalt  }
0x66: {  	_ =	shalt  }
0x67: {  	_ =	shalt  }
0x68: {  	_ =	shalt  }
0x69: {  	_ =	shalt  }
0x6a: {  	_ =	shalt  }
0x6b: {  	_ =	shalt  }
0x6c: {  	_ =	shalt  }
0x6d: {  	_ =	shalt  }
0x6e: {  	_ =	shalt  }
0x6f: {  	_ =	shalt  }
0x70: {  	_ =	shalt  }
0x71: {  	_ =	shalt  }
0x72: {  	_ =	shalt  }
0x73: {  	_ =	shalt  }
0x74: {  	_ =	shalt  }
0x75: {  	_ =	shalt  }
0x76: {  	_ =	shalt  }
0x77: {  	_ =	shalt  }
0x78: {  	_ =	shalt  }
0x79: {  	_ =	shalt  }
0x7a: {  	_ =	shalt  }
0x7b: {  	_ =	shalt  }
0x7c: {  	_ =	shalt  }
0x7d: {  	_ =	shalt  }
0x7e: {  	_ =	shalt  }
0x7f: {  	_ =	shalt  }
0x80: {  	_ =	shalt  }
0x81: {  	_ =	shalt  }
0x82: {  	_ =	shalt  }
0x83: {  	_ =	shalt  }
0x84: {  	_ =	shalt  }
0x85: {  	_ =	shalt  }
0x86: {  	_ =	shalt  }
0x87: {  	_ =	shalt  }
.Lfunc_end0:
.L_simem_size_0:
called_computation.3_lowered:
.L_overlay_start_0:
0x88: {  	s2 =	sld [smem:$0x3FD9]  }
0x89: {  	s3 =	sld [smem:$0x3FFE];
	_ =	sdelay $0x1  }
0x8a: {  	s1 =	srdreg.scid  }
0x8b: {  	s0 =	sand.u32 $0x1, s1  }
0x8c: {  	s16 =	sshll.u32 s0, $0xA;
	s2 =	sadd.s32 s3, s2  }
0x8d: {  	s2 =	sadd.s32 s2, s16  }
0x8e: {  	[smem:$0x3FBF] =	sst s2  }
0x8f: {  	_ = 	snop  }
0x90: {  	(tm) =	ssettm $0x1  }
0x91: {  	s17 =	sld [smem:$0x3FFB];
	_ =	sdelay $0x3  }
0x92: {  	_ =	strace s17  }
0x93: {  	s2 =	sld [smem:$0x3FFC];
	_ =	sdelay $0x3  }
0x94: {  	_ =	strace s2  }
0x95: {  	s2 =	sld [smem:$0x3FFD];
	_ =	sdelay $0x3  }
0x96: {  	_ =	strace s2  }
0x97: {  	_ =	strace $0x8FFFFFFF  }
0x98: {  	s18 =	sld [smem:$0x3FDB];
	_ =	sdelay $0x1  }
0x99: {  	s19 =	simm.s32 $_scs_section_size  }
0x9a: {  	s4 =	simm.s32 $_size__tile_overlayer_lowered;
	s5 =	simm.s32 $_tile_overlayer_lowered  }
0x9b: {  	s22 =	simm.s32 $0x1BFF;
	s21 =	sshll.u32 s5, $0x1;
	s2 =	sadd.s32 s19, s18  }
0x9c: {  	s6 =	simm.s32 $0x0;
	s20 =	sshll.u32 s4, $0x1;
	s4 =	sadd.s32 s21, s2  }
0x9d: {  	[timem:s6], [sflag:s22] =	dma.local [hbm:s4], s20  }
0x9e: {  	_ =	swait.ge [sflag:s22], s20  }
0x9f: {  	s3 =	ssub.s32 $0x0, s20;
	[sflag:s22] =	ssyncset.done $0x0  }
0xa0: {  	[sflag:s22] =	ssyncadd.s32 s3;
	_ =	sdelay $0x1  }
0xa1: {  	s23 =	simm.s32 $0x1B8B  }
0xa2: {  	_ =	swait.ge [sflag:s23], $0x1  }
0xa3: {  	[sflag:s23] =	ssyncset.done $0x0  }
0xa4: {  	s25 =	simm.s32 $0x1B8E;
	s24 =	sld [smem:$0x3FFE];
	[sflag:s23] =	ssyncadd.s32 $0xFFFFFFFF  }
0xa5: {  	s26 =	simm.s32 $execute0_lowered;
	[smem:$0x3FD2] =	sst s25  }
0xa6: {  	s4 =	sshll.u32 s26, $0x1;
	_ =	strace $0x8000004F;
	[dreg:$0x1] =	wrdreg $0xFFFFFFFF  }
0xa7: {  	s28 =	simm.s32 $_size_execute0_lowered;
	s2 =	sadd.s32 s2, s4;
	[dreg:$0x0] =	wrdreg $0x0  }
0xa8: {  	s4 =	sshll.u32 s28, $0x1;
	[dreg:$0x2] =	wrdreg s2  }
0xa9: {  	[dreg:$0x3] =	wrdreg s4  }
0xaa: {  	[dreg:$0x4] =	wrdreg $0xC0  }
0xab: {  	_ =	task [dreg:s6], $0x5FFFF  }
0xac: {  	[dreg:$0x1] =	wrdreg $0xFFFFFFFF  }
0xad: {  	[dreg:$0x0] =	wrdreg $0x60  }
0xae: {  	[dreg:$0x2] =	wrdreg s24  }
0xaf: {  	[dreg:$0x3] =	wrdreg $0x9  }
0xb0: {  	_ =	task.clear_ibuf [dreg:s6], $0x4FFFF;
	_ =	strace $0x9000004F  }
0xb1: {  	s29 =	simm.s32 $0x9;
	_ =	strace $0x80000051  }
0xb2: {  	_ =	swait.ge [sflag:s29], $0x1  }
0xb3: {  	[sflag:s29] =	ssyncadd.s32 $0xFFFFFFFF  }
0xb4: {  	_ =	strace $0x90000051  }
0xb5: {  	_ =	sfence  }
0xb6: {  	s30 =	sld [smem:$0x0];
	_ =	sdelay $0x2  }
0xb7: {  	s31 =	sshll.u32 s1, $0xD;
	s1 =	sshrl.u32 s1, $0x2  }
0xb8: {  	s3 =	sand.u32 $0x4000, s31;
	s1 =	sadd.s32 s1, s30  }
0xb9: {  	s0 =	sor.u32 s3, s0;
	s1 =	sshll.u32 s1, $0x11  }
0xba: {  	s0 =	sor.u32 s1, s0  }
0xbb: {  	s0 =	sadd.s32 $0x8F2B, s0  }
0xbc: {  	[sflag:s0] =	ssyncadd.remote.s32 $0x1  }
0xbd: {  	_ =	sfence.sel $0xFFFF  }
0xbe: {  	[dreg:$0x0] =	wrdreg $0xFFFFFFFF;
	(pc) =	sbr.abs _section_cstart, $3  }
0xbf: {  	[dreg:$0x1] =	wrdreg $0xFFFFFFFF  }
0xc0: {  	_ =	task.clear_ibuf [dreg:s6], $0x2FFFF;
	_ =	strace $0x9FFFFFFF  }
0xc1: {  	(tm) =	ssettm $0x7FFFFFFF  }
tec
execute0_lowered:
.L_overlay_start_1:
0x0: {  	(tag) =	ssettag $0x1  }
0x1: {  	s5 =	rddreg [dreg:$0x0]  }
0x2: {  	s2 =	srdreg.scid;
	s0 =	rddreg [dreg:$0x1];
	s1 =	simm.s32 $0x0  }
0x3: {  	s3 =	stileid.u32;
	s8 =	simm.s32 $0x1F40;
	s9 =	simm.s32 $0x2  }
0x4: {  	s10 =	simm.s32 $0x2710;
	s11 =	simm.s32 $0x7D0;
	s12 =	simm.s32 $0xFA0  }
.Ltmp0:
0x5: {  	s13 =	simm.s32 $0x1770;
	s2 =	sand.u32 $0x1, s2;
	(pc) =	sbr.rel .LBB2_1-.Ltmp0, $4  }
0x6: {  	s14 =	simm.s32 $0x2EE0;
	s15 =	simm.s32 $0x1;
	s6 =	ssub.s32 $0x2, s2  }
0x7: {  	s16 =	simm.s32 $0x0;
	[smem:$0x7FF] =	sst s1;
	s7 =	sshrl.u32 s6, $0x1  }
0x8: {  	s4 =	sadd.s32 $0x495E00, s5;
	s5 =	sadd.s32 $0x1E00, s5;
	s7 =	ssub.s32 s6, s7  }
0x9: {  	_ =	strace $0x80000050;
	s6 =	sshll.u32 s3, $0x1;
	s7 =	smax.u32 s7, $0x1  }
.LBB2_15:
0xa: {  	s16 =	sadd.s32 $0x1, s16  }
0xb: {  	p0 =	sne.s32 s16, s7  }
.Ltmp1:
0xc: {  	_ = 	snop;
	(pc) =	sbr.rel @!p0 .LBB2_16-.Ltmp1, $1  }
0xd: {  	_ =	sdelay $0x3  }
.LBB2_1:
.Ltmp2:
0xe: {  	(pc) =	sbr.rel .LBB2_2-.Ltmp2, $2  }
0xf: {  	_ =	sdelay $0x2  }
0x10: {  	p1 =	por $0x1, $0x1;
	s17 =	simm.s32 $0x0  }
.LBB2_14:
.Ltmp3:
0x11: {  	(pc) =	sbr.rel @!p0 .LBB2_15-.Ltmp3, $2  }
0x12: {  	_ =	sdelay $0x2  }
0x13: {  	s17 =	simm.s32 $0x20;
	p1 =	por $0x0, $0x0  }
.LBB2_2:
0x14: {  	s17 =	sor.u32 s6, s17  }
0x15: {  	p2 =	sgt.u32 s17, $0x31  }
.Ltmp4:
0x16: {  	_ = 	snop;
	(pc) =	sbr.rel @p2 .LBB2_14-.Ltmp4, $2  }
0x17: {  	_ =	sdelay $0x2  }
0x18: {  	p0 =	por p1, p1  }
0x19: {  	s18 =	sor.u32 s2, s17  }
0x1a: {  	s17 =	smul.u32 $0x7D0, s18;
	_ =	sdelay $0x1  }
0x1b: {  	s17 =	sshrl.u32 s17, $0x3  }
0x1c: {  	s17 =	sadd.s32 s4, s17  }
0x1d: {  	s20 =	simm.s32 $0x0;
	s19 =	sadd.s32 $0xC350, s17  }
0x1e: {  	[tilespmem:s8], [sflag:$0x2] =	stream.linear.gather [hbm4b:s19+s20], $0x7D0, $0x38;
	[tilespmem:$0x36B0] =	vst v63  }
0x1f: {  	_ =	swait.ge [sflag:s9], $0x7D0  }
0x20: {  	[sflag:s9] =	ssyncset.done $0x0  }
0x21: {  	s28 =	sadd.s32 $0x1B774, s17;
	[sflag:s9] =	ssyncadd.s32 $0xFFFFF830  }
0x22: {  	[tilespmem:s10], [sflag:$0x2] =	stream.linear.gather [hbm4b:s28+s20], $0x7D0, $0x38;
	[tilespmem:$0x36B0] =	vst v63  }
0x23: {  	_ =	swait.ge [sflag:s9], $0x7D0  }
0x24: {  	[sflag:s9] =	ssyncset.done $0x0  }
0x25: {  	[sflag:s9] =	ssyncadd.s32 $0xFFFFF830  }
0x26: {  	[tilespmem:s20], [sflag:$0x2] =	stream.linear.gather [hbm4b:s17+s20], $0x7D0, $0x38;
	[tilespmem:$0x36B0] =	vst v63  }
0x27: {  	_ =	swait.ge [sflag:s9], $0x7D0  }
0x28: {  	[sflag:s9] =	ssyncset.done $0x0  }
0x29: {  	s29 =	sadd.s32 $0x30D4, s17;
	[sflag:s9] =	ssyncadd.s32 $0xFFFFF830  }
0x2a: {  	[tilespmem:s11], [sflag:$0x2] =	stream.linear.gather [hbm4b:s29+s20], $0x7D0, $0x38;
	[tilespmem:$0x36B0] =	vst v63  }
0x2b: {  	_ =	swait.ge [sflag:s9], $0x7D0  }
0x2c: {  	[sflag:s9] =	ssyncset.done $0x0  }
0x2d: {  	s30 =	sadd.s32 $0x61A8, s17;
	[sflag:s9] =	ssyncadd.s32 $0xFFFFF830  }
0x2e: {  	[tilespmem:s12], [sflag:$0x2] =	stream.linear.gather [hbm4b:s30+s20], $0x7D0, $0x38;
	[tilespmem:$0x36B0] =	vst v63  }
0x2f: {  	_ =	swait.ge [sflag:s9], $0x7D0  }
0x30: {  	[sflag:s9] =	ssyncset.done $0x0  }
0x31: {  	s31 =	sadd.s32 $0x927C, s17;
	[sflag:s9] =	ssyncadd.s32 $0xFFFFF830  }
0x32: {  	[tilespmem:s13], [sflag:$0x2] =	stream.linear.gather [hbm4b:s31+s20], $0x7D0, $0x38;
	[tilespmem:$0x36B0] =	vst v63  }
0x33: {  	_ =	swait.ge [sflag:s9], $0x7D0  }
0x34: {  	[sflag:s9] =	ssyncset.done $0x0  }
0x35: {  	s19 =	simm.s32 $0x0;
	[sflag:s9] =	ssyncadd.s32 $0xFFFFF830  }
0x36: {  	s20 =	simm.s32 $0x40;
	v0 =	vld [tilespmem:s19+$0x2710]  }
.LBB2_4:
0x37: {  	p1 =	sne.s32 s20, $0x1F00;
	v1 =	vld [tilespmem:s19+$0x1F40];
	_ =	sdelay $0x3  }
.Ltmp5:
0x38: {  	(pc) =	sbr.rel @p1 .LBB2_4-.Ltmp5, $3  }
0x39: {  	v0 =	vadd.f32 v0, v1;
	_ =	sdelay $0x1  }
0x3a: {  	s21 =	sshra.s32 s20, $0x2;
	v1 =	vmax.f32 v0, $1.000000000e+00  }
0x3b: {  	s20 =	sadd.s32 $0x40, s20;
	v0 =	vld [tilespmem:s21+$0x2710];
	[tilespmem:s19+$0x1F40] =	vst v1;
	s19 =	smov.u32 s21  }
0x3c: {  	v1 =	vld [tilespmem:s19+$0x1F40];
	_ =	sdelay $0x4  }
0x3d: {  	v0 =	vadd.f32 v0, v1;
	_ =	sdelay $0x1  }
0x3e: {  	v0 =	vmax.f32 v0, $1.000000000e+00  }
0x3f: {  	s31 =	sadd.s32 $0xF424, s17;
	s20 =	simm.s32 $0x0;
	[tilespmem:s19+$0x1F40] =	vst v0  }
0x40: {  	[tilespmem:s10], [sflag:$0x2] =	stream.linear.gather [hbm4b:s31+s20], $0x7D0, $0x38;
	[tilespmem:$0x36B0] =	vst v63  }
0x41: {  	_ =	swait.ge [sflag:s9], $0x7D0  }
0x42: {  	[sflag:s9] =	ssyncset.done $0x0  }
0x43: {  	s21 =	simm.s32 $0x0;
	[sflag:s9] =	ssyncadd.s32 $0xFFFFF830  }
0x44: {  	v0 =	vld [tilespmem:s21+$0x1F40];
	_ =	sdelay $0x4  }
0x45: {  	(erf) = vrcp.f32 v0;
	_ =	sdelay $0x2  }
0x46: {  	s19 =	simm.s32 $0x10  }
0x47: {  	v3 =	vld [tilespmem:s19+$0x1F40]  }
0x48: {  	v2 =	vld [tilespmem:s21+$0x2710]  }
0x49: {  	v0 =	vld [tilespmem:s21+$0x0];
	_ =	sdelay $0x2  }
0x4a: {  	s20 =	simm.s32 $0x20;
	v5 =	vpop (erf);
	(erf) = vrcp.f32 v3  }
0x4b: {  	v1 =	vld [tilespmem:s20+$0x1F40]  }
0x4c: {  	v4 =	vadd.f32 v2, v0;
	v0 =	vld [tilespmem:s19+$0x0]  }
0x4d: {  	v2 =	vld [tilespmem:s19+$0x2710]  }
0x4e: {  	s22 =	simm.s32 $0xC0;
	v3 =	vmul.f32 v5, v4  }
.LBB2_6:
0x4f: {  	p1 =	sne.s32 s22, $0x1F00  }
.Ltmp6:
0x50: {  	s23 =	sshra.s32 s22, $0x2;
	s22 =	sadd.s32 $0x40, s22;
	(erf) = vrcp.f32 v1;
	[tilespmem:s21+$0x2EE0] =	vst v3;
	(pc) =	sbr.rel @p1 .LBB2_6-.Ltmp6, $4  }
0x51: {  	s21 =	smov.u32 s19;
	s19 =	smov.u32 s20;
	v1 =	vld [tilespmem:s23+$0x1F40]  }
0x52: {  	s20 =	smov.u32 s23;
	v3 =	vadd.f32 v2, v0;
	v0 =	vld [tilespmem:s19+$0x0]  }
0x53: {  	v2 =	vld [tilespmem:s19+$0x2710];
	v4 =	vpop (erf)  }
0x54: {  	v3 =	vmul.f32 v4, v3  }
0x55: {  	_ = 	snop  }
0x56: {  	(erf) = vrcp.f32 v1  }
0x57: {  	[tilespmem:s21+$0x2EE0] =	vst v3  }
0x58: {  	v1 =	vld [tilespmem:s20+$0x0]  }
0x59: {  	v3 =	vld [tilespmem:s20+$0x2710];
	_ =	sdelay $0x3  }
0x5a: {  	v0 =	vadd.f32 v2, v0  }
0x5b: {  	v2 =	vpop (erf);
	v1 =	vadd.f32 v3, v1  }
0x5c: {  	s18 =	smul.u32 $0x3E80, s18;
	v0 =	vmul.f32 v2, v0;
	v2 =	vpop (erf)  }
0x5d: {  	v1 =	vmul.f32 v2, v1  }
0x5e: {  	s18 =	sshrl.u32 s18, $0x3;
	[tilespmem:s19+$0x2EE0] =	vst v0  }
0x5f: {  	s30 =	simm.s32 $0x0;
	s18 =	sadd.s32 s5, s18;
	[tilespmem:s20+$0x2EE0] =	vst v1  }
0x60: {  	[hbm4b:s18+s30] =	stream.linear.scatter [tilespmem:s14], [sflag:$0x2], $0x7D0, $0x38;
	[tilespmem:$0x36B0] =	vst v63  }
0x61: {  	_ =	swait.ge [sflag:s9], $0x7D0  }
0x62: {  	[sflag:s9] =	ssyncset.done $0x0  }
0x63: {  	s31 =	sadd.s32 $0x124F8, s17;
	[sflag:s9] =	ssyncadd.s32 $0xFFFFF830  }
0x64: {  	[tilespmem:s10], [sflag:$0x2] =	stream.linear.gather [hbm4b:s31+s30], $0x7D0, $0x38;
	[tilespmem:$0x36B0] =	vst v63  }
0x65: {  	_ =	swait.ge [sflag:s9], $0x7D0  }
0x66: {  	[sflag:s9] =	ssyncset.done $0x0  }
0x67: {  	s21 =	simm.s32 $0x0;
	[sflag:s9] =	ssyncadd.s32 $0xFFFFF830  }
0x68: {  	v0 =	vld [tilespmem:s21+$0x1F40];
	_ =	sdelay $0x4  }
0x69: {  	(erf) = vrcp.f32 v0;
	_ =	sdelay $0x2  }
0x6a: {  	s19 =	simm.s32 $0x10  }
0x6b: {  	v3 =	vld [tilespmem:s19+$0x1F40]  }
0x6c: {  	v2 =	vld [tilespmem:s21+$0x2710]  }
0x6d: {  	v0 =	vld [tilespmem:s21+$0x7D0];
	_ =	sdelay $0x2  }
0x6e: {  	s20 =	simm.s32 $0x20;
	v5 =	vpop (erf);
	(erf) = vrcp.f32 v3  }
0x6f: {  	v1 =	vld [tilespmem:s20+$0x1F40]  }
0x70: {  	v4 =	vadd.f32 v2, v0;
	v0 =	vld [tilespmem:s19+$0x7D0]  }
0x71: {  	v2 =	vld [tilespmem:s19+$0x2710]  }
0x72: {  	s22 =	simm.s32 $0xC0;
	v3 =	vmul.f32 v5, v4  }
.LBB2_8:
0x73: {  	p1 =	sne.s32 s22, $0x1F00  }
.Ltmp7:
0x74: {  	s23 =	sshra.s32 s22, $0x2;
	s22 =	sadd.s32 $0x40, s22;
	(erf) = vrcp.f32 v1;
	[tilespmem:s21+$0x2EE0] =	vst v3;
	(pc) =	sbr.rel @p1 .LBB2_8-.Ltmp7, $4  }
0x75: {  	s21 =	smov.u32 s19;
	s19 =	smov.u32 s20;
	v1 =	vld [tilespmem:s23+$0x1F40]  }
0x76: {  	s20 =	smov.u32 s23;
	v3 =	vadd.f32 v2, v0;
	v0 =	vld [tilespmem:s19+$0x7D0]  }
0x77: {  	v2 =	vld [tilespmem:s19+$0x2710];
	v4 =	vpop (erf)  }
0x78: {  	v3 =	vmul.f32 v4, v3  }
0x79: {  	_ = 	snop  }
0x7a: {  	(erf) = vrcp.f32 v1  }
0x7b: {  	[tilespmem:s21+$0x2EE0] =	vst v3  }
0x7c: {  	v1 =	vld [tilespmem:s20+$0x7D0]  }
0x7d: {  	v3 =	vld [tilespmem:s20+$0x2710];
	_ =	sdelay $0x3  }
0x7e: {  	v0 =	vadd.f32 v2, v0  }
0x7f: {  	v2 =	vpop (erf);
	v1 =	vadd.f32 v3, v1  }
0x80: {  	v0 =	vmul.f32 v2, v0;
	v2 =	vpop (erf)  }
0x81: {  	v1 =	vmul.f32 v2, v1  }
0x82: {  	[tilespmem:s19+$0x2EE0] =	vst v0  }
0x83: {  	s29 =	sadd.s32 $0xFA, s18;
	s30 =	simm.s32 $0x0;
	[tilespmem:s20+$0x2EE0] =	vst v1  }
0x84: {  	[hbm4b:s29+s30] =	stream.linear.scatter [tilespmem:s14], [sflag:$0x2], $0x7D0, $0x38;
	[tilespmem:$0x36B0] =	vst v63  }
0x85: {  	_ =	swait.ge [sflag:s9], $0x7D0  }
0x86: {  	[sflag:s9] =	ssyncset.done $0x0  }
0x87: {  	s31 =	sadd.s32 $0x155CC, s17;
	[sflag:s9] =	ssyncadd.s32 $0xFFFFF830  }
0x88: {  	[tilespmem:s10], [sflag:$0x2] =	stream.linear.gather [hbm4b:s31+s30], $0x7D0, $0x38;
	[tilespmem:$0x36B0] =	vst v63  }
0x89: {  	_ =	swait.ge [sflag:s9], $0x7D0  }
0x8a: {  	[sflag:s9] =	ssyncset.done $0x0  }
0x8b: {  	s21 =	simm.s32 $0x0;
	[sflag:s9] =	ssyncadd.s32 $0xFFFFF830  }
0x8c: {  	v0 =	vld [tilespmem:s21+$0x1F40];
	_ =	sdelay $0x4  }
0x8d: {  	(erf) = vrcp.f32 v0;
	_ =	sdelay $0x2  }
0x8e: {  	s19 =	simm.s32 $0x10  }
0x8f: {  	v3 =	vld [tilespmem:s19+$0x1F40]  }
0x90: {  	v2 =	vld [tilespmem:s21+$0x2710]  }
0x91: {  	v0 =	vld [tilespmem:s21+$0xFA0];
	_ =	sdelay $0x2  }
0x92: {  	s20 =	simm.s32 $0x20;
	v5 =	vpop (erf);
	(erf) = vrcp.f32 v3  }
0x93: {  	v1 =	vld [tilespmem:s20+$0x1F40]  }
0x94: {  	v4 =	vadd.f32 v2, v0;
	v0 =	vld [tilespmem:s19+$0xFA0]  }
0x95: {  	v2 =	vld [tilespmem:s19+$0x2710]  }
0x96: {  	s22 =	simm.s32 $0xC0;
	v3 =	vmul.f32 v5, v4  }
.LBB2_10:
0x97: {  	p1 =	sne.s32 s22, $0x1F00  }
.Ltmp8:
0x98: {  	s23 =	sshra.s32 s22, $0x2;
	s22 =	sadd.s32 $0x40, s22;
	(erf) = vrcp.f32 v1;
	[tilespmem:s21+$0x2EE0] =	vst v3;
	(pc) =	sbr.rel @p1 .LBB2_10-.Ltmp8, $4  }
0x99: {  	s21 =	smov.u32 s19;
	s19 =	smov.u32 s20;
	v1 =	vld [tilespmem:s23+$0x1F40]  }
0x9a: {  	s20 =	smov.u32 s23;
	v3 =	vadd.f32 v2, v0;
	v0 =	vld [tilespmem:s19+$0xFA0]  }
0x9b: {  	v2 =	vld [tilespmem:s19+$0x2710];
	v4 =	vpop (erf)  }
0x9c: {  	v3 =	vmul.f32 v4, v3  }
0x9d: {  	_ = 	snop  }
0x9e: {  	(erf) = vrcp.f32 v1  }
0x9f: {  	[tilespmem:s21+$0x2EE0] =	vst v3  }
0xa0: {  	v1 =	vld [tilespmem:s20+$0xFA0]  }
0xa1: {  	v3 =	vld [tilespmem:s20+$0x2710];
	_ =	sdelay $0x3  }
0xa2: {  	v0 =	vadd.f32 v2, v0  }
0xa3: {  	v2 =	vpop (erf);
	v1 =	vadd.f32 v3, v1  }
0xa4: {  	v0 =	vmul.f32 v2, v0;
	v2 =	vpop (erf)  }
0xa5: {  	v1 =	vmul.f32 v2, v1  }
0xa6: {  	[tilespmem:s19+$0x2EE0] =	vst v0  }
0xa7: {  	s30 =	sadd.s32 $0x1F4, s18;
	s31 =	simm.s32 $0x0;
	[tilespmem:s20+$0x2EE0] =	vst v1  }
0xa8: {  	[hbm4b:s30+s31] =	stream.linear.scatter [tilespmem:s14], [sflag:$0x2], $0x7D0, $0x38;
	[tilespmem:$0x36B0] =	vst v63  }
0xa9: {  	_ =	swait.ge [sflag:s9], $0x7D0  }
0xaa: {  	[sflag:s9] =	ssyncset.done $0x0  }
0xab: {  	s17 =	sadd.s32 $0x186A0, s17;
	[sflag:s9] =	ssyncadd.s32 $0xFFFFF830  }
0xac: {  	[tilespmem:s10], [sflag:$0x2] =	stream.linear.gather [hbm4b:s17+s31], $0x7D0, $0x38;
	[tilespmem:$0x36B0] =	vst v63  }
0xad: {  	_ =	swait.ge [sflag:s9], $0x7D0  }
0xae: {  	[sflag:s9] =	ssyncset.done $0x0  }
0xaf: {  	s20 =	simm.s32 $0x0;
	[sflag:s9] =	ssyncadd.s32 $0xFFFFF830  }
0xb0: {  	v0 =	vld [tilespmem:s20+$0x1F40];
	_ =	sdelay $0x4  }
0xb1: {  	(erf) = vrcp.f32 v0;
	_ =	sdelay $0x2  }
0xb2: {  	s17 =	simm.s32 $0x10  }
0xb3: {  	v3 =	vld [tilespmem:s17+$0x1F40]  }
0xb4: {  	v2 =	vld [tilespmem:s20+$0x2710]  }
0xb5: {  	v0 =	vld [tilespmem:s20+$0x1770];
	_ =	sdelay $0x2  }
0xb6: {  	s19 =	simm.s32 $0x20;
	v5 =	vpop (erf);
	(erf) = vrcp.f32 v3  }
0xb7: {  	v1 =	vld [tilespmem:s19+$0x1F40]  }
0xb8: {  	v4 =	vadd.f32 v2, v0;
	v0 =	vld [tilespmem:s17+$0x1770]  }
0xb9: {  	v2 =	vld [tilespmem:s17+$0x2710]  }
0xba: {  	s21 =	simm.s32 $0xC0;
	v3 =	vmul.f32 v5, v4  }
.LBB2_12:
0xbb: {  	p1 =	sne.s32 s21, $0x1F00  }
.Ltmp9:
0xbc: {  	s22 =	sshra.s32 s21, $0x2;
	s21 =	sadd.s32 $0x40, s21;
	(erf) = vrcp.f32 v1;
	[tilespmem:s20+$0x2EE0] =	vst v3;
	(pc) =	sbr.rel @p1 .LBB2_12-.Ltmp9, $4  }
0xbd: {  	s20 =	smov.u32 s17;
	s17 =	smov.u32 s19;
	v1 =	vld [tilespmem:s22+$0x1F40]  }
0xbe: {  	s19 =	smov.u32 s22;
	v3 =	vadd.f32 v2, v0;
	v0 =	vld [tilespmem:s17+$0x1770]  }
0xbf: {  	v2 =	vld [tilespmem:s17+$0x2710];
	v4 =	vpop (erf)  }
0xc0: {  	v3 =	vmul.f32 v4, v3  }
0xc1: {  	_ = 	snop  }
0xc2: {  	(erf) = vrcp.f32 v1  }
0xc3: {  	[tilespmem:s20+$0x2EE0] =	vst v3  }
0xc4: {  	v61 =	vld [tilespmem:s19+$0x1770]  }
0xc5: {  	v3 =	vld [tilespmem:s19+$0x2710];
	_ =	sdelay $0x3  }
0xc6: {  	v0 =	vadd.f32 v2, v0  }
0xc7: {  	v62 =	vpop (erf);
	v1 =	vadd.f32 v3, v61  }
0xc8: {  	v0 =	vmul.f32 v62, v0;
	v63 =	vpop (erf)  }
0xc9: {  	v1 =	vmul.f32 v63, v1  }
0xca: {  	[tilespmem:s17+$0x2EE0] =	vst v0  }
.Ltmp10:
0xcb: {  	s31 =	sadd.s32 $0x2EE, s18;
	[tilespmem:s19+$0x2EE0] =	vst v1;
	(pc) =	sbr.rel .LBB2_14-.Ltmp10, $4  }
0xcc: {  	[hbm4b:s31+s1] =	stream.linear.scatter [tilespmem:s14], [sflag:$0x1], $0x7D0, $0x38;
	[tilespmem:$0x36B0] =	vst v63  }
0xcd: {  	_ =	swait.ge [sflag:s15], $0x7D0  }
0xce: {  	[sflag:s15] =	ssyncset.done $0x0  }
0xcf: {  	[sflag:s15] =	ssyncadd.s32 $0xFFFFF830  }
.LBB2_16:
0xd0: {  	_ =	sfence.sel $0x180000  }
0xd1: {  	[bflag:$0x0] =	sbarrier.arrive $0xFFFF  }
0xd2: {  	p0 =	sne.s32 s3, $0x0;
	_ =	strace $0x90000050  }
0xd3: {  	s0 =	sadd.s32 @!p0 $0x100000, s0;
	[bflag:$0x2] =	sbarrier.arrive $0xFFFF  }
0xd4: {  	[sflag:s0] =	ssyncadd.tile.s32 @!p0 $0x1;
	_ =	shalt  }
.Lfunc_end2:
_tile_overlayer_lowered:
.L_overlay_start_2:
0xd5: {  	(tag) =	ssettag $0x2  }
0xd6: {  	s0 =	rddreg [dreg:$0x0];
	s2 =	stileid.u32  }
0xd7: {  	s1 =	rddreg [dreg:$0x1];
	p0 =	sne.s32 s2, $0x0  }
0xd8: {  	s3 =	rddreg [dreg:$0x2];
	[bflag:$0x3] =	sbarrier.arrive $0xFFFF;
	s2 =	simm.s32 @!p0 $0x1C01  }
0xd9: {  	[timem:s3], [sflag:s2] =	dma.local @!p0 [hbm:s0], s1  }
0xda: {  	s0 =	simm.s32 @!p0 $0x1  }
0xdb: {  	_ =	swait.ge @!p0 [sflag:s0], s1  }
0xdc: {  	s1 =	ssub.s32 @!p0 $0x0, s1;
	[sflag:s0] =	ssyncset.done @!p0 $0x0  }
0xdd: {  	[sflag:s0] =	ssyncadd.s32 @!p0 s1  }
0xde: {  	[bflag:$0x3] =	sbarrier.arrive $0xFFFF  }
0xdf: {  	_ =	shalt  }

// kernel: sparse-core-data-format-call.1.cloned.1.call-start
scs
called_computation.1_lowered:
.L_overlay_start_0:
0x0: {  	s2 =	sld [smem:$0x3FD9]  }
0x1: {  	s3 =	sld [smem:$0x3FFE];
	_ =	sdelay $0x1  }
0x2: {  	s1 =	srdreg.scid  }
0x3: {  	s0 =	sand.u32 $0x1, s1  }
0x4: {  	s18 =	sshll.u32 s0, $0xA;
	s2 =	sadd.s32 s3, s2  }
0x5: {  	s2 =	sadd.s32 s2, s18  }
0x6: {  	[smem:$0x3FBF] =	sst s2  }
0x7: {  	_ = 	snop  }
0x8: {  	s2 =	sld [smem:$0x3FC8];
	(tm) =	ssettm $0x1  }
0x9: {  	s19 =	sld [smem:$0x3FFB];
	_ =	sdelay $0x3  }
0xa: {  	_ =	strace s19  }
0xb: {  	s3 =	sld [smem:$0x3FFC];
	_ =	sdelay $0x3  }
0xc: {  	_ =	strace s3  }
0xd: {  	s3 =	sld [smem:$0x3FFD];
	_ =	sdelay $0x3  }
0xe: {  	_ =	strace s3  }
0xf: {  	_ =	strace $0x8FFFFFFF  }
0x10: {  	s20 =	sld [smem:$0x3FDB];
	_ =	sdelay $0x1  }
0x11: {  	s4 =	simm.s32 $_scs_section_size  }
0x12: {  	s5 =	simm.s32 $_size__tile_overlayer_lowered;
	s6 =	simm.s32 $_tile_overlayer_lowered  }
0x13: {  	s23 =	simm.s32 $0x1BFF;
	s22 =	sshll.u32 s6, $0x1;
	s3 =	sadd.s32 s4, s20  }
0x14: {  	s7 =	simm.s32 $0x0;
	s21 =	sshll.u32 s5, $0x1;
	s5 =	sadd.s32 s22, s3  }
0x15: {  	[timem:s7], [sflag:s23] =	dma.local [hbm:s5], s21  }
0x16: {  	_ =	swait.ge [sflag:s23], s21  }
0x17: {  	s4 =	ssub.s32 $0x0, s21;
	[sflag:s23] =	ssyncset.done $0x0  }
0x18: {  	[sflag:s23] =	ssyncadd.s32 s4;
	_ =	sdelay $0x1  }
0x19: {  	s24 =	simm.s32 $0x1B8B  }
0x1a: {  	_ =	swait.ge [sflag:s24], $0x1  }
0x1b: {  	[sflag:s24] =	ssyncset.done $0x0  }
0x1c: {  	s26 =	simm.s32 $0x1B8E;
	s25 =	sld [smem:$0x3FFE];
	[sflag:s24] =	ssyncadd.s32 $0xFFFFFFFF  }
0x1d: {  	s27 =	simm.s32 $execute0_lowered;
	[smem:$0x3FD2] =	sst s26  }
0x1e: {  	s5 =	sshll.u32 s27, $0x1;
	_ =	strace $0x80000046;
	[dreg:$0x1] =	wrdreg $0xFFFFFFFF  }
0x1f: {  	s28 =	simm.s32 $_size_execute0_lowered;
	s3 =	sadd.s32 s3, s5;
	[dreg:$0x0] =	wrdreg $0x0  }
0x20: {  	s5 =	sshll.u32 s28, $0x1;
	[dreg:$0x2] =	wrdreg s3  }
0x21: {  	[dreg:$0x3] =	wrdreg s5  }
0x22: {  	[dreg:$0x4] =	wrdreg $0xC0  }
0x23: {  	_ =	task [dreg:s7], $0x5FFFF  }
0x24: {  	[dreg:$0x1] =	wrdreg $0xFFFFFFFF  }
0x25: {  	[dreg:$0x0] =	wrdreg $0x60  }
0x26: {  	[dreg:$0x2] =	wrdreg s2  }
0x27: {  	[dreg:$0x3] =	wrdreg s25  }
0x28: {  	[dreg:$0x4] =	wrdreg $0xA  }
0x29: {  	_ =	task.clear_ibuf [dreg:s7], $0x5FFFF;
	_ =	strace $0x90000046  }
0x2a: {  	s29 =	simm.s32 $0xA;
	_ =	strace $0x80000048  }
0x2b: {  	_ =	swait.ge [sflag:s29], $0x1  }
0x2c: {  	[sflag:s29] =	ssyncadd.s32 $0xFFFFFFFF  }
0x2d: {  	_ =	strace $0x90000048  }
0x2e: {  	_ =	sfence  }
0x2f: {  	s30 =	sld [smem:$0x0];
	_ =	sdelay $0x2  }
0x30: {  	s31 =	sshll.u32 s1, $0xD;
	s1 =	sshrl.u32 s1, $0x2  }
0x31: {  	s3 =	sand.u32 $0x4000, s31;
	s1 =	sadd.s32 s1, s30  }
0x32: {  	s0 =	sor.u32 s3, s0;
	s1 =	sshll.u32 s1, $0x11  }
0x33: {  	s0 =	sor.u32 s1, s0  }
0x34: {  	s0 =	sadd.s32 $0x8F2B, s0  }
0x35: {  	[sflag:s0] =	ssyncadd.remote.s32 $0x1  }
0x36: {  	_ =	sfence.sel $0xFFFF  }
0x37: {  	[dreg:$0x0] =	wrdreg $0xFFFFFFFF;
	(pc) =	sbr.abs _section_cstart, $3  }
0x38: {  	[dreg:$0x1] =	wrdreg $0xFFFFFFFF  }
0x39: {  	_ =	task.clear_ibuf [dreg:s7], $0x2FFFF;
	_ =	strace $0x9FFFFFFF  }
0x3a: {  	(tm) =	ssettm $0x7FFFFFFF  }
0x3b: {  	_ =	shalt  }
tec
execute0_lowered:
.L_overlay_start_1:
0x0: {  	(tag) =	ssettag $0x1  }
0x1: {  	s0 =	stileid.u32;
	s7 =	rddreg [dreg:$0x0]  }
0x2: {  	s1 =	srdreg.scid;
	s4 =	rddreg [dreg:$0x1]  }
0x3: {  	s30 =	simm.s32 $0x2;
	s10 =	simm.s32 $0x0;
	s14 =	simm.s32 $0x0  }
0x4: {  	s15 =	simm.s32 $0x0;
	s11 =	simm.s32 $0x0;
	s13 =	simm.s32 $0x0  }
0x5: {  	s2 =	sand.u32 $0x1, s1;
	s3 =	sshll.u32 s0, $0x7;
	s1 =	rddreg [dreg:$0x2]  }
0x6: {  	_ =	strace $0x80000047;
	s5 =	ssub.s32 $0xC300, s3;
	s6 =	ssub.s32 $0x2, s2  }
.Ltmp0:
0x7: {  	s5 =	sshrl.u32 s5, $0xB;
	s8 =	sshrl.u32 s6, $0x1;
	(pc) =	sbr.rel .LBB1_1-.Ltmp0, $4  }
0x8: {  	s4 =	sadd.s32 $0x1E00, s4;
	s9 =	sadd.s32 $0x1, s5;
	s6 =	ssub.s32 s6, s8  }
0x9: {  	s31 =	sshll.u32 s2, $0x4;
	s5 =	simm.s32 $0x1;
	s6 =	smul.u32 s9, s6  }
0xa: {  	s12 =	smov.u32 s3;
	s7 =	sadd.s32 s7, s31;
	[sflag:s5] =	ssyncpa.u1 $0x0  }
0xb: {  	s9 =	simm.s32 $0x0;
	[sflag:s30] =	ssyncpa.u1 $0x0;
	s8 =	sadd.s32 $0x1, s6  }
.LBB1_4:
0xc: {  	s21 =	simm.s32 $0x0  }
.LBB1_8:
0xd: {  	_ =	sdelay $0x3  }
0xe: {  	v6 =	vld [tilespmem:s18+$0xFFFFFFC0];
	[tilespmem:v0+s20+$0x30 ss:$0x1] =	vst.idx.msk @p0 $0xffff, v2  }
0xf: {  	v58 =	vld [tilespmem:s18+$0xFFFFFFD0];
	[tilespmem:v0+s20+$0x40 ss:$0x1] =	vst.idx.msk @p0 $0xffff, v3;
	s21 =	sadd.s32 @p0 $0x80, s21  }
0x10: {  	v59 =	vld [tilespmem:s18+$0xFFFFFFE0];
	[tilespmem:v0+s20+$0x50 ss:$0x1] =	vst.idx.msk @p0 $0xffff, v5;
	s19 =	smov.u32 @p0 s21  }
0x11: {  	v60 =	vld [tilespmem:s18+$0xFFFFFFF0];
	[tilespmem:v0+s20+$0x60 ss:$0x1] =	vst.idx.msk @p0 $0xffff, v4;
	s19 =	sand.u32 $0x3F80, s19  }
0x12: {  	v61 =	vld [tilespmem:s18+$0x0];
	[tilespmem:v0+s19+$0x70 ss:$0x1] =	vst.idx.msk $0xffff, v1  }
0x13: {  	v62 =	vld [tilespmem:s18+$0x10];
	[tilespmem:v0+s19+$0x0 ss:$0x1] =	vst.idx.msk $0xffff, v6  }
0x14: {  	v63 =	vld [tilespmem:s18+$0x20];
	[tilespmem:v0+s19+$0x10 ss:$0x1] =	vst.idx.msk $0xffff, v58  }
0x15: {  	[tilespmem:v0+s19+$0x20 ss:$0x1] =	vst.idx.msk $0xffff, v59  }
0x16: {  	[tilespmem:v0+s19+$0x30 ss:$0x1] =	vst.idx.msk $0xffff, v60  }
0x17: {  	[tilespmem:v0+s19+$0x40 ss:$0x1] =	vst.idx.msk $0xffff, v61  }
0x18: {  	[tilespmem:v0+s19+$0x50 ss:$0x1] =	vst.idx.msk $0xffff, v62  }
0x19: {  	[tilespmem:v0+s19+$0x60 ss:$0x1] =	vst.idx.msk $0xffff, v63  }
.LBB1_9:
0x1a: {  	s18 =	sand.u32 $0x1FFFFFF, s11  }
0x1b: {  	s19 =	smulhi.u32 $0x14F8B59, s18;
	_ =	sdelay $0x1  }
0x1c: {  	s19 =	sshrl.u32 s19, $0x8  }
0x1d: {  	s19 =	smul.u32 $0xC350, s19  }
0x1e: {  	s15 =	smul.u32 $0xC3500, s15  }
0x1f: {  	s18 =	ssub.s32 s18, s19  }
0x20: {  	s15 =	sadd.s32 s4, s15;
	s18 =	sshll.u32 s18, $0x4  }
0x21: {  	s15 =	sadd.s32 s18, s15  }
0x22: {  	[hbm4b:s15+s9] =	stream.linear.scatter [tilespmem:s17], [sflag:$0x2], s16, $0x38;
	[tilespmem:$0x10000] =	vst v63  }
.LBB1_10:
0x23: {  	p0 =	slt.u32 s13, $0x2  }
0x24: {  	p1 =	sgt.s32 @!p0 s14, $0xC2D0  }
0x25: {  	s15 =	smov.u32 s14;
	s16 =	sshra.s32 @!p0 s14, $0x1F;
	p1 =	por !p1, p0  }
0x26: {  	s14 =	sand.u32 @!p0 s16, s14;
	s15 =	simm.s32 @p1 $0xC2D0  }
0x27: {  	s14 =	ssub.s32 @!p0 s15, s14  }
0x28: {  	s14 =	sadd.s32 @!p0 $0xFFFF3D30, s14  }
0x29: {  	s15 =	sshll.u32 @!p0 s14, $0x7  }
0x2a: {  	p1 =	sgt.s32 @!p0 s14, $0x7F;
	s14 =	ssub.s32 @!p0 $0x4000, s15  }
0x2b: {  	s16 =	sadd.s32 $0x800, s12;
	p1 =	por !p1, p0;
	s14 =	sand.u32 @!p0 $0x3FFFFF80, s14  }
0x2c: {  	s14 =	simm.s32 @!p1 $0x0;
	p1 =	sgt.s32 s16, $0xC34F  }
0x2d: {  	s16 =	smov.u32 @p1 s3;
	p1 =	sne.s32 s13, s8  }
.Ltmp1:
0x2e: {  	_ = 	snop;
	(pc) =	sbr.rel @!p1 .LBB1_11-.Ltmp1, $4  }
0x2f: {  	s10 =	sadd.s32 $0x4000, s10;
	s15 =	simm.s32 @!p0 $0x2  }
0x30: {  	_ =	swait.ge @!p0 [sflag:s15], s14;
	s17 =	ssub.s32 @!p0 $0x0, s14;
	s14 =	smov.u32 s11  }
0x31: {  	s13 =	sadd.s32 $0x1, s13;
	s11 =	smov.u32 s12;
	[sflag:s15] =	ssyncset.done @!p0 $0x0  }
0x32: {  	s12 =	smov.u32 s16;
	[sflag:s15] =	ssyncadd.s32 @!p0 s17;
	s15 =	smov.u32 s2  }
.LBB1_1:
0x33: {  	p0 =	sge.u32 s13, s6  }
0x34: {  	p1 =	sgt.s32 @!p0 s12, $0xC2D0  }
0x35: {  	s16 =	smov.u32 s12;
	s17 =	sshra.s32 @!p0 s12, $0x1F;
	p1 =	por !p1, p0  }
0x36: {  	s17 =	sand.u32 @!p0 s17, s12;
	s16 =	simm.s32 @p1 $0xC2D0  }
0x37: {  	s16 =	ssub.s32 @!p0 s16, s17  }
0x38: {  	s31 =	sadd.s32 $0xFFFFFFFF, s13;
	s18 =	sxor.u32 @!p0 $0xFFFFFFFF, s13;
	s16 =	sadd.s32 @!p0 $0xFFFF3D30, s16  }
0x39: {  	s19 =	simm.s32 @!p0 $0x80;
	s20 =	simm.s32 @!p0 $0x100;
	s17 =	sshll.u32 @!p0 s16, $0x7  }
0x3a: {  	p1 =	sgt.s32 @!p0 s16, $0x7F;
	s16 =	ssub.s32 @!p0 $0x4000, s17;
	s17 =	sshll.u32 @!p0 s18, $0xE  }
0x3b: {  	p1 =	por !p1, p0;
	s18 =	sshll.u32 @!p0 s12, $0x5;
	s16 =	sand.u32 @!p0 $0x3FFFFF80, s16  }
0x3c: {  	s17 =	sand.u32 @!p0 $0x4000, s17;
	s18 =	sadd.s32 @!p0 s18, s7;
	s16 =	simm.s32 @!p1 $0x0  }
0x3d: {  	[tilespmem:s17], [sflag:$0x1] =	stream.strided.gather @!p0 [hbm4b:s18+s19], s16, s20, s19, $0x38;
	[tilespmem:$0x10000] =	vst v63  }
0x3e: {  	p0 =	sge.u32 s31, s6  }
.Ltmp2:
0x3f: {  	_ = 	snop;
	(pc) =	sbr.rel @p0 .LBB1_10-.Ltmp2, $1  }
0x40: {  	_ =	sdelay $0x3  }
0x41: {  	p0 =	sgt.s32 s11, $0xC2D0;
	s16 =	smov.u32 s11;
	s17 =	sshra.s32 s11, $0x1F  }
0x42: {  	s16 =	simm.s32 @!p0 $0xC2D0;
	s17 =	sand.u32 s17, s11  }
0x43: {  	s16 =	ssub.s32 s16, s17  }
0x44: {  	s16 =	sadd.s32 $0xFFFF3D30, s16  }
0x45: {  	s30 =	sshll.u32 s16, $0x7  }
0x46: {  	s17 =	ssub.s32 $0x4000, s30  }
0x47: {  	p0 =	sgt.s32 s16, $0x7F;
	s16 =	sand.u32 $0x3FFFFF80, s17;
	s17 =	sadd.s32 $0x80, s11  }
0x48: {  	s16 =	simm.s32 @p0 $0x0;
	p0 =	slt.s32 s17, $0xC350  }
0x49: {  	s17 =	simm.s32 @!p0 $0xC350  }
0x4a: {  	s20 =	ssub.s32 s17, s11  }
0x4b: {  	p0 =	slt.s32 s20, $0x1  }
.Ltmp3:
0x4c: {  	_ = 	snop;
	(pc) =	sbr.rel @p0 .LBB1_9-.Ltmp3, $4  }
0x4d: {  	_ = 	snop  }
0x4e: {  	s19 =	sshll.u32 s13, $0xE;
	_ =	swait.ge [sflag:s5], s16  }
0x4f: {  	s31 =	sand.u32 $0x4000, s19;
	s18 =	ssub.s32 $0x0, s16;
	[sflag:s5] =	ssyncset.done $0x0  }
0x50: {  	s17 =	sor.u32 $0x8000, s31;
	[sflag:s5] =	ssyncadd.s32 s18  }
0x51: {  	p1 =	sne.s32 s20, $0x1  }
.Ltmp4:
0x52: {  	v0 =	vmov s17;
	(pc) =	sbr.rel @!p1 .LBB1_4-.Ltmp4, $4  }
0x53: {  	_ = 	snop  }
0x54: {  	s18 =	sand.u32 $0x4000, s10  }
0x55: {  	s18 =	sor.u32 $0x40, s18  }
0x56: {  	s19 =	simm.s32 $0x0;
	s21 =	sadd.s32 $0xFFFFFFFF, s20;
	p0 =	por $0x0, $0x0;
	v1 =	vld [tilespmem:s18+$0x30]  }
0x57: {  	v4 =	vld [tilespmem:s18+$0xFFFFFFC0]  }
0x58: {  	v6 =	vld [tilespmem:s18+$0xFFFFFFD0]  }
0x59: {  	v7 =	vld [tilespmem:s18+$0xFFFFFFE0];
	p1 =	sne.s32 s21, $0x1  }
.Ltmp5:
0x5a: {  	v2 =	vld [tilespmem:s18+$0xFFFFFFF0];
	s20 =	sand.u32 $0x3F80, s19;
	(pc) =	sbr.rel @!p1 .LBB1_6-.Ltmp5, $4  }
0x5b: {  	v3 =	vld [tilespmem:s18+$0x0];
	[tilespmem:v0+s20+$0x70 ss:$0x1] =	vst.idx.msk $0xffff, v1  }
0x5c: {  	v5 =	vld [tilespmem:s18+$0x10];
	[tilespmem:v0+s20+$0x0 ss:$0x1] =	vst.idx.msk $0xffff, v4  }
0x5d: {  	v4 =	vld [tilespmem:s18+$0x20];
	[tilespmem:v0+s20+$0x10 ss:$0x1] =	vst.idx.msk $0xffff, v6;
	s18 =	sadd.s32 $0x80, s18  }
0x5e: {  	s22 =	sadd.s32 $0xFFFFFFFF, s21;
	p0 =	por $0x1, $0x1;
	s21 =	simm.s32 $0x0;
	[tilespmem:v0+s20+$0x20 ss:$0x1] =	vst.idx.msk $0xffff, v7;
	v1 =	vld [tilespmem:s18+$0x30]  }
.LBB1_7:
0x5f: {  	p1 =	sne.s32 s22, $0x1;
	v6 =	vld [tilespmem:s18+$0xFFFFFFC0];
	[tilespmem:v0+s20+$0x30 ss:$0x1] =	vst.idx.msk $0xffff, v2  }
0x60: {  	v7 =	vld [tilespmem:s18+$0xFFFFFFD0];
	[tilespmem:v0+s20+$0x40 ss:$0x1] =	vst.idx.msk $0xffff, v3  }
0x61: {  	s21 =	sadd.s32 $0x80, s21;
	v8 =	vld [tilespmem:s18+$0xFFFFFFE0];
	[tilespmem:v0+s20+$0x50 ss:$0x1] =	vst.idx.msk $0xffff, v5  }
.Ltmp6:
0x62: {  	v2 =	vld [tilespmem:s18+$0xFFFFFFF0];
	[tilespmem:v0+s20+$0x60 ss:$0x1] =	vst.idx.msk $0xffff, v4;
	s20 =	sand.u32 $0x3F80, s21;
	(pc) =	sbr.rel @p1 .LBB1_7-.Ltmp6, $4  }
0x63: {  	v3 =	vld [tilespmem:s18+$0x0];
	[tilespmem:v0+s20+$0x70 ss:$0x1] =	vst.idx.msk $0xffff, v1  }
0x64: {  	[tilespmem:v0+s20+$0x0 ss:$0x1] =	vst.idx.msk $0xffff, v6;
	v5 =	vld [tilespmem:s18+$0x10]  }
0x65: {  	[tilespmem:v0+s20+$0x10 ss:$0x1] =	vst.idx.msk $0xffff, v7;
	v4 =	vld [tilespmem:s18+$0x20];
	s18 =	sadd.s32 $0x80, s18  }
0x66: {  	s22 =	sadd.s32 $0xFFFFFFFF, s22;
	v1 =	vld [tilespmem:s18+$0x30];
	[tilespmem:v0+s20+$0x20 ss:$0x1] =	vst.idx.msk $0xffff, v8  }
.Ltmp7:
0x67: {  	_ = 	snop;
	(pc) =	sbr.rel .LBB1_8-.Ltmp7, $1  }
0x68: {  	_ =	sdelay $0x3  }
.LBB1_6:
.Ltmp8:
0x69: {  	(pc) =	sbr.rel .LBB1_8-.Ltmp8, $2  }
0x6a: {  	_ =	sdelay $0x2  }
0x6b: {  	s21 =	simm.s32 $0x0  }
.LBB1_11:
0x6c: {  	_ =	sfence.sel $0x180000  }
0x6d: {  	s2 =	simm.s32 $0x1;
	[bflag:$0x0] =	sbarrier.arrive $0xFFFF  }
0x6e: {  	s31 =	simm.s32 $0x2;
	[sflag:s2] =	ssyncpa.u1 $0x1  }
0x6f: {  	[sflag:s31] =	ssyncpa.u1 $0x1  }
0x70: {  	p0 =	sne.s32 s0, $0x0;
	_ =	strace $0x90000047  }
0x71: {  	s0 =	sadd.s32 @!p0 $0x100000, s1;
	[bflag:$0x2] =	sbarrier.arrive $0xFFFF  }
0x72: {  	[sflag:s0] =	ssyncadd.tile.s32 @!p0 $0x1;
	_ =	shalt  }
.Lfunc_end1:
_tile_overlayer_lowered:
.L_overlay_start_2:
0x73: {  	(tag) =	ssettag $0x2  }
0x74: {  	s0 =	rddreg [dreg:$0x0];
	s2 =	stileid.u32  }
0x75: {  	s1 =	rddreg [dreg:$0x1];
	p0 =	sne.s32 s2, $0x0  }
0x76: {  	s3 =	rddreg [dreg:$0x2];
	[bflag:$0x3] =	sbarrier.arrive $0xFFFF;
	s2 =	simm.s32 @!p0 $0x1C01  }
0x77: {  	[timem:s3], [sflag:s2] =	dma.local @!p0 [hbm:s0], s1  }
0x78: {  	s0 =	simm.s32 @!p0 $0x1  }
0x79: {  	_ =	swait.ge @!p0 [sflag:s0], s1  }
0x7a: {  	s1 =	ssub.s32 @!p0 $0x0, s1;
	[sflag:s0] =	ssyncset.done @!p0 $0x0  }
0x7b: {  	[sflag:s0] =	ssyncadd.s32 @!p0 s1  }
0x7c: {  	[bflag:$0x3] =	sbarrier.arrive $0xFFFF  }
0x7d: {  	_ =	shalt  }

// kernel: sparse-core-data-format-call.cloned.1.call-start
scs
called_computation_lowered:
.L_overlay_start_0:
0x0: {  	s2 =	sld [smem:$0x3FD9]  }
0x1: {  	s3 =	sld [smem:$0x3FFE];
	_ =	sdelay $0x1  }
0x2: {  	s1 =	srdreg.scid  }
0x3: {  	s0 =	sand.u32 $0x1, s1  }
0x4: {  	s18 =	sshll.u32 s0, $0xA;
	s2 =	sadd.s32 s3, s2  }
0x5: {  	s2 =	sadd.s32 s2, s18  }
0x6: {  	[smem:$0x3FBF] =	sst s2  }
0x7: {  	_ = 	snop  }
0x8: {  	s19 =	sld [smem:$0x3FC7];
	(tm) =	ssettm $0x1  }
0x9: {  	s20 =	sld [smem:$0x3FFB];
	_ =	sdelay $0x3  }
0xa: {  	_ =	strace s20  }
0xb: {  	s2 =	sld [smem:$0x3FFC];
	_ =	sdelay $0x3  }
0xc: {  	_ =	strace s2  }
0xd: {  	s2 =	sld [smem:$0x3FFD];
	_ =	sdelay $0x3  }
0xe: {  	_ =	strace s2  }
0xf: {  	_ =	strace $0x8FFFFFFF  }
0x10: {  	s21 =	sld [smem:$0x3FDB];
	_ =	sdelay $0x1  }
0x11: {  	s4 =	simm.s32 $_scs_section_size  }
0x12: {  	s5 =	simm.s32 $_size__tile_overlayer_lowered;
	s6 =	simm.s32 $_tile_overlayer_lowered  }
0x13: {  	s7 =	simm.s32 $0x1BFF;
	s22 =	sshll.u32 s6, $0x1;
	s4 =	sadd.s32 s4, s21  }
0x14: {  	s23 =	simm.s32 $0x0;
	s5 =	sshll.u32 s5, $0x1;
	s6 =	sadd.s32 s22, s4  }
0x15: {  	[timem:s23], [sflag:s7] =	dma.local [hbm:s6], s5  }
0x16: {  	_ =	swait.ge [sflag:s7], s5  }
0x17: {  	s5 =	ssub.s32 $0x0, s5;
	[sflag:s7] =	ssyncset.done $0x0  }
0x18: {  	[sflag:s7] =	ssyncadd.s32 s5;
	_ =	sdelay $0x1  }
0x19: {  	s24 =	simm.s32 $0x1B8B  }
0x1a: {  	_ =	swait.ge [sflag:s24], $0x1  }
0x1b: {  	[sflag:s24] =	ssyncset.done $0x0  }
0x1c: {  	[sflag:s24] =	ssyncadd.s32 $0xFFFFFFFF  }
0x1d: {  	s5 =	sld [smem:$0x0]  }
0x1e: {  	s6 =	sand.u32 $0xFFFFFFFE, s1  }
0x1f: {  	p0 =	sne.s32 s1, s6  }
0x20: {  	s6 =	sshll.u32 @p0 s6, $0xE  }
0x21: {  	s6 =	sadd.s32 @p0 $0x11B8D, s6;
	s7 =	sshll.u32 @p0 s5, $0x11  }
0x22: {  	s6 =	sor.u32 @p0 s7, s6  }
0x23: {  	[sflag:s6] =	ssyncadd.remote.s32 @p0 $0x1;
	_ =	sdelay $0x1  }
0x24: {  	s6 =	simm.s32 @p0 $0x1B8D  }
0x25: {  	_ =	swait.eq @p0 [sflag:s6], $0x1  }
0x26: {  	[sflag:s6] =	ssyncadd.s32 @p0 $0xFFFFFFFF  }
0x27: {  	s7 =	sshll.u32 @!p0 s1, $0xE  }
0x28: {  	s7 =	sor.u32 @!p0 $0x4000, s7;
	s6 =	simm.s32 @!p0 $0x1B8D  }
0x29: {  	s5 =	sshll.u32 @!p0 s5, $0x11;
	s7 =	sadd.s32 @!p0 $0x11B8D, s7;
	_ =	swait.eq @!p0 [sflag:s6], $0x1  }
0x2a: {  	s5 =	sor.u32 @!p0 s5, s7;
	[sflag:s6] =	ssyncadd.s32 @!p0 $0xFFFFFFFF  }
0x2b: {  	s26 =	simm.s32 $0x1B8E;
	s25 =	sld [smem:$0x3FFE];
	[sflag:s5] =	ssyncadd.remote.s32 @!p0 $0x1  }
0x2c: {  	s27 =	simm.s32 $execute0_lowered;
	[smem:$0x3FD2] =	sst s26  }
0x2d: {  	s6 =	sshll.u32 s27, $0x1;
	_ =	strace $0x80000049;
	[dreg:$0x1] =	wrdreg $0xFFFFFFFF  }
0x2e: {  	s28 =	simm.s32 $_size_execute0_lowered;
	s4 =	sadd.s32 s4, s6;
	[dreg:$0x0] =	wrdreg $0x0  }
0x2f: {  	s6 =	sshll.u32 s28, $0x1;
	[dreg:$0x2] =	wrdreg s4  }
0x30: {  	[dreg:$0x3] =	wrdreg s6  }
0x31: {  	[dreg:$0x4] =	wrdreg $0xC0  }
0x32: {  	_ =	task [dreg:s23], $0x5FFFF  }
0x33: {  	[dreg:$0x1] =	wrdreg $0xFFFFFFFF  }
0x34: {  	[dreg:$0x0] =	wrdreg $0x60  }
0x35: {  	[dreg:$0x2] =	wrdreg s19  }
0x36: {  	[dreg:$0x3] =	wrdreg s25  }
0x37: {  	[dreg:$0x4] =	wrdreg $0x9  }
0x38: {  	_ =	task.clear_ibuf [dreg:s23], $0x5FFFF;
	_ =	strace $0x90000049  }
0x39: {  	s29 =	simm.s32 $0x9;
	_ =	strace $0x8000004B  }
0x3a: {  	_ =	swait.ge [sflag:s29], $0x1  }
0x3b: {  	[sflag:s29] =	ssyncadd.s32 $0xFFFFFFFF  }
0x3c: {  	_ =	strace $0x9000004B  }
0x3d: {  	_ =	sfence  }
0x3e: {  	s30 =	sld [smem:$0x0];
	_ =	sdelay $0x2  }
0x3f: {  	s31 =	sshll.u32 s1, $0xD;
	s1 =	sshrl.u32 s1, $0x2  }
0x40: {  	s4 =	sand.u32 $0x4000, s31;
	s1 =	sadd.s32 s1, s30  }
0x41: {  	s0 =	sor.u32 s4, s0;
	s1 =	sshll.u32 s1, $0x11  }
0x42: {  	s0 =	sor.u32 s1, s0  }
0x43: {  	s0 =	sadd.s32 $0x8F2B, s0  }
0x44: {  	[sflag:s0] =	ssyncadd.remote.s32 $0x1  }
0x45: {  	_ =	sfence.sel $0xFFFF  }
0x46: {  	[dreg:$0x0] =	wrdreg $0xFFFFFFFF;
	(pc) =	sbr.abs _section_cstart, $3  }
0x47: {  	[dreg:$0x1] =	wrdreg $0xFFFFFFFF  }
0x48: {  	_ =	task.clear_ibuf [dreg:s23], $0x2FFFF;
	_ =	strace $0x9FFFFFFF  }
0x49: {  	(tm) =	ssettm $0x7FFFFFFF  }
tec
execute0_lowered:
.L_overlay_start_1:
0x0: {  	(tag) =	ssettag $0x1  }
0x1: {  	s7 =	rddreg [dreg:$0x0]  }
0x2: {  	s2 =	rddreg [dreg:$0x1]  }
0x3: {  	s0 =	rddreg [dreg:$0x2]  }
0x4: {  	s3 =	srdreg.scid;
	_ =	strace $0x8000004A;
	s1 =	stileid.u32  }
0x5: {  	s8 =	simm.s32 $0x2;
	s10 =	simm.s32 $0x0;
	s14 =	simm.s32 $0x0  }
0x6: {  	s15 =	simm.s32 $0x0;
	s11 =	simm.s32 $0x0;
	s3 =	sshll.u32 s3, $0x4  }
0x7: {  	s13 =	simm.s32 $0x0;
	s2 =	sadd.s32 $0x188800, s2;
	s3 =	sand.u32 $0x10, s3  }
.Ltmp0:
0x8: {  	s4 =	sshll.u32 s1, $0x7;
	s5 =	sor.u32 s1, s3;
	(pc) =	sbr.rel .LBB1_1-.Ltmp0, $4  }
0x9: {  	s3 =	sand.u32 $0x380, s4;
	s4 =	simm.s32 $0x1;
	s5 =	sshrl.u32 s5, $0x3  }
0xa: {  	[sflag:s4] =	ssyncpa.u1 $0x0;
	s6 =	ssub.s32 $0xC300, s3;
	s12 =	smov.u32 s3  }
0xb: {  	s6 =	sshrl.u32 s6, $0xA;
	s9 =	sshll.u32 s5, $0x4;
	[sflag:s8] =	ssyncpa.u1 $0x0  }
0xc: {  	s7 =	sadd.s32 s7, s9;
	s8 =	sadd.s32 $0x2, s6;
	s9 =	simm.s32 $0x0  }
.LBB1_4:
0xd: {  	s21 =	simm.s32 $0x0  }
.LBB1_8:
0xe: {  	_ =	sdelay $0x3  }
0xf: {  	v6 =	vld [tilespmem:s18+$0xFFFFFFC0];
	[tilespmem:v0+s20+$0x30 ss:$0x1] =	vst.idx.msk @p0 $0xffff, v2  }
0x10: {  	v58 =	vld [tilespmem:s18+$0xFFFFFFD0];
	[tilespmem:v0+s20+$0x40 ss:$0x1] =	vst.idx.msk @p0 $0xffff, v3;
	s21 =	sadd.s32 @p0 $0x80, s21  }
0x11: {  	v59 =	vld [tilespmem:s18+$0xFFFFFFE0];
	[tilespmem:v0+s20+$0x50 ss:$0x1] =	vst.idx.msk @p0 $0xffff, v5;
	s19 =	smov.u32 @p0 s21  }
0x12: {  	v60 =	vld [tilespmem:s18+$0xFFFFFFF0];
	[tilespmem:v0+s20+$0x60 ss:$0x1] =	vst.idx.msk @p0 $0xffff, v4;
	s19 =	sand.u32 $0x3F80, s19  }
0x13: {  	v61 =	vld [tilespmem:s18+$0x0];
	[tilespmem:v0+s19+$0x70 ss:$0x1] =	vst.idx.msk $0xffff, v1  }
0x14: {  	v62 =	vld [tilespmem:s18+$0x10];
	[tilespmem:v0+s19+$0x0 ss:$0x1] =	vst.idx.msk $0xffff, v6  }
0x15: {  	v63 =	vld [tilespmem:s18+$0x20];
	[tilespmem:v0+s19+$0x10 ss:$0x1] =	vst.idx.msk $0xffff, v58  }
0x16: {  	[tilespmem:v0+s19+$0x20 ss:$0x1] =	vst.idx.msk $0xffff, v59  }
0x17: {  	[tilespmem:v0+s19+$0x30 ss:$0x1] =	vst.idx.msk $0xffff, v60  }
0x18: {  	[tilespmem:v0+s19+$0x40 ss:$0x1] =	vst.idx.msk $0xffff, v61  }
0x19: {  	[tilespmem:v0+s19+$0x50 ss:$0x1] =	vst.idx.msk $0xffff, v62  }
0x1a: {  	[tilespmem:v0+s19+$0x60 ss:$0x1] =	vst.idx.msk $0xffff, v63  }
.LBB1_9:
0x1b: {  	s18 =	sand.u32 $0x1FFFFFF, s11  }
0x1c: {  	s19 =	smulhi.u32 $0x14F8B59, s18;
	_ =	sdelay $0x1  }
0x1d: {  	s19 =	sshrl.u32 s19, $0x8  }
0x1e: {  	s19 =	smul.u32 $0xC350, s19  }
0x1f: {  	s15 =	smul.u32 $0xC3500, s15  }
0x20: {  	s18 =	ssub.s32 s18, s19  }
0x21: {  	s15 =	sadd.s32 s2, s15;
	s18 =	sshll.u32 s18, $0x4  }
0x22: {  	s15 =	sadd.s32 s18, s15  }
0x23: {  	[hbm4b:s15+s9] =	stream.linear.scatter [tilespmem:s17], [sflag:$0x2], s16, $0x38;
	[tilespmem:$0x10000] =	vst v63  }
.LBB1_10:
0x24: {  	p0 =	slt.u32 s13, $0x2  }
0x25: {  	p1 =	sgt.s32 @!p0 s14, $0xC2D0  }
0x26: {  	s15 =	smov.u32 s14;
	s16 =	sshra.s32 @!p0 s14, $0x1F;
	p1 =	por !p1, p0  }
0x27: {  	s14 =	sand.u32 @!p0 s16, s14;
	s15 =	simm.s32 @p1 $0xC2D0  }
0x28: {  	s14 =	ssub.s32 @!p0 s15, s14  }
0x29: {  	s14 =	sadd.s32 @!p0 $0xFFFF3D30, s14  }
0x2a: {  	s15 =	sshll.u32 @!p0 s14, $0x7  }
0x2b: {  	p1 =	sgt.s32 @!p0 s14, $0x7F;
	s14 =	ssub.s32 @!p0 $0x4000, s15  }
0x2c: {  	s16 =	sadd.s32 $0x400, s12;
	p1 =	por !p1, p0;
	s14 =	sand.u32 @!p0 $0x3FFFFF80, s14  }
0x2d: {  	s14 =	simm.s32 @!p1 $0x0;
	p1 =	sgt.s32 s16, $0xC34F  }
0x2e: {  	s16 =	smov.u32 @p1 s3;
	p1 =	sne.s32 s13, s8  }
.Ltmp1:
0x2f: {  	_ = 	snop;
	(pc) =	sbr.rel @!p1 .LBB1_11-.Ltmp1, $4  }
0x30: {  	s10 =	sadd.s32 $0x4000, s10;
	s15 =	simm.s32 @!p0 $0x2  }
0x31: {  	_ =	swait.ge @!p0 [sflag:s15], s14;
	s17 =	ssub.s32 @!p0 $0x0, s14;
	s14 =	smov.u32 s11  }
0x32: {  	s13 =	sadd.s32 $0x1, s13;
	s11 =	smov.u32 s12;
	[sflag:s15] =	ssyncset.done @!p0 $0x0  }
0x33: {  	s12 =	smov.u32 s16;
	[sflag:s15] =	ssyncadd.s32 @!p0 s17;
	s15 =	smov.u32 s5  }
.LBB1_1:
0x34: {  	p0 =	sgt.u32 s13, s6  }
0x35: {  	p1 =	sgt.s32 @!p0 s12, $0xC2D0  }
0x36: {  	s16 =	smov.u32 s12;
	s17 =	sshra.s32 @!p0 s12, $0x1F;
	p1 =	por !p1, p0  }
0x37: {  	s17 =	sand.u32 @!p0 s17, s12;
	s16 =	simm.s32 @p1 $0xC2D0  }
0x38: {  	s16 =	ssub.s32 @!p0 s16, s17  }
0x39: {  	s18 =	sxor.u32 @!p0 $0xFFFFFFFF, s13;
	s16 =	sadd.s32 @!p0 $0xFFFF3D30, s16  }
0x3a: {  	s19 =	simm.s32 @!p0 $0x80;
	s20 =	simm.s32 @!p0 $0x200;
	s17 =	sshll.u32 @!p0 s16, $0x7  }
0x3b: {  	p1 =	sgt.s32 @!p0 s16, $0x7F;
	s16 =	ssub.s32 @!p0 $0x4000, s17;
	s17 =	sshll.u32 @!p0 s18, $0xE  }
0x3c: {  	p1 =	por !p1, p0;
	s18 =	sshll.u32 @!p0 s12, $0x6;
	s16 =	sand.u32 @!p0 $0x3FFFFF80, s16  }
0x3d: {  	s17 =	sand.u32 @!p0 $0x4000, s17;
	s18 =	sadd.s32 @!p0 s18, s7;
	s16 =	simm.s32 @!p1 $0x0  }
0x3e: {  	[tilespmem:s17], [sflag:$0x1] =	stream.strided.gather @!p0 [hbm4b:s18+s19], s16, s20, s19, $0x38;
	[tilespmem:$0x10000] =	vst v63  }
0x3f: {  	p0 =	seq.s32 s13, $0x0  }
0x40: {  	p1 =	sge.u32 @!p0 s13, s8  }
0x41: {  	p0 =	por p0, p1  }
.Ltmp2:
0x42: {  	_ = 	snop;
	(pc) =	sbr.rel @p0 .LBB1_10-.Ltmp2, $1  }
0x43: {  	_ =	sdelay $0x3  }
0x44: {  	p0 =	sgt.s32 s11, $0xC2D0;
	s16 =	smov.u32 s11;
	s17 =	sshra.s32 s11, $0x1F  }
0x45: {  	s16 =	simm.s32 @!p0 $0xC2D0;
	s17 =	sand.u32 s17, s11  }
0x46: {  	s16 =	ssub.s32 s16, s17  }
0x47: {  	s16 =	sadd.s32 $0xFFFF3D30, s16  }
0x48: {  	s30 =	sshll.u32 s16, $0x7  }
0x49: {  	s17 =	ssub.s32 $0x4000, s30  }
0x4a: {  	p0 =	sgt.s32 s16, $0x7F;
	s16 =	sand.u32 $0x3FFFFF80, s17;
	s17 =	sadd.s32 $0x80, s11  }
0x4b: {  	s16 =	simm.s32 @p0 $0x0;
	p0 =	slt.s32 s17, $0xC350  }
0x4c: {  	s17 =	simm.s32 @!p0 $0xC350  }
0x4d: {  	s20 =	ssub.s32 s17, s11  }
0x4e: {  	p0 =	slt.s32 s20, $0x1  }
.Ltmp3:
0x4f: {  	_ = 	snop;
	(pc) =	sbr.rel @p0 .LBB1_9-.Ltmp3, $4  }
0x50: {  	_ = 	snop  }
0x51: {  	s19 =	sshll.u32 s13, $0xE;
	_ =	swait.ge [sflag:s4], s16  }
0x52: {  	s31 =	sand.u32 $0x4000, s19;
	s18 =	ssub.s32 $0x0, s16;
	[sflag:s4] =	ssyncset.done $0x0  }
0x53: {  	s17 =	sor.u32 $0x8000, s31;
	[sflag:s4] =	ssyncadd.s32 s18  }
0x54: {  	p1 =	sne.s32 s20, $0x1  }
.Ltmp4:
0x55: {  	v0 =	vmov s17;
	(pc) =	sbr.rel @!p1 .LBB1_4-.Ltmp4, $4  }
0x56: {  	_ = 	snop  }
0x57: {  	s18 =	sand.u32 $0x4000, s10  }
0x58: {  	s18 =	sor.u32 $0x40, s18  }
0x59: {  	s19 =	simm.s32 $0x0;
	s21 =	sadd.s32 $0xFFFFFFFF, s20;
	p0 =	por $0x0, $0x0;
	v1 =	vld [tilespmem:s18+$0x30]  }
0x5a: {  	v4 =	vld [tilespmem:s18+$0xFFFFFFC0]  }
0x5b: {  	v6 =	vld [tilespmem:s18+$0xFFFFFFD0]  }
0x5c: {  	v7 =	vld [tilespmem:s18+$0xFFFFFFE0];
	p1 =	sne.s32 s21, $0x1  }
.Ltmp5:
0x5d: {  	v2 =	vld [tilespmem:s18+$0xFFFFFFF0];
	s20 =	sand.u32 $0x3F80, s19;
	(pc) =	sbr.rel @!p1 .LBB1_6-.Ltmp5, $4  }
0x5e: {  	v3 =	vld [tilespmem:s18+$0x0];
	[tilespmem:v0+s20+$0x70 ss:$0x1] =	vst.idx.msk $0xffff, v1  }
0x5f: {  	v5 =	vld [tilespmem:s18+$0x10];
	[tilespmem:v0+s20+$0x0 ss:$0x1] =	vst.idx.msk $0xffff, v4  }
0x60: {  	v4 =	vld [tilespmem:s18+$0x20];
	[tilespmem:v0+s20+$0x10 ss:$0x1] =	vst.idx.msk $0xffff, v6;
	s18 =	sadd.s32 $0x80, s18  }
0x61: {  	s22 =	sadd.s32 $0xFFFFFFFF, s21;
	p0 =	por $0x1, $0x1;
	s21 =	simm.s32 $0x0;
	[tilespmem:v0+s20+$0x20 ss:$0x1] =	vst.idx.msk $0xffff, v7;
	v1 =	vld [tilespmem:s18+$0x30]  }
.LBB1_7:
0x62: {  	p1 =	sne.s32 s22, $0x1;
	v6 =	vld [tilespmem:s18+$0xFFFFFFC0];
	[tilespmem:v0+s20+$0x30 ss:$0x1] =	vst.idx.msk $0xffff, v2  }
0x63: {  	v7 =	vld [tilespmem:s18+$0xFFFFFFD0];
	[tilespmem:v0+s20+$0x40 ss:$0x1] =	vst.idx.msk $0xffff, v3  }
0x64: {  	s21 =	sadd.s32 $0x80, s21;
	v8 =	vld [tilespmem:s18+$0xFFFFFFE0];
	[tilespmem:v0+s20+$0x50 ss:$0x1] =	vst.idx.msk $0xffff, v5  }
.Ltmp6:
0x65: {  	v2 =	vld [tilespmem:s18+$0xFFFFFFF0];
	[tilespmem:v0+s20+$0x60 ss:$0x1] =	vst.idx.msk $0xffff, v4;
	s20 =	sand.u32 $0x3F80, s21;
	(pc) =	sbr.rel @p1 .LBB1_7-.Ltmp6, $4  }
0x66: {  	v3 =	vld [tilespmem:s18+$0x0];
	[tilespmem:v0+s20+$0x70 ss:$0x1] =	vst.idx.msk $0xffff, v1  }
0x67: {  	[tilespmem:v0+s20+$0x0 ss:$0x1] =	vst.idx.msk $0xffff, v6;
	v5 =	vld [tilespmem:s18+$0x10]  }
0x68: {  	[tilespmem:v0+s20+$0x10 ss:$0x1] =	vst.idx.msk $0xffff, v7;
	v4 =	vld [tilespmem:s18+$0x20];
	s18 =	sadd.s32 $0x80, s18  }
0x69: {  	s22 =	sadd.s32 $0xFFFFFFFF, s22;
	v1 =	vld [tilespmem:s18+$0x30];
	[tilespmem:v0+s20+$0x20 ss:$0x1] =	vst.idx.msk $0xffff, v8  }
.Ltmp7:
0x6a: {  	_ = 	snop;
	(pc) =	sbr.rel .LBB1_8-.Ltmp7, $1  }
0x6b: {  	_ =	sdelay $0x3  }
.LBB1_6:
.Ltmp8:
0x6c: {  	(pc) =	sbr.rel .LBB1_8-.Ltmp8, $2  }
0x6d: {  	_ =	sdelay $0x2  }
0x6e: {  	s21 =	simm.s32 $0x0  }
.LBB1_11:
0x6f: {  	_ =	sfence.sel $0x180000  }
0x70: {  	s2 =	simm.s32 $0x1;
	[bflag:$0x0] =	sbarrier.arrive $0xFFFF  }
0x71: {  	s31 =	simm.s32 $0x2;
	[sflag:s2] =	ssyncpa.u1 $0x1  }
0x72: {  	[sflag:s31] =	ssyncpa.u1 $0x1  }
0x73: {  	p0 =	sne.s32 s1, $0x0;
	_ =	strace $0x9000004A  }
0x74: {  	s0 =	sadd.s32 @!p0 $0x100000, s0;
	[bflag:$0x2] =	sbarrier.arrive $0xFFFF  }
0x75: {  	[sflag:s0] =	ssyncadd.tile.s32 @!p0 $0x1;
	_ =	shalt  }
.Lfunc_end1:
_tile_overlayer_lowered:
.L_overlay_start_2:
0x76: {  	(tag) =	ssettag $0x2  }
0x77: {  	s0 =	rddreg [dreg:$0x0];
	s2 =	stileid.u32  }
0x78: {  	s1 =	rddreg [dreg:$0x1];
	p0 =	sne.s32 s2, $0x0  }
0x79: {  	s3 =	rddreg [dreg:$0x2];
	[bflag:$0x3] =	sbarrier.arrive $0xFFFF;
	s2 =	simm.s32 @!p0 $0x1C01  }
0x7a: {  	[timem:s3], [sflag:s2] =	dma.local @!p0 [hbm:s0], s1  }
0x7b: {  	s0 =	simm.s32 @!p0 $0x1  }
0x7c: {  	_ =	swait.ge @!p0 [sflag:s0], s1  }
0x7d: {  	s1 =	ssub.s32 @!p0 $0x0, s1;
	[sflag:s0] =	ssyncset.done @!p0 $0x0  }
0x7e: {  	[sflag:s0] =	ssyncadd.s32 @!p0 s1  }
0x7f: {  	[bflag:$0x3] =	sbarrier.arrive $0xFFFF  }
0x80: {  	_ =	shalt  }

</sc_bundles>
